<compile_context>
chip_gen: v7x
topology: tpu7x:2x2x1
jax: 0.10.2.dev20260603
libtpu: 0.0.44.dev20260713+nightly
codegen_flags: <defaults>
</compile_context>

<pallas_src>
import functools

import jax
import jax.numpy as jnp
from jax import lax
from jax.experimental import pallas as pl
from jax.experimental.pallas import tpu as pltpu
from jax.experimental.pallas import tpu_sc as plsc

D = 128
SCALE = float(128.0 ** 0.5)

NC = 2
NS = 16
NW = NC * NS

STEP = 128
NBUF = 5
W = 3


def _make_gather(B):
    assert B % (NW * STEP * NBUF) == 0
    steps = B // (NW * STEP)
    idx_rows_per_w = steps
    rows_per_w = steps * STEP
    outer = steps // NBUF

    mesh = plsc.VectorSubcoreMesh(core_axis_name="c", subcore_axis_name="s")

    @functools.partial(
        pl.kernel,
        mesh=mesh,
        out_type=jax.ShapeDtypeStruct((B, D), jnp.float32),
        scratch_types=[
            pltpu.VMEM((idx_rows_per_w, 128), jnp.int32),
            pltpu.VMEM((NBUF, STEP, D), jnp.float32),
        ] + [pltpu.SemaphoreType.DMA] * (2 * NBUF),
    )
    def gather(tab_hbm, idx_hbm, out_hbm, idx_v, rows_v, *sems):
        sem_in = sems[:NBUF]
        sem_out = sems[NBUF:]
        wid = lax.axis_index("s") * NC + lax.axis_index("c")
        obase = wid * rows_per_w

        pltpu.sync_copy(idx_hbm.at[pl.ds(wid * idx_rows_per_w, idx_rows_per_w)], idx_v)

        def drain_out(q):
            pltpu.make_async_copy(
                out_hbm.at[pl.ds(0, STEP)], rows_v.at[q], sem_out[q]
            ).wait()

        def fire(s, q):
            pltpu.async_copy(tab_hbm.at[idx_v.at[s]], rows_v.at[q], sem_in[q])

        def retire(s, q):
            pltpu.make_async_copy(
                tab_hbm.at[pl.ds(0, STEP)], rows_v.at[q], sem_in[q]
            ).wait()
            buf = rows_v.at[q]

            @plsc.parallel_loop(0, STEP, unroll=8)
            def _scale_row(r):
                for c in range(D // 16):
                    buf[r, pl.ds(c * 16, 16)] = buf[r, pl.ds(c * 16, 16)] * SCALE

            pltpu.async_copy(
                rows_v.at[q], out_hbm.at[pl.ds(obase + s * STEP, STEP)], sem_out[q]
            )

        def body(it, carry):
            for h in range(NBUF):
                s = it * NBUF + h
                @pl.when(it > 0)
                def _(h=h):
                    drain_out(h)
                fire(s, h)
                if h >= W:
                    retire(s - W, (h - W) % NBUF)
                else:
                    @pl.when(it > 0)
                    def _(s=s, h=h):
                        retire(s - W, (h - W) % NBUF)
            return carry

        lax.fori_loop(0, outer, body, 0)
        for w in range(W, 0, -1):
            retire(steps - w, (steps - w) % NBUF)
        for q in range(NBUF):
            drain_out(q)

    return gather


def kernel(x, table):
    bsz, seq = x.shape
    B = bsz * seq
    idx = x.reshape(B // 128, 128).astype(jnp.int32)
    out = _make_gather(B)(table, idx)
    return out.reshape(bsz, seq, D)

# --- scband reference (transcript-rebuilt; emitter-appended) ---
"""Pipeline reference for scband-ipembedding-39539468927191 (READ-ONLY COPY).

The authoritative reference and input builder live on the scoring server;
editing this copy changes nothing except your own understanding.
"""

import jax, jax.numpy as jnp
import numpy as np

D_MODEL = 128
VOCAB_SIZE = 100000

def setup_inputs(seed: int = 0) -> dict:
    key = jax.random.key(seed)
    k1, k2 = jax.random.split(key)
    x = jax.random.randint(k1, (4096, 200), 0, VOCAB_SIZE, dtype=jnp.int64) if jax.config.jax_enable_x64 else jax.random.randint(k1, (4096, 200), 0, VOCAB_SIZE, dtype=jnp.int32)
    table = jax.random.normal(k2, (VOCAB_SIZE, D_MODEL), dtype=jnp.float32)
    return {"x": x, "table": table}

def reference(x, table):
    # TokenEmbedding(x) * sqrt(d_model)
    emb = jnp.take(table, x, axis=0)
    return emb * jnp.sqrt(jnp.float32(D_MODEL))

if __name__ == "__main__":
    import jax
    _d = setup_inputs()
    print(jax.jit(kernel)(*tuple(_d.values())))

</pallas_src>

<mosaic_0001>
#map = affine_map<(d0, d1) -> (0, 0)>
module attributes {stable_mosaic.version = 14 : i64} {
  func.func @gather(%arg0: i32, %arg1: i32, %arg2: memref<100000x128xf32, #tpu.memory_space<hbm>>, %arg3: memref<6400x128xi32, #tpu.memory_space<hbm>>, %arg4: memref<819200x128xf32, #tpu.memory_space<hbm>>, %arg5: memref<200x128xi32, #tpu.memory_space<vmem>>, %arg6: memref<5x128x128xf32, #tpu.memory_space<vmem>>, %arg7: memref<!tpu.dma_semaphore, #tpu.memory_space<semaphore_mem>>, %arg8: memref<!tpu.dma_semaphore, #tpu.memory_space<semaphore_mem>>, %arg9: memref<!tpu.dma_semaphore, #tpu.memory_space<semaphore_mem>>, %arg10: memref<!tpu.dma_semaphore, #tpu.memory_space<semaphore_mem>>, %arg11: memref<!tpu.dma_semaphore, #tpu.memory_space<semaphore_mem>>, %arg12: memref<!tpu.dma_semaphore, #tpu.memory_space<semaphore_mem>>, %arg13: memref<!tpu.dma_semaphore, #tpu.memory_space<semaphore_mem>>, %arg14: memref<!tpu.dma_semaphore, #tpu.memory_space<semaphore_mem>>, %arg15: memref<!tpu.dma_semaphore, #tpu.memory_space<semaphore_mem>>, %arg16: memref<!tpu.dma_semaphore, #tpu.memory_space<semaphore_mem>>) attributes {dimension_semantics = [#tpu.dimension_semantics<core_parallel>, #tpu.dimension_semantics<subcore_parallel>], iteration_bounds = array<i64: 2, 16>, scalar_prefetch = 0 : i64, scratch_operands = 12 : i64, tpu.core_type = #tpu.core_type<sc_vector_subcore>, window_params = [{transform_indices = #map}, {transform_indices = #map}, {transform_indices = #map}]} {
    %mul3A = arith.constant 2 : i32
    %mul3A_0 = arith.muli %arg1, %mul3A : i32
    %add3A = arith.addi %mul3A_0, %arg0 : i32
    %mul3A_1 = arith.constant 25600 : i32
    %mul3A_2 = arith.muli %add3A, %mul3A_1 : i32
    %mul3A_3 = arith.constant 200 : i32
    %mul3A_4 = arith.muli %add3A, %mul3A_3 : i32
    "tpu.region"() ({
      %run_scoped3A = tpu.sem_alloc : memref<!tpu.dma_semaphore, #tpu.memory_space<semaphore_mem>>
      %dma_start3A_184 = arith.constant 0 : i32
      %dma_start3A_185 = tpu.memref_slice %arg3[%mul3A_4, %dma_start3A_184] : memref<6400x128xi32, #tpu.memory_space<hbm>> -> memref<200x128xi32, #tpu.memory_space<hbm>>
      %dma_start3A_186 = arith.constant 0 : i32
      %dma_start3A_187 = tpu.memref_slice %arg3[%mul3A_4, %dma_start3A_186] : memref<6400x128xi32, #tpu.memory_space<hbm>> -> memref<200x128xi32, #tpu.memory_space<hbm>>
      tpu.enqueue_dma source(%dma_start3A_187 : memref<200x128xi32, #tpu.memory_space<hbm>>) target(%arg5 : memref<200x128xi32, #tpu.memory_space<vmem>>) target_semaphore(%run_scoped3A : memref<!tpu.dma_semaphore, #tpu.memory_space<semaphore_mem>>)
      %dma_wait3A_188 = arith.constant 0 : i32
      %dma_wait3A_189 = tpu.memref_slice %arg3[%mul3A_4, %dma_wait3A_188] : memref<6400x128xi32, #tpu.memory_space<hbm>> -> memref<200x128xi32, #tpu.memory_space<hbm>>
      %dma_wait3A_190 = arith.constant 0 : i32
      %dma_wait3A_191 = tpu.memref_slice %arg3[%mul3A_4, %dma_wait3A_190] : memref<6400x128xi32, #tpu.memory_space<hbm>> -> memref<200x128xi32, #tpu.memory_space<hbm>>
      tpu.wait_dma2 semaphore(%run_scoped3A : memref<!tpu.dma_semaphore, #tpu.memory_space<semaphore_mem>>) src(%dma_wait3A_191 : memref<200x128xi32, #tpu.memory_space<hbm>>) dst(%arg5 : memref<200x128xi32, #tpu.memory_space<vmem>>)
      tpu.yield
    }) : () -> ()
    %scan3A = arith.constant 0 : i32
    %scan3A_5 = arith.constant 0 : i32
    %scan3A_6 = arith.constant 40 : i32
    %scan3A_7 = arith.addi %scan3A_5, %scan3A_6 : i32
    %scan3A_8 = arith.constant 1 : i32
    scf.for %scan3A_184 = %scan3A_5 to %scan3A_7 step %scan3A_8  : i32 {
      %mul3A_185 = arith.constant 5 : i32
      %mul3A_186 = arith.muli %scan3A_184, %mul3A_185 : i32
      %add3A_187 = arith.constant 0 : i32
      %add3A_188 = arith.addi %mul3A_186, %add3A_187 : i32
      %gt3A = arith.constant 0 : i32
      %gt3A_189 = arith.cmpi sgt, %scan3A_184, %gt3A : i32
      %convert_element_type3A = arith.extui %gt3A_189 : i1 to i32
      %cond3A = arith.constant 0 : i32
      %cond3A_190 = arith.cmpi ne, %convert_element_type3A, %cond3A : i32
      scf.if %cond3A_190 {
        %dma_wait3A_370 = arith.constant 0 : i32
        %dma_wait3A_371 = arith.constant 0 : i32
        %dma_wait3A_372 = arith.constant 0 : i32
        %dma_wait3A_373 = tpu.memref_slice %arg6[%dma_wait3A_370, %dma_wait3A_371, %dma_wait3A_372] : memref<5x128x128xf32, #tpu.memory_space<vmem>> -> memref<1x128x128xf32, #tpu.memory_space<vmem>>
        %dma_wait3A_374 = tpu.memref_squeeze %dma_wait3A_373 : memref<1x128x128xf32, #tpu.memory_space<vmem>> -> memref<128x128xf32, #tpu.memory_space<vmem>>
        %dma_wait3A_375 = arith.constant 0 : i32
        %dma_wait3A_376 = arith.constant 0 : i32
        %dma_wait3A_377 = tpu.memref_slice %arg4[%dma_wait3A_375, %dma_wait3A_376] : memref<819200x128xf32, #tpu.memory_space<hbm>> -> memref<128x128xf32, #tpu.memory_space<hbm>>
        %dma_wait3A_378 = arith.constant 0 : i32
        %dma_wait3A_379 = arith.constant 0 : i32
        %dma_wait3A_380 = tpu.memref_slice %arg6[%dma_wait3A_370, %dma_wait3A_378, %dma_wait3A_379] : memref<5x128x128xf32, #tpu.memory_space<vmem>> -> memref<1x128x128xf32, #tpu.memory_space<vmem>>
        %dma_wait3A_381 = tpu.memref_squeeze %dma_wait3A_380 : memref<1x128x128xf32, #tpu.memory_space<vmem>> -> memref<128x128xf32, #tpu.memory_space<vmem>>
        %dma_wait3A_382 = arith.constant 0 : i32
        %dma_wait3A_383 = arith.constant 0 : i32
        %dma_wait3A_384 = tpu.memref_slice %arg4[%dma_wait3A_382, %dma_wait3A_383] : memref<819200x128xf32, #tpu.memory_space<hbm>> -> memref<128x128xf32, #tpu.memory_space<hbm>>
        tpu.wait_dma2 semaphore(%arg12 : memref<!tpu.dma_semaphore, #tpu.memory_space<semaphore_mem>>) src(%dma_wait3A_384 : memref<128x128xf32, #tpu.memory_space<hbm>>) dst(%dma_wait3A_381 : memref<128x128xf32, #tpu.memory_space<vmem>>)
      } else {
      }
      %dma_start3A_191 = arith.constant 0 : i32
      %dma_start3A_192 = arith.constant 0 : i32
      %dma_start3A_193 = arith.constant 0 : i32
      %dma_start3A_194 = tpu.memref_slice %arg6[%dma_start3A_191, %dma_start3A_192, %dma_start3A_193] : memref<5x128x128xf32, #tpu.memory_space<vmem>> -> memref<1x128x128xf32, #tpu.memory_space<vmem>>
      %dma_start3A_195 = tpu.memref_squeeze %dma_start3A_194 : memref<1x128x128xf32, #tpu.memory_space<vmem>> -> memref<128x128xf32, #tpu.memory_space<vmem>>
      %dma_start3A_196 = arith.constant 0 : i32
      %dma_start3A_197 = tpu.memref_slice %arg5[%add3A_188, %dma_start3A_196] : memref<200x128xi32, #tpu.memory_space<vmem>> -> memref<1x128xi32, #tpu.memory_space<vmem>>
      %dma_start3A_198 = tpu.memref_squeeze %dma_start3A_197 : memref<1x128xi32, #tpu.memory_space<vmem>> -> memref<128xi32, #tpu.memory_space<vmem>>
      %dma_start3A_199 = arith.constant 0 : i32
      %dma_start3A_200 = arith.constant 0 : i32
      %dma_start3A_201 = tpu.memref_slice %arg2[%dma_start3A_199, %dma_start3A_200] : memref<100000x128xf32, #tpu.memory_space<hbm>> -> memref<100000x128xf32, #tpu.memory_space<hbm>>
      tpu.enqueue_indirect_dma source(%dma_start3A_201 : memref<100000x128xf32, #tpu.memory_space<hbm>>) target(%dma_start3A_195 : memref<128x128xf32, #tpu.memory_space<vmem>>) offsets(%dma_start3A_198 : memref<128xi32, #tpu.memory_space<vmem>>) semaphore(%arg7 : memref<!tpu.dma_semaphore, #tpu.memory_space<semaphore_mem>>)
      %gt3A_202 = arith.constant 0 : i32
      %gt3A_203 = arith.cmpi sgt, %scan3A_184, %gt3A_202 : i32
      %convert_element_type3A_204 = arith.extui %gt3A_203 : i1 to i32
      %cond3A_205 = arith.constant 0 : i32
      %cond3A_206 = arith.cmpi ne, %convert_element_type3A_204, %cond3A_205 : i32
      scf.if %cond3A_206 {
        %sub3A_370 = arith.constant 3 : i32
        %sub3A_371 = arith.subi %add3A_188, %sub3A_370 : i32
        %dma_wait3A_372 = arith.constant 2 : i32
        %dma_wait3A_373 = arith.constant 0 : i32
        %dma_wait3A_374 = arith.constant 0 : i32
        %dma_wait3A_375 = tpu.memref_slice %arg6[%dma_wait3A_372, %dma_wait3A_373, %dma_wait3A_374] : memref<5x128x128xf32, #tpu.memory_space<vmem>> -> memref<1x128x128xf32, #tpu.memory_space<vmem>>
        %dma_wait3A_376 = tpu.memref_squeeze %dma_wait3A_375 : memref<1x128x128xf32, #tpu.memory_space<vmem>> -> memref<128x128xf32, #tpu.memory_space<vmem>>
        %dma_wait3A_377 = arith.constant 0 : i32
        %dma_wait3A_378 = arith.constant 0 : i32
        %dma_wait3A_379 = tpu.memref_slice %arg2[%dma_wait3A_377, %dma_wait3A_378] : memref<100000x128xf32, #tpu.memory_space<hbm>> -> memref<128x128xf32, #tpu.memory_space<hbm>>
        %dma_wait3A_380 = arith.constant 0 : i32
        %dma_wait3A_381 = arith.constant 0 : i32
        %dma_wait3A_382 = tpu.memref_slice %arg6[%dma_wait3A_372, %dma_wait3A_380, %dma_wait3A_381] : memref<5x128x128xf32, #tpu.memory_space<vmem>> -> memref<1x128x128xf32, #tpu.memory_space<vmem>>
        %dma_wait3A_383 = tpu.memref_squeeze %dma_wait3A_382 : memref<1x128x128xf32, #tpu.memory_space<vmem>> -> memref<128x128xf32, #tpu.memory_space<vmem>>
        %dma_wait3A_384 = arith.constant 0 : i32
        %dma_wait3A_385 = arith.constant 0 : i32
        %dma_wait3A_386 = tpu.memref_slice %arg2[%dma_wait3A_384, %dma_wait3A_385] : memref<100000x128xf32, #tpu.memory_space<hbm>> -> memref<128x128xf32, #tpu.memory_space<hbm>>
        tpu.wait_dma2 semaphore(%arg9 : memref<!tpu.dma_semaphore, #tpu.memory_space<semaphore_mem>>) src(%dma_wait3A_386 : memref<128x128xf32, #tpu.memory_space<hbm>>) dst(%dma_wait3A_383 : memref<128x128xf32, #tpu.memory_space<vmem>>)
        %parallel_loop3A_387 = arith.constant 0 : i32
        %parallel_loop3A_388 = arith.constant 128 : i32
        %parallel_loop3A_389 = arith.constant 1 : i32
        %parallel_loop3A_390 = arith.constant 2 : i32
        scf.for %parallel_loop3A_407 = %parallel_loop3A_387 to %parallel_loop3A_388 step %parallel_loop3A_389  : i32 {
          %parallel_loop3A_408 = arith.constant 0 : i32
          %parallel_loop3A_409 = arith.constant 0 : i32
          %parallel_loop3A_410 = tpu.memref_slice %arg6[%parallel_loop3A_390, %parallel_loop3A_408, %parallel_loop3A_409] : memref<5x128x128xf32, #tpu.memory_space<vmem>> -> memref<1x128x128xf32, #tpu.memory_space<vmem>>
          %parallel_loop3A_411 = tpu.memref_squeeze %parallel_loop3A_410 : memref<1x128x128xf32, #tpu.memory_space<vmem>> -> memref<128x128xf32, #tpu.memory_space<vmem>>
          %parallel_loop3A_412 = arith.index_cast %parallel_loop3A_407 : i32 to index
          %parallel_loop3A_413 = arith.constant 0 : index
          %parallel_loop3A_414 = tpu.vector_load %parallel_loop3A_411[%parallel_loop3A_412, %parallel_loop3A_413] {strides = array<i32>} : memref<128x128xf32, #tpu.memory_space<vmem>>, vector<1x16xf32>,
          %parallel_loop3A_415 = vector.shape_cast %parallel_loop3A_414 : vector<1x16xf32> to vector<16xf32>
          %parallel_loop3A_416 = arith.constant 11.3137083 : f32
          %parallel_loop3A_417 = vector.broadcast %parallel_loop3A_416 : f32 to vector<16xf32>
          %parallel_loop3A_418 = arith.mulf %parallel_loop3A_415, %parallel_loop3A_417 : vector<16xf32>
          %parallel_loop3A_419 = arith.constant 0 : i32
          %parallel_loop3A_420 = arith.constant 0 : i32
          %parallel_loop3A_421 = tpu.memref_slice %arg6[%parallel_loop3A_390, %parallel_loop3A_419, %parallel_loop3A_420] : memref<5x128x128xf32, #tpu.memory_space<vmem>> -> memref<1x128x128xf32, #tpu.memory_space<vmem>>
          %parallel_loop3A_422 = tpu.memref_squeeze %parallel_loop3A_421 : memref<1x128x128xf32, #tpu.memory_space<vmem>> -> memref<128x128xf32, #tpu.memory_space<vmem>>
          %parallel_loop3A_423 = arith.index_cast %parallel_loop3A_407 : i32 to index
          %parallel_loop3A_424 = arith.constant 0 : index
          %parallel_loop3A_425 = tpu.vector_load %parallel_loop3A_422[%parallel_loop3A_423, %parallel_loop3A_424] {strides = array<i32>} : memref<128x128xf32, #tpu.memory_space<vmem>>, vector<1x16xf32>,
          %parallel_loop3A_426 = vector.shape_cast %parallel_loop3A_425 : vector<1x16xf32> to vector<16xf32>
          %parallel_loop3A_427 = vector.shape_cast %parallel_loop3A_418 : vector<16xf32> to vector<1x16xf32>
          tpu.vector_store %parallel_loop3A_422[%parallel_loop3A_423, %parallel_loop3A_424], %parallel_loop3A_427 {strides = array<i32>} : memref<128x128xf32, #tpu.memory_space<vmem>>, vector<1x16xf32>,
          %parallel_loop3A_428 = arith.constant 0 : i32
          %parallel_loop3A_429 = arith.constant 0 : i32
          %parallel_loop3A_430 = tpu.memref_slice %arg6[%parallel_loop3A_390, %parallel_loop3A_428, %parallel_loop3A_429] : memref<5x128x128xf32, #tpu.memory_space<vmem>> -> memref<1x128x128xf32, #tpu.memory_space<vmem>>
          %parallel_loop3A_431 = tpu.memref_squeeze %parallel_loop3A_430 : memref<1x128x128xf32, #tpu.memory_space<vmem>> -> memref<128x128xf32, #tpu.memory_space<vmem>>
          %parallel_loop3A_432 = arith.index_cast %parallel_loop3A_407 : i32 to index
          %parallel_loop3A_433 = arith.constant 16 : index
          %parallel_loop3A_434 = tpu.vector_load %parallel_loop3A_431[%parallel_loop3A_432, %parallel_loop3A_433] {strides = array<i32>} : memref<128x128xf32, #tpu.memory_space<vmem>>, vector<1x16xf32>,
          %parallel_loop3A_435 = vector.shape_cast %parallel_loop3A_434 : vector<1x16xf32> to vector<16xf32>
          %parallel_loop3A_436 = arith.constant 11.3137083 : f32
          %parallel_loop3A_437 = vector.broadcast %parallel_loop3A_436 : f32 to vector<16xf32>
          %parallel_loop3A_438 = arith.mulf %parallel_loop3A_435, %parallel_loop3A_437 : vector<16xf32>
          %parallel_loop3A_439 = arith.constant 0 : i32
          %parallel_loop3A_440 = arith.constant 0 : i32
          %parallel_loop3A_441 = tpu.memref_slice %arg6[%parallel_loop3A_390, %parallel_loop3A_439, %parallel_loop3A_440] : memref<5x128x128xf32, #tpu.memory_space<vmem>> -> memref<1x128x128xf32, #tpu.memory_space<vmem>>
          %parallel_loop3A_442 = tpu.memref_squeeze %parallel_loop3A_441 : memref<1x128x128xf32, #tpu.memory_space<vmem>> -> memref<128x128xf32, #tpu.memory_space<vmem>>
          %parallel_loop3A_443 = arith.index_cast %parallel_loop3A_407 : i32 to index
          %parallel_loop3A_444 = arith.constant 16 : index
          %parallel_loop3A_445 = tpu.vector_load %parallel_loop3A_442[%parallel_loop3A_443, %parallel_loop3A_444] {strides = array<i32>} : memref<128x128xf32, #tpu.memory_space<vmem>>, vector<1x16xf32>,
          %parallel_loop3A_446 = vector.shape_cast %parallel_loop3A_445 : vector<1x16xf32> to vector<16xf32>
          %parallel_loop3A_447 = vector.shape_cast %parallel_loop3A_438 : vector<16xf32> to vector<1x16xf32>
          tpu.vector_store %parallel_loop3A_442[%parallel_loop3A_443, %parallel_loop3A_444], %parallel_loop3A_447 {strides = array<i32>} : memref<128x128xf32, #tpu.memory_space<vmem>>, vector<1x16xf32>,
          %parallel_loop3A_448 = arith.constant 0 : i32
          %parallel_loop3A_449 = arith.constant 0 : i32
          %parallel_loop3A_450 = tpu.memref_slice %arg6[%parallel_loop3A_390, %parallel_loop3A_448, %parallel_loop3A_449] : memref<5x128x128xf32, #tpu.memory_space<vmem>> -> memref<1x128x128xf32, #tpu.memory_space<vmem>>
          %parallel_loop3A_451 = tpu.memref_squeeze %parallel_loop3A_450 : memref<1x128x128xf32, #tpu.memory_space<vmem>> -> memref<128x128xf32, #tpu.memory_space<vmem>>
          %parallel_loop3A_452 = arith.index_cast %parallel_loop3A_407 : i32 to index
          %parallel_loop3A_453 = arith.constant 32 : index
          %parallel_loop3A_454 = tpu.vector_load %parallel_loop3A_451[%parallel_loop3A_452, %parallel_loop3A_453] {strides = array<i32>} : memref<128x128xf32, #tpu.memory_space<vmem>>, vector<1x16xf32>,
          %parallel_loop3A_455 = vector.shape_cast %parallel_loop3A_454 : vector<1x16xf32> to vector<16xf32>
          %parallel_loop3A_456 = arith.constant 11.3137083 : f32
          %parallel_loop3A_457 = vector.broadcast %parallel_loop3A_456 : f32 to vector<16xf32>
          %parallel_loop3A_458 = arith.mulf %parallel_loop3A_455, %parallel_loop3A_457 : vector<16xf32>
          %parallel_loop3A_459 = arith.constant 0 : i32
          %parallel_loop3A_460 = arith.constant 0 : i32
          %parallel_loop3A_461 = tpu.memref_slice %arg6[%parallel_loop3A_390, %parallel_loop3A_459, %parallel_loop3A_460] : memref<5x128x128xf32, #tpu.memory_space<vmem>> -> memref<1x128x128xf32, #tpu.memory_space<vmem>>
          %parallel_loop3A_462 = tpu.memref_squeeze %parallel_loop3A_461 : memref<1x128x128xf32, #tpu.memory_space<vmem>> -> memref<128x128xf32, #tpu.memory_space<vmem>>
          %parallel_loop3A_463 = arith.index_cast %parallel_loop3A_407 : i32 to index
          %parallel_loop3A_464 = arith.constant 32 : index
          %parallel_loop3A_465 = tpu.vector_load %parallel_loop3A_462[%parallel_loop3A_463, %parallel_loop3A_464] {strides = array<i32>} : memref<128x128xf32, #tpu.memory_space<vmem>>, vector<1x16xf32>,
          %parallel_loop3A_466 = vector.shape_cast %parallel_loop3A_465 : vector<1x16xf32> to vector<16xf32>
          %parallel_loop3A_467 = vector.shape_cast %parallel_loop3A_458 : vector<16xf32> to vector<1x16xf32>
          tpu.vector_store %parallel_loop3A_462[%parallel_loop3A_463, %parallel_loop3A_464], %parallel_loop3A_467 {strides = array<i32>} : memref<128x128xf32, #tpu.memory_space<vmem>>, vector<1x16xf32>,
          %parallel_loop3A_468 = arith.constant 0 : i32
          %parallel_loop3A_469 = arith.constant 0 : i32
          %parallel_loop3A_470 = tpu.memref_slice %arg6[%parallel_loop3A_390, %parallel_loop3A_468, %parallel_loop3A_469] : memref<5x128x128xf32, #tpu.memory_space<vmem>> -> memref<1x128x128xf32, #tpu.memory_space<vmem>>
          %parallel_loop3A_471 = tpu.memref_squeeze %parallel_loop3A_470 : memref<1x128x128xf32, #tpu.memory_space<vmem>> -> memref<128x128xf32, #tpu.memory_space<vmem>>
          %parallel_loop3A_472 = arith.index_cast %parallel_loop3A_407 : i32 to index
          %parallel_loop3A_473 = arith.constant 48 : index
          %parallel_loop3A_474 = tpu.vector_load %parallel_loop3A_471[%parallel_loop3A_472, %parallel_loop3A_473] {strides = array<i32>} : memref<128x128xf32, #tpu.memory_space<vmem>>, vector<1x16xf32>,
          %parallel_loop3A_475 = vector.shape_cast %parallel_loop3A_474 : vector<1x16xf32> to vector<16xf32>
          %parallel_loop3A_476 = arith.constant 11.3137083 : f32
          %parallel_loop3A_477 = vector.broadcast %parallel_loop3A_476 : f32 to vector<16xf32>
          %parallel_loop3A_478 = arith.mulf %parallel_loop3A_475, %parallel_loop3A_477 : vector<16xf32>
          %parallel_loop3A_479 = arith.constant 0 : i32
          %parallel_loop3A_480 = arith.constant 0 : i32
          %parallel_loop3A_481 = tpu.memref_slice %arg6[%parallel_loop3A_390, %parallel_loop3A_479, %parallel_loop3A_480] : memref<5x128x128xf32, #tpu.memory_space<vmem>> -> memref<1x128x128xf32, #tpu.memory_space<vmem>>
          %parallel_loop3A_482 = tpu.memref_squeeze %parallel_loop3A_481 : memref<1x128x128xf32, #tpu.memory_space<vmem>> -> memref<128x128xf32, #tpu.memory_space<vmem>>
          %parallel_loop3A_483 = arith.index_cast %parallel_loop3A_407 : i32 to index
          %parallel_loop3A_484 = arith.constant 48 : index
          %parallel_loop3A_485 = tpu.vector_load %parallel_loop3A_482[%parallel_loop3A_483, %parallel_loop3A_484] {strides = array<i32>} : memref<128x128xf32, #tpu.memory_space<vmem>>, vector<1x16xf32>,
          %parallel_loop3A_486 = vector.shape_cast %parallel_loop3A_485 : vector<1x16xf32> to vector<16xf32>
          %parallel_loop3A_487 = vector.shape_cast %parallel_loop3A_478 : vector<16xf32> to vector<1x16xf32>
          tpu.vector_store %parallel_loop3A_482[%parallel_loop3A_483, %parallel_loop3A_484], %parallel_loop3A_487 {strides = array<i32>} : memref<128x128xf32, #tpu.memory_space<vmem>>, vector<1x16xf32>,
          %parallel_loop3A_488 = arith.constant 0 : i32
          %parallel_loop3A_489 = arith.constant 0 : i32
          %parallel_loop3A_490 = tpu.memref_slice %arg6[%parallel_loop3A_390, %parallel_loop3A_488, %parallel_loop3A_489] : memref<5x128x128xf32, #tpu.memory_space<vmem>> -> memref<1x128x128xf32, #tpu.memory_space<vmem>>
          %parallel_loop3A_491 = tpu.memref_squeeze %parallel_loop3A_490 : memref<1x128x128xf32, #tpu.memory_space<vmem>> -> memref<128x128xf32, #tpu.memory_space<vmem>>
          %parallel_loop3A_492 = arith.index_cast %parallel_loop3A_407 : i32 to index
          %parallel_loop3A_493 = arith.constant 64 : index
          %parallel_loop3A_494 = tpu.vector_load %parallel_loop3A_491[%parallel_loop3A_492, %parallel_loop3A_493] {strides = array<i32>} : memref<128x128xf32, #tpu.memory_space<vmem>>, vector<1x16xf32>,
          %parallel_loop3A_495 = vector.shape_cast %parallel_loop3A_494 : vector<1x16xf32> to vector<16xf32>
          %parallel_loop3A_496 = arith.constant 11.3137083 : f32
          %parallel_loop3A_497 = vector.broadcast %parallel_loop3A_496 : f32 to vector<16xf32>
          %parallel_loop3A_498 = arith.mulf %parallel_loop3A_495, %parallel_loop3A_497 : vector<16xf32>
          %parallel_loop3A_499 = arith.constant 0 : i32
          %parallel_loop3A_500 = arith.constant 0 : i32
          %parallel_loop3A_501 = tpu.memref_slice %arg6[%parallel_loop3A_390, %parallel_loop3A_499, %parallel_loop3A_500] : memref<5x128x128xf32, #tpu.memory_space<vmem>> -> memref<1x128x128xf32, #tpu.memory_space<vmem>>
          %parallel_loop3A_502 = tpu.memref_squeeze %parallel_loop3A_501 : memref<1x128x128xf32, #tpu.memory_space<vmem>> -> memref<128x128xf32, #tpu.memory_space<vmem>>
          %parallel_loop3A_503 = arith.index_cast %parallel_loop3A_407 : i32 to index
          %parallel_loop3A_504 = arith.constant 64 : index
          %parallel_loop3A_505 = tpu.vector_load %parallel_loop3A_502[%parallel_loop3A_503, %parallel_loop3A_504] {strides = array<i32>} : memref<128x128xf32, #tpu.memory_space<vmem>>, vector<1x16xf32>,
          %parallel_loop3A_506 = vector.shape_cast %parallel_loop3A_505 : vector<1x16xf32> to vector<16xf32>
          %parallel_loop3A_507 = vector.shape_cast %parallel_loop3A_498 : vector<16xf32> to vector<1x16xf32>
          tpu.vector_store %parallel_loop3A_502[%parallel_loop3A_503, %parallel_loop3A_504], %parallel_loop3A_507 {strides = array<i32>} : memref<128x128xf32, #tpu.memory_space<vmem>>, vector<1x16xf32>,
          %parallel_loop3A_508 = arith.constant 0 : i32
          %parallel_loop3A_509 = arith.constant 0 : i32
          %parallel_loop3A_510 = tpu.memref_slice %arg6[%parallel_loop3A_390, %parallel_loop3A_508, %parallel_loop3A_509] : memref<5x128x128xf32, #tpu.memory_space<vmem>> -> memref<1x128x128xf32, #tpu.memory_space<vmem>>
          %parallel_loop3A_511 = tpu.memref_squeeze %parallel_loop3A_510 : memref<1x128x128xf32, #tpu.memory_space<vmem>> -> memref<128x128xf32, #tpu.memory_space<vmem>>
          %parallel_loop3A_512 = arith.index_cast %parallel_loop3A_407 : i32 to index
          %parallel_loop3A_513 = arith.constant 80 : index
          %parallel_loop3A_514 = tpu.vector_load %parallel_loop3A_511[%parallel_loop3A_512, %parallel_loop3A_513] {strides = array<i32>} : memref<128x128xf32, #tpu.memory_space<vmem>>, vector<1x16xf32>,
          %parallel_loop3A_515 = vector.shape_cast %parallel_loop3A_514 : vector<1x16xf32> to vector<16xf32>
          %parallel_loop3A_516 = arith.constant 11.3137083 : f32
          %parallel_loop3A_517 = vector.broadcast %parallel_loop3A_516 : f32 to vector<16xf32>
          %parallel_loop3A_518 = arith.mulf %parallel_loop3A_515, %parallel_loop3A_517 : vector<16xf32>
          %parallel_loop3A_519 = arith.constant 0 : i32
          %parallel_loop3A_520 = arith.constant 0 : i32
          %parallel_loop3A_521 = tpu.memref_slice %arg6[%parallel_loop3A_390, %parallel_loop3A_519, %parallel_loop3A_520] : memref<5x128x128xf32, #tpu.memory_space<vmem>> -> memref<1x128x128xf32, #tpu.memory_space<vmem>>
          %parallel_loop3A_522 = tpu.memref_squeeze %parallel_loop3A_521 : memref<1x128x128xf32, #tpu.memory_space<vmem>> -> memref<128x128xf32, #tpu.memory_space<vmem>>
          %parallel_loop3A_523 = arith.index_cast %parallel_loop3A_407 : i32 to index
          %parallel_loop3A_524 = arith.constant 80 : index
          %parallel_loop3A_525 = tpu.vector_load %parallel_loop3A_522[%parallel_loop3A_523, %parallel_loop3A_524] {strides = array<i32>} : memref<128x128xf32, #tpu.memory_space<vmem>>, vector<1x16xf32>,
          %parallel_loop3A_526 = vector.shape_cast %parallel_loop3A_525 : vector<1x16xf32> to vector<16xf32>
          %parallel_loop3A_527 = vector.shape_cast %parallel_loop3A_518 : vector<16xf32> to vector<1x16xf32>
          tpu.vector_store %parallel_loop3A_522[%parallel_loop3A_523, %parallel_loop3A_524], %parallel_loop3A_527 {strides = array<i32>} : memref<128x128xf32, #tpu.memory_space<vmem>>, vector<1x16xf32>,
          %parallel_loop3A_528 = arith.constant 0 : i32
          %parallel_loop3A_529 = arith.constant 0 : i32
          %parallel_loop3A_530 = tpu.memref_slice %arg6[%parallel_loop3A_390, %parallel_loop3A_528, %parallel_loop3A_529] : memref<5x128x128xf32, #tpu.memory_space<vmem>> -> memref<1x128x128xf32, #tpu.memory_space<vmem>>
          %parallel_loop3A_531 = tpu.memref_squeeze %parallel_loop3A_530 : memref<1x128x128xf32, #tpu.memory_space<vmem>> -> memref<128x128xf32, #tpu.memory_space<vmem>>
          %parallel_loop3A_532 = arith.index_cast %parallel_loop3A_407 : i32 to index
          %parallel_loop3A_533 = arith.constant 96 : index
          %parallel_loop3A_534 = tpu.vector_load %parallel_loop3A_531[%parallel_loop3A_532, %parallel_loop3A_533] {strides = array<i32>} : memref<128x128xf32, #tpu.memory_space<vmem>>, vector<1x16xf32>,
          %parallel_loop3A_535 = vector.shape_cast %parallel_loop3A_534 : vector<1x16xf32> to vector<16xf32>
          %parallel_loop3A_536 = arith.constant 11.3137083 : f32
          %parallel_loop3A_537 = vector.broadcast %parallel_loop3A_536 : f32 to vector<16xf32>
          %parallel_loop3A_538 = arith.mulf %parallel_loop3A_535, %parallel_loop3A_537 : vector<16xf32>
          %parallel_loop3A_539 = arith.constant 0 : i32
          %parallel_loop3A_540 = arith.constant 0 : i32
          %parallel_loop3A_541 = tpu.memref_slice %arg6[%parallel_loop3A_390, %parallel_loop3A_539, %parallel_loop3A_540] : memref<5x128x128xf32, #tpu.memory_space<vmem>> -> memref<1x128x128xf32, #tpu.memory_space<vmem>>
          %parallel_loop3A_542 = tpu.memref_squeeze %parallel_loop3A_541 : memref<1x128x128xf32, #tpu.memory_space<vmem>> -> memref<128x128xf32, #tpu.memory_space<vmem>>
          %parallel_loop3A_543 = arith.index_cast %parallel_loop3A_407 : i32 to index
          %parallel_loop3A_544 = arith.constant 96 : index
          %parallel_loop3A_545 = tpu.vector_load %parallel_loop3A_542[%parallel_loop3A_543, %parallel_loop3A_544] {strides = array<i32>} : memref<128x128xf32, #tpu.memory_space<vmem>>, vector<1x16xf32>,
          %parallel_loop3A_546 = vector.shape_cast %parallel_loop3A_545 : vector<1x16xf32> to vector<16xf32>
          %parallel_loop3A_547 = vector.shape_cast %parallel_loop3A_538 : vector<16xf32> to vector<1x16xf32>
          tpu.vector_store %parallel_loop3A_542[%parallel_loop3A_543, %parallel_loop3A_544], %parallel_loop3A_547 {strides = array<i32>} : memref<128x128xf32, #tpu.memory_space<vmem>>, vector<1x16xf32>,
          %parallel_loop3A_548 = arith.constant 0 : i32
          %parallel_loop3A_549 = arith.constant 0 : i32
          %parallel_loop3A_550 = tpu.memref_slice %arg6[%parallel_loop3A_390, %parallel_loop3A_548, %parallel_loop3A_549] : memref<5x128x128xf32, #tpu.memory_space<vmem>> -> memref<1x128x128xf32, #tpu.memory_space<vmem>>
          %parallel_loop3A_551 = tpu.memref_squeeze %parallel_loop3A_550 : memref<1x128x128xf32, #tpu.memory_space<vmem>> -> memref<128x128xf32, #tpu.memory_space<vmem>>
          %parallel_loop3A_552 = arith.index_cast %parallel_loop3A_407 : i32 to index
          %parallel_loop3A_553 = arith.constant 112 : index
          %parallel_loop3A_554 = tpu.vector_load %parallel_loop3A_551[%parallel_loop3A_552, %parallel_loop3A_553] {strides = array<i32>} : memref<128x128xf32, #tpu.memory_space<vmem>>, vector<1x16xf32>,
          %parallel_loop3A_555 = vector.shape_cast %parallel_loop3A_554 : vector<1x16xf32> to vector<16xf32>
          %parallel_loop3A_556 = arith.constant 11.3137083 : f32
          %parallel_loop3A_557 = vector.broadcast %parallel_loop3A_556 : f32 to vector<16xf32>
          %parallel_loop3A_558 = arith.mulf %parallel_loop3A_555, %parallel_loop3A_557 : vector<16xf32>
          %parallel_loop3A_559 = arith.constant 0 : i32
          %parallel_loop3A_560 = arith.constant 0 : i32
          %parallel_loop3A_561 = tpu.memref_slice %arg6[%parallel_loop3A_390, %parallel_loop3A_559, %parallel_loop3A_560] : memref<5x128x128xf32, #tpu.memory_space<vmem>> -> memref<1x128x128xf32, #tpu.memory_space<vmem>>
          %parallel_loop3A_562 = tpu.memref_squeeze %parallel_loop3A_561 : memref<1x128x128xf32, #tpu.memory_space<vmem>> -> memref<128x128xf32, #tpu.memory_space<vmem>>
          %parallel_loop3A_563 = arith.index_cast %parallel_loop3A_407 : i32 to index
          %parallel_loop3A_564 = arith.constant 112 : index
          %parallel_loop3A_565 = tpu.vector_load %parallel_loop3A_562[%parallel_loop3A_563, %parallel_loop3A_564] {strides = array<i32>} : memref<128x128xf32, #tpu.memory_space<vmem>>, vector<1x16xf32>,
          %parallel_loop3A_566 = vector.shape_cast %parallel_loop3A_565 : vector<1x16xf32> to vector<16xf32>
          %parallel_loop3A_567 = vector.shape_cast %parallel_loop3A_558 : vector<16xf32> to vector<1x16xf32>
          tpu.vector_store %parallel_loop3A_562[%parallel_loop3A_563, %parallel_loop3A_564], %parallel_loop3A_567 {strides = array<i32>} : memref<128x128xf32, #tpu.memory_space<vmem>>, vector<1x16xf32>,
        } {sc.loop_unroll_factor = 8 : i64, sc.parallel_access}
        %mul3A_391 = arith.constant 128 : i32
        %mul3A_392 = arith.muli %sub3A_371, %mul3A_391 : i32
        %add3A_393 = arith.addi %mul3A_2, %mul3A_392 : i32
        %dma_start3A_394 = arith.constant 2 : i32
        %dma_start3A_395 = arith.constant 0 : i32
        %dma_start3A_396 = arith.constant 0 : i32
        %dma_start3A_397 = tpu.memref_slice %arg6[%dma_start3A_394, %dma_start3A_395, %dma_start3A_396] : memref<5x128x128xf32, #tpu.memory_space<vmem>> -> memref<1x128x128xf32, #tpu.memory_space<vmem>>
        %dma_start3A_398 = tpu.memref_squeeze %dma_start3A_397 : memref<1x128x128xf32, #tpu.memory_space<vmem>> -> memref<128x128xf32, #tpu.memory_space<vmem>>
        %dma_start3A_399 = arith.constant 0 : i32
        %dma_start3A_400 = tpu.memref_slice %arg4[%add3A_393, %dma_start3A_399] : memref<819200x128xf32, #tpu.memory_space<hbm>> -> memref<128x128xf32, #tpu.memory_space<hbm>>
        %dma_start3A_401 = arith.constant 0 : i32
        %dma_start3A_402 = tpu.memref_slice %arg4[%add3A_393, %dma_start3A_401] : memref<819200x128xf32, #tpu.memory_space<hbm>> -> memref<128x128xf32, #tpu.memory_space<hbm>>
        %dma_start3A_403 = arith.constant 0 : i32
        %dma_start3A_404 = arith.constant 0 : i32
        %dma_start3A_405 = tpu.memref_slice %arg6[%dma_start3A_394, %dma_start3A_403, %dma_start3A_404] : memref<5x128x128xf32, #tpu.memory_space<vmem>> -> memref<1x128x128xf32, #tpu.memory_space<vmem>>
        %dma_start3A_406 = tpu.memref_squeeze %dma_start3A_405 : memref<1x128x128xf32, #tpu.memory_space<vmem>> -> memref<128x128xf32, #tpu.memory_space<vmem>>
        tpu.enqueue_dma source(%dma_start3A_406 : memref<128x128xf32, #tpu.memory_space<vmem>>) target(%dma_start3A_402 : memref<128x128xf32, #tpu.memory_space<hbm>>) target_semaphore(%arg14 : memref<!tpu.dma_semaphore, #tpu.memory_space<semaphore_mem>>)
      } else {
      }
      %mul3A_207 = arith.constant 5 : i32
      %mul3A_208 = arith.muli %scan3A_184, %mul3A_207 : i32
      %add3A_209 = arith.constant 1 : i32
      %add3A_210 = arith.addi %mul3A_208, %add3A_209 : i32
      %gt3A_211 = arith.constant 0 : i32
      %gt3A_212 = arith.cmpi sgt, %scan3A_184, %gt3A_211 : i32
      %convert_element_type3A_213 = arith.extui %gt3A_212 : i1 to i32
      %cond3A_214 = arith.constant 0 : i32
      %cond3A_215 = arith.cmpi ne, %convert_element_type3A_213, %cond3A_214 : i32
      scf.if %cond3A_215 {
        %dma_wait3A_370 = arith.constant 1 : i32
        %dma_wait3A_371 = arith.constant 0 : i32
        %dma_wait3A_372 = arith.constant 0 : i32
        %dma_wait3A_373 = tpu.memref_slice %arg6[%dma_wait3A_370, %dma_wait3A_371, %dma_wait3A_372] : memref<5x128x128xf32, #tpu.memory_space<vmem>> -> memref<1x128x128xf32, #tpu.memory_space<vmem>>
        %dma_wait3A_374 = tpu.memref_squeeze %dma_wait3A_373 : memref<1x128x128xf32, #tpu.memory_space<vmem>> -> memref<128x128xf32, #tpu.memory_space<vmem>>
        %dma_wait3A_375 = arith.constant 0 : i32
        %dma_wait3A_376 = arith.constant 0 : i32
        %dma_wait3A_377 = tpu.memref_slice %arg4[%dma_wait3A_375, %dma_wait3A_376] : memref<819200x128xf32, #tpu.memory_space<hbm>> -> memref<128x128xf32, #tpu.memory_space<hbm>>
        %dma_wait3A_378 = arith.constant 0 : i32
        %dma_wait3A_379 = arith.constant 0 : i32
        %dma_wait3A_380 = tpu.memref_slice %arg6[%dma_wait3A_370, %dma_wait3A_378, %dma_wait3A_379] : memref<5x128x128xf32, #tpu.memory_space<vmem>> -> memref<1x128x128xf32, #tpu.memory_space<vmem>>
        %dma_wait3A_381 = tpu.memref_squeeze %dma_wait3A_380 : memref<1x128x128xf32, #tpu.memory_space<vmem>> -> memref<128x128xf32, #tpu.memory_space<vmem>>
        %dma_wait3A_382 = arith.constant 0 : i32
        %dma_wait3A_383 = arith.constant 0 : i32
        %dma_wait3A_384 = tpu.memref_slice %arg4[%dma_wait3A_382, %dma_wait3A_383] : memref<819200x128xf32, #tpu.memory_space<hbm>> -> memref<128x128xf32, #tpu.memory_space<hbm>>
        tpu.wait_dma2 semaphore(%arg13 : memref<!tpu.dma_semaphore, #tpu.memory_space<semaphore_mem>>) src(%dma_wait3A_384 : memref<128x128xf32, #tpu.memory_space<hbm>>) dst(%dma_wait3A_381 : memref<128x128xf32, #tpu.memory_space<vmem>>)
      } else {
      }
      %dma_start3A_216 = arith.constant 1 : i32
      %dma_start3A_217 = arith.constant 0 : i32
      %dma_start3A_218 = arith.constant 0 : i32
      %dma_start3A_219 = tpu.memref_slice %arg6[%dma_start3A_216, %dma_start3A_217, %dma_start3A_218] : memref<5x128x128xf32, #tpu.memory_space<vmem>> -> memref<1x128x128xf32, #tpu.memory_space<vmem>>
      %dma_start3A_220 = tpu.memref_squeeze %dma_start3A_219 : memref<1x128x128xf32, #tpu.memory_space<vmem>> -> memref<128x128xf32, #tpu.memory_space<vmem>>
      %dma_start3A_221 = arith.constant 0 : i32
      %dma_start3A_222 = tpu.memref_slice %arg5[%add3A_210, %dma_start3A_221] : memref<200x128xi32, #tpu.memory_space<vmem>> -> memref<1x128xi32, #tpu.memory_space<vmem>>
      %dma_start3A_223 = tpu.memref_squeeze %dma_start3A_222 : memref<1x128xi32, #tpu.memory_space<vmem>> -> memref<128xi32, #tpu.memory_space<vmem>>
      %dma_start3A_224 = arith.constant 0 : i32
      %dma_start3A_225 = arith.constant 0 : i32
      %dma_start3A_226 = tpu.memref_slice %arg2[%dma_start3A_224, %dma_start3A_225] : memref<100000x128xf32, #tpu.memory_space<hbm>> -> memref<100000x128xf32, #tpu.memory_space<hbm>>
      tpu.enqueue_indirect_dma source(%dma_start3A_226 : memref<100000x128xf32, #tpu.memory_space<hbm>>) target(%dma_start3A_220 : memref<128x128xf32, #tpu.memory_space<vmem>>) offsets(%dma_start3A_223 : memref<128xi32, #tpu.memory_space<vmem>>) semaphore(%arg8 : memref<!tpu.dma_semaphore, #tpu.memory_space<semaphore_mem>>)
      %gt3A_227 = arith.constant 0 : i32
      %gt3A_228 = arith.cmpi sgt, %scan3A_184, %gt3A_227 : i32
      %convert_element_type3A_229 = arith.extui %gt3A_228 : i1 to i32
      %cond3A_230 = arith.constant 0 : i32
      %cond3A_231 = arith.cmpi ne, %convert_element_type3A_229, %cond3A_230 : i32
      scf.if %cond3A_231 {
        %sub3A_370 = arith.constant 3 : i32
        %sub3A_371 = arith.subi %add3A_210, %sub3A_370 : i32
        %dma_wait3A_372 = arith.constant 3 : i32
        %dma_wait3A_373 = arith.constant 0 : i32
        %dma_wait3A_374 = arith.constant 0 : i32
        %dma_wait3A_375 = tpu.memref_slice %arg6[%dma_wait3A_372, %dma_wait3A_373, %dma_wait3A_374] : memref<5x128x128xf32, #tpu.memory_space<vmem>> -> memref<1x128x128xf32, #tpu.memory_space<vmem>>
        %dma_wait3A_376 = tpu.memref_squeeze %dma_wait3A_375 : memref<1x128x128xf32, #tpu.memory_space<vmem>> -> memref<128x128xf32, #tpu.memory_space<vmem>>
        %dma_wait3A_377 = arith.constant 0 : i32
        %dma_wait3A_378 = arith.constant 0 : i32
        %dma_wait3A_379 = tpu.memref_slice %arg2[%dma_wait3A_377, %dma_wait3A_378] : memref<100000x128xf32, #tpu.memory_space<hbm>> -> memref<128x128xf32, #tpu.memory_space<hbm>>
        %dma_wait3A_380 = arith.constant 0 : i32
        %dma_wait3A_381 = arith.constant 0 : i32
        %dma_wait3A_382 = tpu.memref_slice %arg6[%dma_wait3A_372, %dma_wait3A_380, %dma_wait3A_381] : memref<5x128x128xf32, #tpu.memory_space<vmem>> -> memref<1x128x128xf32, #tpu.memory_space<vmem>>
        %dma_wait3A_383 = tpu.memref_squeeze %dma_wait3A_382 : memref<1x128x128xf32, #tpu.memory_space<vmem>> -> memref<128x128xf32, #tpu.memory_space<vmem>>
        %dma_wait3A_384 = arith.constant 0 : i32
        %dma_wait3A_385 = arith.constant 0 : i32
        %dma_wait3A_386 = tpu.memref_slice %arg2[%dma_wait3A_384, %dma_wait3A_385] : memref<100000x128xf32, #tpu.memory_space<hbm>> -> memref<128x128xf32, #tpu.memory_space<hbm>>
        tpu.wait_dma2 semaphore(%arg10 : memref<!tpu.dma_semaphore, #tpu.memory_space<semaphore_mem>>) src(%dma_wait3A_386 : memref<128x128xf32, #tpu.memory_space<hbm>>) dst(%dma_wait3A_383 : memref<128x128xf32, #tpu.memory_space<vmem>>)
        %parallel_loop3A_387 = arith.constant 0 : i32
        %parallel_loop3A_388 = arith.constant 128 : i32
        %parallel_loop3A_389 = arith.constant 1 : i32
        %parallel_loop3A_390 = arith.constant 3 : i32
        scf.for %parallel_loop3A_407 = %parallel_loop3A_387 to %parallel_loop3A_388 step %parallel_loop3A_389  : i32 {
          %parallel_loop3A_408 = arith.constant 0 : i32
          %parallel_loop3A_409 = arith.constant 0 : i32
          %parallel_loop3A_410 = tpu.memref_slice %arg6[%parallel_loop3A_390, %parallel_loop3A_408, %parallel_loop3A_409] : memref<5x128x128xf32, #tpu.memory_space<vmem>> -> memref<1x128x128xf32, #tpu.memory_space<vmem>>
          %parallel_loop3A_411 = tpu.memref_squeeze %parallel_loop3A_410 : memref<1x128x128xf32, #tpu.memory_space<vmem>> -> memref<128x128xf32, #tpu.memory_space<vmem>>
          %parallel_loop3A_412 = arith.index_cast %parallel_loop3A_407 : i32 to index
          %parallel_loop3A_413 = arith.constant 0 : index
          %parallel_loop3A_414 = tpu.vector_load %parallel_loop3A_411[%parallel_loop3A_412, %parallel_loop3A_413] {strides = array<i32>} : memref<128x128xf32, #tpu.memory_space<vmem>>, vector<1x16xf32>,
          %parallel_loop3A_415 = vector.shape_cast %parallel_loop3A_414 : vector<1x16xf32> to vector<16xf32>
          %parallel_loop3A_416 = arith.constant 11.3137083 : f32
          %parallel_loop3A_417 = vector.broadcast %parallel_loop3A_416 : f32 to vector<16xf32>
          %parallel_loop3A_418 = arith.mulf %parallel_loop3A_415, %parallel_loop3A_417 : vector<16xf32>
          %parallel_loop3A_419 = arith.constant 0 : i32
          %parallel_loop3A_420 = arith.constant 0 : i32
          %parallel_loop3A_421 = tpu.memref_slice %arg6[%parallel_loop3A_390, %parallel_loop3A_419, %parallel_loop3A_420] : memref<5x128x128xf32, #tpu.memory_space<vmem>> -> memref<1x128x128xf32, #tpu.memory_space<vmem>>
          %parallel_loop3A_422 = tpu.memref_squeeze %parallel_loop3A_421 : memref<1x128x128xf32, #tpu.memory_space<vmem>> -> memref<128x128xf32, #tpu.memory_space<vmem>>
          %parallel_loop3A_423 = arith.index_cast %parallel_loop3A_407 : i32 to index
          %parallel_loop3A_424 = arith.constant 0 : index
          %parallel_loop3A_425 = tpu.vector_load %parallel_loop3A_422[%parallel_loop3A_423, %parallel_loop3A_424] {strides = array<i32>} : memref<128x128xf32, #tpu.memory_space<vmem>>, vector<1x16xf32>,
          %parallel_loop3A_426 = vector.shape_cast %parallel_loop3A_425 : vector<1x16xf32> to vector<16xf32>
          %parallel_loop3A_427 = vector.shape_cast %parallel_loop3A_418 : vector<16xf32> to vector<1x16xf32>
          tpu.vector_store %parallel_loop3A_422[%parallel_loop3A_423, %parallel_loop3A_424], %parallel_loop3A_427 {strides = array<i32>} : memref<128x128xf32, #tpu.memory_space<vmem>>, vector<1x16xf32>,
          %parallel_loop3A_428 = arith.constant 0 : i32
          %parallel_loop3A_429 = arith.constant 0 : i32
          %parallel_loop3A_430 = tpu.memref_slice %arg6[%parallel_loop3A_390, %parallel_loop3A_428, %parallel_loop3A_429] : memref<5x128x128xf32, #tpu.memory_space<vmem>> -> memref<1x128x128xf32, #tpu.memory_space<vmem>>
          %parallel_loop3A_431 = tpu.memref_squeeze %parallel_loop3A_430 : memref<1x128x128xf32, #tpu.memory_space<vmem>> -> memref<128x128xf32, #tpu.memory_space<vmem>>
          %parallel_loop3A_432 = arith.index_cast %parallel_loop3A_407 : i32 to index
          %parallel_loop3A_433 = arith.constant 16 : index
          %parallel_loop3A_434 = tpu.vector_load %parallel_loop3A_431[%parallel_loop3A_432, %parallel_loop3A_433] {strides = array<i32>} : memref<128x128xf32, #tpu.memory_space<vmem>>, vector<1x16xf32>,
          %parallel_loop3A_435 = vector.shape_cast %parallel_loop3A_434 : vector<1x16xf32> to vector<16xf32>
          %parallel_loop3A_436 = arith.constant 11.3137083 : f32
          %parallel_loop3A_437 = vector.broadcast %parallel_loop3A_436 : f32 to vector<16xf32>
          %parallel_loop3A_438 = arith.mulf %parallel_loop3A_435, %parallel_loop3A_437 : vector<16xf32>
          %parallel_loop3A_439 = arith.constant 0 : i32
          %parallel_loop3A_440 = arith.constant 0 : i32
          %parallel_loop3A_441 = tpu.memref_slice %arg6[%parallel_loop3A_390, %parallel_loop3A_439, %parallel_loop3A_440] : memref<5x128x128xf32, #tpu.memory_space<vmem>> -> memref<1x128x128xf32, #tpu.memory_space<vmem>>
          %parallel_loop3A_442 = tpu.memref_squeeze %parallel_loop3A_441 : memref<1x128x128xf32, #tpu.memory_space<vmem>> -> memref<128x128xf32, #tpu.memory_space<vmem>>
          %parallel_loop3A_443 = arith.index_cast %parallel_loop3A_407 : i32 to index
          %parallel_loop3A_444 = arith.constant 16 : index
          %parallel_loop3A_445 = tpu.vector_load %parallel_loop3A_442[%parallel_loop3A_443, %parallel_loop3A_444] {strides = array<i32>} : memref<128x128xf32, #tpu.memory_space<vmem>>, vector<1x16xf32>,
          %parallel_loop3A_446 = vector.shape_cast %parallel_loop3A_445 : vector<1x16xf32> to vector<16xf32>
          %parallel_loop3A_447 = vector.shape_cast %parallel_loop3A_438 : vector<16xf32> to vector<1x16xf32>
          tpu.vector_store %parallel_loop3A_442[%parallel_loop3A_443, %parallel_loop3A_444], %parallel_loop3A_447 {strides = array<i32>} : memref<128x128xf32, #tpu.memory_space<vmem>>, vector<1x16xf32>,
          %parallel_loop3A_448 = arith.constant 0 : i32
          %parallel_loop3A_449 = arith.constant 0 : i32
          %parallel_loop3A_450 = tpu.memref_slice %arg6[%parallel_loop3A_390, %parallel_loop3A_448, %parallel_loop3A_449] : memref<5x128x128xf32, #tpu.memory_space<vmem>> -> memref<1x128x128xf32, #tpu.memory_space<vmem>>
          %parallel_loop3A_451 = tpu.memref_squeeze %parallel_loop3A_450 : memref<1x128x128xf32, #tpu.memory_space<vmem>> -> memref<128x128xf32, #tpu.memory_space<vmem>>
          %parallel_loop3A_452 = arith.index_cast %parallel_loop3A_407 : i32 to index
          %parallel_loop3A_453 = arith.constant 32 : index
          %parallel_loop3A_454 = tpu.vector_load %parallel_loop3A_451[%parallel_loop3A_452, %parallel_loop3A_453] {strides = array<i32>} : memref<128x128xf32, #tpu.memory_space<vmem>>, vector<1x16xf32>,
          %parallel_loop3A_455 = vector.shape_cast %parallel_loop3A_454 : vector<1x16xf32> to vector<16xf32>
          %parallel_loop3A_456 = arith.constant 11.3137083 : f32
          %parallel_loop3A_457 = vector.broadcast %parallel_loop3A_456 : f32 to vector<16xf32>
          %parallel_loop3A_458 = arith.mulf %parallel_loop3A_455, %parallel_loop3A_457 : vector<16xf32>
          %parallel_loop3A_459 = arith.constant 0 : i32
          %parallel_loop3A_460 = arith.constant 0 : i32
          %parallel_loop3A_461 = tpu.memref_slice %arg6[%parallel_loop3A_390, %parallel_loop3A_459, %parallel_loop3A_460] : memref<5x128x128xf32, #tpu.memory_space<vmem>> -> memref<1x128x128xf32, #tpu.memory_space<vmem>>
          %parallel_loop3A_462 = tpu.memref_squeeze %parallel_loop3A_461 : memref<1x128x128xf32, #tpu.memory_space<vmem>> -> memref<128x128xf32, #tpu.memory_space<vmem>>
          %parallel_loop3A_463 = arith.index_cast %parallel_loop3A_407 : i32 to index
          %parallel_loop3A_464 = arith.constant 32 : index
          %parallel_loop3A_465 = tpu.vector_load %parallel_loop3A_462[%parallel_loop3A_463, %parallel_loop3A_464] {strides = array<i32>} : memref<128x128xf32, #tpu.memory_space<vmem>>, vector<1x16xf32>,
          %parallel_loop3A_466 = vector.shape_cast %parallel_loop3A_465 : vector<1x16xf32> to vector<16xf32>
          %parallel_loop3A_467 = vector.shape_cast %parallel_loop3A_458 : vector<16xf32> to vector<1x16xf32>
          tpu.vector_store %parallel_loop3A_462[%parallel_loop3A_463, %parallel_loop3A_464], %parallel_loop3A_467 {strides = array<i32>} : memref<128x128xf32, #tpu.memory_space<vmem>>, vector<1x16xf32>,
          %parallel_loop3A_468 = arith.constant 0 : i32
          %parallel_loop3A_469 = arith.constant 0 : i32
          %parallel_loop3A_470 = tpu.memref_slice %arg6[%parallel_loop3A_390, %parallel_loop3A_468, %parallel_loop3A_469] : memref<5x128x128xf32, #tpu.memory_space<vmem>> -> memref<1x128x128xf32, #tpu.memory_space<vmem>>
          %parallel_loop3A_471 = tpu.memref_squeeze %parallel_loop3A_470 : memref<1x128x128xf32, #tpu.memory_space<vmem>> -> memref<128x128xf32, #tpu.memory_space<vmem>>
          %parallel_loop3A_472 = arith.index_cast %parallel_loop3A_407 : i32 to index
          %parallel_loop3A_473 = arith.constant 48 : index
          %parallel_loop3A_474 = tpu.vector_load %parallel_loop3A_471[%parallel_loop3A_472, %parallel_loop3A_473] {strides = array<i32>} : memref<128x128xf32, #tpu.memory_space<vmem>>, vector<1x16xf32>,
          %parallel_loop3A_475 = vector.shape_cast %parallel_loop3A_474 : vector<1x16xf32> to vector<16xf32>
          %parallel_loop3A_476 = arith.constant 11.3137083 : f32
          %parallel_loop3A_477 = vector.broadcast %parallel_loop3A_476 : f32 to vector<16xf32>
          %parallel_loop3A_478 = arith.mulf %parallel_loop3A_475, %parallel_loop3A_477 : vector<16xf32>
          %parallel_loop3A_479 = arith.constant 0 : i32
          %parallel_loop3A_480 = arith.constant 0 : i32
          %parallel_loop3A_481 = tpu.memref_slice %arg6[%parallel_loop3A_390, %parallel_loop3A_479, %parallel_loop3A_480] : memref<5x128x128xf32, #tpu.memory_space<vmem>> -> memref<1x128x128xf32, #tpu.memory_space<vmem>>
          %parallel_loop3A_482 = tpu.memref_squeeze %parallel_loop3A_481 : memref<1x128x128xf32, #tpu.memory_space<vmem>> -> memref<128x128xf32, #tpu.memory_space<vmem>>
          %parallel_loop3A_483 = arith.index_cast %parallel_loop3A_407 : i32 to index
          %parallel_loop3A_484 = arith.constant 48 : index
          %parallel_loop3A_485 = tpu.vector_load %parallel_loop3A_482[%parallel_loop3A_483, %parallel_loop3A_484] {strides = array<i32>} : memref<128x128xf32, #tpu.memory_space<vmem>>, vector<1x16xf32>,
          %parallel_loop3A_486 = vector.shape_cast %parallel_loop3A_485 : vector<1x16xf32> to vector<16xf32>
          %parallel_loop3A_487 = vector.shape_cast %parallel_loop3A_478 : vector<16xf32> to vector<1x16xf32>
          tpu.vector_store %parallel_loop3A_482[%parallel_loop3A_483, %parallel_loop3A_484], %parallel_loop3A_487 {strides = array<i32>} : memref<128x128xf32, #tpu.memory_space<vmem>>, vector<1x16xf32>,
          %parallel_loop3A_488 = arith.constant 0 : i32
          %parallel_loop3A_489 = arith.constant 0 : i32
          %parallel_loop3A_490 = tpu.memref_slice %arg6[%parallel_loop3A_390, %parallel_loop3A_488, %parallel_loop3A_489] : memref<5x128x128xf32, #tpu.memory_space<vmem>> -> memref<1x128x128xf32, #tpu.memory_space<vmem>>
          %parallel_loop3A_491 = tpu.memref_squeeze %parallel_loop3A_490 : memref<1x128x128xf32, #tpu.memory_space<vmem>> -> memref<128x128xf32, #tpu.memory_space<vmem>>
          %parallel_loop3A_492 = arith.index_cast %parallel_loop3A_407 : i32 to index
          %parallel_loop3A_493 = arith.constant 64 : index
          %parallel_loop3A_494 = tpu.vector_load %parallel_loop3A_491[%parallel_loop3A_492, %parallel_loop3A_493] {strides = array<i32>} : memref<128x128xf32, #tpu.memory_space<vmem>>, vector<1x16xf32>,
          %parallel_loop3A_495 = vector.shape_cast %parallel_loop3A_494 : vector<1x16xf32> to vector<16xf32>
          %parallel_loop3A_496 = arith.constant 11.3137083 : f32
          %parallel_loop3A_497 = vector.broadcast %parallel_loop3A_496 : f32 to vector<16xf32>
          %parallel_loop3A_498 = arith.mulf %parallel_loop3A_495, %parallel_loop3A_497 : vector<16xf32>
          %parallel_loop3A_499 = arith.constant 0 : i32
          %parallel_loop3A_500 = arith.constant 0 : i32
          %parallel_loop3A_501 = tpu.memref_slice %arg6[%parallel_loop3A_390, %parallel_loop3A_499, %parallel_loop3A_500] : memref<5x128x128xf32, #tpu.memory_space<vmem>> -> memref<1x128x128xf32, #tpu.memory_space<vmem>>
          %parallel_loop3A_502 = tpu.memref_squeeze %parallel_loop3A_501 : memref<1x128x128xf32, #tpu.memory_space<vmem>> -> memref<128x128xf32, #tpu.memory_space<vmem>>
          %parallel_loop3A_503 = arith.index_cast %parallel_loop3A_407 : i32 to index
          %parallel_loop3A_504 = arith.constant 64 : index
          %parallel_loop3A_505 = tpu.vector_load %parallel_loop3A_502[%parallel_loop3A_503, %parallel_loop3A_504] {strides = array<i32>} : memref<128x128xf32, #tpu.memory_space<vmem>>, vector<1x16xf32>,
          %parallel_loop3A_506 = vector.shape_cast %parallel_loop3A_505 : vector<1x16xf32> to vector<16xf32>
          %parallel_loop3A_507 = vector.shape_cast %parallel_loop3A_498 : vector<16xf32> to vector<1x16xf32>
          tpu.vector_store %parallel_loop3A_502[%parallel_loop3A_503, %parallel_loop3A_504], %parallel_loop3A_507 {strides = array<i32>} : memref<128x128xf32, #tpu.memory_space<vmem>>, vector<1x16xf32>,
          %parallel_loop3A_508 = arith.constant 0 : i32
          %parallel_loop3A_509 = arith.constant 0 : i32
          %parallel_loop3A_510 = tpu.memref_slice %arg6[%parallel_loop3A_390, %parallel_loop3A_508, %parallel_loop3A_509] : memref<5x128x128xf32, #tpu.memory_space<vmem>> -> memref<1x128x128xf32, #tpu.memory_space<vmem>>
          %parallel_loop3A_511 = tpu.memref_squeeze %parallel_loop3A_510 : memref<1x128x128xf32, #tpu.memory_space<vmem>> -> memref<128x128xf32, #tpu.memory_space<vmem>>
          %parallel_loop3A_512 = arith.index_cast %parallel_loop3A_407 : i32 to index
          %parallel_loop3A_513 = arith.constant 80 : index
          %parallel_loop3A_514 = tpu.vector_load %parallel_loop3A_511[%parallel_loop3A_512, %parallel_loop3A_513] {strides = array<i32>} : memref<128x128xf32, #tpu.memory_space<vmem>>, vector<1x16xf32>,
          %parallel_loop3A_515 = vector.shape_cast %parallel_loop3A_514 : vector<1x16xf32> to vector<16xf32>
          %parallel_loop3A_516 = arith.constant 11.3137083 : f32
          %parallel_loop3A_517 = vector.broadcast %parallel_loop3A_516 : f32 to vector<16xf32>
          %parallel_loop3A_518 = arith.mulf %parallel_loop3A_515, %parallel_loop3A_517 : vector<16xf32>
          %parallel_loop3A_519 = arith.constant 0 : i32
          %parallel_loop3A_520 = arith.constant 0 : i32
          %parallel_loop3A_521 = tpu.memref_slice %arg6[%parallel_loop3A_390, %parallel_loop3A_519, %parallel_loop3A_520] : memref<5x128x128xf32, #tpu.memory_space<vmem>> -> memref<1x128x128xf32, #tpu.memory_space<vmem>>
          %parallel_loop3A_522 = tpu.memref_squeeze %parallel_loop3A_521 : memref<1x128x128xf32, #tpu.memory_space<vmem>> -> memref<128x128xf32, #tpu.memory_space<vmem>>
          %parallel_loop3A_523 = arith.index_cast %parallel_loop3A_407 : i32 to index
          %parallel_loop3A_524 = arith.constant 80 : index
          %parallel_loop3A_525 = tpu.vector_load %parallel_loop3A_522[%parallel_loop3A_523, %parallel_loop3A_524] {strides = array<i32>} : memref<128x128xf32, #tpu.memory_space<vmem>>, vector<1x16xf32>,
          %parallel_loop3A_526 = vector.shape_cast %parallel_loop3A_525 : vector<1x16xf32> to vector<16xf32>
          %parallel_loop3A_527 = vector.shape_cast %parallel_loop3A_518 : vector<16xf32> to vector<1x16xf32>
          tpu.vector_store %parallel_loop3A_522[%parallel_loop3A_523, %parallel_loop3A_524], %parallel_loop3A_527 {strides = array<i32>} : memref<128x128xf32, #tpu.memory_space<vmem>>, vector<1x16xf32>,
          %parallel_loop3A_528 = arith.constant 0 : i32
          %parallel_loop3A_529 = arith.constant 0 : i32
          %parallel_loop3A_530 = tpu.memref_slice %arg6[%parallel_loop3A_390, %parallel_loop3A_528, %parallel_loop3A_529] : memref<5x128x128xf32, #tpu.memory_space<vmem>> -> memref<1x128x128xf32, #tpu.memory_space<vmem>>
          %parallel_loop3A_531 = tpu.memref_squeeze %parallel_loop3A_530 : memref<1x128x128xf32, #tpu.memory_space<vmem>> -> memref<128x128xf32, #tpu.memory_space<vmem>>
          %parallel_loop3A_532 = arith.index_cast %parallel_loop3A_407 : i32 to index
          %parallel_loop3A_533 = arith.constant 96 : index
          %parallel_loop3A_534 = tpu.vector_load %parallel_loop3A_531[%parallel_loop3A_532, %parallel_loop3A_533] {strides = array<i32>} : memref<128x128xf32, #tpu.memory_space<vmem>>, vector<1x16xf32>,
          %parallel_loop3A_535 = vector.shape_cast %parallel_loop3A_534 : vector<1x16xf32> to vector<16xf32>
          %parallel_loop3A_536 = arith.constant 11.3137083 : f32
          %parallel_loop3A_537 = vector.broadcast %parallel_loop3A_536 : f32 to vector<16xf32>
          %parallel_loop3A_538 = arith.mulf %parallel_loop3A_535, %parallel_loop3A_537 : vector<16xf32>
          %parallel_loop3A_539 = arith.constant 0 : i32
          %parallel_loop3A_540 = arith.constant 0 : i32
          %parallel_loop3A_541 = tpu.memref_slice %arg6[%parallel_loop3A_390, %parallel_loop3A_539, %parallel_loop3A_540] : memref<5x128x128xf32, #tpu.memory_space<vmem>> -> memref<1x128x128xf32, #tpu.memory_space<vmem>>
          %parallel_loop3A_542 = tpu.memref_squeeze %parallel_loop3A_541 : memref<1x128x128xf32, #tpu.memory_space<vmem>> -> memref<128x128xf32, #tpu.memory_space<vmem>>
          %parallel_loop3A_543 = arith.index_cast %parallel_loop3A_407 : i32 to index
          %parallel_loop3A_544 = arith.constant 96 : index
          %parallel_loop3A_545 = tpu.vector_load %parallel_loop3A_542[%parallel_loop3A_543, %parallel_loop3A_544] {strides = array<i32>} : memref<128x128xf32, #tpu.memory_space<vmem>>, vector<1x16xf32>,
          %parallel_loop3A_546 = vector.shape_cast %parallel_loop3A_545 : vector<1x16xf32> to vector<16xf32>
          %parallel_loop3A_547 = vector.shape_cast %parallel_loop3A_538 : vector<16xf32> to vector<1x16xf32>
          tpu.vector_store %parallel_loop3A_542[%parallel_loop3A_543, %parallel_loop3A_544], %parallel_loop3A_547 {strides = array<i32>} : memref<128x128xf32, #tpu.memory_space<vmem>>, vector<1x16xf32>,
          %parallel_loop3A_548 = arith.constant 0 : i32
          %parallel_loop3A_549 = arith.constant 0 : i32
          %parallel_loop3A_550 = tpu.memref_slice %arg6[%parallel_loop3A_390, %parallel_loop3A_548, %parallel_loop3A_549] : memref<5x128x128xf32, #tpu.memory_space<vmem>> -> memref<1x128x128xf32, #tpu.memory_space<vmem>>
          %parallel_loop3A_551 = tpu.memref_squeeze %parallel_loop3A_550 : memref<1x128x128xf32, #tpu.memory_space<vmem>> -> memref<128x128xf32, #tpu.memory_space<vmem>>
          %parallel_loop3A_552 = arith.index_cast %parallel_loop3A_407 : i32 to index
          %parallel_loop3A_553 = arith.constant 112 : index
          %parallel_loop3A_554 = tpu.vector_load %parallel_loop3A_551[%parallel_loop3A_552, %parallel_loop3A_553] {strides = array<i32>} : memref<128x128xf32, #tpu.memory_space<vmem>>, vector<1x16xf32>,
          %parallel_loop3A_555 = vector.shape_cast %parallel_loop3A_554 : vector<1x16xf32> to vector<16xf32>
          %parallel_loop3A_556 = arith.constant 11.3137083 : f32
          %parallel_loop3A_557 = vector.broadcast %parallel_loop3A_556 : f32 to vector<16xf32>
          %parallel_loop3A_558 = arith.mulf %parallel_loop3A_555, %parallel_loop3A_557 : vector<16xf32>
          %parallel_loop3A_559 = arith.constant 0 : i32
          %parallel_loop3A_560 = arith.constant 0 : i32
          %parallel_loop3A_561 = tpu.memref_slice %arg6[%parallel_loop3A_390, %parallel_loop3A_559, %parallel_loop3A_560] : memref<5x128x128xf32, #tpu.memory_space<vmem>> -> memref<1x128x128xf32, #tpu.memory_space<vmem>>
          %parallel_loop3A_562 = tpu.memref_squeeze %parallel_loop3A_561 : memref<1x128x128xf32, #tpu.memory_space<vmem>> -> memref<128x128xf32, #tpu.memory_space<vmem>>
          %parallel_loop3A_563 = arith.index_cast %parallel_loop3A_407 : i32 to index
          %parallel_loop3A_564 = arith.constant 112 : index
          %parallel_loop3A_565 = tpu.vector_load %parallel_loop3A_562[%parallel_loop3A_563, %parallel_loop3A_564] {strides = array<i32>} : memref<128x128xf32, #tpu.memory_space<vmem>>, vector<1x16xf32>,
          %parallel_loop3A_566 = vector.shape_cast %parallel_loop3A_565 : vector<1x16xf32> to vector<16xf32>
          %parallel_loop3A_567 = vector.shape_cast %parallel_loop3A_558 : vector<16xf32> to vector<1x16xf32>
          tpu.vector_store %parallel_loop3A_562[%parallel_loop3A_563, %parallel_loop3A_564], %parallel_loop3A_567 {strides = array<i32>} : memref<128x128xf32, #tpu.memory_space<vmem>>, vector<1x16xf32>,
        } {sc.loop_unroll_factor = 8 : i64, sc.parallel_access}
        %mul3A_391 = arith.constant 128 : i32
        %mul3A_392 = arith.muli %sub3A_371, %mul3A_391 : i32
        %add3A_393 = arith.addi %mul3A_2, %mul3A_392 : i32
        %dma_start3A_394 = arith.constant 3 : i32
        %dma_start3A_395 = arith.constant 0 : i32
        %dma_start3A_396 = arith.constant 0 : i32
        %dma_start3A_397 = tpu.memref_slice %arg6[%dma_start3A_394, %dma_start3A_395, %dma_start3A_396] : memref<5x128x128xf32, #tpu.memory_space<vmem>> -> memref<1x128x128xf32, #tpu.memory_space<vmem>>
        %dma_start3A_398 = tpu.memref_squeeze %dma_start3A_397 : memref<1x128x128xf32, #tpu.memory_space<vmem>> -> memref<128x128xf32, #tpu.memory_space<vmem>>
        %dma_start3A_399 = arith.constant 0 : i32
        %dma_start3A_400 = tpu.memref_slice %arg4[%add3A_393, %dma_start3A_399] : memref<819200x128xf32, #tpu.memory_space<hbm>> -> memref<128x128xf32, #tpu.memory_space<hbm>>
        %dma_start3A_401 = arith.constant 0 : i32
        %dma_start3A_402 = tpu.memref_slice %arg4[%add3A_393, %dma_start3A_401] : memref<819200x128xf32, #tpu.memory_space<hbm>> -> memref<128x128xf32, #tpu.memory_space<hbm>>
        %dma_start3A_403 = arith.constant 0 : i32
        %dma_start3A_404 = arith.constant 0 : i32
        %dma_start3A_405 = tpu.memref_slice %arg6[%dma_start3A_394, %dma_start3A_403, %dma_start3A_404] : memref<5x128x128xf32, #tpu.memory_space<vmem>> -> memref<1x128x128xf32, #tpu.memory_space<vmem>>
        %dma_start3A_406 = tpu.memref_squeeze %dma_start3A_405 : memref<1x128x128xf32, #tpu.memory_space<vmem>> -> memref<128x128xf32, #tpu.memory_space<vmem>>
        tpu.enqueue_dma source(%dma_start3A_406 : memref<128x128xf32, #tpu.memory_space<vmem>>) target(%dma_start3A_402 : memref<128x128xf32, #tpu.memory_space<hbm>>) target_semaphore(%arg15 : memref<!tpu.dma_semaphore, #tpu.memory_space<semaphore_mem>>)
      } else {
      }
      %mul3A_232 = arith.constant 5 : i32
      %mul3A_233 = arith.muli %scan3A_184, %mul3A_232 : i32
      %add3A_234 = arith.constant 2 : i32
      %add3A_235 = arith.addi %mul3A_233, %add3A_234 : i32
      %gt3A_236 = arith.constant 0 : i32
      %gt3A_237 = arith.cmpi sgt, %scan3A_184, %gt3A_236 : i32
      %convert_element_type3A_238 = arith.extui %gt3A_237 : i1 to i32
      %cond3A_239 = arith.constant 0 : i32
      %cond3A_240 = arith.cmpi ne, %convert_element_type3A_238, %cond3A_239 : i32
      scf.if %cond3A_240 {
        %dma_wait3A_370 = arith.constant 2 : i32
        %dma_wait3A_371 = arith.constant 0 : i32
        %dma_wait3A_372 = arith.constant 0 : i32
        %dma_wait3A_373 = tpu.memref_slice %arg6[%dma_wait3A_370, %dma_wait3A_371, %dma_wait3A_372] : memref<5x128x128xf32, #tpu.memory_space<vmem>> -> memref<1x128x128xf32, #tpu.memory_space<vmem>>
        %dma_wait3A_374 = tpu.memref_squeeze %dma_wait3A_373 : memref<1x128x128xf32, #tpu.memory_space<vmem>> -> memref<128x128xf32, #tpu.memory_space<vmem>>
        %dma_wait3A_375 = arith.constant 0 : i32
        %dma_wait3A_376 = arith.constant 0 : i32
        %dma_wait3A_377 = tpu.memref_slice %arg4[%dma_wait3A_375, %dma_wait3A_376] : memref<819200x128xf32, #tpu.memory_space<hbm>> -> memref<128x128xf32, #tpu.memory_space<hbm>>
        %dma_wait3A_378 = arith.constant 0 : i32
        %dma_wait3A_379 = arith.constant 0 : i32
        %dma_wait3A_380 = tpu.memref_slice %arg6[%dma_wait3A_370, %dma_wait3A_378, %dma_wait3A_379] : memref<5x128x128xf32, #tpu.memory_space<vmem>> -> memref<1x128x128xf32, #tpu.memory_space<vmem>>
        %dma_wait3A_381 = tpu.memref_squeeze %dma_wait3A_380 : memref<1x128x128xf32, #tpu.memory_space<vmem>> -> memref<128x128xf32, #tpu.memory_space<vmem>>
        %dma_wait3A_382 = arith.constant 0 : i32
        %dma_wait3A_383 = arith.constant 0 : i32
        %dma_wait3A_384 = tpu.memref_slice %arg4[%dma_wait3A_382, %dma_wait3A_383] : memref<819200x128xf32, #tpu.memory_space<hbm>> -> memref<128x128xf32, #tpu.memory_space<hbm>>
        tpu.wait_dma2 semaphore(%arg14 : memref<!tpu.dma_semaphore, #tpu.memory_space<semaphore_mem>>) src(%dma_wait3A_384 : memref<128x128xf32, #tpu.memory_space<hbm>>) dst(%dma_wait3A_381 : memref<128x128xf32, #tpu.memory_space<vmem>>)
      } else {
      }
      %dma_start3A_241 = arith.constant 2 : i32
      %dma_start3A_242 = arith.constant 0 : i32
      %dma_start3A_243 = arith.constant 0 : i32
      %dma_start3A_244 = tpu.memref_slice %arg6[%dma_start3A_241, %dma_start3A_242, %dma_start3A_243] : memref<5x128x128xf32, #tpu.memory_space<vmem>> -> memref<1x128x128xf32, #tpu.memory_space<vmem>>
      %dma_start3A_245 = tpu.memref_squeeze %dma_start3A_244 : memref<1x128x128xf32, #tpu.memory_space<vmem>> -> memref<128x128xf32, #tpu.memory_space<vmem>>
      %dma_start3A_246 = arith.constant 0 : i32
      %dma_start3A_247 = tpu.memref_slice %arg5[%add3A_235, %dma_start3A_246] : memref<200x128xi32, #tpu.memory_space<vmem>> -> memref<1x128xi32, #tpu.memory_space<vmem>>
      %dma_start3A_248 = tpu.memref_squeeze %dma_start3A_247 : memref<1x128xi32, #tpu.memory_space<vmem>> -> memref<128xi32, #tpu.memory_space<vmem>>
      %dma_start3A_249 = arith.constant 0 : i32
      %dma_start3A_250 = arith.constant 0 : i32
      %dma_start3A_251 = tpu.memref_slice %arg2[%dma_start3A_249, %dma_start3A_250] : memref<100000x128xf32, #tpu.memory_space<hbm>> -> memref<100000x128xf32, #tpu.memory_space<hbm>>
      tpu.enqueue_indirect_dma source(%dma_start3A_251 : memref<100000x128xf32, #tpu.memory_space<hbm>>) target(%dma_start3A_245 : memref<128x128xf32, #tpu.memory_space<vmem>>) offsets(%dma_start3A_248 : memref<128xi32, #tpu.memory_space<vmem>>) semaphore(%arg9 : memref<!tpu.dma_semaphore, #tpu.memory_space<semaphore_mem>>)
      %gt3A_252 = arith.constant 0 : i32
      %gt3A_253 = arith.cmpi sgt, %scan3A_184, %gt3A_252 : i32
      %convert_element_type3A_254 = arith.extui %gt3A_253 : i1 to i32
      %cond3A_255 = arith.constant 0 : i32
      %cond3A_256 = arith.cmpi ne, %convert_element_type3A_254, %cond3A_255 : i32
      scf.if %cond3A_256 {
        %sub3A_370 = arith.constant 3 : i32
        %sub3A_371 = arith.subi %add3A_235, %sub3A_370 : i32
        %dma_wait3A_372 = arith.constant 4 : i32
        %dma_wait3A_373 = arith.constant 0 : i32
        %dma_wait3A_374 = arith.constant 0 : i32
        %dma_wait3A_375 = tpu.memref_slice %arg6[%dma_wait3A_372, %dma_wait3A_373, %dma_wait3A_374] : memref<5x128x128xf32, #tpu.memory_space<vmem>> -> memref<1x128x128xf32, #tpu.memory_space<vmem>>
        %dma_wait3A_376 = tpu.memref_squeeze %dma_wait3A_375 : memref<1x128x128xf32, #tpu.memory_space<vmem>> -> memref<128x128xf32, #tpu.memory_space<vmem>>
        %dma_wait3A_377 = arith.constant 0 : i32
        %dma_wait3A_378 = arith.constant 0 : i32
        %dma_wait3A_379 = tpu.memref_slice %arg2[%dma_wait3A_377, %dma_wait3A_378] : memref<100000x128xf32, #tpu.memory_space<hbm>> -> memref<128x128xf32, #tpu.memory_space<hbm>>
        %dma_wait3A_380 = arith.constant 0 : i32
        %dma_wait3A_381 = arith.constant 0 : i32
        %dma_wait3A_382 = tpu.memref_slice %arg6[%dma_wait3A_372, %dma_wait3A_380, %dma_wait3A_381] : memref<5x128x128xf32, #tpu.memory_space<vmem>> -> memref<1x128x128xf32, #tpu.memory_space<vmem>>
        %dma_wait3A_383 = tpu.memref_squeeze %dma_wait3A_382 : memref<1x128x128xf32, #tpu.memory_space<vmem>> -> memref<128x128xf32, #tpu.memory_space<vmem>>
        %dma_wait3A_384 = arith.constant 0 : i32
        %dma_wait3A_385 = arith.constant 0 : i32
        %dma_wait3A_386 = tpu.memref_slice %arg2[%dma_wait3A_384, %dma_wait3A_385] : memref<100000x128xf32, #tpu.memory_space<hbm>> -> memref<128x128xf32, #tpu.memory_space<hbm>>
        tpu.wait_dma2 semaphore(%arg11 : memref<!tpu.dma_semaphore, #tpu.memory_space<semaphore_mem>>) src(%dma_wait3A_386 : memref<128x128xf32, #tpu.memory_space<hbm>>) dst(%dma_wait3A_383 : memref<128x128xf32, #tpu.memory_space<vmem>>)
        %parallel_loop3A_387 = arith.constant 0 : i32
        %parallel_loop3A_388 = arith.constant 128 : i32
        %parallel_loop3A_389 = arith.constant 1 : i32
        %parallel_loop3A_390 = arith.constant 4 : i32
        scf.for %parallel_loop3A_407 = %parallel_loop3A_387 to %parallel_loop3A_388 step %parallel_loop3A_389  : i32 {
          %parallel_loop3A_408 = arith.constant 0 : i32
          %parallel_loop3A_409 = arith.constant 0 : i32
          %parallel_loop3A_410 = tpu.memref_slice %arg6[%parallel_loop3A_390, %parallel_loop3A_408, %parallel_loop3A_409] : memref<5x128x128xf32, #tpu.memory_space<vmem>> -> memref<1x128x128xf32, #tpu.memory_space<vmem>>
          %parallel_loop3A_411 = tpu.memref_squeeze %parallel_loop3A_410 : memref<1x128x128xf32, #tpu.memory_space<vmem>> -> memref<128x128xf32, #tpu.memory_space<vmem>>
          %parallel_loop3A_412 = arith.index_cast %parallel_loop3A_407 : i32 to index
          %parallel_loop3A_413 = arith.constant 0 : index
          %parallel_loop3A_414 = tpu.vector_load %parallel_loop3A_411[%parallel_loop3A_412, %parallel_loop3A_413] {strides = array<i32>} : memref<128x128xf32, #tpu.memory_space<vmem>>, vector<1x16xf32>,
          %parallel_loop3A_415 = vector.shape_cast %parallel_loop3A_414 : vector<1x16xf32> to vector<16xf32>
          %parallel_loop3A_416 = arith.constant 11.3137083 : f32
          %parallel_loop3A_417 = vector.broadcast %parallel_loop3A_416 : f32 to vector<16xf32>
          %parallel_loop3A_418 = arith.mulf %parallel_loop3A_415, %parallel_loop3A_417 : vector<16xf32>
          %parallel_loop3A_419 = arith.constant 0 : i32
          %parallel_loop3A_420 = arith.constant 0 : i32
          %parallel_loop3A_421 = tpu.memref_slice %arg6[%parallel_loop3A_390, %parallel_loop3A_419, %parallel_loop3A_420] : memref<5x128x128xf32, #tpu.memory_space<vmem>> -> memref<1x128x128xf32, #tpu.memory_space<vmem>>
          %parallel_loop3A_422 = tpu.memref_squeeze %parallel_loop3A_421 : memref<1x128x128xf32, #tpu.memory_space<vmem>> -> memref<128x128xf32, #tpu.memory_space<vmem>>
          %parallel_loop3A_423 = arith.index_cast %parallel_loop3A_407 : i32 to index
          %parallel_loop3A_424 = arith.constant 0 : index
          %parallel_loop3A_425 = tpu.vector_load %parallel_loop3A_422[%parallel_loop3A_423, %parallel_loop3A_424] {strides = array<i32>} : memref<128x128xf32, #tpu.memory_space<vmem>>, vector<1x16xf32>,
          %parallel_loop3A_426 = vector.shape_cast %parallel_loop3A_425 : vector<1x16xf32> to vector<16xf32>
          %parallel_loop3A_427 = vector.shape_cast %parallel_loop3A_418 : vector<16xf32> to vector<1x16xf32>
          tpu.vector_store %parallel_loop3A_422[%parallel_loop3A_423, %parallel_loop3A_424], %parallel_loop3A_427 {strides = array<i32>} : memref<128x128xf32, #tpu.memory_space<vmem>>, vector<1x16xf32>,
          %parallel_loop3A_428 = arith.constant 0 : i32
          %parallel_loop3A_429 = arith.constant 0 : i32
          %parallel_loop3A_430 = tpu.memref_slice %arg6[%parallel_loop3A_390, %parallel_loop3A_428, %parallel_loop3A_429] : memref<5x128x128xf32, #tpu.memory_space<vmem>> -> memref<1x128x128xf32, #tpu.memory_space<vmem>>
          %parallel_loop3A_431 = tpu.memref_squeeze %parallel_loop3A_430 : memref<1x128x128xf32, #tpu.memory_space<vmem>> -> memref<128x128xf32, #tpu.memory_space<vmem>>
          %parallel_loop3A_432 = arith.index_cast %parallel_loop3A_407 : i32 to index
          %parallel_loop3A_433 = arith.constant 16 : index
          %parallel_loop3A_434 = tpu.vector_load %parallel_loop3A_431[%parallel_loop3A_432, %parallel_loop3A_433] {strides = array<i32>} : memref<128x128xf32, #tpu.memory_space<vmem>>, vector<1x16xf32>,
          %parallel_loop3A_435 = vector.shape_cast %parallel_loop3A_434 : vector<1x16xf32> to vector<16xf32>
          %parallel_loop3A_436 = arith.constant 11.3137083 : f32
          %parallel_loop3A_437 = vector.broadcast %parallel_loop3A_436 : f32 to vector<16xf32>
          %parallel_loop3A_438 = arith.mulf %parallel_loop3A_435, %parallel_loop3A_437 : vector<16xf32>
          %parallel_loop3A_439 = arith.constant 0 : i32
          %parallel_loop3A_440 = arith.constant 0 : i32
          %parallel_loop3A_441 = tpu.memref_slice %arg6[%parallel_loop3A_390, %parallel_loop3A_439, %parallel_loop3A_440] : memref<5x128x128xf32, #tpu.memory_space<vmem>> -> memref<1x128x128xf32, #tpu.memory_space<vmem>>
          %parallel_loop3A_442 = tpu.memref_squeeze %parallel_loop3A_441 : memref<1x128x128xf32, #tpu.memory_space<vmem>> -> memref<128x128xf32, #tpu.memory_space<vmem>>
          %parallel_loop3A_443 = arith.index_cast %parallel_loop3A_407 : i32 to index
          %parallel_loop3A_444 = arith.constant 16 : index
          %parallel_loop3A_445 = tpu.vector_load %parallel_loop3A_442[%parallel_loop3A_443, %parallel_loop3A_444] {strides = array<i32>} : memref<128x128xf32, #tpu.memory_space<vmem>>, vector<1x16xf32>,
          %parallel_loop3A_446 = vector.shape_cast %parallel_loop3A_445 : vector<1x16xf32> to vector<16xf32>
          %parallel_loop3A_447 = vector.shape_cast %parallel_loop3A_438 : vector<16xf32> to vector<1x16xf32>
          tpu.vector_store %parallel_loop3A_442[%parallel_loop3A_443, %parallel_loop3A_444], %parallel_loop3A_447 {strides = array<i32>} : memref<128x128xf32, #tpu.memory_space<vmem>>, vector<1x16xf32>,
          %parallel_loop3A_448 = arith.constant 0 : i32
          %parallel_loop3A_449 = arith.constant 0 : i32
          %parallel_loop3A_450 = tpu.memref_slice %arg6[%parallel_loop3A_390, %parallel_loop3A_448, %parallel_loop3A_449] : memref<5x128x128xf32, #tpu.memory_space<vmem>> -> memref<1x128x128xf32, #tpu.memory_space<vmem>>
          %parallel_loop3A_451 = tpu.memref_squeeze %parallel_loop3A_450 : memref<1x128x128xf32, #tpu.memory_space<vmem>> -> memref<128x128xf32, #tpu.memory_space<vmem>>
          %parallel_loop3A_452 = arith.index_cast %parallel_loop3A_407 : i32 to index
          %parallel_loop3A_453 = arith.constant 32 : index
          %parallel_loop3A_454 = tpu.vector_load %parallel_loop3A_451[%parallel_loop3A_452, %parallel_loop3A_453] {strides = array<i32>} : memref<128x128xf32, #tpu.memory_space<vmem>>, vector<1x16xf32>,
          %parallel_loop3A_455 = vector.shape_cast %parallel_loop3A_454 : vector<1x16xf32> to vector<16xf32>
          %parallel_loop3A_456 = arith.constant 11.3137083 : f32
          %parallel_loop3A_457 = vector.broadcast %parallel_loop3A_456 : f32 to vector<16xf32>
          %parallel_loop3A_458 = arith.mulf %parallel_loop3A_455, %parallel_loop3A_457 : vector<16xf32>
          %parallel_loop3A_459 = arith.constant 0 : i32
          %parallel_loop3A_460 = arith.constant 0 : i32
          %parallel_loop3A_461 = tpu.memref_slice %arg6[%parallel_loop3A_390, %parallel_loop3A_459, %parallel_loop3A_460] : memref<5x128x128xf32, #tpu.memory_space<vmem>> -> memref<1x128x128xf32, #tpu.memory_space<vmem>>
          %parallel_loop3A_462 = tpu.memref_squeeze %parallel_loop3A_461 : memref<1x128x128xf32, #tpu.memory_space<vmem>> -> memref<128x128xf32, #tpu.memory_space<vmem>>
          %parallel_loop3A_463 = arith.index_cast %parallel_loop3A_407 : i32 to index
          %parallel_loop3A_464 = arith.constant 32 : index
          %parallel_loop3A_465 = tpu.vector_load %parallel_loop3A_462[%parallel_loop3A_463, %parallel_loop3A_464] {strides = array<i32>} : memref<128x128xf32, #tpu.memory_space<vmem>>, vector<1x16xf32>,
          %parallel_loop3A_466 = vector.shape_cast %parallel_loop3A_465 : vector<1x16xf32> to vector<16xf32>
          %parallel_loop3A_467 = vector.shape_cast %parallel_loop3A_458 : vector<16xf32> to vector<1x16xf32>
          tpu.vector_store %parallel_loop3A_462[%parallel_loop3A_463, %parallel_loop3A_464], %parallel_loop3A_467 {strides = array<i32>} : memref<128x128xf32, #tpu.memory_space<vmem>>, vector<1x16xf32>,
          %parallel_loop3A_468 = arith.constant 0 : i32
          %parallel_loop3A_469 = arith.constant 0 : i32
          %parallel_loop3A_470 = tpu.memref_slice %arg6[%parallel_loop3A_390, %parallel_loop3A_468, %parallel_loop3A_469] : memref<5x128x128xf32, #tpu.memory_space<vmem>> -> memref<1x128x128xf32, #tpu.memory_space<vmem>>
          %parallel_loop3A_471 = tpu.memref_squeeze %parallel_loop3A_470 : memref<1x128x128xf32, #tpu.memory_space<vmem>> -> memref<128x128xf32, #tpu.memory_space<vmem>>
          %parallel_loop3A_472 = arith.index_cast %parallel_loop3A_407 : i32 to index
          %parallel_loop3A_473 = arith.constant 48 : index
          %parallel_loop3A_474 = tpu.vector_load %parallel_loop3A_471[%parallel_loop3A_472, %parallel_loop3A_473] {strides = array<i32>} : memref<128x128xf32, #tpu.memory_space<vmem>>, vector<1x16xf32>,
          %parallel_loop3A_475 = vector.shape_cast %parallel_loop3A_474 : vector<1x16xf32> to vector<16xf32>
          %parallel_loop3A_476 = arith.constant 11.3137083 : f32
          %parallel_loop3A_477 = vector.broadcast %parallel_loop3A_476 : f32 to vector<16xf32>
          %parallel_loop3A_478 = arith.mulf %parallel_loop3A_475, %parallel_loop3A_477 : vector<16xf32>
          %parallel_loop3A_479 = arith.constant 0 : i32
          %parallel_loop3A_480 = arith.constant 0 : i32
          %parallel_loop3A_481 = tpu.memref_slice %arg6[%parallel_loop3A_390, %parallel_loop3A_479, %parallel_loop3A_480] : memref<5x128x128xf32, #tpu.memory_space<vmem>> -> memref<1x128x128xf32, #tpu.memory_space<vmem>>
          %parallel_loop3A_482 = tpu.memref_squeeze %parallel_loop3A_481 : memref<1x128x128xf32, #tpu.memory_space<vmem>> -> memref<128x128xf32, #tpu.memory_space<vmem>>
          %parallel_loop3A_483 = arith.index_cast %parallel_loop3A_407 : i32 to index
          %parallel_loop3A_484 = arith.constant 48 : index
          %parallel_loop3A_485 = tpu.vector_load %parallel_loop3A_482[%parallel_loop3A_483, %parallel_loop3A_484] {strides = array<i32>} : memref<128x128xf32, #tpu.memory_space<vmem>>, vector<1x16xf32>,
          %parallel_loop3A_486 = vector.shape_cast %parallel_loop3A_485 : vector<1x16xf32> to vector<16xf32>
          %parallel_loop3A_487 = vector.shape_cast %parallel_loop3A_478 : vector<16xf32> to vector<1x16xf32>
          tpu.vector_store %parallel_loop3A_482[%parallel_loop3A_483, %parallel_loop3A_484], %parallel_loop3A_487 {strides = array<i32>} : memref<128x128xf32, #tpu.memory_space<vmem>>, vector<1x16xf32>,
          %parallel_loop3A_488 = arith.constant 0 : i32
          %parallel_loop3A_489 = arith.constant 0 : i32
          %parallel_loop3A_490 = tpu.memref_slice %arg6[%parallel_loop3A_390, %parallel_loop3A_488, %parallel_loop3A_489] : memref<5x128x128xf32, #tpu.memory_space<vmem>> -> memref<1x128x128xf32, #tpu.memory_space<vmem>>
          %parallel_loop3A_491 = tpu.memref_squeeze %parallel_loop3A_490 : memref<1x128x128xf32, #tpu.memory_space<vmem>> -> memref<128x128xf32, #tpu.memory_space<vmem>>
          %parallel_loop3A_492 = arith.index_cast %parallel_loop3A_407 : i32 to index
          %parallel_loop3A_493 = arith.constant 64 : index
          %parallel_loop3A_494 = tpu.vector_load %parallel_loop3A_491[%parallel_loop3A_492, %parallel_loop3A_493] {strides = array<i32>} : memref<128x128xf32, #tpu.memory_space<vmem>>, vector<1x16xf32>,
          %parallel_loop3A_495 = vector.shape_cast %parallel_loop3A_494 : vector<1x16xf32> to vector<16xf32>
          %parallel_loop3A_496 = arith.constant 11.3137083 : f32
          %parallel_loop3A_497 = vector.broadcast %parallel_loop3A_496 : f32 to vector<16xf32>
          %parallel_loop3A_498 = arith.mulf %parallel_loop3A_495, %parallel_loop3A_497 : vector<16xf32>
          %parallel_loop3A_499 = arith.constant 0 : i32
          %parallel_loop3A_500 = arith.constant 0 : i32
          %parallel_loop3A_501 = tpu.memref_slice %arg6[%parallel_loop3A_390, %parallel_loop3A_499, %parallel_loop3A_500] : memref<5x128x128xf32, #tpu.memory_space<vmem>> -> memref<1x128x128xf32, #tpu.memory_space<vmem>>
          %parallel_loop3A_502 = tpu.memref_squeeze %parallel_loop3A_501 : memref<1x128x128xf32, #tpu.memory_space<vmem>> -> memref<128x128xf32, #tpu.memory_space<vmem>>
          %parallel_loop3A_503 = arith.index_cast %parallel_loop3A_407 : i32 to index
          %parallel_loop3A_504 = arith.constant 64 : index
          %parallel_loop3A_505 = tpu.vector_load %parallel_loop3A_502[%parallel_loop3A_503, %parallel_loop3A_504] {strides = array<i32>} : memref<128x128xf32, #tpu.memory_space<vmem>>, vector<1x16xf32>,
          %parallel_loop3A_506 = vector.shape_cast %parallel_loop3A_505 : vector<1x16xf32> to vector<16xf32>
          %parallel_loop3A_507 = vector.shape_cast %parallel_loop3A_498 : vector<16xf32> to vector<1x16xf32>
          tpu.vector_store %parallel_loop3A_502[%parallel_loop3A_503, %parallel_loop3A_504], %parallel_loop3A_507 {strides = array<i32>} : memref<128x128xf32, #tpu.memory_space<vmem>>, vector<1x16xf32>,
          %parallel_loop3A_508 = arith.constant 0 : i32
          %parallel_loop3A_509 = arith.constant 0 : i32
          %parallel_loop3A_510 = tpu.memref_slice %arg6[%parallel_loop3A_390, %parallel_loop3A_508, %parallel_loop3A_509] : memref<5x128x128xf32, #tpu.memory_space<vmem>> -> memref<1x128x128xf32, #tpu.memory_space<vmem>>
          %parallel_loop3A_511 = tpu.memref_squeeze %parallel_loop3A_510 : memref<1x128x128xf32, #tpu.memory_space<vmem>> -> memref<128x128xf32, #tpu.memory_space<vmem>>
          %parallel_loop3A_512 = arith.index_cast %parallel_loop3A_407 : i32 to index
          %parallel_loop3A_513 = arith.constant 80 : index
          %parallel_loop3A_514 = tpu.vector_load %parallel_loop3A_511[%parallel_loop3A_512, %parallel_loop3A_513] {strides = array<i32>} : memref<128x128xf32, #tpu.memory_space<vmem>>, vector<1x16xf32>,
          %parallel_loop3A_515 = vector.shape_cast %parallel_loop3A_514 : vector<1x16xf32> to vector<16xf32>
          %parallel_loop3A_516 = arith.constant 11.3137083 : f32
          %parallel_loop3A_517 = vector.broadcast %parallel_loop3A_516 : f32 to vector<16xf32>
          %parallel_loop3A_518 = arith.mulf %parallel_loop3A_515, %parallel_loop3A_517 : vector<16xf32>
          %parallel_loop3A_519 = arith.constant 0 : i32
          %parallel_loop3A_520 = arith.constant 0 : i32
          %parallel_loop3A_521 = tpu.memref_slice %arg6[%parallel_loop3A_390, %parallel_loop3A_519, %parallel_loop3A_520] : memref<5x128x128xf32, #tpu.memory_space<vmem>> -> memref<1x128x128xf32, #tpu.memory_space<vmem>>
          %parallel_loop3A_522 = tpu.memref_squeeze %parallel_loop3A_521 : memref<1x128x128xf32, #tpu.memory_space<vmem>> -> memref<128x128xf32, #tpu.memory_space<vmem>>
          %parallel_loop3A_523 = arith.index_cast %parallel_loop3A_407 : i32 to index
          %parallel_loop3A_524 = arith.constant 80 : index
          %parallel_loop3A_525 = tpu.vector_load %parallel_loop3A_522[%parallel_loop3A_523, %parallel_loop3A_524] {strides = array<i32>} : memref<128x128xf32, #tpu.memory_space<vmem>>, vector<1x16xf32>,
          %parallel_loop3A_526 = vector.shape_cast %parallel_loop3A_525 : vector<1x16xf32> to vector<16xf32>
          %parallel_loop3A_527 = vector.shape_cast %parallel_loop3A_518 : vector<16xf32> to vector<1x16xf32>
          tpu.vector_store %parallel_loop3A_522[%parallel_loop3A_523, %parallel_loop3A_524], %parallel_loop3A_527 {strides = array<i32>} : memref<128x128xf32, #tpu.memory_space<vmem>>, vector<1x16xf32>,
          %parallel_loop3A_528 = arith.constant 0 : i32
          %parallel_loop3A_529 = arith.constant 0 : i32
          %parallel_loop3A_530 = tpu.memref_slice %arg6[%parallel_loop3A_390, %parallel_loop3A_528, %parallel_loop3A_529] : memref<5x128x128xf32, #tpu.memory_space<vmem>> -> memref<1x128x128xf32, #tpu.memory_space<vmem>>
          %parallel_loop3A_531 = tpu.memref_squeeze %parallel_loop3A_530 : memref<1x128x128xf32, #tpu.memory_space<vmem>> -> memref<128x128xf32, #tpu.memory_space<vmem>>
          %parallel_loop3A_532 = arith.index_cast %parallel_loop3A_407 : i32 to index
          %parallel_loop3A_533 = arith.constant 96 : index
          %parallel_loop3A_534 = tpu.vector_load %parallel_loop3A_531[%parallel_loop3A_532, %parallel_loop3A_533] {strides = array<i32>} : memref<128x128xf32, #tpu.memory_space<vmem>>, vector<1x16xf32>,
          %parallel_loop3A_535 = vector.shape_cast %parallel_loop3A_534 : vector<1x16xf32> to vector<16xf32>
          %parallel_loop3A_536 = arith.constant 11.3137083 : f32
          %parallel_loop3A_537 = vector.broadcast %parallel_loop3A_536 : f32 to vector<16xf32>
          %parallel_loop3A_538 = arith.mulf %parallel_loop3A_535, %parallel_loop3A_537 : vector<16xf32>
          %parallel_loop3A_539 = arith.constant 0 : i32
          %parallel_loop3A_540 = arith.constant 0 : i32
          %parallel_loop3A_541 = tpu.memref_slice %arg6[%parallel_loop3A_390, %parallel_loop3A_539, %parallel_loop3A_540] : memref<5x128x128xf32, #tpu.memory_space<vmem>> -> memref<1x128x128xf32, #tpu.memory_space<vmem>>
          %parallel_loop3A_542 = tpu.memref_squeeze %parallel_loop3A_541 : memref<1x128x128xf32, #tpu.memory_space<vmem>> -> memref<128x128xf32, #tpu.memory_space<vmem>>
          %parallel_loop3A_543 = arith.index_cast %parallel_loop3A_407 : i32 to index
          %parallel_loop3A_544 = arith.constant 96 : index
          %parallel_loop3A_545 = tpu.vector_load %parallel_loop3A_542[%parallel_loop3A_543, %parallel_loop3A_544] {strides = array<i32>} : memref<128x128xf32, #tpu.memory_space<vmem>>, vector<1x16xf32>,
          %parallel_loop3A_546 = vector.shape_cast %parallel_loop3A_545 : vector<1x16xf32> to vector<16xf32>
          %parallel_loop3A_547 = vector.shape_cast %parallel_loop3A_538 : vector<16xf32> to vector<1x16xf32>
          tpu.vector_store %parallel_loop3A_542[%parallel_loop3A_543, %parallel_loop3A_544], %parallel_loop3A_547 {strides = array<i32>} : memref<128x128xf32, #tpu.memory_space<vmem>>, vector<1x16xf32>,
          %parallel_loop3A_548 = arith.constant 0 : i32
          %parallel_loop3A_549 = arith.constant 0 : i32
          %parallel_loop3A_550 = tpu.memref_slice %arg6[%parallel_loop3A_390, %parallel_loop3A_548, %parallel_loop3A_549] : memref<5x128x128xf32, #tpu.memory_space<vmem>> -> memref<1x128x128xf32, #tpu.memory_space<vmem>>
          %parallel_loop3A_551 = tpu.memref_squeeze %parallel_loop3A_550 : memref<1x128x128xf32, #tpu.memory_space<vmem>> -> memref<128x128xf32, #tpu.memory_space<vmem>>
          %parallel_loop3A_552 = arith.index_cast %parallel_loop3A_407 : i32 to index
          %parallel_loop3A_553 = arith.constant 112 : index
          %parallel_loop3A_554 = tpu.vector_load %parallel_loop3A_551[%parallel_loop3A_552, %parallel_loop3A_553] {strides = array<i32>} : memref<128x128xf32, #tpu.memory_space<vmem>>, vector<1x16xf32>,
          %parallel_loop3A_555 = vector.shape_cast %parallel_loop3A_554 : vector<1x16xf32> to vector<16xf32>
          %parallel_loop3A_556 = arith.constant 11.3137083 : f32
          %parallel_loop3A_557 = vector.broadcast %parallel_loop3A_556 : f32 to vector<16xf32>
          %parallel_loop3A_558 = arith.mulf %parallel_loop3A_555, %parallel_loop3A_557 : vector<16xf32>
          %parallel_loop3A_559 = arith.constant 0 : i32
          %parallel_loop3A_560 = arith.constant 0 : i32
          %parallel_loop3A_561 = tpu.memref_slice %arg6[%parallel_loop3A_390, %parallel_loop3A_559, %parallel_loop3A_560] : memref<5x128x128xf32, #tpu.memory_space<vmem>> -> memref<1x128x128xf32, #tpu.memory_space<vmem>>
          %parallel_loop3A_562 = tpu.memref_squeeze %parallel_loop3A_561 : memref<1x128x128xf32, #tpu.memory_space<vmem>> -> memref<128x128xf32, #tpu.memory_space<vmem>>
          %parallel_loop3A_563 = arith.index_cast %parallel_loop3A_407 : i32 to index
          %parallel_loop3A_564 = arith.constant 112 : index
          %parallel_loop3A_565 = tpu.vector_load %parallel_loop3A_562[%parallel_loop3A_563, %parallel_loop3A_564] {strides = array<i32>} : memref<128x128xf32, #tpu.memory_space<vmem>>, vector<1x16xf32>,
          %parallel_loop3A_566 = vector.shape_cast %parallel_loop3A_565 : vector<1x16xf32> to vector<16xf32>
          %parallel_loop3A_567 = vector.shape_cast %parallel_loop3A_558 : vector<16xf32> to vector<1x16xf32>
          tpu.vector_store %parallel_loop3A_562[%parallel_loop3A_563, %parallel_loop3A_564], %parallel_loop3A_567 {strides = array<i32>} : memref<128x128xf32, #tpu.memory_space<vmem>>, vector<1x16xf32>,
        } {sc.loop_unroll_factor = 8 : i64, sc.parallel_access}
        %mul3A_391 = arith.constant 128 : i32
        %mul3A_392 = arith.muli %sub3A_371, %mul3A_391 : i32
        %add3A_393 = arith.addi %mul3A_2, %mul3A_392 : i32
        %dma_start3A_394 = arith.constant 4 : i32
        %dma_start3A_395 = arith.constant 0 : i32
        %dma_start3A_396 = arith.constant 0 : i32
        %dma_start3A_397 = tpu.memref_slice %arg6[%dma_start3A_394, %dma_start3A_395, %dma_start3A_396] : memref<5x128x128xf32, #tpu.memory_space<vmem>> -> memref<1x128x128xf32, #tpu.memory_space<vmem>>
        %dma_start3A_398 = tpu.memref_squeeze %dma_start3A_397 : memref<1x128x128xf32, #tpu.memory_space<vmem>> -> memref<128x128xf32, #tpu.memory_space<vmem>>
        %dma_start3A_399 = arith.constant 0 : i32
        %dma_start3A_400 = tpu.memref_slice %arg4[%add3A_393, %dma_start3A_399] : memref<819200x128xf32, #tpu.memory_space<hbm>> -> memref<128x128xf32, #tpu.memory_space<hbm>>
        %dma_start3A_401 = arith.constant 0 : i32
        %dma_start3A_402 = tpu.memref_slice %arg4[%add3A_393, %dma_start3A_401] : memref<819200x128xf32, #tpu.memory_space<hbm>> -> memref<128x128xf32, #tpu.memory_space<hbm>>
        %dma_start3A_403 = arith.constant 0 : i32
        %dma_start3A_404 = arith.constant 0 : i32
        %dma_start3A_405 = tpu.memref_slice %arg6[%dma_start3A_394, %dma_start3A_403, %dma_start3A_404] : memref<5x128x128xf32, #tpu.memory_space<vmem>> -> memref<1x128x128xf32, #tpu.memory_space<vmem>>
        %dma_start3A_406 = tpu.memref_squeeze %dma_start3A_405 : memref<1x128x128xf32, #tpu.memory_space<vmem>> -> memref<128x128xf32, #tpu.memory_space<vmem>>
        tpu.enqueue_dma source(%dma_start3A_406 : memref<128x128xf32, #tpu.memory_space<vmem>>) target(%dma_start3A_402 : memref<128x128xf32, #tpu.memory_space<hbm>>) target_semaphore(%arg16 : memref<!tpu.dma_semaphore, #tpu.memory_space<semaphore_mem>>)
      } else {
      }
      %mul3A_257 = arith.constant 5 : i32
      %mul3A_258 = arith.muli %scan3A_184, %mul3A_257 : i32
      %add3A_259 = arith.constant 3 : i32
      %add3A_260 = arith.addi %mul3A_258, %add3A_259 : i32
      %gt3A_261 = arith.constant 0 : i32
      %gt3A_262 = arith.cmpi sgt, %scan3A_184, %gt3A_261 : i32
      %convert_element_type3A_263 = arith.extui %gt3A_262 : i1 to i32
      %cond3A_264 = arith.constant 0 : i32
      %cond3A_265 = arith.cmpi ne, %convert_element_type3A_263, %cond3A_264 : i32
      scf.if %cond3A_265 {
        %dma_wait3A_370 = arith.constant 3 : i32
        %dma_wait3A_371 = arith.constant 0 : i32
        %dma_wait3A_372 = arith.constant 0 : i32
        %dma_wait3A_373 = tpu.memref_slice %arg6[%dma_wait3A_370, %dma_wait3A_371, %dma_wait3A_372] : memref<5x128x128xf32, #tpu.memory_space<vmem>> -> memref<1x128x128xf32, #tpu.memory_space<vmem>>
        %dma_wait3A_374 = tpu.memref_squeeze %dma_wait3A_373 : memref<1x128x128xf32, #tpu.memory_space<vmem>> -> memref<128x128xf32, #tpu.memory_space<vmem>>
        %dma_wait3A_375 = arith.constant 0 : i32
        %dma_wait3A_376 = arith.constant 0 : i32
        %dma_wait3A_377 = tpu.memref_slice %arg4[%dma_wait3A_375, %dma_wait3A_376] : memref<819200x128xf32, #tpu.memory_space<hbm>> -> memref<128x128xf32, #tpu.memory_space<hbm>>
        %dma_wait3A_378 = arith.constant 0 : i32
        %dma_wait3A_379 = arith.constant 0 : i32
        %dma_wait3A_380 = tpu.memref_slice %arg6[%dma_wait3A_370, %dma_wait3A_378, %dma_wait3A_379] : memref<5x128x128xf32, #tpu.memory_space<vmem>> -> memref<1x128x128xf32, #tpu.memory_space<vmem>>
        %dma_wait3A_381 = tpu.memref_squeeze %dma_wait3A_380 : memref<1x128x128xf32, #tpu.memory_space<vmem>> -> memref<128x128xf32, #tpu.memory_space<vmem>>
        %dma_wait3A_382 = arith.constant 0 : i32
        %dma_wait3A_383 = arith.constant 0 : i32
        %dma_wait3A_384 = tpu.memref_slice %arg4[%dma_wait3A_382, %dma_wait3A_383] : memref<819200x128xf32, #tpu.memory_space<hbm>> -> memref<128x128xf32, #tpu.memory_space<hbm>>
        tpu.wait_dma2 semaphore(%arg15 : memref<!tpu.dma_semaphore, #tpu.memory_space<semaphore_mem>>) src(%dma_wait3A_384 : memref<128x128xf32, #tpu.memory_space<hbm>>) dst(%dma_wait3A_381 : memref<128x128xf32, #tpu.memory_space<vmem>>)
      } else {
      }
      %dma_start3A_266 = arith.constant 3 : i32
      %dma_start3A_267 = arith.constant 0 : i32
      %dma_start3A_268 = arith.constant 0 : i32
      %dma_start3A_269 = tpu.memref_slice %arg6[%dma_start3A_266, %dma_start3A_267, %dma_start3A_268] : memref<5x128x128xf32, #tpu.memory_space<vmem>> -> memref<1x128x128xf32, #tpu.memory_space<vmem>>
      %dma_start3A_270 = tpu.memref_squeeze %dma_start3A_269 : memref<1x128x128xf32, #tpu.memory_space<vmem>> -> memref<128x128xf32, #tpu.memory_space<vmem>>
      %dma_start3A_271 = arith.constant 0 : i32
      %dma_start3A_272 = tpu.memref_slice %arg5[%add3A_260, %dma_start3A_271] : memref<200x128xi32, #tpu.memory_space<vmem>> -> memref<1x128xi32, #tpu.memory_space<vmem>>
      %dma_start3A_273 = tpu.memref_squeeze %dma_start3A_272 : memref<1x128xi32, #tpu.memory_space<vmem>> -> memref<128xi32, #tpu.memory_space<vmem>>
      %dma_start3A_274 = arith.constant 0 : i32
      %dma_start3A_275 = arith.constant 0 : i32
      %dma_start3A_276 = tpu.memref_slice %arg2[%dma_start3A_274, %dma_start3A_275] : memref<100000x128xf32, #tpu.memory_space<hbm>> -> memref<100000x128xf32, #tpu.memory_space<hbm>>
      tpu.enqueue_indirect_dma source(%dma_start3A_276 : memref<100000x128xf32, #tpu.memory_space<hbm>>) target(%dma_start3A_270 : memref<128x128xf32, #tpu.memory_space<vmem>>) offsets(%dma_start3A_273 : memref<128xi32, #tpu.memory_space<vmem>>) semaphore(%arg10 : memref<!tpu.dma_semaphore, #tpu.memory_space<semaphore_mem>>)
      %sub3A = arith.constant 3 : i32
      %sub3A_277 = arith.subi %add3A_260, %sub3A : i32
      %dma_wait3A_278 = arith.constant 0 : i32
      %dma_wait3A_279 = arith.constant 0 : i32
      %dma_wait3A_280 = arith.constant 0 : i32
      %dma_wait3A_281 = tpu.memref_slice %arg6[%dma_wait3A_278, %dma_wait3A_279, %dma_wait3A_280] : memref<5x128x128xf32, #tpu.memory_space<vmem>> -> memref<1x128x128xf32, #tpu.memory_space<vmem>>
      %dma_wait3A_282 = tpu.memref_squeeze %dma_wait3A_281 : memref<1x128x128xf32, #tpu.memory_space<vmem>> -> memref<128x128xf32, #tpu.memory_space<vmem>>
      %dma_wait3A_283 = arith.constant 0 : i32
      %dma_wait3A_284 = arith.constant 0 : i32
      %dma_wait3A_285 = tpu.memref_slice %arg2[%dma_wait3A_283, %dma_wait3A_284] : memref<100000x128xf32, #tpu.memory_space<hbm>> -> memref<128x128xf32, #tpu.memory_space<hbm>>
      %dma_wait3A_286 = arith.constant 0 : i32
      %dma_wait3A_287 = arith.constant 0 : i32
      %dma_wait3A_288 = tpu.memref_slice %arg6[%dma_wait3A_278, %dma_wait3A_286, %dma_wait3A_287] : memref<5x128x128xf32, #tpu.memory_space<vmem>> -> memref<1x128x128xf32, #tpu.memory_space<vmem>>
      %dma_wait3A_289 = tpu.memref_squeeze %dma_wait3A_288 : memref<1x128x128xf32, #tpu.memory_space<vmem>> -> memref<128x128xf32, #tpu.memory_space<vmem>>
      %dma_wait3A_290 = arith.constant 0 : i32
      %dma_wait3A_291 = arith.constant 0 : i32
      %dma_wait3A_292 = tpu.memref_slice %arg2[%dma_wait3A_290, %dma_wait3A_291] : memref<100000x128xf32, #tpu.memory_space<hbm>> -> memref<128x128xf32, #tpu.memory_space<hbm>>
      tpu.wait_dma2 semaphore(%arg7 : memref<!tpu.dma_semaphore, #tpu.memory_space<semaphore_mem>>) src(%dma_wait3A_292 : memref<128x128xf32, #tpu.memory_space<hbm>>) dst(%dma_wait3A_289 : memref<128x128xf32, #tpu.memory_space<vmem>>)
      %parallel_loop3A_293 = arith.constant 0 : i32
      %parallel_loop3A_294 = arith.constant 128 : i32
      %parallel_loop3A_295 = arith.constant 1 : i32
      %parallel_loop3A_296 = arith.constant 0 : i32
      scf.for %parallel_loop3A_370 = %parallel_loop3A_293 to %parallel_loop3A_294 step %parallel_loop3A_295  : i32 {
        %parallel_loop3A_371 = arith.constant 0 : i32
        %parallel_loop3A_372 = arith.constant 0 : i32
        %parallel_loop3A_373 = tpu.memref_slice %arg6[%parallel_loop3A_296, %parallel_loop3A_371, %parallel_loop3A_372] : memref<5x128x128xf32, #tpu.memory_space<vmem>> -> memref<1x128x128xf32, #tpu.memory_space<vmem>>
        %parallel_loop3A_374 = tpu.memref_squeeze %parallel_loop3A_373 : memref<1x128x128xf32, #tpu.memory_space<vmem>> -> memref<128x128xf32, #tpu.memory_space<vmem>>
        %parallel_loop3A_375 = arith.index_cast %parallel_loop3A_370 : i32 to index
        %parallel_loop3A_376 = arith.constant 0 : index
        %parallel_loop3A_377 = tpu.vector_load %parallel_loop3A_374[%parallel_loop3A_375, %parallel_loop3A_376] {strides = array<i32>} : memref<128x128xf32, #tpu.memory_space<vmem>>, vector<1x16xf32>,
        %parallel_loop3A_378 = vector.shape_cast %parallel_loop3A_377 : vector<1x16xf32> to vector<16xf32>
        %parallel_loop3A_379 = arith.constant 11.3137083 : f32
        %parallel_loop3A_380 = vector.broadcast %parallel_loop3A_379 : f32 to vector<16xf32>
        %parallel_loop3A_381 = arith.mulf %parallel_loop3A_378, %parallel_loop3A_380 : vector<16xf32>
        %parallel_loop3A_382 = arith.constant 0 : i32
        %parallel_loop3A_383 = arith.constant 0 : i32
        %parallel_loop3A_384 = tpu.memref_slice %arg6[%parallel_loop3A_296, %parallel_loop3A_382, %parallel_loop3A_383] : memref<5x128x128xf32, #tpu.memory_space<vmem>> -> memref<1x128x128xf32, #tpu.memory_space<vmem>>
        %parallel_loop3A_385 = tpu.memref_squeeze %parallel_loop3A_384 : memref<1x128x128xf32, #tpu.memory_space<vmem>> -> memref<128x128xf32, #tpu.memory_space<vmem>>
        %parallel_loop3A_386 = arith.index_cast %parallel_loop3A_370 : i32 to index
        %parallel_loop3A_387 = arith.constant 0 : index
        %parallel_loop3A_388 = tpu.vector_load %parallel_loop3A_385[%parallel_loop3A_386, %parallel_loop3A_387] {strides = array<i32>} : memref<128x128xf32, #tpu.memory_space<vmem>>, vector<1x16xf32>,
        %parallel_loop3A_389 = vector.shape_cast %parallel_loop3A_388 : vector<1x16xf32> to vector<16xf32>
        %parallel_loop3A_390 = vector.shape_cast %parallel_loop3A_381 : vector<16xf32> to vector<1x16xf32>
        tpu.vector_store %parallel_loop3A_385[%parallel_loop3A_386, %parallel_loop3A_387], %parallel_loop3A_390 {strides = array<i32>} : memref<128x128xf32, #tpu.memory_space<vmem>>, vector<1x16xf32>,
        %parallel_loop3A_391 = arith.constant 0 : i32
        %parallel_loop3A_392 = arith.constant 0 : i32
        %parallel_loop3A_393 = tpu.memref_slice %arg6[%parallel_loop3A_296, %parallel_loop3A_391, %parallel_loop3A_392] : memref<5x128x128xf32, #tpu.memory_space<vmem>> -> memref<1x128x128xf32, #tpu.memory_space<vmem>>
        %parallel_loop3A_394 = tpu.memref_squeeze %parallel_loop3A_393 : memref<1x128x128xf32, #tpu.memory_space<vmem>> -> memref<128x128xf32, #tpu.memory_space<vmem>>
        %parallel_loop3A_395 = arith.index_cast %parallel_loop3A_370 : i32 to index
        %parallel_loop3A_396 = arith.constant 16 : index
        %parallel_loop3A_397 = tpu.vector_load %parallel_loop3A_394[%parallel_loop3A_395, %parallel_loop3A_396] {strides = array<i32>} : memref<128x128xf32, #tpu.memory_space<vmem>>, vector<1x16xf32>,
        %parallel_loop3A_398 = vector.shape_cast %parallel_loop3A_397 : vector<1x16xf32> to vector<16xf32>
        %parallel_loop3A_399 = arith.constant 11.3137083 : f32
        %parallel_loop3A_400 = vector.broadcast %parallel_loop3A_399 : f32 to vector<16xf32>
        %parallel_loop3A_401 = arith.mulf %parallel_loop3A_398, %parallel_loop3A_400 : vector<16xf32>
        %parallel_loop3A_402 = arith.constant 0 : i32
        %parallel_loop3A_403 = arith.constant 0 : i32
        %parallel_loop3A_404 = tpu.memref_slice %arg6[%parallel_loop3A_296, %parallel_loop3A_402, %parallel_loop3A_403] : memref<5x128x128xf32, #tpu.memory_space<vmem>> -> memref<1x128x128xf32, #tpu.memory_space<vmem>>
        %parallel_loop3A_405 = tpu.memref_squeeze %parallel_loop3A_404 : memref<1x128x128xf32, #tpu.memory_space<vmem>> -> memref<128x128xf32, #tpu.memory_space<vmem>>
        %parallel_loop3A_406 = arith.index_cast %parallel_loop3A_370 : i32 to index
        %parallel_loop3A_407 = arith.constant 16 : index
        %parallel_loop3A_408 = tpu.vector_load %parallel_loop3A_405[%parallel_loop3A_406, %parallel_loop3A_407] {strides = array<i32>} : memref<128x128xf32, #tpu.memory_space<vmem>>, vector<1x16xf32>,
        %parallel_loop3A_409 = vector.shape_cast %parallel_loop3A_408 : vector<1x16xf32> to vector<16xf32>
        %parallel_loop3A_410 = vector.shape_cast %parallel_loop3A_401 : vector<16xf32> to vector<1x16xf32>
        tpu.vector_store %parallel_loop3A_405[%parallel_loop3A_406, %parallel_loop3A_407], %parallel_loop3A_410 {strides = array<i32>} : memref<128x128xf32, #tpu.memory_space<vmem>>, vector<1x16xf32>,
        %parallel_loop3A_411 = arith.constant 0 : i32
        %parallel_loop3A_412 = arith.constant 0 : i32
        %parallel_loop3A_413 = tpu.memref_slice %arg6[%parallel_loop3A_296, %parallel_loop3A_411, %parallel_loop3A_412] : memref<5x128x128xf32, #tpu.memory_space<vmem>> -> memref<1x128x128xf32, #tpu.memory_space<vmem>>
        %parallel_loop3A_414 = tpu.memref_squeeze %parallel_loop3A_413 : memref<1x128x128xf32, #tpu.memory_space<vmem>> -> memref<128x128xf32, #tpu.memory_space<vmem>>
        %parallel_loop3A_415 = arith.index_cast %parallel_loop3A_370 : i32 to index
        %parallel_loop3A_416 = arith.constant 32 : index
        %parallel_loop3A_417 = tpu.vector_load %parallel_loop3A_414[%parallel_loop3A_415, %parallel_loop3A_416] {strides = array<i32>} : memref<128x128xf32, #tpu.memory_space<vmem>>, vector<1x16xf32>,
        %parallel_loop3A_418 = vector.shape_cast %parallel_loop3A_417 : vector<1x16xf32> to vector<16xf32>
        %parallel_loop3A_419 = arith.constant 11.3137083 : f32
        %parallel_loop3A_420 = vector.broadcast %parallel_loop3A_419 : f32 to vector<16xf32>
        %parallel_loop3A_421 = arith.mulf %parallel_loop3A_418, %parallel_loop3A_420 : vector<16xf32>
        %parallel_loop3A_422 = arith.constant 0 : i32
        %parallel_loop3A_423 = arith.constant 0 : i32
        %parallel_loop3A_424 = tpu.memref_slice %arg6[%parallel_loop3A_296, %parallel_loop3A_422, %parallel_loop3A_423] : memref<5x128x128xf32, #tpu.memory_space<vmem>> -> memref<1x128x128xf32, #tpu.memory_space<vmem>>
        %parallel_loop3A_425 = tpu.memref_squeeze %parallel_loop3A_424 : memref<1x128x128xf32, #tpu.memory_space<vmem>> -> memref<128x128xf32, #tpu.memory_space<vmem>>
        %parallel_loop3A_426 = arith.index_cast %parallel_loop3A_370 : i32 to index
        %parallel_loop3A_427 = arith.constant 32 : index
        %parallel_loop3A_428 = tpu.vector_load %parallel_loop3A_425[%parallel_loop3A_426, %parallel_loop3A_427] {strides = array<i32>} : memref<128x128xf32, #tpu.memory_space<vmem>>, vector<1x16xf32>,
        %parallel_loop3A_429 = vector.shape_cast %parallel_loop3A_428 : vector<1x16xf32> to vector<16xf32>
        %parallel_loop3A_430 = vector.shape_cast %parallel_loop3A_421 : vector<16xf32> to vector<1x16xf32>
        tpu.vector_store %parallel_loop3A_425[%parallel_loop3A_426, %parallel_loop3A_427], %parallel_loop3A_430 {strides = array<i32>} : memref<128x128xf32, #tpu.memory_space<vmem>>, vector<1x16xf32>,
        %parallel_loop3A_431 = arith.constant 0 : i32
        %parallel_loop3A_432 = arith.constant 0 : i32
        %parallel_loop3A_433 = tpu.memref_slice %arg6[%parallel_loop3A_296, %parallel_loop3A_431, %parallel_loop3A_432] : memref<5x128x128xf32, #tpu.memory_space<vmem>> -> memref<1x128x128xf32, #tpu.memory_space<vmem>>
        %parallel_loop3A_434 = tpu.memref_squeeze %parallel_loop3A_433 : memref<1x128x128xf32, #tpu.memory_space<vmem>> -> memref<128x128xf32, #tpu.memory_space<vmem>>
        %parallel_loop3A_435 = arith.index_cast %parallel_loop3A_370 : i32 to index
        %parallel_loop3A_436 = arith.constant 48 : index
        %parallel_loop3A_437 = tpu.vector_load %parallel_loop3A_434[%parallel_loop3A_435, %parallel_loop3A_436] {strides = array<i32>} : memref<128x128xf32, #tpu.memory_space<vmem>>, vector<1x16xf32>,
        %parallel_loop3A_438 = vector.shape_cast %parallel_loop3A_437 : vector<1x16xf32> to vector<16xf32>
        %parallel_loop3A_439 = arith.constant 11.3137083 : f32
        %parallel_loop3A_440 = vector.broadcast %parallel_loop3A_439 : f32 to vector<16xf32>
        %parallel_loop3A_441 = arith.mulf %parallel_loop3A_438, %parallel_loop3A_440 : vector<16xf32>
        %parallel_loop3A_442 = arith.constant 0 : i32
        %parallel_loop3A_443 = arith.constant 0 : i32
        %parallel_loop3A_444 = tpu.memref_slice %arg6[%parallel_loop3A_296, %parallel_loop3A_442, %parallel_loop3A_443] : memref<5x128x128xf32, #tpu.memory_space<vmem>> -> memref<1x128x128xf32, #tpu.memory_space<vmem>>
        %parallel_loop3A_445 = tpu.memref_squeeze %parallel_loop3A_444 : memref<1x128x128xf32, #tpu.memory_space<vmem>> -> memref<128x128xf32, #tpu.memory_space<vmem>>
        %parallel_loop3A_446 = arith.index_cast %parallel_loop3A_370 : i32 to index
        %parallel_loop3A_447 = arith.constant 48 : index
        %parallel_loop3A_448 = tpu.vector_load %parallel_loop3A_445[%parallel_loop3A_446, %parallel_loop3A_447] {strides = array<i32>} : memref<128x128xf32, #tpu.memory_space<vmem>>, vector<1x16xf32>,
        %parallel_loop3A_449 = vector.shape_cast %parallel_loop3A_448 : vector<1x16xf32> to vector<16xf32>
        %parallel_loop3A_450 = vector.shape_cast %parallel_loop3A_441 : vector<16xf32> to vector<1x16xf32>
        tpu.vector_store %parallel_loop3A_445[%parallel_loop3A_446, %parallel_loop3A_447], %parallel_loop3A_450 {strides = array<i32>} : memref<128x128xf32, #tpu.memory_space<vmem>>, vector<1x16xf32>,
        %parallel_loop3A_451 = arith.constant 0 : i32
        %parallel_loop3A_452 = arith.constant 0 : i32
        %parallel_loop3A_453 = tpu.memref_slice %arg6[%parallel_loop3A_296, %parallel_loop3A_451, %parallel_loop3A_452] : memref<5x128x128xf32, #tpu.memory_space<vmem>> -> memref<1x128x128xf32, #tpu.memory_space<vmem>>
        %parallel_loop3A_454 = tpu.memref_squeeze %parallel_loop3A_453 : memref<1x128x128xf32, #tpu.memory_space<vmem>> -> memref<128x128xf32, #tpu.memory_space<vmem>>
        %parallel_loop3A_455 = arith.index_cast %parallel_loop3A_370 : i32 to index
        %parallel_loop3A_456 = arith.constant 64 : index
        %parallel_loop3A_457 = tpu.vector_load %parallel_loop3A_454[%parallel_loop3A_455, %parallel_loop3A_456] {strides = array<i32>} : memref<128x128xf32, #tpu.memory_space<vmem>>, vector<1x16xf32>,
        %parallel_loop3A_458 = vector.shape_cast %parallel_loop3A_457 : vector<1x16xf32> to vector<16xf32>
        %parallel_loop3A_459 = arith.constant 11.3137083 : f32
        %parallel_loop3A_460 = vector.broadcast %parallel_loop3A_459 : f32 to vector<16xf32>
        %parallel_loop3A_461 = arith.mulf %parallel_loop3A_458, %parallel_loop3A_460 : vector<16xf32>
        %parallel_loop3A_462 = arith.constant 0 : i32
        %parallel_loop3A_463 = arith.constant 0 : i32
        %parallel_loop3A_464 = tpu.memref_slice %arg6[%parallel_loop3A_296, %parallel_loop3A_462, %parallel_loop3A_463] : memref<5x128x128xf32, #tpu.memory_space<vmem>> -> memref<1x128x128xf32, #tpu.memory_space<vmem>>
        %parallel_loop3A_465 = tpu.memref_squeeze %parallel_loop3A_464 : memref<1x128x128xf32, #tpu.memory_space<vmem>> -> memref<128x128xf32, #tpu.memory_space<vmem>>
        %parallel_loop3A_466 = arith.index_cast %parallel_loop3A_370 : i32 to index
        %parallel_loop3A_467 = arith.constant 64 : index
        %parallel_loop3A_468 = tpu.vector_load %parallel_loop3A_465[%parallel_loop3A_466, %parallel_loop3A_467] {strides = array<i32>} : memref<128x128xf32, #tpu.memory_space<vmem>>, vector<1x16xf32>,
        %parallel_loop3A_469 = vector.shape_cast %parallel_loop3A_468 : vector<1x16xf32> to vector<16xf32>
        %parallel_loop3A_470 = vector.shape_cast %parallel_loop3A_461 : vector<16xf32> to vector<1x16xf32>
        tpu.vector_store %parallel_loop3A_465[%parallel_loop3A_466, %parallel_loop3A_467], %parallel_loop3A_470 {strides = array<i32>} : memref<128x128xf32, #tpu.memory_space<vmem>>, vector<1x16xf32>,
        %parallel_loop3A_471 = arith.constant 0 : i32
        %parallel_loop3A_472 = arith.constant 0 : i32
        %parallel_loop3A_473 = tpu.memref_slice %arg6[%parallel_loop3A_296, %parallel_loop3A_471, %parallel_loop3A_472] : memref<5x128x128xf32, #tpu.memory_space<vmem>> -> memref<1x128x128xf32, #tpu.memory_space<vmem>>
        %parallel_loop3A_474 = tpu.memref_squeeze %parallel_loop3A_473 : memref<1x128x128xf32, #tpu.memory_space<vmem>> -> memref<128x128xf32, #tpu.memory_space<vmem>>
        %parallel_loop3A_475 = arith.index_cast %parallel_loop3A_370 : i32 to index
        %parallel_loop3A_476 = arith.constant 80 : index
        %parallel_loop3A_477 = tpu.vector_load %parallel_loop3A_474[%parallel_loop3A_475, %parallel_loop3A_476] {strides = array<i32>} : memref<128x128xf32, #tpu.memory_space<vmem>>, vector<1x16xf32>,
        %parallel_loop3A_478 = vector.shape_cast %parallel_loop3A_477 : vector<1x16xf32> to vector<16xf32>
        %parallel_loop3A_479 = arith.constant 11.3137083 : f32
        %parallel_loop3A_480 = vector.broadcast %parallel_loop3A_479 : f32 to vector<16xf32>
        %parallel_loop3A_481 = arith.mulf %parallel_loop3A_478, %parallel_loop3A_480 : vector<16xf32>
        %parallel_loop3A_482 = arith.constant 0 : i32
        %parallel_loop3A_483 = arith.constant 0 : i32
        %parallel_loop3A_484 = tpu.memref_slice %arg6[%parallel_loop3A_296, %parallel_loop3A_482, %parallel_loop3A_483] : memref<5x128x128xf32, #tpu.memory_space<vmem>> -> memref<1x128x128xf32, #tpu.memory_space<vmem>>
        %parallel_loop3A_485 = tpu.memref_squeeze %parallel_loop3A_484 : memref<1x128x128xf32, #tpu.memory_space<vmem>> -> memref<128x128xf32, #tpu.memory_space<vmem>>
        %parallel_loop3A_486 = arith.index_cast %parallel_loop3A_370 : i32 to index
        %parallel_loop3A_487 = arith.constant 80 : index
        %parallel_loop3A_488 = tpu.vector_load %parallel_loop3A_485[%parallel_loop3A_486, %parallel_loop3A_487] {strides = array<i32>} : memref<128x128xf32, #tpu.memory_space<vmem>>, vector<1x16xf32>,
        %parallel_loop3A_489 = vector.shape_cast %parallel_loop3A_488 : vector<1x16xf32> to vector<16xf32>
        %parallel_loop3A_490 = vector.shape_cast %parallel_loop3A_481 : vector<16xf32> to vector<1x16xf32>
        tpu.vector_store %parallel_loop3A_485[%parallel_loop3A_486, %parallel_loop3A_487], %parallel_loop3A_490 {strides = array<i32>} : memref<128x128xf32, #tpu.memory_space<vmem>>, vector<1x16xf32>,
        %parallel_loop3A_491 = arith.constant 0 : i32
        %parallel_loop3A_492 = arith.constant 0 : i32
        %parallel_loop3A_493 = tpu.memref_slice %arg6[%parallel_loop3A_296, %parallel_loop3A_491, %parallel_loop3A_492] : memref<5x128x128xf32, #tpu.memory_space<vmem>> -> memref<1x128x128xf32, #tpu.memory_space<vmem>>
        %parallel_loop3A_494 = tpu.memref_squeeze %parallel_loop3A_493 : memref<1x128x128xf32, #tpu.memory_space<vmem>> -> memref<128x128xf32, #tpu.memory_space<vmem>>
        %parallel_loop3A_495 = arith.index_cast %parallel_loop3A_370 : i32 to index
        %parallel_loop3A_496 = arith.constant 96 : index
        %parallel_loop3A_497 = tpu.vector_load %parallel_loop3A_494[%parallel_loop3A_495, %parallel_loop3A_496] {strides = array<i32>} : memref<128x128xf32, #tpu.memory_space<vmem>>, vector<1x16xf32>,
        %parallel_loop3A_498 = vector.shape_cast %parallel_loop3A_497 : vector<1x16xf32> to vector<16xf32>
        %parallel_loop3A_499 = arith.constant 11.3137083 : f32
        %parallel_loop3A_500 = vector.broadcast %parallel_loop3A_499 : f32 to vector<16xf32>
        %parallel_loop3A_501 = arith.mulf %parallel_loop3A_498, %parallel_loop3A_500 : vector<16xf32>
        %parallel_loop3A_502 = arith.constant 0 : i32
        %parallel_loop3A_503 = arith.constant 0 : i32
        %parallel_loop3A_504 = tpu.memref_slice %arg6[%parallel_loop3A_296, %parallel_loop3A_502, %parallel_loop3A_503] : memref<5x128x128xf32, #tpu.memory_space<vmem>> -> memref<1x128x128xf32, #tpu.memory_space<vmem>>
        %parallel_loop3A_505 = tpu.memref_squeeze %parallel_loop3A_504 : memref<1x128x128xf32, #tpu.memory_space<vmem>> -> memref<128x128xf32, #tpu.memory_space<vmem>>
        %parallel_loop3A_506 = arith.index_cast %parallel_loop3A_370 : i32 to index
        %parallel_loop3A_507 = arith.constant 96 : index
        %parallel_loop3A_508 = tpu.vector_load %parallel_loop3A_505[%parallel_loop3A_506, %parallel_loop3A_507] {strides = array<i32>} : memref<128x128xf32, #tpu.memory_space<vmem>>, vector<1x16xf32>,
        %parallel_loop3A_509 = vector.shape_cast %parallel_loop3A_508 : vector<1x16xf32> to vector<16xf32>
        %parallel_loop3A_510 = vector.shape_cast %parallel_loop3A_501 : vector<16xf32> to vector<1x16xf32>
        tpu.vector_store %parallel_loop3A_505[%parallel_loop3A_506, %parallel_loop3A_507], %parallel_loop3A_510 {strides = array<i32>} : memref<128x128xf32, #tpu.memory_space<vmem>>, vector<1x16xf32>,
        %parallel_loop3A_511 = arith.constant 0 : i32
        %parallel_loop3A_512 = arith.constant 0 : i32
        %parallel_loop3A_513 = tpu.memref_slice %arg6[%parallel_loop3A_296, %parallel_loop3A_511, %parallel_loop3A_512] : memref<5x128x128xf32, #tpu.memory_space<vmem>> -> memref<1x128x128xf32, #tpu.memory_space<vmem>>
        %parallel_loop3A_514 = tpu.memref_squeeze %parallel_loop3A_513 : memref<1x128x128xf32, #tpu.memory_space<vmem>> -> memref<128x128xf32, #tpu.memory_space<vmem>>
        %parallel_loop3A_515 = arith.index_cast %parallel_loop3A_370 : i32 to index
        %parallel_loop3A_516 = arith.constant 112 : index
        %parallel_loop3A_517 = tpu.vector_load %parallel_loop3A_514[%parallel_loop3A_515, %parallel_loop3A_516] {strides = array<i32>} : memref<128x128xf32, #tpu.memory_space<vmem>>, vector<1x16xf32>,
        %parallel_loop3A_518 = vector.shape_cast %parallel_loop3A_517 : vector<1x16xf32> to vector<16xf32>
        %parallel_loop3A_519 = arith.constant 11.3137083 : f32
        %parallel_loop3A_520 = vector.broadcast %parallel_loop3A_519 : f32 to vector<16xf32>
        %parallel_loop3A_521 = arith.mulf %parallel_loop3A_518, %parallel_loop3A_520 : vector<16xf32>
        %parallel_loop3A_522 = arith.constant 0 : i32
        %parallel_loop3A_523 = arith.constant 0 : i32
        %parallel_loop3A_524 = tpu.memref_slice %arg6[%parallel_loop3A_296, %parallel_loop3A_522, %parallel_loop3A_523] : memref<5x128x128xf32, #tpu.memory_space<vmem>> -> memref<1x128x128xf32, #tpu.memory_space<vmem>>
        %parallel_loop3A_525 = tpu.memref_squeeze %parallel_loop3A_524 : memref<1x128x128xf32, #tpu.memory_space<vmem>> -> memref<128x128xf32, #tpu.memory_space<vmem>>
        %parallel_loop3A_526 = arith.index_cast %parallel_loop3A_370 : i32 to index
        %parallel_loop3A_527 = arith.constant 112 : index
        %parallel_loop3A_528 = tpu.vector_load %parallel_loop3A_525[%parallel_loop3A_526, %parallel_loop3A_527] {strides = array<i32>} : memref<128x128xf32, #tpu.memory_space<vmem>>, vector<1x16xf32>,
        %parallel_loop3A_529 = vector.shape_cast %parallel_loop3A_528 : vector<1x16xf32> to vector<16xf32>
        %parallel_loop3A_530 = vector.shape_cast %parallel_loop3A_521 : vector<16xf32> to vector<1x16xf32>
        tpu.vector_store %parallel_loop3A_525[%parallel_loop3A_526, %parallel_loop3A_527], %parallel_loop3A_530 {strides = array<i32>} : memref<128x128xf32, #tpu.memory_space<vmem>>, vector<1x16xf32>,
      } {sc.loop_unroll_factor = 8 : i64, sc.parallel_access}
      %mul3A_297 = arith.constant 128 : i32
      %mul3A_298 = arith.muli %sub3A_277, %mul3A_297 : i32
      %add3A_299 = arith.addi %mul3A_2, %mul3A_298 : i32
      %dma_start3A_300 = arith.constant 0 : i32
      %dma_start3A_301 = arith.constant 0 : i32
      %dma_start3A_302 = arith.constant 0 : i32
      %dma_start3A_303 = tpu.memref_slice %arg6[%dma_start3A_300, %dma_start3A_301, %dma_start3A_302] : memref<5x128x128xf32, #tpu.memory_space<vmem>> -> memref<1x128x128xf32, #tpu.memory_space<vmem>>
      %dma_start3A_304 = tpu.memref_squeeze %dma_start3A_303 : memref<1x128x128xf32, #tpu.memory_space<vmem>> -> memref<128x128xf32, #tpu.memory_space<vmem>>
      %dma_start3A_305 = arith.constant 0 : i32
      %dma_start3A_306 = tpu.memref_slice %arg4[%add3A_299, %dma_start3A_305] : memref<819200x128xf32, #tpu.memory_space<hbm>> -> memref<128x128xf32, #tpu.memory_space<hbm>>
      %dma_start3A_307 = arith.constant 0 : i32
      %dma_start3A_308 = tpu.memref_slice %arg4[%add3A_299, %dma_start3A_307] : memref<819200x128xf32, #tpu.memory_space<hbm>> -> memref<128x128xf32, #tpu.memory_space<hbm>>
      %dma_start3A_309 = arith.constant 0 : i32
      %dma_start3A_310 = arith.constant 0 : i32
      %dma_start3A_311 = tpu.memref_slice %arg6[%dma_start3A_300, %dma_start3A_309, %dma_start3A_310] : memref<5x128x128xf32, #tpu.memory_space<vmem>> -> memref<1x128x128xf32, #tpu.memory_space<vmem>>
      %dma_start3A_312 = tpu.memref_squeeze %dma_start3A_311 : memref<1x128x128xf32, #tpu.memory_space<vmem>> -> memref<128x128xf32, #tpu.memory_space<vmem>>
      tpu.enqueue_dma source(%dma_start3A_312 : memref<128x128xf32, #tpu.memory_space<vmem>>) target(%dma_start3A_308 : memref<128x128xf32, #tpu.memory_space<hbm>>) target_semaphore(%arg12 : memref<!tpu.dma_semaphore, #tpu.memory_space<semaphore_mem>>)
      %mul3A_313 = arith.constant 5 : i32
      %mul3A_314 = arith.muli %scan3A_184, %mul3A_313 : i32
      %add3A_315 = arith.constant 4 : i32
      %add3A_316 = arith.addi %mul3A_314, %add3A_315 : i32
      %gt3A_317 = arith.constant 0 : i32
      %gt3A_318 = arith.cmpi sgt, %scan3A_184, %gt3A_317 : i32
      %convert_element_type3A_319 = arith.extui %gt3A_318 : i1 to i32
      %cond3A_320 = arith.constant 0 : i32
      %cond3A_321 = arith.cmpi ne, %convert_element_type3A_319, %cond3A_320 : i32
      scf.if %cond3A_321 {
        %dma_wait3A_370 = arith.constant 4 : i32
        %dma_wait3A_371 = arith.constant 0 : i32
        %dma_wait3A_372 = arith.constant 0 : i32
        %dma_wait3A_373 = tpu.memref_slice %arg6[%dma_wait3A_370, %dma_wait3A_371, %dma_wait3A_372] : memref<5x128x128xf32, #tpu.memory_space<vmem>> -> memref<1x128x128xf32, #tpu.memory_space<vmem>>
        %dma_wait3A_374 = tpu.memref_squeeze %dma_wait3A_373 : memref<1x128x128xf32, #tpu.memory_space<vmem>> -> memref<128x128xf32, #tpu.memory_space<vmem>>
        %dma_wait3A_375 = arith.constant 0 : i32
        %dma_wait3A_376 = arith.constant 0 : i32
        %dma_wait3A_377 = tpu.memref_slice %arg4[%dma_wait3A_375, %dma_wait3A_376] : memref<819200x128xf32, #tpu.memory_space<hbm>> -> memref<128x128xf32, #tpu.memory_space<hbm>>
        %dma_wait3A_378 = arith.constant 0 : i32
        %dma_wait3A_379 = arith.constant 0 : i32
        %dma_wait3A_380 = tpu.memref_slice %arg6[%dma_wait3A_370, %dma_wait3A_378, %dma_wait3A_379] : memref<5x128x128xf32, #tpu.memory_space<vmem>> -> memref<1x128x128xf32, #tpu.memory_space<vmem>>
        %dma_wait3A_381 = tpu.memref_squeeze %dma_wait3A_380 : memref<1x128x128xf32, #tpu.memory_space<vmem>> -> memref<128x128xf32, #tpu.memory_space<vmem>>
        %dma_wait3A_382 = arith.constant 0 : i32
        %dma_wait3A_383 = arith.constant 0 : i32
        %dma_wait3A_384 = tpu.memref_slice %arg4[%dma_wait3A_382, %dma_wait3A_383] : memref<819200x128xf32, #tpu.memory_space<hbm>> -> memref<128x128xf32, #tpu.memory_space<hbm>>
        tpu.wait_dma2 semaphore(%arg16 : memref<!tpu.dma_semaphore, #tpu.memory_space<semaphore_mem>>) src(%dma_wait3A_384 : memref<128x128xf32, #tpu.memory_space<hbm>>) dst(%dma_wait3A_381 : memref<128x128xf32, #tpu.memory_space<vmem>>)
      } else {
      }
      %dma_start3A_322 = arith.constant 4 : i32
      %dma_start3A_323 = arith.constant 0 : i32
      %dma_start3A_324 = arith.constant 0 : i32
      %dma_start3A_325 = tpu.memref_slice %arg6[%dma_start3A_322, %dma_start3A_323, %dma_start3A_324] : memref<5x128x128xf32, #tpu.memory_space<vmem>> -> memref<1x128x128xf32, #tpu.memory_space<vmem>>
      %dma_start3A_326 = tpu.memref_squeeze %dma_start3A_325 : memref<1x128x128xf32, #tpu.memory_space<vmem>> -> memref<128x128xf32, #tpu.memory_space<vmem>>
      %dma_start3A_327 = arith.constant 0 : i32
      %dma_start3A_328 = tpu.memref_slice %arg5[%add3A_316, %dma_start3A_327] : memref<200x128xi32, #tpu.memory_space<vmem>> -> memref<1x128xi32, #tpu.memory_space<vmem>>
      %dma_start3A_329 = tpu.memref_squeeze %dma_start3A_328 : memref<1x128xi32, #tpu.memory_space<vmem>> -> memref<128xi32, #tpu.memory_space<vmem>>
      %dma_start3A_330 = arith.constant 0 : i32
      %dma_start3A_331 = arith.constant 0 : i32
      %dma_start3A_332 = tpu.memref_slice %arg2[%dma_start3A_330, %dma_start3A_331] : memref<100000x128xf32, #tpu.memory_space<hbm>> -> memref<100000x128xf32, #tpu.memory_space<hbm>>
      tpu.enqueue_indirect_dma source(%dma_start3A_332 : memref<100000x128xf32, #tpu.memory_space<hbm>>) target(%dma_start3A_326 : memref<128x128xf32, #tpu.memory_space<vmem>>) offsets(%dma_start3A_329 : memref<128xi32, #tpu.memory_space<vmem>>) semaphore(%arg11 : memref<!tpu.dma_semaphore, #tpu.memory_space<semaphore_mem>>)
      %sub3A_333 = arith.constant 3 : i32
      %sub3A_334 = arith.subi %add3A_316, %sub3A_333 : i32
      %dma_wait3A_335 = arith.constant 1 : i32
      %dma_wait3A_336 = arith.constant 0 : i32
      %dma_wait3A_337 = arith.constant 0 : i32
      %dma_wait3A_338 = tpu.memref_slice %arg6[%dma_wait3A_335, %dma_wait3A_336, %dma_wait3A_337] : memref<5x128x128xf32, #tpu.memory_space<vmem>> -> memref<1x128x128xf32, #tpu.memory_space<vmem>>
      %dma_wait3A_339 = tpu.memref_squeeze %dma_wait3A_338 : memref<1x128x128xf32, #tpu.memory_space<vmem>> -> memref<128x128xf32, #tpu.memory_space<vmem>>
      %dma_wait3A_340 = arith.constant 0 : i32
      %dma_wait3A_341 = arith.constant 0 : i32
      %dma_wait3A_342 = tpu.memref_slice %arg2[%dma_wait3A_340, %dma_wait3A_341] : memref<100000x128xf32, #tpu.memory_space<hbm>> -> memref<128x128xf32, #tpu.memory_space<hbm>>
      %dma_wait3A_343 = arith.constant 0 : i32
      %dma_wait3A_344 = arith.constant 0 : i32
      %dma_wait3A_345 = tpu.memref_slice %arg6[%dma_wait3A_335, %dma_wait3A_343, %dma_wait3A_344] : memref<5x128x128xf32, #tpu.memory_space<vmem>> -> memref<1x128x128xf32, #tpu.memory_space<vmem>>
      %dma_wait3A_346 = tpu.memref_squeeze %dma_wait3A_345 : memref<1x128x128xf32, #tpu.memory_space<vmem>> -> memref<128x128xf32, #tpu.memory_space<vmem>>
      %dma_wait3A_347 = arith.constant 0 : i32
      %dma_wait3A_348 = arith.constant 0 : i32
      %dma_wait3A_349 = tpu.memref_slice %arg2[%dma_wait3A_347, %dma_wait3A_348] : memref<100000x128xf32, #tpu.memory_space<hbm>> -> memref<128x128xf32, #tpu.memory_space<hbm>>
      tpu.wait_dma2 semaphore(%arg8 : memref<!tpu.dma_semaphore, #tpu.memory_space<semaphore_mem>>) src(%dma_wait3A_349 : memref<128x128xf32, #tpu.memory_space<hbm>>) dst(%dma_wait3A_346 : memref<128x128xf32, #tpu.memory_space<vmem>>)
      %parallel_loop3A_350 = arith.constant 0 : i32
      %parallel_loop3A_351 = arith.constant 128 : i32
      %parallel_loop3A_352 = arith.constant 1 : i32
      %parallel_loop3A_353 = arith.constant 1 : i32
      scf.for %parallel_loop3A_370 = %parallel_loop3A_350 to %parallel_loop3A_351 step %parallel_loop3A_352  : i32 {
        %parallel_loop3A_371 = arith.constant 0 : i32
        %parallel_loop3A_372 = arith.constant 0 : i32
        %parallel_loop3A_373 = tpu.memref_slice %arg6[%parallel_loop3A_353, %parallel_loop3A_371, %parallel_loop3A_372] : memref<5x128x128xf32, #tpu.memory_space<vmem>> -> memref<1x128x128xf32, #tpu.memory_space<vmem>>
        %parallel_loop3A_374 = tpu.memref_squeeze %parallel_loop3A_373 : memref<1x128x128xf32, #tpu.memory_space<vmem>> -> memref<128x128xf32, #tpu.memory_space<vmem>>
        %parallel_loop3A_375 = arith.index_cast %parallel_loop3A_370 : i32 to index
        %parallel_loop3A_376 = arith.constant 0 : index
        %parallel_loop3A_377 = tpu.vector_load %parallel_loop3A_374[%parallel_loop3A_375, %parallel_loop3A_376] {strides = array<i32>} : memref<128x128xf32, #tpu.memory_space<vmem>>, vector<1x16xf32>,
        %parallel_loop3A_378 = vector.shape_cast %parallel_loop3A_377 : vector<1x16xf32> to vector<16xf32>
        %parallel_loop3A_379 = arith.constant 11.3137083 : f32
        %parallel_loop3A_380 = vector.broadcast %parallel_loop3A_379 : f32 to vector<16xf32>
        %parallel_loop3A_381 = arith.mulf %parallel_loop3A_378, %parallel_loop3A_380 : vector<16xf32>
        %parallel_loop3A_382 = arith.constant 0 : i32
        %parallel_loop3A_383 = arith.constant 0 : i32
        %parallel_loop3A_384 = tpu.memref_slice %arg6[%parallel_loop3A_353, %parallel_loop3A_382, %parallel_loop3A_383] : memref<5x128x128xf32, #tpu.memory_space<vmem>> -> memref<1x128x128xf32, #tpu.memory_space<vmem>>
        %parallel_loop3A_385 = tpu.memref_squeeze %parallel_loop3A_384 : memref<1x128x128xf32, #tpu.memory_space<vmem>> -> memref<128x128xf32, #tpu.memory_space<vmem>>
        %parallel_loop3A_386 = arith.index_cast %parallel_loop3A_370 : i32 to index
        %parallel_loop3A_387 = arith.constant 0 : index
        %parallel_loop3A_388 = tpu.vector_load %parallel_loop3A_385[%parallel_loop3A_386, %parallel_loop3A_387] {strides = array<i32>} : memref<128x128xf32, #tpu.memory_space<vmem>>, vector<1x16xf32>,
        %parallel_loop3A_389 = vector.shape_cast %parallel_loop3A_388 : vector<1x16xf32> to vector<16xf32>
        %parallel_loop3A_390 = vector.shape_cast %parallel_loop3A_381 : vector<16xf32> to vector<1x16xf32>
        tpu.vector_store %parallel_loop3A_385[%parallel_loop3A_386, %parallel_loop3A_387], %parallel_loop3A_390 {strides = array<i32>} : memref<128x128xf32, #tpu.memory_space<vmem>>, vector<1x16xf32>,
        %parallel_loop3A_391 = arith.constant 0 : i32
        %parallel_loop3A_392 = arith.constant 0 : i32
        %parallel_loop3A_393 = tpu.memref_slice %arg6[%parallel_loop3A_353, %parallel_loop3A_391, %parallel_loop3A_392] : memref<5x128x128xf32, #tpu.memory_space<vmem>> -> memref<1x128x128xf32, #tpu.memory_space<vmem>>
        %parallel_loop3A_394 = tpu.memref_squeeze %parallel_loop3A_393 : memref<1x128x128xf32, #tpu.memory_space<vmem>> -> memref<128x128xf32, #tpu.memory_space<vmem>>
        %parallel_loop3A_395 = arith.index_cast %parallel_loop3A_370 : i32 to index
        %parallel_loop3A_396 = arith.constant 16 : index
        %parallel_loop3A_397 = tpu.vector_load %parallel_loop3A_394[%parallel_loop3A_395, %parallel_loop3A_396] {strides = array<i32>} : memref<128x128xf32, #tpu.memory_space<vmem>>, vector<1x16xf32>,
        %parallel_loop3A_398 = vector.shape_cast %parallel_loop3A_397 : vector<1x16xf32> to vector<16xf32>
        %parallel_loop3A_399 = arith.constant 11.3137083 : f32
        %parallel_loop3A_400 = vector.broadcast %parallel_loop3A_399 : f32 to vector<16xf32>
        %parallel_loop3A_401 = arith.mulf %parallel_loop3A_398, %parallel_loop3A_400 : vector<16xf32>
        %parallel_loop3A_402 = arith.constant 0 : i32
        %parallel_loop3A_403 = arith.constant 0 : i32
        %parallel_loop3A_404 = tpu.memref_slice %arg6[%parallel_loop3A_353, %parallel_loop3A_402, %parallel_loop3A_403] : memref<5x128x128xf32, #tpu.memory_space<vmem>> -> memref<1x128x128xf32, #tpu.memory_space<vmem>>
        %parallel_loop3A_405 = tpu.memref_squeeze %parallel_loop3A_404 : memref<1x128x128xf32, #tpu.memory_space<vmem>> -> memref<128x128xf32, #tpu.memory_space<vmem>>
        %parallel_loop3A_406 = arith.index_cast %parallel_loop3A_370 : i32 to index
        %parallel_loop3A_407 = arith.constant 16 : index
        %parallel_loop3A_408 = tpu.vector_load %parallel_loop3A_405[%parallel_loop3A_406, %parallel_loop3A_407] {strides = array<i32>} : memref<128x128xf32, #tpu.memory_space<vmem>>, vector<1x16xf32>,
        %parallel_loop3A_409 = vector.shape_cast %parallel_loop3A_408 : vector<1x16xf32> to vector<16xf32>
        %parallel_loop3A_410 = vector.shape_cast %parallel_loop3A_401 : vector<16xf32> to vector<1x16xf32>
        tpu.vector_store %parallel_loop3A_405[%parallel_loop3A_406, %parallel_loop3A_407], %parallel_loop3A_410 {strides = array<i32>} : memref<128x128xf32, #tpu.memory_space<vmem>>, vector<1x16xf32>,
        %parallel_loop3A_411 = arith.constant 0 : i32
        %parallel_loop3A_412 = arith.constant 0 : i32
        %parallel_loop3A_413 = tpu.memref_slice %arg6[%parallel_loop3A_353, %parallel_loop3A_411, %parallel_loop3A_412] : memref<5x128x128xf32, #tpu.memory_space<vmem>> -> memref<1x128x128xf32, #tpu.memory_space<vmem>>
        %parallel_loop3A_414 = tpu.memref_squeeze %parallel_loop3A_413 : memref<1x128x128xf32, #tpu.memory_space<vmem>> -> memref<128x128xf32, #tpu.memory_space<vmem>>
        %parallel_loop3A_415 = arith.index_cast %parallel_loop3A_370 : i32 to index
        %parallel_loop3A_416 = arith.constant 32 : index
        %parallel_loop3A_417 = tpu.vector_load %parallel_loop3A_414[%parallel_loop3A_415, %parallel_loop3A_416] {strides = array<i32>} : memref<128x128xf32, #tpu.memory_space<vmem>>, vector<1x16xf32>,
        %parallel_loop3A_418 = vector.shape_cast %parallel_loop3A_417 : vector<1x16xf32> to vector<16xf32>
        %parallel_loop3A_419 = arith.constant 11.3137083 : f32
        %parallel_loop3A_420 = vector.broadcast %parallel_loop3A_419 : f32 to vector<16xf32>
        %parallel_loop3A_421 = arith.mulf %parallel_loop3A_418, %parallel_loop3A_420 : vector<16xf32>
        %parallel_loop3A_422 = arith.constant 0 : i32
        %parallel_loop3A_423 = arith.constant 0 : i32
        %parallel_loop3A_424 = tpu.memref_slice %arg6[%parallel_loop3A_353, %parallel_loop3A_422, %parallel_loop3A_423] : memref<5x128x128xf32, #tpu.memory_space<vmem>> -> memref<1x128x128xf32, #tpu.memory_space<vmem>>
        %parallel_loop3A_425 = tpu.memref_squeeze %parallel_loop3A_424 : memref<1x128x128xf32, #tpu.memory_space<vmem>> -> memref<128x128xf32, #tpu.memory_space<vmem>>
        %parallel_loop3A_426 = arith.index_cast %parallel_loop3A_370 : i32 to index
        %parallel_loop3A_427 = arith.constant 32 : index
        %parallel_loop3A_428 = tpu.vector_load %parallel_loop3A_425[%parallel_loop3A_426, %parallel_loop3A_427] {strides = array<i32>} : memref<128x128xf32, #tpu.memory_space<vmem>>, vector<1x16xf32>,
        %parallel_loop3A_429 = vector.shape_cast %parallel_loop3A_428 : vector<1x16xf32> to vector<16xf32>
        %parallel_loop3A_430 = vector.shape_cast %parallel_loop3A_421 : vector<16xf32> to vector<1x16xf32>
        tpu.vector_store %parallel_loop3A_425[%parallel_loop3A_426, %parallel_loop3A_427], %parallel_loop3A_430 {strides = array<i32>} : memref<128x128xf32, #tpu.memory_space<vmem>>, vector<1x16xf32>,
        %parallel_loop3A_431 = arith.constant 0 : i32
        %parallel_loop3A_432 = arith.constant 0 : i32
        %parallel_loop3A_433 = tpu.memref_slice %arg6[%parallel_loop3A_353, %parallel_loop3A_431, %parallel_loop3A_432] : memref<5x128x128xf32, #tpu.memory_space<vmem>> -> memref<1x128x128xf32, #tpu.memory_space<vmem>>
        %parallel_loop3A_434 = tpu.memref_squeeze %parallel_loop3A_433 : memref<1x128x128xf32, #tpu.memory_space<vmem>> -> memref<128x128xf32, #tpu.memory_space<vmem>>
        %parallel_loop3A_435 = arith.index_cast %parallel_loop3A_370 : i32 to index
        %parallel_loop3A_436 = arith.constant 48 : index
        %parallel_loop3A_437 = tpu.vector_load %parallel_loop3A_434[%parallel_loop3A_435, %parallel_loop3A_436] {strides = array<i32>} : memref<128x128xf32, #tpu.memory_space<vmem>>, vector<1x16xf32>,
        %parallel_loop3A_438 = vector.shape_cast %parallel_loop3A_437 : vector<1x16xf32> to vector<16xf32>
        %parallel_loop3A_439 = arith.constant 11.3137083 : f32
        %parallel_loop3A_440 = vector.broadcast %parallel_loop3A_439 : f32 to vector<16xf32>
        %parallel_loop3A_441 = arith.mulf %parallel_loop3A_438, %parallel_loop3A_440 : vector<16xf32>
        %parallel_loop3A_442 = arith.constant 0 : i32
        %parallel_loop3A_443 = arith.constant 0 : i32
        %parallel_loop3A_444 = tpu.memref_slice %arg6[%parallel_loop3A_353, %parallel_loop3A_442, %parallel_loop3A_443] : memref<5x128x128xf32, #tpu.memory_space<vmem>> -> memref<1x128x128xf32, #tpu.memory_space<vmem>>
        %parallel_loop3A_445 = tpu.memref_squeeze %parallel_loop3A_444 : memref<1x128x128xf32, #tpu.memory_space<vmem>> -> memref<128x128xf32, #tpu.memory_space<vmem>>
        %parallel_loop3A_446 = arith.index_cast %parallel_loop3A_370 : i32 to index
        %parallel_loop3A_447 = arith.constant 48 : index
        %parallel_loop3A_448 = tpu.vector_load %parallel_loop3A_445[%parallel_loop3A_446, %parallel_loop3A_447] {strides = array<i32>} : memref<128x128xf32, #tpu.memory_space<vmem>>, vector<1x16xf32>,
        %parallel_loop3A_449 = vector.shape_cast %parallel_loop3A_448 : vector<1x16xf32> to vector<16xf32>
        %parallel_loop3A_450 = vector.shape_cast %parallel_loop3A_441 : vector<16xf32> to vector<1x16xf32>
        tpu.vector_store %parallel_loop3A_445[%parallel_loop3A_446, %parallel_loop3A_447], %parallel_loop3A_450 {strides = array<i32>} : memref<128x128xf32, #tpu.memory_space<vmem>>, vector<1x16xf32>,
        %parallel_loop3A_451 = arith.constant 0 : i32
        %parallel_loop3A_452 = arith.constant 0 : i32
        %parallel_loop3A_453 = tpu.memref_slice %arg6[%parallel_loop3A_353, %parallel_loop3A_451, %parallel_loop3A_452] : memref<5x128x128xf32, #tpu.memory_space<vmem>> -> memref<1x128x128xf32, #tpu.memory_space<vmem>>
        %parallel_loop3A_454 = tpu.memref_squeeze %parallel_loop3A_453 : memref<1x128x128xf32, #tpu.memory_space<vmem>> -> memref<128x128xf32, #tpu.memory_space<vmem>>
        %parallel_loop3A_455 = arith.index_cast %parallel_loop3A_370 : i32 to index
        %parallel_loop3A_456 = arith.constant 64 : index
        %parallel_loop3A_457 = tpu.vector_load %parallel_loop3A_454[%parallel_loop3A_455, %parallel_loop3A_456] {strides = array<i32>} : memref<128x128xf32, #tpu.memory_space<vmem>>, vector<1x16xf32>,
        %parallel_loop3A_458 = vector.shape_cast %parallel_loop3A_457 : vector<1x16xf32> to vector<16xf32>
        %parallel_loop3A_459 = arith.constant 11.3137083 : f32
        %parallel_loop3A_460 = vector.broadcast %parallel_loop3A_459 : f32 to vector<16xf32>
        %parallel_loop3A_461 = arith.mulf %parallel_loop3A_458, %parallel_loop3A_460 : vector<16xf32>
        %parallel_loop3A_462 = arith.constant 0 : i32
        %parallel_loop3A_463 = arith.constant 0 : i32
        %parallel_loop3A_464 = tpu.memref_slice %arg6[%parallel_loop3A_353, %parallel_loop3A_462, %parallel_loop3A_463] : memref<5x128x128xf32, #tpu.memory_space<vmem>> -> memref<1x128x128xf32, #tpu.memory_space<vmem>>
        %parallel_loop3A_465 = tpu.memref_squeeze %parallel_loop3A_464 : memref<1x128x128xf32, #tpu.memory_space<vmem>> -> memref<128x128xf32, #tpu.memory_space<vmem>>
        %parallel_loop3A_466 = arith.index_cast %parallel_loop3A_370 : i32 to index
        %parallel_loop3A_467 = arith.constant 64 : index
        %parallel_loop3A_468 = tpu.vector_load %parallel_loop3A_465[%parallel_loop3A_466, %parallel_loop3A_467] {strides = array<i32>} : memref<128x128xf32, #tpu.memory_space<vmem>>, vector<1x16xf32>,
        %parallel_loop3A_469 = vector.shape_cast %parallel_loop3A_468 : vector<1x16xf32> to vector<16xf32>
        %parallel_loop3A_470 = vector.shape_cast %parallel_loop3A_461 : vector<16xf32> to vector<1x16xf32>
        tpu.vector_store %parallel_loop3A_465[%parallel_loop3A_466, %parallel_loop3A_467], %parallel_loop3A_470 {strides = array<i32>} : memref<128x128xf32, #tpu.memory_space<vmem>>, vector<1x16xf32>,
        %parallel_loop3A_471 = arith.constant 0 : i32
        %parallel_loop3A_472 = arith.constant 0 : i32
        %parallel_loop3A_473 = tpu.memref_slice %arg6[%parallel_loop3A_353, %parallel_loop3A_471, %parallel_loop3A_472] : memref<5x128x128xf32, #tpu.memory_space<vmem>> -> memref<1x128x128xf32, #tpu.memory_space<vmem>>
        %parallel_loop3A_474 = tpu.memref_squeeze %parallel_loop3A_473 : memref<1x128x128xf32, #tpu.memory_space<vmem>> -> memref<128x128xf32, #tpu.memory_space<vmem>>
        %parallel_loop3A_475 = arith.index_cast %parallel_loop3A_370 : i32 to index
        %parallel_loop3A_476 = arith.constant 80 : index
        %parallel_loop3A_477 = tpu.vector_load %parallel_loop3A_474[%parallel_loop3A_475, %parallel_loop3A_476] {strides = array<i32>} : memref<128x128xf32, #tpu.memory_space<vmem>>, vector<1x16xf32>,
        %parallel_loop3A_478 = vector.shape_cast %parallel_loop3A_477 : vector<1x16xf32> to vector<16xf32>
        %parallel_loop3A_479 = arith.constant 11.3137083 : f32
        %parallel_loop3A_480 = vector.broadcast %parallel_loop3A_479 : f32 to vector<16xf32>
        %parallel_loop3A_481 = arith.mulf %parallel_loop3A_478, %parallel_loop3A_480 : vector<16xf32>
        %parallel_loop3A_482 = arith.constant 0 : i32
        %parallel_loop3A_483 = arith.constant 0 : i32
        %parallel_loop3A_484 = tpu.memref_slice %arg6[%parallel_loop3A_353, %parallel_loop3A_482, %parallel_loop3A_483] : memref<5x128x128xf32, #tpu.memory_space<vmem>> -> memref<1x128x128xf32, #tpu.memory_space<vmem>>
        %parallel_loop3A_485 = tpu.memref_squeeze %parallel_loop3A_484 : memref<1x128x128xf32, #tpu.memory_space<vmem>> -> memref<128x128xf32, #tpu.memory_space<vmem>>
        %parallel_loop3A_486 = arith.index_cast %parallel_loop3A_370 : i32 to index
        %parallel_loop3A_487 = arith.constant 80 : index
        %parallel_loop3A_488 = tpu.vector_load %parallel_loop3A_485[%parallel_loop3A_486, %parallel_loop3A_487] {strides = array<i32>} : memref<128x128xf32, #tpu.memory_space<vmem>>, vector<1x16xf32>,
        %parallel_loop3A_489 = vector.shape_cast %parallel_loop3A_488 : vector<1x16xf32> to vector<16xf32>
        %parallel_loop3A_490 = vector.shape_cast %parallel_loop3A_481 : vector<16xf32> to vector<1x16xf32>
        tpu.vector_store %parallel_loop3A_485[%parallel_loop3A_486, %parallel_loop3A_487], %parallel_loop3A_490 {strides = array<i32>} : memref<128x128xf32, #tpu.memory_space<vmem>>, vector<1x16xf32>,
        %parallel_loop3A_491 = arith.constant 0 : i32
        %parallel_loop3A_492 = arith.constant 0 : i32
        %parallel_loop3A_493 = tpu.memref_slice %arg6[%parallel_loop3A_353, %parallel_loop3A_491, %parallel_loop3A_492] : memref<5x128x128xf32, #tpu.memory_space<vmem>> -> memref<1x128x128xf32, #tpu.memory_space<vmem>>
        %parallel_loop3A_494 = tpu.memref_squeeze %parallel_loop3A_493 : memref<1x128x128xf32, #tpu.memory_space<vmem>> -> memref<128x128xf32, #tpu.memory_space<vmem>>
        %parallel_loop3A_495 = arith.index_cast %parallel_loop3A_370 : i32 to index
        %parallel_loop3A_496 = arith.constant 96 : index
        %parallel_loop3A_497 = tpu.vector_load %parallel_loop3A_494[%parallel_loop3A_495, %parallel_loop3A_496] {strides = array<i32>} : memref<128x128xf32, #tpu.memory_space<vmem>>, vector<1x16xf32>,
        %parallel_loop3A_498 = vector.shape_cast %parallel_loop3A_497 : vector<1x16xf32> to vector<16xf32>
        %parallel_loop3A_499 = arith.constant 11.3137083 : f32
        %parallel_loop3A_500 = vector.broadcast %parallel_loop3A_499 : f32 to vector<16xf32>
        %parallel_loop3A_501 = arith.mulf %parallel_loop3A_498, %parallel_loop3A_500 : vector<16xf32>
        %parallel_loop3A_502 = arith.constant 0 : i32
        %parallel_loop3A_503 = arith.constant 0 : i32
        %parallel_loop3A_504 = tpu.memref_slice %arg6[%parallel_loop3A_353, %parallel_loop3A_502, %parallel_loop3A_503] : memref<5x128x128xf32, #tpu.memory_space<vmem>> -> memref<1x128x128xf32, #tpu.memory_space<vmem>>
        %parallel_loop3A_505 = tpu.memref_squeeze %parallel_loop3A_504 : memref<1x128x128xf32, #tpu.memory_space<vmem>> -> memref<128x128xf32, #tpu.memory_space<vmem>>
        %parallel_loop3A_506 = arith.index_cast %parallel_loop3A_370 : i32 to index
        %parallel_loop3A_507 = arith.constant 96 : index
        %parallel_loop3A_508 = tpu.vector_load %parallel_loop3A_505[%parallel_loop3A_506, %parallel_loop3A_507] {strides = array<i32>} : memref<128x128xf32, #tpu.memory_space<vmem>>, vector<1x16xf32>,
        %parallel_loop3A_509 = vector.shape_cast %parallel_loop3A_508 : vector<1x16xf32> to vector<16xf32>
        %parallel_loop3A_510 = vector.shape_cast %parallel_loop3A_501 : vector<16xf32> to vector<1x16xf32>
        tpu.vector_store %parallel_loop3A_505[%parallel_loop3A_506, %parallel_loop3A_507], %parallel_loop3A_510 {strides = array<i32>} : memref<128x128xf32, #tpu.memory_space<vmem>>, vector<1x16xf32>,
        %parallel_loop3A_511 = arith.constant 0 : i32
        %parallel_loop3A_512 = arith.constant 0 : i32
        %parallel_loop3A_513 = tpu.memref_slice %arg6[%parallel_loop3A_353, %parallel_loop3A_511, %parallel_loop3A_512] : memref<5x128x128xf32, #tpu.memory_space<vmem>> -> memref<1x128x128xf32, #tpu.memory_space<vmem>>
        %parallel_loop3A_514 = tpu.memref_squeeze %parallel_loop3A_513 : memref<1x128x128xf32, #tpu.memory_space<vmem>> -> memref<128x128xf32, #tpu.memory_space<vmem>>
        %parallel_loop3A_515 = arith.index_cast %parallel_loop3A_370 : i32 to index
        %parallel_loop3A_516 = arith.constant 112 : index
        %parallel_loop3A_517 = tpu.vector_load %parallel_loop3A_514[%parallel_loop3A_515, %parallel_loop3A_516] {strides = array<i32>} : memref<128x128xf32, #tpu.memory_space<vmem>>, vector<1x16xf32>,
        %parallel_loop3A_518 = vector.shape_cast %parallel_loop3A_517 : vector<1x16xf32> to vector<16xf32>
        %parallel_loop3A_519 = arith.constant 11.3137083 : f32
        %parallel_loop3A_520 = vector.broadcast %parallel_loop3A_519 : f32 to vector<16xf32>
        %parallel_loop3A_521 = arith.mulf %parallel_loop3A_518, %parallel_loop3A_520 : vector<16xf32>
        %parallel_loop3A_522 = arith.constant 0 : i32
        %parallel_loop3A_523 = arith.constant 0 : i32
        %parallel_loop3A_524 = tpu.memref_slice %arg6[%parallel_loop3A_353, %parallel_loop3A_522, %parallel_loop3A_523] : memref<5x128x128xf32, #tpu.memory_space<vmem>> -> memref<1x128x128xf32, #tpu.memory_space<vmem>>
        %parallel_loop3A_525 = tpu.memref_squeeze %parallel_loop3A_524 : memref<1x128x128xf32, #tpu.memory_space<vmem>> -> memref<128x128xf32, #tpu.memory_space<vmem>>
        %parallel_loop3A_526 = arith.index_cast %parallel_loop3A_370 : i32 to index
        %parallel_loop3A_527 = arith.constant 112 : index
        %parallel_loop3A_528 = tpu.vector_load %parallel_loop3A_525[%parallel_loop3A_526, %parallel_loop3A_527] {strides = array<i32>} : memref<128x128xf32, #tpu.memory_space<vmem>>, vector<1x16xf32>,
        %parallel_loop3A_529 = vector.shape_cast %parallel_loop3A_528 : vector<1x16xf32> to vector<16xf32>
        %parallel_loop3A_530 = vector.shape_cast %parallel_loop3A_521 : vector<16xf32> to vector<1x16xf32>
        tpu.vector_store %parallel_loop3A_525[%parallel_loop3A_526, %parallel_loop3A_527], %parallel_loop3A_530 {strides = array<i32>} : memref<128x128xf32, #tpu.memory_space<vmem>>, vector<1x16xf32>,
      } {sc.loop_unroll_factor = 8 : i64, sc.parallel_access}
      %mul3A_354 = arith.constant 128 : i32
      %mul3A_355 = arith.muli %sub3A_334, %mul3A_354 : i32
      %add3A_356 = arith.addi %mul3A_2, %mul3A_355 : i32
      %dma_start3A_357 = arith.constant 1 : i32
      %dma_start3A_358 = arith.constant 0 : i32
      %dma_start3A_359 = arith.constant 0 : i32
      %dma_start3A_360 = tpu.memref_slice %arg6[%dma_start3A_357, %dma_start3A_358, %dma_start3A_359] : memref<5x128x128xf32, #tpu.memory_space<vmem>> -> memref<1x128x128xf32, #tpu.memory_space<vmem>>
      %dma_start3A_361 = tpu.memref_squeeze %dma_start3A_360 : memref<1x128x128xf32, #tpu.memory_space<vmem>> -> memref<128x128xf32, #tpu.memory_space<vmem>>
      %dma_start3A_362 = arith.constant 0 : i32
      %dma_start3A_363 = tpu.memref_slice %arg4[%add3A_356, %dma_start3A_362] : memref<819200x128xf32, #tpu.memory_space<hbm>> -> memref<128x128xf32, #tpu.memory_space<hbm>>
      %dma_start3A_364 = arith.constant 0 : i32
      %dma_start3A_365 = tpu.memref_slice %arg4[%add3A_356, %dma_start3A_364] : memref<819200x128xf32, #tpu.memory_space<hbm>> -> memref<128x128xf32, #tpu.memory_space<hbm>>
      %dma_start3A_366 = arith.constant 0 : i32
      %dma_start3A_367 = arith.constant 0 : i32
      %dma_start3A_368 = tpu.memref_slice %arg6[%dma_start3A_357, %dma_start3A_366, %dma_start3A_367] : memref<5x128x128xf32, #tpu.memory_space<vmem>> -> memref<1x128x128xf32, #tpu.memory_space<vmem>>
      %dma_start3A_369 = tpu.memref_squeeze %dma_start3A_368 : memref<1x128x128xf32, #tpu.memory_space<vmem>> -> memref<128x128xf32, #tpu.memory_space<vmem>>
      tpu.enqueue_dma source(%dma_start3A_369 : memref<128x128xf32, #tpu.memory_space<vmem>>) target(%dma_start3A_365 : memref<128x128xf32, #tpu.memory_space<hbm>>) target_semaphore(%arg13 : memref<!tpu.dma_semaphore, #tpu.memory_space<semaphore_mem>>)
    }
    %scan3A_9 = arith.constant 40 : i32
    %dma_wait3A = arith.constant 2 : i32
    %dma_wait3A_10 = arith.constant 0 : i32
    %dma_wait3A_11 = arith.constant 0 : i32
    %dma_wait3A_12 = tpu.memref_slice %arg6[%dma_wait3A, %dma_wait3A_10, %dma_wait3A_11] : memref<5x128x128xf32, #tpu.memory_space<vmem>> -> memref<1x128x128xf32, #tpu.memory_space<vmem>>
    %dma_wait3A_13 = tpu.memref_squeeze %dma_wait3A_12 : memref<1x128x128xf32, #tpu.memory_space<vmem>> -> memref<128x128xf32, #tpu.memory_space<vmem>>
    %dma_wait3A_14 = arith.constant 0 : i32
    %dma_wait3A_15 = arith.constant 0 : i32
    %dma_wait3A_16 = tpu.memref_slice %arg2[%dma_wait3A_14, %dma_wait3A_15] : memref<100000x128xf32, #tpu.memory_space<hbm>> -> memref<128x128xf32, #tpu.memory_space<hbm>>
    %dma_wait3A_17 = arith.constant 0 : i32
    %dma_wait3A_18 = arith.constant 0 : i32
    %dma_wait3A_19 = tpu.memref_slice %arg6[%dma_wait3A, %dma_wait3A_17, %dma_wait3A_18] : memref<5x128x128xf32, #tpu.memory_space<vmem>> -> memref<1x128x128xf32, #tpu.memory_space<vmem>>
    %dma_wait3A_20 = tpu.memref_squeeze %dma_wait3A_19 : memref<1x128x128xf32, #tpu.memory_space<vmem>> -> memref<128x128xf32, #tpu.memory_space<vmem>>
    %dma_wait3A_21 = arith.constant 0 : i32
    %dma_wait3A_22 = arith.constant 0 : i32
    %dma_wait3A_23 = tpu.memref_slice %arg2[%dma_wait3A_21, %dma_wait3A_22] : memref<100000x128xf32, #tpu.memory_space<hbm>> -> memref<128x128xf32, #tpu.memory_space<hbm>>
    tpu.wait_dma2 semaphore(%arg9 : memref<!tpu.dma_semaphore, #tpu.memory_space<semaphore_mem>>) src(%dma_wait3A_23 : memref<128x128xf32, #tpu.memory_space<hbm>>) dst(%dma_wait3A_20 : memref<128x128xf32, #tpu.memory_space<vmem>>)
    %parallel_loop3A = arith.constant 0 : i32
    %parallel_loop3A_24 = arith.constant 128 : i32
    %parallel_loop3A_25 = arith.constant 1 : i32
    %parallel_loop3A_26 = arith.constant 2 : i32
    scf.for %parallel_loop3A_184 = %parallel_loop3A to %parallel_loop3A_24 step %parallel_loop3A_25  : i32 {
      %parallel_loop3A_185 = arith.constant 0 : i32
      %parallel_loop3A_186 = arith.constant 0 : i32
      %parallel_loop3A_187 = tpu.memref_slice %arg6[%parallel_loop3A_26, %parallel_loop3A_185, %parallel_loop3A_186] : memref<5x128x128xf32, #tpu.memory_space<vmem>> -> memref<1x128x128xf32, #tpu.memory_space<vmem>>
      %parallel_loop3A_188 = tpu.memref_squeeze %parallel_loop3A_187 : memref<1x128x128xf32, #tpu.memory_space<vmem>> -> memref<128x128xf32, #tpu.memory_space<vmem>>
      %parallel_loop3A_189 = arith.index_cast %parallel_loop3A_184 : i32 to index
      %parallel_loop3A_190 = arith.constant 0 : index
      %parallel_loop3A_191 = tpu.vector_load %parallel_loop3A_188[%parallel_loop3A_189, %parallel_loop3A_190] {strides = array<i32>} : memref<128x128xf32, #tpu.memory_space<vmem>>, vector<1x16xf32>,
      %parallel_loop3A_192 = vector.shape_cast %parallel_loop3A_191 : vector<1x16xf32> to vector<16xf32>
      %parallel_loop3A_193 = arith.constant 11.3137083 : f32
      %parallel_loop3A_194 = vector.broadcast %parallel_loop3A_193 : f32 to vector<16xf32>
      %parallel_loop3A_195 = arith.mulf %parallel_loop3A_192, %parallel_loop3A_194 : vector<16xf32>
      %parallel_loop3A_196 = arith.constant 0 : i32
      %parallel_loop3A_197 = arith.constant 0 : i32
      %parallel_loop3A_198 = tpu.memref_slice %arg6[%parallel_loop3A_26, %parallel_loop3A_196, %parallel_loop3A_197] : memref<5x128x128xf32, #tpu.memory_space<vmem>> -> memref<1x128x128xf32, #tpu.memory_space<vmem>>
      %parallel_loop3A_199 = tpu.memref_squeeze %parallel_loop3A_198 : memref<1x128x128xf32, #tpu.memory_space<vmem>> -> memref<128x128xf32, #tpu.memory_space<vmem>>
      %parallel_loop3A_200 = arith.index_cast %parallel_loop3A_184 : i32 to index
      %parallel_loop3A_201 = arith.constant 0 : index
      %parallel_loop3A_202 = tpu.vector_load %parallel_loop3A_199[%parallel_loop3A_200, %parallel_loop3A_201] {strides = array<i32>} : memref<128x128xf32, #tpu.memory_space<vmem>>, vector<1x16xf32>,
      %parallel_loop3A_203 = vector.shape_cast %parallel_loop3A_202 : vector<1x16xf32> to vector<16xf32>
      %parallel_loop3A_204 = vector.shape_cast %parallel_loop3A_195 : vector<16xf32> to vector<1x16xf32>
      tpu.vector_store %parallel_loop3A_199[%parallel_loop3A_200, %parallel_loop3A_201], %parallel_loop3A_204 {strides = array<i32>} : memref<128x128xf32, #tpu.memory_space<vmem>>, vector<1x16xf32>,
      %parallel_loop3A_205 = arith.constant 0 : i32
      %parallel_loop3A_206 = arith.constant 0 : i32
      %parallel_loop3A_207 = tpu.memref_slice %arg6[%parallel_loop3A_26, %parallel_loop3A_205, %parallel_loop3A_206] : memref<5x128x128xf32, #tpu.memory_space<vmem>> -> memref<1x128x128xf32, #tpu.memory_space<vmem>>
      %parallel_loop3A_208 = tpu.memref_squeeze %parallel_loop3A_207 : memref<1x128x128xf32, #tpu.memory_space<vmem>> -> memref<128x128xf32, #tpu.memory_space<vmem>>
      %parallel_loop3A_209 = arith.index_cast %parallel_loop3A_184 : i32 to index
      %parallel_loop3A_210 = arith.constant 16 : index
      %parallel_loop3A_211 = tpu.vector_load %parallel_loop3A_208[%parallel_loop3A_209, %parallel_loop3A_210] {strides = array<i32>} : memref<128x128xf32, #tpu.memory_space<vmem>>, vector<1x16xf32>,
      %parallel_loop3A_212 = vector.shape_cast %parallel_loop3A_211 : vector<1x16xf32> to vector<16xf32>
      %parallel_loop3A_213 = arith.constant 11.3137083 : f32
      %parallel_loop3A_214 = vector.broadcast %parallel_loop3A_213 : f32 to vector<16xf32>
      %parallel_loop3A_215 = arith.mulf %parallel_loop3A_212, %parallel_loop3A_214 : vector<16xf32>
      %parallel_loop3A_216 = arith.constant 0 : i32
      %parallel_loop3A_217 = arith.constant 0 : i32
      %parallel_loop3A_218 = tpu.memref_slice %arg6[%parallel_loop3A_26, %parallel_loop3A_216, %parallel_loop3A_217] : memref<5x128x128xf32, #tpu.memory_space<vmem>> -> memref<1x128x128xf32, #tpu.memory_space<vmem>>
      %parallel_loop3A_219 = tpu.memref_squeeze %parallel_loop3A_218 : memref<1x128x128xf32, #tpu.memory_space<vmem>> -> memref<128x128xf32, #tpu.memory_space<vmem>>
      %parallel_loop3A_220 = arith.index_cast %parallel_loop3A_184 : i32 to index
      %parallel_loop3A_221 = arith.constant 16 : index
      %parallel_loop3A_222 = tpu.vector_load %parallel_loop3A_219[%parallel_loop3A_220, %parallel_loop3A_221] {strides = array<i32>} : memref<128x128xf32, #tpu.memory_space<vmem>>, vector<1x16xf32>,
      %parallel_loop3A_223 = vector.shape_cast %parallel_loop3A_222 : vector<1x16xf32> to vector<16xf32>
      %parallel_loop3A_224 = vector.shape_cast %parallel_loop3A_215 : vector<16xf32> to vector<1x16xf32>
      tpu.vector_store %parallel_loop3A_219[%parallel_loop3A_220, %parallel_loop3A_221], %parallel_loop3A_224 {strides = array<i32>} : memref<128x128xf32, #tpu.memory_space<vmem>>, vector<1x16xf32>,
      %parallel_loop3A_225 = arith.constant 0 : i32
      %parallel_loop3A_226 = arith.constant 0 : i32
      %parallel_loop3A_227 = tpu.memref_slice %arg6[%parallel_loop3A_26, %parallel_loop3A_225, %parallel_loop3A_226] : memref<5x128x128xf32, #tpu.memory_space<vmem>> -> memref<1x128x128xf32, #tpu.memory_space<vmem>>
      %parallel_loop3A_228 = tpu.memref_squeeze %parallel_loop3A_227 : memref<1x128x128xf32, #tpu.memory_space<vmem>> -> memref<128x128xf32, #tpu.memory_space<vmem>>
      %parallel_loop3A_229 = arith.index_cast %parallel_loop3A_184 : i32 to index
      %parallel_loop3A_230 = arith.constant 32 : index
      %parallel_loop3A_231 = tpu.vector_load %parallel_loop3A_228[%parallel_loop3A_229, %parallel_loop3A_230] {strides = array<i32>} : memref<128x128xf32, #tpu.memory_space<vmem>>, vector<1x16xf32>,
      %parallel_loop3A_232 = vector.shape_cast %parallel_loop3A_231 : vector<1x16xf32> to vector<16xf32>
      %parallel_loop3A_233 = arith.constant 11.3137083 : f32
      %parallel_loop3A_234 = vector.broadcast %parallel_loop3A_233 : f32 to vector<16xf32>
      %parallel_loop3A_235 = arith.mulf %parallel_loop3A_232, %parallel_loop3A_234 : vector<16xf32>
      %parallel_loop3A_236 = arith.constant 0 : i32
      %parallel_loop3A_237 = arith.constant 0 : i32
      %parallel_loop3A_238 = tpu.memref_slice %arg6[%parallel_loop3A_26, %parallel_loop3A_236, %parallel_loop3A_237] : memref<5x128x128xf32, #tpu.memory_space<vmem>> -> memref<1x128x128xf32, #tpu.memory_space<vmem>>
      %parallel_loop3A_239 = tpu.memref_squeeze %parallel_loop3A_238 : memref<1x128x128xf32, #tpu.memory_space<vmem>> -> memref<128x128xf32, #tpu.memory_space<vmem>>
      %parallel_loop3A_240 = arith.index_cast %parallel_loop3A_184 : i32 to index
      %parallel_loop3A_241 = arith.constant 32 : index
      %parallel_loop3A_242 = tpu.vector_load %parallel_loop3A_239[%parallel_loop3A_240, %parallel_loop3A_241] {strides = array<i32>} : memref<128x128xf32, #tpu.memory_space<vmem>>, vector<1x16xf32>,
      %parallel_loop3A_243 = vector.shape_cast %parallel_loop3A_242 : vector<1x16xf32> to vector<16xf32>
      %parallel_loop3A_244 = vector.shape_cast %parallel_loop3A_235 : vector<16xf32> to vector<1x16xf32>
      tpu.vector_store %parallel_loop3A_239[%parallel_loop3A_240, %parallel_loop3A_241], %parallel_loop3A_244 {strides = array<i32>} : memref<128x128xf32, #tpu.memory_space<vmem>>, vector<1x16xf32>,
      %parallel_loop3A_245 = arith.constant 0 : i32
      %parallel_loop3A_246 = arith.constant 0 : i32
      %parallel_loop3A_247 = tpu.memref_slice %arg6[%parallel_loop3A_26, %parallel_loop3A_245, %parallel_loop3A_246] : memref<5x128x128xf32, #tpu.memory_space<vmem>> -> memref<1x128x128xf32, #tpu.memory_space<vmem>>
      %parallel_loop3A_248 = tpu.memref_squeeze %parallel_loop3A_247 : memref<1x128x128xf32, #tpu.memory_space<vmem>> -> memref<128x128xf32, #tpu.memory_space<vmem>>
      %parallel_loop3A_249 = arith.index_cast %parallel_loop3A_184 : i32 to index
      %parallel_loop3A_250 = arith.constant 48 : index
      %parallel_loop3A_251 = tpu.vector_load %parallel_loop3A_248[%parallel_loop3A_249, %parallel_loop3A_250] {strides = array<i32>} : memref<128x128xf32, #tpu.memory_space<vmem>>, vector<1x16xf32>,
      %parallel_loop3A_252 = vector.shape_cast %parallel_loop3A_251 : vector<1x16xf32> to vector<16xf32>
      %parallel_loop3A_253 = arith.constant 11.3137083 : f32
      %parallel_loop3A_254 = vector.broadcast %parallel_loop3A_253 : f32 to vector<16xf32>
      %parallel_loop3A_255 = arith.mulf %parallel_loop3A_252, %parallel_loop3A_254 : vector<16xf32>
      %parallel_loop3A_256 = arith.constant 0 : i32
      %parallel_loop3A_257 = arith.constant 0 : i32
      %parallel_loop3A_258 = tpu.memref_slice %arg6[%parallel_loop3A_26, %parallel_loop3A_256, %parallel_loop3A_257] : memref<5x128x128xf32, #tpu.memory_space<vmem>> -> memref<1x128x128xf32, #tpu.memory_space<vmem>>
      %parallel_loop3A_259 = tpu.memref_squeeze %parallel_loop3A_258 : memref<1x128x128xf32, #tpu.memory_space<vmem>> -> memref<128x128xf32, #tpu.memory_space<vmem>>
      %parallel_loop3A_260 = arith.index_cast %parallel_loop3A_184 : i32 to index
      %parallel_loop3A_261 = arith.constant 48 : index
      %parallel_loop3A_262 = tpu.vector_load %parallel_loop3A_259[%parallel_loop3A_260, %parallel_loop3A_261] {strides = array<i32>} : memref<128x128xf32, #tpu.memory_space<vmem>>, vector<1x16xf32>,
      %parallel_loop3A_263 = vector.shape_cast %parallel_loop3A_262 : vector<1x16xf32> to vector<16xf32>
      %parallel_loop3A_264 = vector.shape_cast %parallel_loop3A_255 : vector<16xf32> to vector<1x16xf32>
      tpu.vector_store %parallel_loop3A_259[%parallel_loop3A_260, %parallel_loop3A_261], %parallel_loop3A_264 {strides = array<i32>} : memref<128x128xf32, #tpu.memory_space<vmem>>, vector<1x16xf32>,
      %parallel_loop3A_265 = arith.constant 0 : i32
      %parallel_loop3A_266 = arith.constant 0 : i32
      %parallel_loop3A_267 = tpu.memref_slice %arg6[%parallel_loop3A_26, %parallel_loop3A_265, %parallel_loop3A_266] : memref<5x128x128xf32, #tpu.memory_space<vmem>> -> memref<1x128x128xf32, #tpu.memory_space<vmem>>
      %parallel_loop3A_268 = tpu.memref_squeeze %parallel_loop3A_267 : memref<1x128x128xf32, #tpu.memory_space<vmem>> -> memref<128x128xf32, #tpu.memory_space<vmem>>
      %parallel_loop3A_269 = arith.index_cast %parallel_loop3A_184 : i32 to index
      %parallel_loop3A_270 = arith.constant 64 : index
      %parallel_loop3A_271 = tpu.vector_load %parallel_loop3A_268[%parallel_loop3A_269, %parallel_loop3A_270] {strides = array<i32>} : memref<128x128xf32, #tpu.memory_space<vmem>>, vector<1x16xf32>,
      %parallel_loop3A_272 = vector.shape_cast %parallel_loop3A_271 : vector<1x16xf32> to vector<16xf32>
      %parallel_loop3A_273 = arith.constant 11.3137083 : f32
      %parallel_loop3A_274 = vector.broadcast %parallel_loop3A_273 : f32 to vector<16xf32>
      %parallel_loop3A_275 = arith.mulf %parallel_loop3A_272, %parallel_loop3A_274 : vector<16xf32>
      %parallel_loop3A_276 = arith.constant 0 : i32
      %parallel_loop3A_277 = arith.constant 0 : i32
      %parallel_loop3A_278 = tpu.memref_slice %arg6[%parallel_loop3A_26, %parallel_loop3A_276, %parallel_loop3A_277] : memref<5x128x128xf32, #tpu.memory_space<vmem>> -> memref<1x128x128xf32, #tpu.memory_space<vmem>>
      %parallel_loop3A_279 = tpu.memref_squeeze %parallel_loop3A_278 : memref<1x128x128xf32, #tpu.memory_space<vmem>> -> memref<128x128xf32, #tpu.memory_space<vmem>>
      %parallel_loop3A_280 = arith.index_cast %parallel_loop3A_184 : i32 to index
      %parallel_loop3A_281 = arith.constant 64 : index
      %parallel_loop3A_282 = tpu.vector_load %parallel_loop3A_279[%parallel_loop3A_280, %parallel_loop3A_281] {strides = array<i32>} : memref<128x128xf32, #tpu.memory_space<vmem>>, vector<1x16xf32>,
      %parallel_loop3A_283 = vector.shape_cast %parallel_loop3A_282 : vector<1x16xf32> to vector<16xf32>
      %parallel_loop3A_284 = vector.shape_cast %parallel_loop3A_275 : vector<16xf32> to vector<1x16xf32>
      tpu.vector_store %parallel_loop3A_279[%parallel_loop3A_280, %parallel_loop3A_281], %parallel_loop3A_284 {strides = array<i32>} : memref<128x128xf32, #tpu.memory_space<vmem>>, vector<1x16xf32>,
      %parallel_loop3A_285 = arith.constant 0 : i32
      %parallel_loop3A_286 = arith.constant 0 : i32
      %parallel_loop3A_287 = tpu.memref_slice %arg6[%parallel_loop3A_26, %parallel_loop3A_285, %parallel_loop3A_286] : memref<5x128x128xf32, #tpu.memory_space<vmem>> -> memref<1x128x128xf32, #tpu.memory_space<vmem>>
      %parallel_loop3A_288 = tpu.memref_squeeze %parallel_loop3A_287 : memref<1x128x128xf32, #tpu.memory_space<vmem>> -> memref<128x128xf32, #tpu.memory_space<vmem>>
      %parallel_loop3A_289 = arith.index_cast %parallel_loop3A_184 : i32 to index
      %parallel_loop3A_290 = arith.constant 80 : index
      %parallel_loop3A_291 = tpu.vector_load %parallel_loop3A_288[%parallel_loop3A_289, %parallel_loop3A_290] {strides = array<i32>} : memref<128x128xf32, #tpu.memory_space<vmem>>, vector<1x16xf32>,
      %parallel_loop3A_292 = vector.shape_cast %parallel_loop3A_291 : vector<1x16xf32> to vector<16xf32>
      %parallel_loop3A_293 = arith.constant 11.3137083 : f32
      %parallel_loop3A_294 = vector.broadcast %parallel_loop3A_293 : f32 to vector<16xf32>
      %parallel_loop3A_295 = arith.mulf %parallel_loop3A_292, %parallel_loop3A_294 : vector<16xf32>
      %parallel_loop3A_296 = arith.constant 0 : i32
      %parallel_loop3A_297 = arith.constant 0 : i32
      %parallel_loop3A_298 = tpu.memref_slice %arg6[%parallel_loop3A_26, %parallel_loop3A_296, %parallel_loop3A_297] : memref<5x128x128xf32, #tpu.memory_space<vmem>> -> memref<1x128x128xf32, #tpu.memory_space<vmem>>
      %parallel_loop3A_299 = tpu.memref_squeeze %parallel_loop3A_298 : memref<1x128x128xf32, #tpu.memory_space<vmem>> -> memref<128x128xf32, #tpu.memory_space<vmem>>
      %parallel_loop3A_300 = arith.index_cast %parallel_loop3A_184 : i32 to index
      %parallel_loop3A_301 = arith.constant 80 : index
      %parallel_loop3A_302 = tpu.vector_load %parallel_loop3A_299[%parallel_loop3A_300, %parallel_loop3A_301] {strides = array<i32>} : memref<128x128xf32, #tpu.memory_space<vmem>>, vector<1x16xf32>,
      %parallel_loop3A_303 = vector.shape_cast %parallel_loop3A_302 : vector<1x16xf32> to vector<16xf32>
      %parallel_loop3A_304 = vector.shape_cast %parallel_loop3A_295 : vector<16xf32> to vector<1x16xf32>
      tpu.vector_store %parallel_loop3A_299[%parallel_loop3A_300, %parallel_loop3A_301], %parallel_loop3A_304 {strides = array<i32>} : memref<128x128xf32, #tpu.memory_space<vmem>>, vector<1x16xf32>,
      %parallel_loop3A_305 = arith.constant 0 : i32
      %parallel_loop3A_306 = arith.constant 0 : i32
      %parallel_loop3A_307 = tpu.memref_slice %arg6[%parallel_loop3A_26, %parallel_loop3A_305, %parallel_loop3A_306] : memref<5x128x128xf32, #tpu.memory_space<vmem>> -> memref<1x128x128xf32, #tpu.memory_space<vmem>>
      %parallel_loop3A_308 = tpu.memref_squeeze %parallel_loop3A_307 : memref<1x128x128xf32, #tpu.memory_space<vmem>> -> memref<128x128xf32, #tpu.memory_space<vmem>>
      %parallel_loop3A_309 = arith.index_cast %parallel_loop3A_184 : i32 to index
      %parallel_loop3A_310 = arith.constant 96 : index
      %parallel_loop3A_311 = tpu.vector_load %parallel_loop3A_308[%parallel_loop3A_309, %parallel_loop3A_310] {strides = array<i32>} : memref<128x128xf32, #tpu.memory_space<vmem>>, vector<1x16xf32>,
      %parallel_loop3A_312 = vector.shape_cast %parallel_loop3A_311 : vector<1x16xf32> to vector<16xf32>
      %parallel_loop3A_313 = arith.constant 11.3137083 : f32
      %parallel_loop3A_314 = vector.broadcast %parallel_loop3A_313 : f32 to vector<16xf32>
      %parallel_loop3A_315 = arith.mulf %parallel_loop3A_312, %parallel_loop3A_314 : vector<16xf32>
      %parallel_loop3A_316 = arith.constant 0 : i32
      %parallel_loop3A_317 = arith.constant 0 : i32
      %parallel_loop3A_318 = tpu.memref_slice %arg6[%parallel_loop3A_26, %parallel_loop3A_316, %parallel_loop3A_317] : memref<5x128x128xf32, #tpu.memory_space<vmem>> -> memref<1x128x128xf32, #tpu.memory_space<vmem>>
      %parallel_loop3A_319 = tpu.memref_squeeze %parallel_loop3A_318 : memref<1x128x128xf32, #tpu.memory_space<vmem>> -> memref<128x128xf32, #tpu.memory_space<vmem>>
      %parallel_loop3A_320 = arith.index_cast %parallel_loop3A_184 : i32 to index
      %parallel_loop3A_321 = arith.constant 96 : index
      %parallel_loop3A_322 = tpu.vector_load %parallel_loop3A_319[%parallel_loop3A_320, %parallel_loop3A_321] {strides = array<i32>} : memref<128x128xf32, #tpu.memory_space<vmem>>, vector<1x16xf32>,
      %parallel_loop3A_323 = vector.shape_cast %parallel_loop3A_322 : vector<1x16xf32> to vector<16xf32>
      %parallel_loop3A_324 = vector.shape_cast %parallel_loop3A_315 : vector<16xf32> to vector<1x16xf32>
      tpu.vector_store %parallel_loop3A_319[%parallel_loop3A_320, %parallel_loop3A_321], %parallel_loop3A_324 {strides = array<i32>} : memref<128x128xf32, #tpu.memory_space<vmem>>, vector<1x16xf32>,
      %parallel_loop3A_325 = arith.constant 0 : i32
      %parallel_loop3A_326 = arith.constant 0 : i32
      %parallel_loop3A_327 = tpu.memref_slice %arg6[%parallel_loop3A_26, %parallel_loop3A_325, %parallel_loop3A_326] : memref<5x128x128xf32, #tpu.memory_space<vmem>> -> memref<1x128x128xf32, #tpu.memory_space<vmem>>
      %parallel_loop3A_328 = tpu.memref_squeeze %parallel_loop3A_327 : memref<1x128x128xf32, #tpu.memory_space<vmem>> -> memref<128x128xf32, #tpu.memory_space<vmem>>
      %parallel_loop3A_329 = arith.index_cast %parallel_loop3A_184 : i32 to index
      %parallel_loop3A_330 = arith.constant 112 : index
      %parallel_loop3A_331 = tpu.vector_load %parallel_loop3A_328[%parallel_loop3A_329, %parallel_loop3A_330] {strides = array<i32>} : memref<128x128xf32, #tpu.memory_space<vmem>>, vector<1x16xf32>,
      %parallel_loop3A_332 = vector.shape_cast %parallel_loop3A_331 : vector<1x16xf32> to vector<16xf32>
      %parallel_loop3A_333 = arith.constant 11.3137083 : f32
      %parallel_loop3A_334 = vector.broadcast %parallel_loop3A_333 : f32 to vector<16xf32>
      %parallel_loop3A_335 = arith.mulf %parallel_loop3A_332, %parallel_loop3A_334 : vector<16xf32>
      %parallel_loop3A_336 = arith.constant 0 : i32
      %parallel_loop3A_337 = arith.constant 0 : i32
      %parallel_loop3A_338 = tpu.memref_slice %arg6[%parallel_loop3A_26, %parallel_loop3A_336, %parallel_loop3A_337] : memref<5x128x128xf32, #tpu.memory_space<vmem>> -> memref<1x128x128xf32, #tpu.memory_space<vmem>>
      %parallel_loop3A_339 = tpu.memref_squeeze %parallel_loop3A_338 : memref<1x128x128xf32, #tpu.memory_space<vmem>> -> memref<128x128xf32, #tpu.memory_space<vmem>>
      %parallel_loop3A_340 = arith.index_cast %parallel_loop3A_184 : i32 to index
      %parallel_loop3A_341 = arith.constant 112 : index
      %parallel_loop3A_342 = tpu.vector_load %parallel_loop3A_339[%parallel_loop3A_340, %parallel_loop3A_341] {strides = array<i32>} : memref<128x128xf32, #tpu.memory_space<vmem>>, vector<1x16xf32>,
      %parallel_loop3A_343 = vector.shape_cast %parallel_loop3A_342 : vector<1x16xf32> to vector<16xf32>
      %parallel_loop3A_344 = vector.shape_cast %parallel_loop3A_335 : vector<16xf32> to vector<1x16xf32>
      tpu.vector_store %parallel_loop3A_339[%parallel_loop3A_340, %parallel_loop3A_341], %parallel_loop3A_344 {strides = array<i32>} : memref<128x128xf32, #tpu.memory_space<vmem>>, vector<1x16xf32>,
    } {sc.loop_unroll_factor = 8 : i64, sc.parallel_access}
    %add3A_27 = arith.constant 25216 : i32
    %add3A_28 = arith.addi %mul3A_2, %add3A_27 : i32
    %dma_start3A = arith.constant 2 : i32
    %dma_start3A_29 = arith.constant 0 : i32
    %dma_start3A_30 = arith.constant 0 : i32
    %dma_start3A_31 = tpu.memref_slice %arg6[%dma_start3A, %dma_start3A_29, %dma_start3A_30] : memref<5x128x128xf32, #tpu.memory_space<vmem>> -> memref<1x128x128xf32, #tpu.memory_space<vmem>>
    %dma_start3A_32 = tpu.memref_squeeze %dma_start3A_31 : memref<1x128x128xf32, #tpu.memory_space<vmem>> -> memref<128x128xf32, #tpu.memory_space<vmem>>
    %dma_start3A_33 = arith.constant 0 : i32
    %dma_start3A_34 = tpu.memref_slice %arg4[%add3A_28, %dma_start3A_33] : memref<819200x128xf32, #tpu.memory_space<hbm>> -> memref<128x128xf32, #tpu.memory_space<hbm>>
    %dma_start3A_35 = arith.constant 0 : i32
    %dma_start3A_36 = tpu.memref_slice %arg4[%add3A_28, %dma_start3A_35] : memref<819200x128xf32, #tpu.memory_space<hbm>> -> memref<128x128xf32, #tpu.memory_space<hbm>>
    %dma_start3A_37 = arith.constant 0 : i32
    %dma_start3A_38 = arith.constant 0 : i32
    %dma_start3A_39 = tpu.memref_slice %arg6[%dma_start3A, %dma_start3A_37, %dma_start3A_38] : memref<5x128x128xf32, #tpu.memory_space<vmem>> -> memref<1x128x128xf32, #tpu.memory_space<vmem>>
    %dma_start3A_40 = tpu.memref_squeeze %dma_start3A_39 : memref<1x128x128xf32, #tpu.memory_space<vmem>> -> memref<128x128xf32, #tpu.memory_space<vmem>>
    tpu.enqueue_dma source(%dma_start3A_40 : memref<128x128xf32, #tpu.memory_space<vmem>>) target(%dma_start3A_36 : memref<128x128xf32, #tpu.memory_space<hbm>>) target_semaphore(%arg14 : memref<!tpu.dma_semaphore, #tpu.memory_space<semaphore_mem>>)
    %dma_wait3A_41 = arith.constant 3 : i32
    %dma_wait3A_42 = arith.constant 0 : i32
    %dma_wait3A_43 = arith.constant 0 : i32
    %dma_wait3A_44 = tpu.memref_slice %arg6[%dma_wait3A_41, %dma_wait3A_42, %dma_wait3A_43] : memref<5x128x128xf32, #tpu.memory_space<vmem>> -> memref<1x128x128xf32, #tpu.memory_space<vmem>>
    %dma_wait3A_45 = tpu.memref_squeeze %dma_wait3A_44 : memref<1x128x128xf32, #tpu.memory_space<vmem>> -> memref<128x128xf32, #tpu.memory_space<vmem>>
    %dma_wait3A_46 = arith.constant 0 : i32
    %dma_wait3A_47 = arith.constant 0 : i32
    %dma_wait3A_48 = tpu.memref_slice %arg2[%dma_wait3A_46, %dma_wait3A_47] : memref<100000x128xf32, #tpu.memory_space<hbm>> -> memref<128x128xf32, #tpu.memory_space<hbm>>
    %dma_wait3A_49 = arith.constant 0 : i32
    %dma_wait3A_50 = arith.constant 0 : i32
    %dma_wait3A_51 = tpu.memref_slice %arg6[%dma_wait3A_41, %dma_wait3A_49, %dma_wait3A_50] : memref<5x128x128xf32, #tpu.memory_space<vmem>> -> memref<1x128x128xf32, #tpu.memory_space<vmem>>
    %dma_wait3A_52 = tpu.memref_squeeze %dma_wait3A_51 : memref<1x128x128xf32, #tpu.memory_space<vmem>> -> memref<128x128xf32, #tpu.memory_space<vmem>>
    %dma_wait3A_53 = arith.constant 0 : i32
    %dma_wait3A_54 = arith.constant 0 : i32
    %dma_wait3A_55 = tpu.memref_slice %arg2[%dma_wait3A_53, %dma_wait3A_54] : memref<100000x128xf32, #tpu.memory_space<hbm>> -> memref<128x128xf32, #tpu.memory_space<hbm>>
    tpu.wait_dma2 semaphore(%arg10 : memref<!tpu.dma_semaphore, #tpu.memory_space<semaphore_mem>>) src(%dma_wait3A_55 : memref<128x128xf32, #tpu.memory_space<hbm>>) dst(%dma_wait3A_52 : memref<128x128xf32, #tpu.memory_space<vmem>>)
    %parallel_loop3A_56 = arith.constant 0 : i32
    %parallel_loop3A_57 = arith.constant 128 : i32
    %parallel_loop3A_58 = arith.constant 1 : i32
    %parallel_loop3A_59 = arith.constant 3 : i32
    scf.for %parallel_loop3A_184 = %parallel_loop3A_56 to %parallel_loop3A_57 step %parallel_loop3A_58  : i32 {
      %parallel_loop3A_185 = arith.constant 0 : i32
      %parallel_loop3A_186 = arith.constant 0 : i32
      %parallel_loop3A_187 = tpu.memref_slice %arg6[%parallel_loop3A_59, %parallel_loop3A_185, %parallel_loop3A_186] : memref<5x128x128xf32, #tpu.memory_space<vmem>> -> memref<1x128x128xf32, #tpu.memory_space<vmem>>
      %parallel_loop3A_188 = tpu.memref_squeeze %parallel_loop3A_187 : memref<1x128x128xf32, #tpu.memory_space<vmem>> -> memref<128x128xf32, #tpu.memory_space<vmem>>
      %parallel_loop3A_189 = arith.index_cast %parallel_loop3A_184 : i32 to index
      %parallel_loop3A_190 = arith.constant 0 : index
      %parallel_loop3A_191 = tpu.vector_load %parallel_loop3A_188[%parallel_loop3A_189, %parallel_loop3A_190] {strides = array<i32>} : memref<128x128xf32, #tpu.memory_space<vmem>>, vector<1x16xf32>,
      %parallel_loop3A_192 = vector.shape_cast %parallel_loop3A_191 : vector<1x16xf32> to vector<16xf32>
      %parallel_loop3A_193 = arith.constant 11.3137083 : f32
      %parallel_loop3A_194 = vector.broadcast %parallel_loop3A_193 : f32 to vector<16xf32>
      %parallel_loop3A_195 = arith.mulf %parallel_loop3A_192, %parallel_loop3A_194 : vector<16xf32>
      %parallel_loop3A_196 = arith.constant 0 : i32
      %parallel_loop3A_197 = arith.constant 0 : i32
      %parallel_loop3A_198 = tpu.memref_slice %arg6[%parallel_loop3A_59, %parallel_loop3A_196, %parallel_loop3A_197] : memref<5x128x128xf32, #tpu.memory_space<vmem>> -> memref<1x128x128xf32, #tpu.memory_space<vmem>>
      %parallel_loop3A_199 = tpu.memref_squeeze %parallel_loop3A_198 : memref<1x128x128xf32, #tpu.memory_space<vmem>> -> memref<128x128xf32, #tpu.memory_space<vmem>>
      %parallel_loop3A_200 = arith.index_cast %parallel_loop3A_184 : i32 to index
      %parallel_loop3A_201 = arith.constant 0 : index
      %parallel_loop3A_202 = tpu.vector_load %parallel_loop3A_199[%parallel_loop3A_200, %parallel_loop3A_201] {strides = array<i32>} : memref<128x128xf32, #tpu.memory_space<vmem>>, vector<1x16xf32>,
      %parallel_loop3A_203 = vector.shape_cast %parallel_loop3A_202 : vector<1x16xf32> to vector<16xf32>
      %parallel_loop3A_204 = vector.shape_cast %parallel_loop3A_195 : vector<16xf32> to vector<1x16xf32>
      tpu.vector_store %parallel_loop3A_199[%parallel_loop3A_200, %parallel_loop3A_201], %parallel_loop3A_204 {strides = array<i32>} : memref<128x128xf32, #tpu.memory_space<vmem>>, vector<1x16xf32>,
      %parallel_loop3A_205 = arith.constant 0 : i32
      %parallel_loop3A_206 = arith.constant 0 : i32
      %parallel_loop3A_207 = tpu.memref_slice %arg6[%parallel_loop3A_59, %parallel_loop3A_205, %parallel_loop3A_206] : memref<5x128x128xf32, #tpu.memory_space<vmem>> -> memref<1x128x128xf32, #tpu.memory_space<vmem>>
      %parallel_loop3A_208 = tpu.memref_squeeze %parallel_loop3A_207 : memref<1x128x128xf32, #tpu.memory_space<vmem>> -> memref<128x128xf32, #tpu.memory_space<vmem>>
      %parallel_loop3A_209 = arith.index_cast %parallel_loop3A_184 : i32 to index
      %parallel_loop3A_210 = arith.constant 16 : index
      %parallel_loop3A_211 = tpu.vector_load %parallel_loop3A_208[%parallel_loop3A_209, %parallel_loop3A_210] {strides = array<i32>} : memref<128x128xf32, #tpu.memory_space<vmem>>, vector<1x16xf32>,
      %parallel_loop3A_212 = vector.shape_cast %parallel_loop3A_211 : vector<1x16xf32> to vector<16xf32>
      %parallel_loop3A_213 = arith.constant 11.3137083 : f32
      %parallel_loop3A_214 = vector.broadcast %parallel_loop3A_213 : f32 to vector<16xf32>
      %parallel_loop3A_215 = arith.mulf %parallel_loop3A_212, %parallel_loop3A_214 : vector<16xf32>
      %parallel_loop3A_216 = arith.constant 0 : i32
      %parallel_loop3A_217 = arith.constant 0 : i32
      %parallel_loop3A_218 = tpu.memref_slice %arg6[%parallel_loop3A_59, %parallel_loop3A_216, %parallel_loop3A_217] : memref<5x128x128xf32, #tpu.memory_space<vmem>> -> memref<1x128x128xf32, #tpu.memory_space<vmem>>
      %parallel_loop3A_219 = tpu.memref_squeeze %parallel_loop3A_218 : memref<1x128x128xf32, #tpu.memory_space<vmem>> -> memref<128x128xf32, #tpu.memory_space<vmem>>
      %parallel_loop3A_220 = arith.index_cast %parallel_loop3A_184 : i32 to index
      %parallel_loop3A_221 = arith.constant 16 : index
      %parallel_loop3A_222 = tpu.vector_load %parallel_loop3A_219[%parallel_loop3A_220, %parallel_loop3A_221] {strides = array<i32>} : memref<128x128xf32, #tpu.memory_space<vmem>>, vector<1x16xf32>,
      %parallel_loop3A_223 = vector.shape_cast %parallel_loop3A_222 : vector<1x16xf32> to vector<16xf32>
      %parallel_loop3A_224 = vector.shape_cast %parallel_loop3A_215 : vector<16xf32> to vector<1x16xf32>
      tpu.vector_store %parallel_loop3A_219[%parallel_loop3A_220, %parallel_loop3A_221], %parallel_loop3A_224 {strides = array<i32>} : memref<128x128xf32, #tpu.memory_space<vmem>>, vector<1x16xf32>,
      %parallel_loop3A_225 = arith.constant 0 : i32
      %parallel_loop3A_226 = arith.constant 0 : i32
      %parallel_loop3A_227 = tpu.memref_slice %arg6[%parallel_loop3A_59, %parallel_loop3A_225, %parallel_loop3A_226] : memref<5x128x128xf32, #tpu.memory_space<vmem>> -> memref<1x128x128xf32, #tpu.memory_space<vmem>>
      %parallel_loop3A_228 = tpu.memref_squeeze %parallel_loop3A_227 : memref<1x128x128xf32, #tpu.memory_space<vmem>> -> memref<128x128xf32, #tpu.memory_space<vmem>>
      %parallel_loop3A_229 = arith.index_cast %parallel_loop3A_184 : i32 to index
      %parallel_loop3A_230 = arith.constant 32 : index
      %parallel_loop3A_231 = tpu.vector_load %parallel_loop3A_228[%parallel_loop3A_229, %parallel_loop3A_230] {strides = array<i32>} : memref<128x128xf32, #tpu.memory_space<vmem>>, vector<1x16xf32>,
      %parallel_loop3A_232 = vector.shape_cast %parallel_loop3A_231 : vector<1x16xf32> to vector<16xf32>
      %parallel_loop3A_233 = arith.constant 11.3137083 : f32
      %parallel_loop3A_234 = vector.broadcast %parallel_loop3A_233 : f32 to vector<16xf32>
      %parallel_loop3A_235 = arith.mulf %parallel_loop3A_232, %parallel_loop3A_234 : vector<16xf32>
      %parallel_loop3A_236 = arith.constant 0 : i32
      %parallel_loop3A_237 = arith.constant 0 : i32
      %parallel_loop3A_238 = tpu.memref_slice %arg6[%parallel_loop3A_59, %parallel_loop3A_236, %parallel_loop3A_237] : memref<5x128x128xf32, #tpu.memory_space<vmem>> -> memref<1x128x128xf32, #tpu.memory_space<vmem>>
      %parallel_loop3A_239 = tpu.memref_squeeze %parallel_loop3A_238 : memref<1x128x128xf32, #tpu.memory_space<vmem>> -> memref<128x128xf32, #tpu.memory_space<vmem>>
      %parallel_loop3A_240 = arith.index_cast %parallel_loop3A_184 : i32 to index
      %parallel_loop3A_241 = arith.constant 32 : index
      %parallel_loop3A_242 = tpu.vector_load %parallel_loop3A_239[%parallel_loop3A_240, %parallel_loop3A_241] {strides = array<i32>} : memref<128x128xf32, #tpu.memory_space<vmem>>, vector<1x16xf32>,
      %parallel_loop3A_243 = vector.shape_cast %parallel_loop3A_242 : vector<1x16xf32> to vector<16xf32>
      %parallel_loop3A_244 = vector.shape_cast %parallel_loop3A_235 : vector<16xf32> to vector<1x16xf32>
      tpu.vector_store %parallel_loop3A_239[%parallel_loop3A_240, %parallel_loop3A_241], %parallel_loop3A_244 {strides = array<i32>} : memref<128x128xf32, #tpu.memory_space<vmem>>, vector<1x16xf32>,
      %parallel_loop3A_245 = arith.constant 0 : i32
      %parallel_loop3A_246 = arith.constant 0 : i32
      %parallel_loop3A_247 = tpu.memref_slice %arg6[%parallel_loop3A_59, %parallel_loop3A_245, %parallel_loop3A_246] : memref<5x128x128xf32, #tpu.memory_space<vmem>> -> memref<1x128x128xf32, #tpu.memory_space<vmem>>
      %parallel_loop3A_248 = tpu.memref_squeeze %parallel_loop3A_247 : memref<1x128x128xf32, #tpu.memory_space<vmem>> -> memref<128x128xf32, #tpu.memory_space<vmem>>
      %parallel_loop3A_249 = arith.index_cast %parallel_loop3A_184 : i32 to index
      %parallel_loop3A_250 = arith.constant 48 : index
      %parallel_loop3A_251 = tpu.vector_load %parallel_loop3A_248[%parallel_loop3A_249, %parallel_loop3A_250] {strides = array<i32>} : memref<128x128xf32, #tpu.memory_space<vmem>>, vector<1x16xf32>,
      %parallel_loop3A_252 = vector.shape_cast %parallel_loop3A_251 : vector<1x16xf32> to vector<16xf32>
      %parallel_loop3A_253 = arith.constant 11.3137083 : f32
      %parallel_loop3A_254 = vector.broadcast %parallel_loop3A_253 : f32 to vector<16xf32>
      %parallel_loop3A_255 = arith.mulf %parallel_loop3A_252, %parallel_loop3A_254 : vector<16xf32>
      %parallel_loop3A_256 = arith.constant 0 : i32
      %parallel_loop3A_257 = arith.constant 0 : i32
      %parallel_loop3A_258 = tpu.memref_slice %arg6[%parallel_loop3A_59, %parallel_loop3A_256, %parallel_loop3A_257] : memref<5x128x128xf32, #tpu.memory_space<vmem>> -> memref<1x128x128xf32, #tpu.memory_space<vmem>>
      %parallel_loop3A_259 = tpu.memref_squeeze %parallel_loop3A_258 : memref<1x128x128xf32, #tpu.memory_space<vmem>> -> memref<128x128xf32, #tpu.memory_space<vmem>>
      %parallel_loop3A_260 = arith.index_cast %parallel_loop3A_184 : i32 to index
      %parallel_loop3A_261 = arith.constant 48 : index
      %parallel_loop3A_262 = tpu.vector_load %parallel_loop3A_259[%parallel_loop3A_260, %parallel_loop3A_261] {strides = array<i32>} : memref<128x128xf32, #tpu.memory_space<vmem>>, vector<1x16xf32>,
      %parallel_loop3A_263 = vector.shape_cast %parallel_loop3A_262 : vector<1x16xf32> to vector<16xf32>
      %parallel_loop3A_264 = vector.shape_cast %parallel_loop3A_255 : vector<16xf32> to vector<1x16xf32>
      tpu.vector_store %parallel_loop3A_259[%parallel_loop3A_260, %parallel_loop3A_261], %parallel_loop3A_264 {strides = array<i32>} : memref<128x128xf32, #tpu.memory_space<vmem>>, vector<1x16xf32>,
      %parallel_loop3A_265 = arith.constant 0 : i32
      %parallel_loop3A_266 = arith.constant 0 : i32
      %parallel_loop3A_267 = tpu.memref_slice %arg6[%parallel_loop3A_59, %parallel_loop3A_265, %parallel_loop3A_266] : memref<5x128x128xf32, #tpu.memory_space<vmem>> -> memref<1x128x128xf32, #tpu.memory_space<vmem>>
      %parallel_loop3A_268 = tpu.memref_squeeze %parallel_loop3A_267 : memref<1x128x128xf32, #tpu.memory_space<vmem>> -> memref<128x128xf32, #tpu.memory_space<vmem>>
      %parallel_loop3A_269 = arith.index_cast %parallel_loop3A_184 : i32 to index
      %parallel_loop3A_270 = arith.constant 64 : index
      %parallel_loop3A_271 = tpu.vector_load %parallel_loop3A_268[%parallel_loop3A_269, %parallel_loop3A_270] {strides = array<i32>} : memref<128x128xf32, #tpu.memory_space<vmem>>, vector<1x16xf32>,
      %parallel_loop3A_272 = vector.shape_cast %parallel_loop3A_271 : vector<1x16xf32> to vector<16xf32>
      %parallel_loop3A_273 = arith.constant 11.3137083 : f32
      %parallel_loop3A_274 = vector.broadcast %parallel_loop3A_273 : f32 to vector<16xf32>
      %parallel_loop3A_275 = arith.mulf %parallel_loop3A_272, %parallel_loop3A_274 : vector<16xf32>
      %parallel_loop3A_276 = arith.constant 0 : i32
      %parallel_loop3A_277 = arith.constant 0 : i32
      %parallel_loop3A_278 = tpu.memref_slice %arg6[%parallel_loop3A_59, %parallel_loop3A_276, %parallel_loop3A_277] : memref<5x128x128xf32, #tpu.memory_space<vmem>> -> memref<1x128x128xf32, #tpu.memory_space<vmem>>
      %parallel_loop3A_279 = tpu.memref_squeeze %parallel_loop3A_278 : memref<1x128x128xf32, #tpu.memory_space<vmem>> -> memref<128x128xf32, #tpu.memory_space<vmem>>
      %parallel_loop3A_280 = arith.index_cast %parallel_loop3A_184 : i32 to index
      %parallel_loop3A_281 = arith.constant 64 : index
      %parallel_loop3A_282 = tpu.vector_load %parallel_loop3A_279[%parallel_loop3A_280, %parallel_loop3A_281] {strides = array<i32>} : memref<128x128xf32, #tpu.memory_space<vmem>>, vector<1x16xf32>,
      %parallel_loop3A_283 = vector.shape_cast %parallel_loop3A_282 : vector<1x16xf32> to vector<16xf32>
      %parallel_loop3A_284 = vector.shape_cast %parallel_loop3A_275 : vector<16xf32> to vector<1x16xf32>
      tpu.vector_store %parallel_loop3A_279[%parallel_loop3A_280, %parallel_loop3A_281], %parallel_loop3A_284 {strides = array<i32>} : memref<128x128xf32, #tpu.memory_space<vmem>>, vector<1x16xf32>,
      %parallel_loop3A_285 = arith.constant 0 : i32
      %parallel_loop3A_286 = arith.constant 0 : i32
      %parallel_loop3A_287 = tpu.memref_slice %arg6[%parallel_loop3A_59, %parallel_loop3A_285, %parallel_loop3A_286] : memref<5x128x128xf32, #tpu.memory_space<vmem>> -> memref<1x128x128xf32, #tpu.memory_space<vmem>>
      %parallel_loop3A_288 = tpu.memref_squeeze %parallel_loop3A_287 : memref<1x128x128xf32, #tpu.memory_space<vmem>> -> memref<128x128xf32, #tpu.memory_space<vmem>>
      %parallel_loop3A_289 = arith.index_cast %parallel_loop3A_184 : i32 to index
      %parallel_loop3A_290 = arith.constant 80 : index
      %parallel_loop3A_291 = tpu.vector_load %parallel_loop3A_288[%parallel_loop3A_289, %parallel_loop3A_290] {strides = array<i32>} : memref<128x128xf32, #tpu.memory_space<vmem>>, vector<1x16xf32>,
      %parallel_loop3A_292 = vector.shape_cast %parallel_loop3A_291 : vector<1x16xf32> to vector<16xf32>
      %parallel_loop3A_293 = arith.constant 11.3137083 : f32
      %parallel_loop3A_294 = vector.broadcast %parallel_loop3A_293 : f32 to vector<16xf32>
      %parallel_loop3A_295 = arith.mulf %parallel_loop3A_292, %parallel_loop3A_294 : vector<16xf32>
      %parallel_loop3A_296 = arith.constant 0 : i32
      %parallel_loop3A_297 = arith.constant 0 : i32
      %parallel_loop3A_298 = tpu.memref_slice %arg6[%parallel_loop3A_59, %parallel_loop3A_296, %parallel_loop3A_297] : memref<5x128x128xf32, #tpu.memory_space<vmem>> -> memref<1x128x128xf32, #tpu.memory_space<vmem>>
      %parallel_loop3A_299 = tpu.memref_squeeze %parallel_loop3A_298 : memref<1x128x128xf32, #tpu.memory_space<vmem>> -> memref<128x128xf32, #tpu.memory_space<vmem>>
      %parallel_loop3A_300 = arith.index_cast %parallel_loop3A_184 : i32 to index
      %parallel_loop3A_301 = arith.constant 80 : index
      %parallel_loop3A_302 = tpu.vector_load %parallel_loop3A_299[%parallel_loop3A_300, %parallel_loop3A_301] {strides = array<i32>} : memref<128x128xf32, #tpu.memory_space<vmem>>, vector<1x16xf32>,
      %parallel_loop3A_303 = vector.shape_cast %parallel_loop3A_302 : vector<1x16xf32> to vector<16xf32>
      %parallel_loop3A_304 = vector.shape_cast %parallel_loop3A_295 : vector<16xf32> to vector<1x16xf32>
      tpu.vector_store %parallel_loop3A_299[%parallel_loop3A_300, %parallel_loop3A_301], %parallel_loop3A_304 {strides = array<i32>} : memref<128x128xf32, #tpu.memory_space<vmem>>, vector<1x16xf32>,
      %parallel_loop3A_305 = arith.constant 0 : i32
      %parallel_loop3A_306 = arith.constant 0 : i32
      %parallel_loop3A_307 = tpu.memref_slice %arg6[%parallel_loop3A_59, %parallel_loop3A_305, %parallel_loop3A_306] : memref<5x128x128xf32, #tpu.memory_space<vmem>> -> memref<1x128x128xf32, #tpu.memory_space<vmem>>
      %parallel_loop3A_308 = tpu.memref_squeeze %parallel_loop3A_307 : memref<1x128x128xf32, #tpu.memory_space<vmem>> -> memref<128x128xf32, #tpu.memory_space<vmem>>
      %parallel_loop3A_309 = arith.index_cast %parallel_loop3A_184 : i32 to index
      %parallel_loop3A_310 = arith.constant 96 : index
      %parallel_loop3A_311 = tpu.vector_load %parallel_loop3A_308[%parallel_loop3A_309, %parallel_loop3A_310] {strides = array<i32>} : memref<128x128xf32, #tpu.memory_space<vmem>>, vector<1x16xf32>,
      %parallel_loop3A_312 = vector.shape_cast %parallel_loop3A_311 : vector<1x16xf32> to vector<16xf32>
      %parallel_loop3A_313 = arith.constant 11.3137083 : f32
      %parallel_loop3A_314 = vector.broadcast %parallel_loop3A_313 : f32 to vector<16xf32>
      %parallel_loop3A_315 = arith.mulf %parallel_loop3A_312, %parallel_loop3A_314 : vector<16xf32>
      %parallel_loop3A_316 = arith.constant 0 : i32
      %parallel_loop3A_317 = arith.constant 0 : i32
      %parallel_loop3A_318 = tpu.memref_slice %arg6[%parallel_loop3A_59, %parallel_loop3A_316, %parallel_loop3A_317] : memref<5x128x128xf32, #tpu.memory_space<vmem>> -> memref<1x128x128xf32, #tpu.memory_space<vmem>>
      %parallel_loop3A_319 = tpu.memref_squeeze %parallel_loop3A_318 : memref<1x128x128xf32, #tpu.memory_space<vmem>> -> memref<128x128xf32, #tpu.memory_space<vmem>>
      %parallel_loop3A_320 = arith.index_cast %parallel_loop3A_184 : i32 to index
      %parallel_loop3A_321 = arith.constant 96 : index
      %parallel_loop3A_322 = tpu.vector_load %parallel_loop3A_319[%parallel_loop3A_320, %parallel_loop3A_321] {strides = array<i32>} : memref<128x128xf32, #tpu.memory_space<vmem>>, vector<1x16xf32>,
      %parallel_loop3A_323 = vector.shape_cast %parallel_loop3A_322 : vector<1x16xf32> to vector<16xf32>
      %parallel_loop3A_324 = vector.shape_cast %parallel_loop3A_315 : vector<16xf32> to vector<1x16xf32>
      tpu.vector_store %parallel_loop3A_319[%parallel_loop3A_320, %parallel_loop3A_321], %parallel_loop3A_324 {strides = array<i32>} : memref<128x128xf32, #tpu.memory_space<vmem>>, vector<1x16xf32>,
      %parallel_loop3A_325 = arith.constant 0 : i32
      %parallel_loop3A_326 = arith.constant 0 : i32
      %parallel_loop3A_327 = tpu.memref_slice %arg6[%parallel_loop3A_59, %parallel_loop3A_325, %parallel_loop3A_326] : memref<5x128x128xf32, #tpu.memory_space<vmem>> -> memref<1x128x128xf32, #tpu.memory_space<vmem>>
      %parallel_loop3A_328 = tpu.memref_squeeze %parallel_loop3A_327 : memref<1x128x128xf32, #tpu.memory_space<vmem>> -> memref<128x128xf32, #tpu.memory_space<vmem>>
      %parallel_loop3A_329 = arith.index_cast %parallel_loop3A_184 : i32 to index
      %parallel_loop3A_330 = arith.constant 112 : index
      %parallel_loop3A_331 = tpu.vector_load %parallel_loop3A_328[%parallel_loop3A_329, %parallel_loop3A_330] {strides = array<i32>} : memref<128x128xf32, #tpu.memory_space<vmem>>, vector<1x16xf32>,
      %parallel_loop3A_332 = vector.shape_cast %parallel_loop3A_331 : vector<1x16xf32> to vector<16xf32>
      %parallel_loop3A_333 = arith.constant 11.3137083 : f32
      %parallel_loop3A_334 = vector.broadcast %parallel_loop3A_333 : f32 to vector<16xf32>
      %parallel_loop3A_335 = arith.mulf %parallel_loop3A_332, %parallel_loop3A_334 : vector<16xf32>
      %parallel_loop3A_336 = arith.constant 0 : i32
      %parallel_loop3A_337 = arith.constant 0 : i32
      %parallel_loop3A_338 = tpu.memref_slice %arg6[%parallel_loop3A_59, %parallel_loop3A_336, %parallel_loop3A_337] : memref<5x128x128xf32, #tpu.memory_space<vmem>> -> memref<1x128x128xf32, #tpu.memory_space<vmem>>
      %parallel_loop3A_339 = tpu.memref_squeeze %parallel_loop3A_338 : memref<1x128x128xf32, #tpu.memory_space<vmem>> -> memref<128x128xf32, #tpu.memory_space<vmem>>
      %parallel_loop3A_340 = arith.index_cast %parallel_loop3A_184 : i32 to index
      %parallel_loop3A_341 = arith.constant 112 : index
      %parallel_loop3A_342 = tpu.vector_load %parallel_loop3A_339[%parallel_loop3A_340, %parallel_loop3A_341] {strides = array<i32>} : memref<128x128xf32, #tpu.memory_space<vmem>>, vector<1x16xf32>,
      %parallel_loop3A_343 = vector.shape_cast %parallel_loop3A_342 : vector<1x16xf32> to vector<16xf32>
      %parallel_loop3A_344 = vector.shape_cast %parallel_loop3A_335 : vector<16xf32> to vector<1x16xf32>
      tpu.vector_store %parallel_loop3A_339[%parallel_loop3A_340, %parallel_loop3A_341], %parallel_loop3A_344 {strides = array<i32>} : memref<128x128xf32, #tpu.memory_space<vmem>>, vector<1x16xf32>,
    } {sc.loop_unroll_factor = 8 : i64, sc.parallel_access}
    %add3A_60 = arith.constant 25344 : i32
    %add3A_61 = arith.addi %mul3A_2, %add3A_60 : i32
    %dma_start3A_62 = arith.constant 3 : i32
    %dma_start3A_63 = arith.constant 0 : i32
    %dma_start3A_64 = arith.constant 0 : i32
    %dma_start3A_65 = tpu.memref_slice %arg6[%dma_start3A_62, %dma_start3A_63, %dma_start3A_64] : memref<5x128x128xf32, #tpu.memory_space<vmem>> -> memref<1x128x128xf32, #tpu.memory_space<vmem>>
    %dma_start3A_66 = tpu.memref_squeeze %dma_start3A_65 : memref<1x128x128xf32, #tpu.memory_space<vmem>> -> memref<128x128xf32, #tpu.memory_space<vmem>>
    %dma_start3A_67 = arith.constant 0 : i32
    %dma_start3A_68 = tpu.memref_slice %arg4[%add3A_61, %dma_start3A_67] : memref<819200x128xf32, #tpu.memory_space<hbm>> -> memref<128x128xf32, #tpu.memory_space<hbm>>
    %dma_start3A_69 = arith.constant 0 : i32
    %dma_start3A_70 = tpu.memref_slice %arg4[%add3A_61, %dma_start3A_69] : memref<819200x128xf32, #tpu.memory_space<hbm>> -> memref<128x128xf32, #tpu.memory_space<hbm>>
    %dma_start3A_71 = arith.constant 0 : i32
    %dma_start3A_72 = arith.constant 0 : i32
    %dma_start3A_73 = tpu.memref_slice %arg6[%dma_start3A_62, %dma_start3A_71, %dma_start3A_72] : memref<5x128x128xf32, #tpu.memory_space<vmem>> -> memref<1x128x128xf32, #tpu.memory_space<vmem>>
    %dma_start3A_74 = tpu.memref_squeeze %dma_start3A_73 : memref<1x128x128xf32, #tpu.memory_space<vmem>> -> memref<128x128xf32, #tpu.memory_space<vmem>>
    tpu.enqueue_dma source(%dma_start3A_74 : memref<128x128xf32, #tpu.memory_space<vmem>>) target(%dma_start3A_70 : memref<128x128xf32, #tpu.memory_space<hbm>>) target_semaphore(%arg15 : memref<!tpu.dma_semaphore, #tpu.memory_space<semaphore_mem>>)
    %dma_wait3A_75 = arith.constant 4 : i32
    %dma_wait3A_76 = arith.constant 0 : i32
    %dma_wait3A_77 = arith.constant 0 : i32
    %dma_wait3A_78 = tpu.memref_slice %arg6[%dma_wait3A_75, %dma_wait3A_76, %dma_wait3A_77] : memref<5x128x128xf32, #tpu.memory_space<vmem>> -> memref<1x128x128xf32, #tpu.memory_space<vmem>>
    %dma_wait3A_79 = tpu.memref_squeeze %dma_wait3A_78 : memref<1x128x128xf32, #tpu.memory_space<vmem>> -> memref<128x128xf32, #tpu.memory_space<vmem>>
    %dma_wait3A_80 = arith.constant 0 : i32
    %dma_wait3A_81 = arith.constant 0 : i32
    %dma_wait3A_82 = tpu.memref_slice %arg2[%dma_wait3A_80, %dma_wait3A_81] : memref<100000x128xf32, #tpu.memory_space<hbm>> -> memref<128x128xf32, #tpu.memory_space<hbm>>
    %dma_wait3A_83 = arith.constant 0 : i32
    %dma_wait3A_84 = arith.constant 0 : i32
    %dma_wait3A_85 = tpu.memref_slice %arg6[%dma_wait3A_75, %dma_wait3A_83, %dma_wait3A_84] : memref<5x128x128xf32, #tpu.memory_space<vmem>> -> memref<1x128x128xf32, #tpu.memory_space<vmem>>
    %dma_wait3A_86 = tpu.memref_squeeze %dma_wait3A_85 : memref<1x128x128xf32, #tpu.memory_space<vmem>> -> memref<128x128xf32, #tpu.memory_space<vmem>>
    %dma_wait3A_87 = arith.constant 0 : i32
    %dma_wait3A_88 = arith.constant 0 : i32
    %dma_wait3A_89 = tpu.memref_slice %arg2[%dma_wait3A_87, %dma_wait3A_88] : memref<100000x128xf32, #tpu.memory_space<hbm>> -> memref<128x128xf32, #tpu.memory_space<hbm>>
    tpu.wait_dma2 semaphore(%arg11 : memref<!tpu.dma_semaphore, #tpu.memory_space<semaphore_mem>>) src(%dma_wait3A_89 : memref<128x128xf32, #tpu.memory_space<hbm>>) dst(%dma_wait3A_86 : memref<128x128xf32, #tpu.memory_space<vmem>>)
    %parallel_loop3A_90 = arith.constant 0 : i32
    %parallel_loop3A_91 = arith.constant 128 : i32
    %parallel_loop3A_92 = arith.constant 1 : i32
    %parallel_loop3A_93 = arith.constant 4 : i32
    scf.for %parallel_loop3A_184 = %parallel_loop3A_90 to %parallel_loop3A_91 step %parallel_loop3A_92  : i32 {
      %parallel_loop3A_185 = arith.constant 0 : i32
      %parallel_loop3A_186 = arith.constant 0 : i32
      %parallel_loop3A_187 = tpu.memref_slice %arg6[%parallel_loop3A_93, %parallel_loop3A_185, %parallel_loop3A_186] : memref<5x128x128xf32, #tpu.memory_space<vmem>> -> memref<1x128x128xf32, #tpu.memory_space<vmem>>
      %parallel_loop3A_188 = tpu.memref_squeeze %parallel_loop3A_187 : memref<1x128x128xf32, #tpu.memory_space<vmem>> -> memref<128x128xf32, #tpu.memory_space<vmem>>
      %parallel_loop3A_189 = arith.index_cast %parallel_loop3A_184 : i32 to index
      %parallel_loop3A_190 = arith.constant 0 : index
      %parallel_loop3A_191 = tpu.vector_load %parallel_loop3A_188[%parallel_loop3A_189, %parallel_loop3A_190] {strides = array<i32>} : memref<128x128xf32, #tpu.memory_space<vmem>>, vector<1x16xf32>,
      %parallel_loop3A_192 = vector.shape_cast %parallel_loop3A_191 : vector<1x16xf32> to vector<16xf32>
      %parallel_loop3A_193 = arith.constant 11.3137083 : f32
      %parallel_loop3A_194 = vector.broadcast %parallel_loop3A_193 : f32 to vector<16xf32>
      %parallel_loop3A_195 = arith.mulf %parallel_loop3A_192, %parallel_loop3A_194 : vector<16xf32>
      %parallel_loop3A_196 = arith.constant 0 : i32
      %parallel_loop3A_197 = arith.constant 0 : i32
      %parallel_loop3A_198 = tpu.memref_slice %arg6[%parallel_loop3A_93, %parallel_loop3A_196, %parallel_loop3A_197] : memref<5x128x128xf32, #tpu.memory_space<vmem>> -> memref<1x128x128xf32, #tpu.memory_space<vmem>>
      %parallel_loop3A_199 = tpu.memref_squeeze %parallel_loop3A_198 : memref<1x128x128xf32, #tpu.memory_space<vmem>> -> memref<128x128xf32, #tpu.memory_space<vmem>>
      %parallel_loop3A_200 = arith.index_cast %parallel_loop3A_184 : i32 to index
      %parallel_loop3A_201 = arith.constant 0 : index
      %parallel_loop3A_202 = tpu.vector_load %parallel_loop3A_199[%parallel_loop3A_200, %parallel_loop3A_201] {strides = array<i32>} : memref<128x128xf32, #tpu.memory_space<vmem>>, vector<1x16xf32>,
      %parallel_loop3A_203 = vector.shape_cast %parallel_loop3A_202 : vector<1x16xf32> to vector<16xf32>
      %parallel_loop3A_204 = vector.shape_cast %parallel_loop3A_195 : vector<16xf32> to vector<1x16xf32>
      tpu.vector_store %parallel_loop3A_199[%parallel_loop3A_200, %parallel_loop3A_201], %parallel_loop3A_204 {strides = array<i32>} : memref<128x128xf32, #tpu.memory_space<vmem>>, vector<1x16xf32>,
      %parallel_loop3A_205 = arith.constant 0 : i32
      %parallel_loop3A_206 = arith.constant 0 : i32
      %parallel_loop3A_207 = tpu.memref_slice %arg6[%parallel_loop3A_93, %parallel_loop3A_205, %parallel_loop3A_206] : memref<5x128x128xf32, #tpu.memory_space<vmem>> -> memref<1x128x128xf32, #tpu.memory_space<vmem>>
      %parallel_loop3A_208 = tpu.memref_squeeze %parallel_loop3A_207 : memref<1x128x128xf32, #tpu.memory_space<vmem>> -> memref<128x128xf32, #tpu.memory_space<vmem>>
      %parallel_loop3A_209 = arith.index_cast %parallel_loop3A_184 : i32 to index
      %parallel_loop3A_210 = arith.constant 16 : index
      %parallel_loop3A_211 = tpu.vector_load %parallel_loop3A_208[%parallel_loop3A_209, %parallel_loop3A_210] {strides = array<i32>} : memref<128x128xf32, #tpu.memory_space<vmem>>, vector<1x16xf32>,
      %parallel_loop3A_212 = vector.shape_cast %parallel_loop3A_211 : vector<1x16xf32> to vector<16xf32>
      %parallel_loop3A_213 = arith.constant 11.3137083 : f32
      %parallel_loop3A_214 = vector.broadcast %parallel_loop3A_213 : f32 to vector<16xf32>
      %parallel_loop3A_215 = arith.mulf %parallel_loop3A_212, %parallel_loop3A_214 : vector<16xf32>
      %parallel_loop3A_216 = arith.constant 0 : i32
      %parallel_loop3A_217 = arith.constant 0 : i32
      %parallel_loop3A_218 = tpu.memref_slice %arg6[%parallel_loop3A_93, %parallel_loop3A_216, %parallel_loop3A_217] : memref<5x128x128xf32, #tpu.memory_space<vmem>> -> memref<1x128x128xf32, #tpu.memory_space<vmem>>
      %parallel_loop3A_219 = tpu.memref_squeeze %parallel_loop3A_218 : memref<1x128x128xf32, #tpu.memory_space<vmem>> -> memref<128x128xf32, #tpu.memory_space<vmem>>
      %parallel_loop3A_220 = arith.index_cast %parallel_loop3A_184 : i32 to index
      %parallel_loop3A_221 = arith.constant 16 : index
      %parallel_loop3A_222 = tpu.vector_load %parallel_loop3A_219[%parallel_loop3A_220, %parallel_loop3A_221] {strides = array<i32>} : memref<128x128xf32, #tpu.memory_space<vmem>>, vector<1x16xf32>,
      %parallel_loop3A_223 = vector.shape_cast %parallel_loop3A_222 : vector<1x16xf32> to vector<16xf32>
      %parallel_loop3A_224 = vector.shape_cast %parallel_loop3A_215 : vector<16xf32> to vector<1x16xf32>
      tpu.vector_store %parallel_loop3A_219[%parallel_loop3A_220, %parallel_loop3A_221], %parallel_loop3A_224 {strides = array<i32>} : memref<128x128xf32, #tpu.memory_space<vmem>>, vector<1x16xf32>,
      %parallel_loop3A_225 = arith.constant 0 : i32
      %parallel_loop3A_226 = arith.constant 0 : i32
      %parallel_loop3A_227 = tpu.memref_slice %arg6[%parallel_loop3A_93, %parallel_loop3A_225, %parallel_loop3A_226] : memref<5x128x128xf32, #tpu.memory_space<vmem>> -> memref<1x128x128xf32, #tpu.memory_space<vmem>>
      %parallel_loop3A_228 = tpu.memref_squeeze %parallel_loop3A_227 : memref<1x128x128xf32, #tpu.memory_space<vmem>> -> memref<128x128xf32, #tpu.memory_space<vmem>>
      %parallel_loop3A_229 = arith.index_cast %parallel_loop3A_184 : i32 to index
      %parallel_loop3A_230 = arith.constant 32 : index
      %parallel_loop3A_231 = tpu.vector_load %parallel_loop3A_228[%parallel_loop3A_229, %parallel_loop3A_230] {strides = array<i32>} : memref<128x128xf32, #tpu.memory_space<vmem>>, vector<1x16xf32>,
      %parallel_loop3A_232 = vector.shape_cast %parallel_loop3A_231 : vector<1x16xf32> to vector<16xf32>
      %parallel_loop3A_233 = arith.constant 11.3137083 : f32
      %parallel_loop3A_234 = vector.broadcast %parallel_loop3A_233 : f32 to vector<16xf32>
      %parallel_loop3A_235 = arith.mulf %parallel_loop3A_232, %parallel_loop3A_234 : vector<16xf32>
      %parallel_loop3A_236 = arith.constant 0 : i32
      %parallel_loop3A_237 = arith.constant 0 : i32
      %parallel_loop3A_238 = tpu.memref_slice %arg6[%parallel_loop3A_93, %parallel_loop3A_236, %parallel_loop3A_237] : memref<5x128x128xf32, #tpu.memory_space<vmem>> -> memref<1x128x128xf32, #tpu.memory_space<vmem>>
      %parallel_loop3A_239 = tpu.memref_squeeze %parallel_loop3A_238 : memref<1x128x128xf32, #tpu.memory_space<vmem>> -> memref<128x128xf32, #tpu.memory_space<vmem>>
      %parallel_loop3A_240 = arith.index_cast %parallel_loop3A_184 : i32 to index
      %parallel_loop3A_241 = arith.constant 32 : index
      %parallel_loop3A_242 = tpu.vector_load %parallel_loop3A_239[%parallel_loop3A_240, %parallel_loop3A_241] {strides = array<i32>} : memref<128x128xf32, #tpu.memory_space<vmem>>, vector<1x16xf32>,
      %parallel_loop3A_243 = vector.shape_cast %parallel_loop3A_242 : vector<1x16xf32> to vector<16xf32>
      %parallel_loop3A_244 = vector.shape_cast %parallel_loop3A_235 : vector<16xf32> to vector<1x16xf32>
      tpu.vector_store %parallel_loop3A_239[%parallel_loop3A_240, %parallel_loop3A_241], %parallel_loop3A_244 {strides = array<i32>} : memref<128x128xf32, #tpu.memory_space<vmem>>, vector<1x16xf32>,
      %parallel_loop3A_245 = arith.constant 0 : i32
      %parallel_loop3A_246 = arith.constant 0 : i32
      %parallel_loop3A_247 = tpu.memref_slice %arg6[%parallel_loop3A_93, %parallel_loop3A_245, %parallel_loop3A_246] : memref<5x128x128xf32, #tpu.memory_space<vmem>> -> memref<1x128x128xf32, #tpu.memory_space<vmem>>
      %parallel_loop3A_248 = tpu.memref_squeeze %parallel_loop3A_247 : memref<1x128x128xf32, #tpu.memory_space<vmem>> -> memref<128x128xf32, #tpu.memory_space<vmem>>
      %parallel_loop3A_249 = arith.index_cast %parallel_loop3A_184 : i32 to index
      %parallel_loop3A_250 = arith.constant 48 : index
      %parallel_loop3A_251 = tpu.vector_load %parallel_loop3A_248[%parallel_loop3A_249, %parallel_loop3A_250] {strides = array<i32>} : memref<128x128xf32, #tpu.memory_space<vmem>>, vector<1x16xf32>,
      %parallel_loop3A_252 = vector.shape_cast %parallel_loop3A_251 : vector<1x16xf32> to vector<16xf32>
      %parallel_loop3A_253 = arith.constant 11.3137083 : f32
      %parallel_loop3A_254 = vector.broadcast %parallel_loop3A_253 : f32 to vector<16xf32>
      %parallel_loop3A_255 = arith.mulf %parallel_loop3A_252, %parallel_loop3A_254 : vector<16xf32>
      %parallel_loop3A_256 = arith.constant 0 : i32
      %parallel_loop3A_257 = arith.constant 0 : i32
      %parallel_loop3A_258 = tpu.memref_slice %arg6[%parallel_loop3A_93, %parallel_loop3A_256, %parallel_loop3A_257] : memref<5x128x128xf32, #tpu.memory_space<vmem>> -> memref<1x128x128xf32, #tpu.memory_space<vmem>>
      %parallel_loop3A_259 = tpu.memref_squeeze %parallel_loop3A_258 : memref<1x128x128xf32, #tpu.memory_space<vmem>> -> memref<128x128xf32, #tpu.memory_space<vmem>>
      %parallel_loop3A_260 = arith.index_cast %parallel_loop3A_184 : i32 to index
      %parallel_loop3A_261 = arith.constant 48 : index
      %parallel_loop3A_262 = tpu.vector_load %parallel_loop3A_259[%parallel_loop3A_260, %parallel_loop3A_261] {strides = array<i32>} : memref<128x128xf32, #tpu.memory_space<vmem>>, vector<1x16xf32>,
      %parallel_loop3A_263 = vector.shape_cast %parallel_loop3A_262 : vector<1x16xf32> to vector<16xf32>
      %parallel_loop3A_264 = vector.shape_cast %parallel_loop3A_255 : vector<16xf32> to vector<1x16xf32>
      tpu.vector_store %parallel_loop3A_259[%parallel_loop3A_260, %parallel_loop3A_261], %parallel_loop3A_264 {strides = array<i32>} : memref<128x128xf32, #tpu.memory_space<vmem>>, vector<1x16xf32>,
      %parallel_loop3A_265 = arith.constant 0 : i32
      %parallel_loop3A_266 = arith.constant 0 : i32
      %parallel_loop3A_267 = tpu.memref_slice %arg6[%parallel_loop3A_93, %parallel_loop3A_265, %parallel_loop3A_266] : memref<5x128x128xf32, #tpu.memory_space<vmem>> -> memref<1x128x128xf32, #tpu.memory_space<vmem>>
      %parallel_loop3A_268 = tpu.memref_squeeze %parallel_loop3A_267 : memref<1x128x128xf32, #tpu.memory_space<vmem>> -> memref<128x128xf32, #tpu.memory_space<vmem>>
      %parallel_loop3A_269 = arith.index_cast %parallel_loop3A_184 : i32 to index
      %parallel_loop3A_270 = arith.constant 64 : index
      %parallel_loop3A_271 = tpu.vector_load %parallel_loop3A_268[%parallel_loop3A_269, %parallel_loop3A_270] {strides = array<i32>} : memref<128x128xf32, #tpu.memory_space<vmem>>, vector<1x16xf32>,
      %parallel_loop3A_272 = vector.shape_cast %parallel_loop3A_271 : vector<1x16xf32> to vector<16xf32>
      %parallel_loop3A_273 = arith.constant 11.3137083 : f32
      %parallel_loop3A_274 = vector.broadcast %parallel_loop3A_273 : f32 to vector<16xf32>
      %parallel_loop3A_275 = arith.mulf %parallel_loop3A_272, %parallel_loop3A_274 : vector<16xf32>
      %parallel_loop3A_276 = arith.constant 0 : i32
      %parallel_loop3A_277 = arith.constant 0 : i32
      %parallel_loop3A_278 = tpu.memref_slice %arg6[%parallel_loop3A_93, %parallel_loop3A_276, %parallel_loop3A_277] : memref<5x128x128xf32, #tpu.memory_space<vmem>> -> memref<1x128x128xf32, #tpu.memory_space<vmem>>
      %parallel_loop3A_279 = tpu.memref_squeeze %parallel_loop3A_278 : memref<1x128x128xf32, #tpu.memory_space<vmem>> -> memref<128x128xf32, #tpu.memory_space<vmem>>
      %parallel_loop3A_280 = arith.index_cast %parallel_loop3A_184 : i32 to index
      %parallel_loop3A_281 = arith.constant 64 : index
      %parallel_loop3A_282 = tpu.vector_load %parallel_loop3A_279[%parallel_loop3A_280, %parallel_loop3A_281] {strides = array<i32>} : memref<128x128xf32, #tpu.memory_space<vmem>>, vector<1x16xf32>,
      %parallel_loop3A_283 = vector.shape_cast %parallel_loop3A_282 : vector<1x16xf32> to vector<16xf32>
      %parallel_loop3A_284 = vector.shape_cast %parallel_loop3A_275 : vector<16xf32> to vector<1x16xf32>
      tpu.vector_store %parallel_loop3A_279[%parallel_loop3A_280, %parallel_loop3A_281], %parallel_loop3A_284 {strides = array<i32>} : memref<128x128xf32, #tpu.memory_space<vmem>>, vector<1x16xf32>,
      %parallel_loop3A_285 = arith.constant 0 : i32
      %parallel_loop3A_286 = arith.constant 0 : i32
      %parallel_loop3A_287 = tpu.memref_slice %arg6[%parallel_loop3A_93, %parallel_loop3A_285, %parallel_loop3A_286] : memref<5x128x128xf32, #tpu.memory_space<vmem>> -> memref<1x128x128xf32, #tpu.memory_space<vmem>>
      %parallel_loop3A_288 = tpu.memref_squeeze %parallel_loop3A_287 : memref<1x128x128xf32, #tpu.memory_space<vmem>> -> memref<128x128xf32, #tpu.memory_space<vmem>>
      %parallel_loop3A_289 = arith.index_cast %parallel_loop3A_184 : i32 to index
      %parallel_loop3A_290 = arith.constant 80 : index
      %parallel_loop3A_291 = tpu.vector_load %parallel_loop3A_288[%parallel_loop3A_289, %parallel_loop3A_290] {strides = array<i32>} : memref<128x128xf32, #tpu.memory_space<vmem>>, vector<1x16xf32>,
      %parallel_loop3A_292 = vector.shape_cast %parallel_loop3A_291 : vector<1x16xf32> to vector<16xf32>
      %parallel_loop3A_293 = arith.constant 11.3137083 : f32
      %parallel_loop3A_294 = vector.broadcast %parallel_loop3A_293 : f32 to vector<16xf32>
      %parallel_loop3A_295 = arith.mulf %parallel_loop3A_292, %parallel_loop3A_294 : vector<16xf32>
      %parallel_loop3A_296 = arith.constant 0 : i32
      %parallel_loop3A_297 = arith.constant 0 : i32
      %parallel_loop3A_298 = tpu.memref_slice %arg6[%parallel_loop3A_93, %parallel_loop3A_296, %parallel_loop3A_297] : memref<5x128x128xf32, #tpu.memory_space<vmem>> -> memref<1x128x128xf32, #tpu.memory_space<vmem>>
      %parallel_loop3A_299 = tpu.memref_squeeze %parallel_loop3A_298 : memref<1x128x128xf32, #tpu.memory_space<vmem>> -> memref<128x128xf32, #tpu.memory_space<vmem>>
      %parallel_loop3A_300 = arith.index_cast %parallel_loop3A_184 : i32 to index
      %parallel_loop3A_301 = arith.constant 80 : index
      %parallel_loop3A_302 = tpu.vector_load %parallel_loop3A_299[%parallel_loop3A_300, %parallel_loop3A_301] {strides = array<i32>} : memref<128x128xf32, #tpu.memory_space<vmem>>, vector<1x16xf32>,
      %parallel_loop3A_303 = vector.shape_cast %parallel_loop3A_302 : vector<1x16xf32> to vector<16xf32>
      %parallel_loop3A_304 = vector.shape_cast %parallel_loop3A_295 : vector<16xf32> to vector<1x16xf32>
      tpu.vector_store %parallel_loop3A_299[%parallel_loop3A_300, %parallel_loop3A_301], %parallel_loop3A_304 {strides = array<i32>} : memref<128x128xf32, #tpu.memory_space<vmem>>, vector<1x16xf32>,
      %parallel_loop3A_305 = arith.constant 0 : i32
      %parallel_loop3A_306 = arith.constant 0 : i32
      %parallel_loop3A_307 = tpu.memref_slice %arg6[%parallel_loop3A_93, %parallel_loop3A_305, %parallel_loop3A_306] : memref<5x128x128xf32, #tpu.memory_space<vmem>> -> memref<1x128x128xf32, #tpu.memory_space<vmem>>
      %parallel_loop3A_308 = tpu.memref_squeeze %parallel_loop3A_307 : memref<1x128x128xf32, #tpu.memory_space<vmem>> -> memref<128x128xf32, #tpu.memory_space<vmem>>
      %parallel_loop3A_309 = arith.index_cast %parallel_loop3A_184 : i32 to index
      %parallel_loop3A_310 = arith.constant 96 : index
      %parallel_loop3A_311 = tpu.vector_load %parallel_loop3A_308[%parallel_loop3A_309, %parallel_loop3A_310] {strides = array<i32>} : memref<128x128xf32, #tpu.memory_space<vmem>>, vector<1x16xf32>,
      %parallel_loop3A_312 = vector.shape_cast %parallel_loop3A_311 : vector<1x16xf32> to vector<16xf32>
      %parallel_loop3A_313 = arith.constant 11.3137083 : f32
      %parallel_loop3A_314 = vector.broadcast %parallel_loop3A_313 : f32 to vector<16xf32>
      %parallel_loop3A_315 = arith.mulf %parallel_loop3A_312, %parallel_loop3A_314 : vector<16xf32>
      %parallel_loop3A_316 = arith.constant 0 : i32
      %parallel_loop3A_317 = arith.constant 0 : i32
      %parallel_loop3A_318 = tpu.memref_slice %arg6[%parallel_loop3A_93, %parallel_loop3A_316, %parallel_loop3A_317] : memref<5x128x128xf32, #tpu.memory_space<vmem>> -> memref<1x128x128xf32, #tpu.memory_space<vmem>>
      %parallel_loop3A_319 = tpu.memref_squeeze %parallel_loop3A_318 : memref<1x128x128xf32, #tpu.memory_space<vmem>> -> memref<128x128xf32, #tpu.memory_space<vmem>>
      %parallel_loop3A_320 = arith.index_cast %parallel_loop3A_184 : i32 to index
      %parallel_loop3A_321 = arith.constant 96 : index
      %parallel_loop3A_322 = tpu.vector_load %parallel_loop3A_319[%parallel_loop3A_320, %parallel_loop3A_321] {strides = array<i32>} : memref<128x128xf32, #tpu.memory_space<vmem>>, vector<1x16xf32>,
      %parallel_loop3A_323 = vector.shape_cast %parallel_loop3A_322 : vector<1x16xf32> to vector<16xf32>
      %parallel_loop3A_324 = vector.shape_cast %parallel_loop3A_315 : vector<16xf32> to vector<1x16xf32>
      tpu.vector_store %parallel_loop3A_319[%parallel_loop3A_320, %parallel_loop3A_321], %parallel_loop3A_324 {strides = array<i32>} : memref<128x128xf32, #tpu.memory_space<vmem>>, vector<1x16xf32>,
      %parallel_loop3A_325 = arith.constant 0 : i32
      %parallel_loop3A_326 = arith.constant 0 : i32
      %parallel_loop3A_327 = tpu.memref_slice %arg6[%parallel_loop3A_93, %parallel_loop3A_325, %parallel_loop3A_326] : memref<5x128x128xf32, #tpu.memory_space<vmem>> -> memref<1x128x128xf32, #tpu.memory_space<vmem>>
      %parallel_loop3A_328 = tpu.memref_squeeze %parallel_loop3A_327 : memref<1x128x128xf32, #tpu.memory_space<vmem>> -> memref<128x128xf32, #tpu.memory_space<vmem>>
      %parallel_loop3A_329 = arith.index_cast %parallel_loop3A_184 : i32 to index
      %parallel_loop3A_330 = arith.constant 112 : index
      %parallel_loop3A_331 = tpu.vector_load %parallel_loop3A_328[%parallel_loop3A_329, %parallel_loop3A_330] {strides = array<i32>} : memref<128x128xf32, #tpu.memory_space<vmem>>, vector<1x16xf32>,
      %parallel_loop3A_332 = vector.shape_cast %parallel_loop3A_331 : vector<1x16xf32> to vector<16xf32>
      %parallel_loop3A_333 = arith.constant 11.3137083 : f32
      %parallel_loop3A_334 = vector.broadcast %parallel_loop3A_333 : f32 to vector<16xf32>
      %parallel_loop3A_335 = arith.mulf %parallel_loop3A_332, %parallel_loop3A_334 : vector<16xf32>
      %parallel_loop3A_336 = arith.constant 0 : i32
      %parallel_loop3A_337 = arith.constant 0 : i32
      %parallel_loop3A_338 = tpu.memref_slice %arg6[%parallel_loop3A_93, %parallel_loop3A_336, %parallel_loop3A_337] : memref<5x128x128xf32, #tpu.memory_space<vmem>> -> memref<1x128x128xf32, #tpu.memory_space<vmem>>
      %parallel_loop3A_339 = tpu.memref_squeeze %parallel_loop3A_338 : memref<1x128x128xf32, #tpu.memory_space<vmem>> -> memref<128x128xf32, #tpu.memory_space<vmem>>
      %parallel_loop3A_340 = arith.index_cast %parallel_loop3A_184 : i32 to index
      %parallel_loop3A_341 = arith.constant 112 : index
      %parallel_loop3A_342 = tpu.vector_load %parallel_loop3A_339[%parallel_loop3A_340, %parallel_loop3A_341] {strides = array<i32>} : memref<128x128xf32, #tpu.memory_space<vmem>>, vector<1x16xf32>,
      %parallel_loop3A_343 = vector.shape_cast %parallel_loop3A_342 : vector<1x16xf32> to vector<16xf32>
      %parallel_loop3A_344 = vector.shape_cast %parallel_loop3A_335 : vector<16xf32> to vector<1x16xf32>
      tpu.vector_store %parallel_loop3A_339[%parallel_loop3A_340, %parallel_loop3A_341], %parallel_loop3A_344 {strides = array<i32>} : memref<128x128xf32, #tpu.memory_space<vmem>>, vector<1x16xf32>,
    } {sc.loop_unroll_factor = 8 : i64, sc.parallel_access}
    %add3A_94 = arith.constant 25472 : i32
    %add3A_95 = arith.addi %mul3A_2, %add3A_94 : i32
    %dma_start3A_96 = arith.constant 4 : i32
    %dma_start3A_97 = arith.constant 0 : i32
    %dma_start3A_98 = arith.constant 0 : i32
    %dma_start3A_99 = tpu.memref_slice %arg6[%dma_start3A_96, %dma_start3A_97, %dma_start3A_98] : memref<5x128x128xf32, #tpu.memory_space<vmem>> -> memref<1x128x128xf32, #tpu.memory_space<vmem>>
    %dma_start3A_100 = tpu.memref_squeeze %dma_start3A_99 : memref<1x128x128xf32, #tpu.memory_space<vmem>> -> memref<128x128xf32, #tpu.memory_space<vmem>>
    %dma_start3A_101 = arith.constant 0 : i32
    %dma_start3A_102 = tpu.memref_slice %arg4[%add3A_95, %dma_start3A_101] : memref<819200x128xf32, #tpu.memory_space<hbm>> -> memref<128x128xf32, #tpu.memory_space<hbm>>
    %dma_start3A_103 = arith.constant 0 : i32
    %dma_start3A_104 = tpu.memref_slice %arg4[%add3A_95, %dma_start3A_103] : memref<819200x128xf32, #tpu.memory_space<hbm>> -> memref<128x128xf32, #tpu.memory_space<hbm>>
    %dma_start3A_105 = arith.constant 0 : i32
    %dma_start3A_106 = arith.constant 0 : i32
    %dma_start3A_107 = tpu.memref_slice %arg6[%dma_start3A_96, %dma_start3A_105, %dma_start3A_106] : memref<5x128x128xf32, #tpu.memory_space<vmem>> -> memref<1x128x128xf32, #tpu.memory_space<vmem>>
    %dma_start3A_108 = tpu.memref_squeeze %dma_start3A_107 : memref<1x128x128xf32, #tpu.memory_space<vmem>> -> memref<128x128xf32, #tpu.memory_space<vmem>>
    tpu.enqueue_dma source(%dma_start3A_108 : memref<128x128xf32, #tpu.memory_space<vmem>>) target(%dma_start3A_104 : memref<128x128xf32, #tpu.memory_space<hbm>>) target_semaphore(%arg16 : memref<!tpu.dma_semaphore, #tpu.memory_space<semaphore_mem>>)
    %dma_wait3A_109 = arith.constant 0 : i32
    %dma_wait3A_110 = arith.constant 0 : i32
    %dma_wait3A_111 = arith.constant 0 : i32
    %dma_wait3A_112 = tpu.memref_slice %arg6[%dma_wait3A_109, %dma_wait3A_110, %dma_wait3A_111] : memref<5x128x128xf32, #tpu.memory_space<vmem>> -> memref<1x128x128xf32, #tpu.memory_space<vmem>>
    %dma_wait3A_113 = tpu.memref_squeeze %dma_wait3A_112 : memref<1x128x128xf32, #tpu.memory_space<vmem>> -> memref<128x128xf32, #tpu.memory_space<vmem>>
    %dma_wait3A_114 = arith.constant 0 : i32
    %dma_wait3A_115 = arith.constant 0 : i32
    %dma_wait3A_116 = tpu.memref_slice %arg4[%dma_wait3A_114, %dma_wait3A_115] : memref<819200x128xf32, #tpu.memory_space<hbm>> -> memref<128x128xf32, #tpu.memory_space<hbm>>
    %dma_wait3A_117 = arith.constant 0 : i32
    %dma_wait3A_118 = arith.constant 0 : i32
    %dma_wait3A_119 = tpu.memref_slice %arg6[%dma_wait3A_109, %dma_wait3A_117, %dma_wait3A_118] : memref<5x128x128xf32, #tpu.memory_space<vmem>> -> memref<1x128x128xf32, #tpu.memory_space<vmem>>
    %dma_wait3A_120 = tpu.memref_squeeze %dma_wait3A_119 : memref<1x128x128xf32, #tpu.memory_space<vmem>> -> memref<128x128xf32, #tpu.memory_space<vmem>>
    %dma_wait3A_121 = arith.constant 0 : i32
    %dma_wait3A_122 = arith.constant 0 : i32
    %dma_wait3A_123 = tpu.memref_slice %arg4[%dma_wait3A_121, %dma_wait3A_122] : memref<819200x128xf32, #tpu.memory_space<hbm>> -> memref<128x128xf32, #tpu.memory_space<hbm>>
    tpu.wait_dma2 semaphore(%arg12 : memref<!tpu.dma_semaphore, #tpu.memory_space<semaphore_mem>>) src(%dma_wait3A_123 : memref<128x128xf32, #tpu.memory_space<hbm>>) dst(%dma_wait3A_120 : memref<128x128xf32, #tpu.memory_space<vmem>>)
    %dma_wait3A_124 = arith.constant 1 : i32
    %dma_wait3A_125 = arith.constant 0 : i32
    %dma_wait3A_126 = arith.constant 0 : i32
    %dma_wait3A_127 = tpu.memref_slice %arg6[%dma_wait3A_124, %dma_wait3A_125, %dma_wait3A_126] : memref<5x128x128xf32, #tpu.memory_space<vmem>> -> memref<1x128x128xf32, #tpu.memory_space<vmem>>
    %dma_wait3A_128 = tpu.memref_squeeze %dma_wait3A_127 : memref<1x128x128xf32, #tpu.memory_space<vmem>> -> memref<128x128xf32, #tpu.memory_space<vmem>>
    %dma_wait3A_129 = arith.constant 0 : i32
    %dma_wait3A_130 = arith.constant 0 : i32
    %dma_wait3A_131 = tpu.memref_slice %arg4[%dma_wait3A_129, %dma_wait3A_130] : memref<819200x128xf32, #tpu.memory_space<hbm>> -> memref<128x128xf32, #tpu.memory_space<hbm>>
    %dma_wait3A_132 = arith.constant 0 : i32
    %dma_wait3A_133 = arith.constant 0 : i32
    %dma_wait3A_134 = tpu.memref_slice %arg6[%dma_wait3A_124, %dma_wait3A_132, %dma_wait3A_133] : memref<5x128x128xf32, #tpu.memory_space<vmem>> -> memref<1x128x128xf32, #tpu.memory_space<vmem>>
    %dma_wait3A_135 = tpu.memref_squeeze %dma_wait3A_134 : memref<1x128x128xf32, #tpu.memory_space<vmem>> -> memref<128x128xf32, #tpu.memory_space<vmem>>
    %dma_wait3A_136 = arith.constant 0 : i32
    %dma_wait3A_137 = arith.constant 0 : i32
    %dma_wait3A_138 = tpu.memref_slice %arg4[%dma_wait3A_136, %dma_wait3A_137] : memref<819200x128xf32, #tpu.memory_space<hbm>> -> memref<128x128xf32, #tpu.memory_space<hbm>>
    tpu.wait_dma2 semaphore(%arg13 : memref<!tpu.dma_semaphore, #tpu.memory_space<semaphore_mem>>) src(%dma_wait3A_138 : memref<128x128xf32, #tpu.memory_space<hbm>>) dst(%dma_wait3A_135 : memref<128x128xf32, #tpu.memory_space<vmem>>)
    %dma_wait3A_139 = arith.constant 2 : i32
    %dma_wait3A_140 = arith.constant 0 : i32
    %dma_wait3A_141 = arith.constant 0 : i32
    %dma_wait3A_142 = tpu.memref_slice %arg6[%dma_wait3A_139, %dma_wait3A_140, %dma_wait3A_141] : memref<5x128x128xf32, #tpu.memory_space<vmem>> -> memref<1x128x128xf32, #tpu.memory_space<vmem>>
    %dma_wait3A_143 = tpu.memref_squeeze %dma_wait3A_142 : memref<1x128x128xf32, #tpu.memory_space<vmem>> -> memref<128x128xf32, #tpu.memory_space<vmem>>
    %dma_wait3A_144 = arith.constant 0 : i32
    %dma_wait3A_145 = arith.constant 0 : i32
    %dma_wait3A_146 = tpu.memref_slice %arg4[%dma_wait3A_144, %dma_wait3A_145] : memref<819200x128xf32, #tpu.memory_space<hbm>> -> memref<128x128xf32, #tpu.memory_space<hbm>>
    %dma_wait3A_147 = arith.constant 0 : i32
    %dma_wait3A_148 = arith.constant 0 : i32
    %dma_wait3A_149 = tpu.memref_slice %arg6[%dma_wait3A_139, %dma_wait3A_147, %dma_wait3A_148] : memref<5x128x128xf32, #tpu.memory_space<vmem>> -> memref<1x128x128xf32, #tpu.memory_space<vmem>>
    %dma_wait3A_150 = tpu.memref_squeeze %dma_wait3A_149 : memref<1x128x128xf32, #tpu.memory_space<vmem>> -> memref<128x128xf32, #tpu.memory_space<vmem>>
    %dma_wait3A_151 = arith.constant 0 : i32
    %dma_wait3A_152 = arith.constant 0 : i32
    %dma_wait3A_153 = tpu.memref_slice %arg4[%dma_wait3A_151, %dma_wait3A_152] : memref<819200x128xf32, #tpu.memory_space<hbm>> -> memref<128x128xf32, #tpu.memory_space<hbm>>
    tpu.wait_dma2 semaphore(%arg14 : memref<!tpu.dma_semaphore, #tpu.memory_space<semaphore_mem>>) src(%dma_wait3A_153 : memref<128x128xf32, #tpu.memory_space<hbm>>) dst(%dma_wait3A_150 : memref<128x128xf32, #tpu.memory_space<vmem>>)
    %dma_wait3A_154 = arith.constant 3 : i32
    %dma_wait3A_155 = arith.constant 0 : i32
    %dma_wait3A_156 = arith.constant 0 : i32
    %dma_wait3A_157 = tpu.memref_slice %arg6[%dma_wait3A_154, %dma_wait3A_155, %dma_wait3A_156] : memref<5x128x128xf32, #tpu.memory_space<vmem>> -> memref<1x128x128xf32, #tpu.memory_space<vmem>>
    %dma_wait3A_158 = tpu.memref_squeeze %dma_wait3A_157 : memref<1x128x128xf32, #tpu.memory_space<vmem>> -> memref<128x128xf32, #tpu.memory_space<vmem>>
    %dma_wait3A_159 = arith.constant 0 : i32
    %dma_wait3A_160 = arith.constant 0 : i32
    %dma_wait3A_161 = tpu.memref_slice %arg4[%dma_wait3A_159, %dma_wait3A_160] : memref<819200x128xf32, #tpu.memory_space<hbm>> -> memref<128x128xf32, #tpu.memory_space<hbm>>
    %dma_wait3A_162 = arith.constant 0 : i32
    %dma_wait3A_163 = arith.constant 0 : i32
    %dma_wait3A_164 = tpu.memref_slice %arg6[%dma_wait3A_154, %dma_wait3A_162, %dma_wait3A_163] : memref<5x128x128xf32, #tpu.memory_space<vmem>> -> memref<1x128x128xf32, #tpu.memory_space<vmem>>
    %dma_wait3A_165 = tpu.memref_squeeze %dma_wait3A_164 : memref<1x128x128xf32, #tpu.memory_space<vmem>> -> memref<128x128xf32, #tpu.memory_space<vmem>>
    %dma_wait3A_166 = arith.constant 0 : i32
    %dma_wait3A_167 = arith.constant 0 : i32
    %dma_wait3A_168 = tpu.memref_slice %arg4[%dma_wait3A_166, %dma_wait3A_167] : memref<819200x128xf32, #tpu.memory_space<hbm>> -> memref<128x128xf32, #tpu.memory_space<hbm>>
    tpu.wait_dma2 semaphore(%arg15 : memref<!tpu.dma_semaphore, #tpu.memory_space<semaphore_mem>>) src(%dma_wait3A_168 : memref<128x128xf32, #tpu.memory_space<hbm>>) dst(%dma_wait3A_165 : memref<128x128xf32, #tpu.memory_space<vmem>>)
    %dma_wait3A_169 = arith.constant 4 : i32
    %dma_wait3A_170 = arith.constant 0 : i32
    %dma_wait3A_171 = arith.constant 0 : i32
    %dma_wait3A_172 = tpu.memref_slice %arg6[%dma_wait3A_169, %dma_wait3A_170, %dma_wait3A_171] : memref<5x128x128xf32, #tpu.memory_space<vmem>> -> memref<1x128x128xf32, #tpu.memory_space<vmem>>
    %dma_wait3A_173 = tpu.memref_squeeze %dma_wait3A_172 : memref<1x128x128xf32, #tpu.memory_space<vmem>> -> memref<128x128xf32, #tpu.memory_space<vmem>>
    %dma_wait3A_174 = arith.constant 0 : i32
    %dma_wait3A_175 = arith.constant 0 : i32
    %dma_wait3A_176 = tpu.memref_slice %arg4[%dma_wait3A_174, %dma_wait3A_175] : memref<819200x128xf32, #tpu.memory_space<hbm>> -> memref<128x128xf32, #tpu.memory_space<hbm>>
    %dma_wait3A_177 = arith.constant 0 : i32
    %dma_wait3A_178 = arith.constant 0 : i32
    %dma_wait3A_179 = tpu.memref_slice %arg6[%dma_wait3A_169, %dma_wait3A_177, %dma_wait3A_178] : memref<5x128x128xf32, #tpu.memory_space<vmem>> -> memref<1x128x128xf32, #tpu.memory_space<vmem>>
    %dma_wait3A_180 = tpu.memref_squeeze %dma_wait3A_179 : memref<1x128x128xf32, #tpu.memory_space<vmem>> -> memref<128x128xf32, #tpu.memory_space<vmem>>
    %dma_wait3A_181 = arith.constant 0 : i32
    %dma_wait3A_182 = arith.constant 0 : i32
    %dma_wait3A_183 = tpu.memref_slice %arg4[%dma_wait3A_181, %dma_wait3A_182] : memref<819200x128xf32, #tpu.memory_space<hbm>> -> memref<128x128xf32, #tpu.memory_space<hbm>>
    tpu.wait_dma2 semaphore(%arg16 : memref<!tpu.dma_semaphore, #tpu.memory_space<semaphore_mem>>) src(%dma_wait3A_183 : memref<128x128xf32, #tpu.memory_space<hbm>>) dst(%dma_wait3A_180 : memref<128x128xf32, #tpu.memory_space<vmem>>)
    return
  }
}

</mosaic_0001>

<sc_bundles>
// kernel: kernel.3.cloned.1.call-start
scs
__scs_entry_jumppad:
0x0: {  	(pc) =	sbr.rel $0x88, $3  }
0x1: {  	(tag) =	ssettag $0x0;
	lr =	simm.s32 $0x1  }
0x2: {  	[smem:$0x3F9F] =	sst lr;
	_ =	strace $0xD0000000  }
0x3: {  	_ = 	snop  }
0x4: {  	_ = 	snop  }
0x5: {  	_ = 	snop  }
0x6: {  	_ = 	snop  }
0x7: {  	_ = 	snop  }
__scs_overlays_trampoline_lowered:
0x8: {  	[smem:$0x3FAE] =	sst s0  }
0x9: {  	[smem:$0x3FAF] =	sst s1  }
0xa: {  	[smem:$0x3FB0] =	sst s2  }
0xb: {  	[smem:$0x3FB1] =	sst s3  }
0xc: {  	[smem:$0x3FB2] =	sst s4  }
0xd: {  	[smem:$0x3FB3] =	sst s5  }
0xe: {  	[smem:$0x3FB4] =	sst s6  }
0xf: {  	[smem:$0x3FB5] =	sst s7  }
0x10: {  	[smem:$0x3FB6] =	sst s8  }
0x11: {  	[smem:$0x3FB7] =	sst s9;
	s0 =	simm.s32 @!p0 $0x0  }
0x12: {  	s1 =	sld [smem:$0x3F9D];
	s0 =	simm.s32 @p0 $0x1  }
0x13: {  	[smem:$0x3FB8] =	sst s0;
	s0 =	simm.s32 @!p1 $0x0  }
0x14: {  	s2 =	sld [smem:$0x3F9C];
	s0 =	simm.s32 @p1 $0x1  }
0x15: {  	[smem:$0x3FB9] =	sst s0;
	s0 =	simm.s32 @!p2 $0x0  }
0x16: {  	s3 =	sld [smem:$0x3FDB];
	s0 =	simm.s32 @p2 $0x1  }
0x17: {  	s4 =	simm.s32 $0x1BF5;
	[smem:$0x3FBB] =	sst s0  }
0x18: {  	s0 =	sld [smem:$0x3F9E];
	_ =	swait.ge [sflag:s4], $0x0  }
0x19: {  	s7 =	sld [smem:$0x3F9F]  }
0x1a: {  	s8 =	sadd.s32 $0xFFFFE003, lr  }
0x1b: {  	s9 =	sadd.s32 $0xFFFFFEF7, lr;
	s5 =	simm.s32 $0xFFFFFFFF;
	p2 =	slt.u32 s8, $0xFFFFF086  }
0x1c: {  	p1 =	slt.u32 s9, $0xF7A;
	s5 =	simm.s32 @!p2 $0x0  }
0x1d: {  	s5 =	simm.s32 @p1 $0x1;
	p0 =	seq.s32 s7, s2  }
0x1e: {  	s7 =	smul.u32 @!p0 $0xF7A, s2;
	p2 =	seq.s32 @!p0 s5, $0x0  }
0x1f: {  	s9 =	smul.u32 $0xF7A, s1;
	s8 =	simm.s32 @!p0 $0x1BF5;
	p2 =	por !p2, p0  }
0x20: {  	[sflag:s8] =	ssyncset.s32 @!p0 $0xFFFFF086;
	s6 =	sadd.s32 @!p0 s3, s7;
	s7 =	simm.s32 @!p0 $0x108  }
0x21: {  	s3 =	sadd.s32 s3, s9;
	s6 =	sadd.s32 @!p0 $0x88, s6;
	s7 =	simm.s32 @p2 $0x1082  }
0x22: {  	[simem:s7], [sflag:s8] =	dma.local @!p0 [hbm:s6], $0xF7A  }
0x23: {  	s9 =	sor.u32 $0xD0000000, s2;
	s6 =	simm.s32 $0x108;
	_ =	swait.ge @!p0 [sflag:s8], $0x0  }
0x24: {  	s3 =	sadd.s32 $0x88, s3;
	s6 =	simm.s32 @!p1 $0x1082;
	[sflag:s4] =	ssyncset.s32 $0xFFFFF086  }
0x25: {  	[simem:s6], [sflag:s4] =	dma.local [hbm:s3], $0xF7A  }
0x26: {  	[smem:$0x3F9F] =	sst s1;
	(tag) =	ssettag s2;
	_ =	strace s9  }
0x27: {  	s1 =	sld [smem:$0x3FAF]  }
0x28: {  	s2 =	sld [smem:$0x3FB0]  }
0x29: {  	s4 =	sld [smem:$0x3FB2]  }
0x2a: {  	p0 =	seq.s32 s5, $0x0;
	s5 =	sld [smem:$0x3FB3]  }
0x2b: {  	s6 =	sld [smem:$0x3FB4]  }
0x2c: {  	s7 =	sld [smem:$0x3FB5]  }
0x2d: {  	s3 =	simm.s32 $0x108;
	s8 =	sld [smem:$0x3FB6]  }
0x2e: {  	s3 =	simm.s32 @!p0 $0x1082;
	s9 =	sld [smem:$0x3FB7]  }
0x2f: {  	lr =	sadd.s32 s0, s3;
	s0 =	sld [smem:$0x3FAE]  }
0x30: {  	s3 =	sld [smem:$0x3FB1]  }
0x31: {  	[smem:$0x3FBA] =	sst s10  }
0x32: {  	s10 =	sld [smem:$0x3FB8];
	_ =	sdelay $0x3  }
0x33: {  	p0 =	seq.s32 s10, $0x1;
	s10 =	sld [smem:$0x3FBA];
	_ =	sdelay $0x3  }
0x34: {  	[smem:$0x3FBA] =	sst s10  }
0x35: {  	s10 =	sld [smem:$0x3FB9];
	_ =	sdelay $0x3  }
0x36: {  	p1 =	seq.s32 s10, $0x1;
	s10 =	sld [smem:$0x3FBA];
	_ =	sdelay $0x3  }
0x37: {  	[smem:$0x3FBA] =	sst s10  }
0x38: {  	s10 =	sld [smem:$0x3FBB]  }
0x39: {  	_ = 	snop;
	(pc) =	sbr.ind lr, $3  }
0x3a: {  	_ = 	snop  }
0x3b: {  	_ = 	snop  }
0x3c: {  	p2 =	seq.s32 s10, $0x1;
	s10 =	sld [smem:$0x3FBA]  }
0x3d: {  	_ =	shalt  }
0x3e: {  	_ =	shalt  }
0x3f: {  	_ =	shalt  }
0x40: {  	_ =	shalt  }
0x41: {  	_ =	shalt  }
0x42: {  	_ =	shalt  }
0x43: {  	_ =	shalt  }
0x44: {  	_ =	shalt  }
0x45: {  	_ =	shalt  }
0x46: {  	_ =	shalt  }
0x47: {  	_ =	shalt  }
0x48: {  	_ =	shalt  }
0x49: {  	_ =	shalt  }
0x4a: {  	_ =	shalt  }
0x4b: {  	_ =	shalt  }
0x4c: {  	_ =	shalt  }
0x4d: {  	_ =	shalt  }
0x4e: {  	_ =	shalt  }
0x4f: {  	_ =	shalt  }
0x50: {  	_ =	shalt  }
0x51: {  	_ =	shalt  }
0x52: {  	_ =	shalt  }
0x53: {  	_ =	shalt  }
0x54: {  	_ =	shalt  }
0x55: {  	_ =	shalt  }
0x56: {  	_ =	shalt  }
0x57: {  	_ =	shalt  }
0x58: {  	_ =	shalt  }
0x59: {  	_ =	shalt  }
0x5a: {  	_ =	shalt  }
0x5b: {  	_ =	shalt  }
0x5c: {  	_ =	shalt  }
0x5d: {  	_ =	shalt  }
0x5e: {  	_ =	shalt  }
0x5f: {  	_ =	shalt  }
0x60: {  	_ =	shalt  }
0x61: {  	_ =	shalt  }
0x62: {  	_ =	shalt  }
0x63: {  	_ =	shalt  }
0x64: {  	_ =	shalt  }
0x65: {  	_ =	shalt  }
0x66: {  	_ =	shalt  }
0x67: {  	_ =	shalt  }
0x68: {  	_ =	shalt  }
0x69: {  	_ =	shalt  }
0x6a: {  	_ =	shalt  }
0x6b: {  	_ =	shalt  }
0x6c: {  	_ =	shalt  }
0x6d: {  	_ =	shalt  }
0x6e: {  	_ =	shalt  }
0x6f: {  	_ =	shalt  }
0x70: {  	_ =	shalt  }
0x71: {  	_ =	shalt  }
0x72: {  	_ =	shalt  }
0x73: {  	_ =	shalt  }
0x74: {  	_ =	shalt  }
0x75: {  	_ =	shalt  }
0x76: {  	_ =	shalt  }
0x77: {  	_ =	shalt  }
0x78: {  	_ =	shalt  }
0x79: {  	_ =	shalt  }
0x7a: {  	_ =	shalt  }
0x7b: {  	_ =	shalt  }
0x7c: {  	_ =	shalt  }
0x7d: {  	_ =	shalt  }
0x7e: {  	_ =	shalt  }
0x7f: {  	_ =	shalt  }
0x80: {  	_ =	shalt  }
0x81: {  	_ =	shalt  }
0x82: {  	_ =	shalt  }
0x83: {  	_ =	shalt  }
0x84: {  	_ =	shalt  }
0x85: {  	_ =	shalt  }
0x86: {  	_ =	shalt  }
0x87: {  	_ =	shalt  }
.Lfunc_end0:
.L_simem_size_0:
called_computation_lowered:
.L_overlay_start_0:
0x88: {  	s2 =	sld [smem:$0x3FD9]  }
0x89: {  	s3 =	sld [smem:$0x3FFE];
	_ =	sdelay $0x1  }
0x8a: {  	s1 =	srdreg.scid  }
0x8b: {  	s0 =	sand.u32 $0x1, s1  }
0x8c: {  	s17 =	sshll.u32 s0, $0xA;
	s2 =	sadd.s32 s3, s2  }
0x8d: {  	s2 =	sadd.s32 s2, s17  }
0x8e: {  	[smem:$0x3FC6] =	sst s2  }
0x8f: {  	_ = 	snop  }
0x90: {  	s2 =	sld [smem:$0x3FC8]  }
0x91: {  	s18 =	sld [smem:$0x3FD0];
	(tm) =	ssettm $0x1  }
0x92: {  	s4 =	sld [smem:$0x3FFB];
	_ =	sdelay $0x3  }
0x93: {  	_ =	strace s4  }
0x94: {  	s4 =	sld [smem:$0x3FFC];
	_ =	sdelay $0x3  }
0x95: {  	_ =	strace s4  }
0x96: {  	s4 =	sld [smem:$0x3FFD];
	_ =	sdelay $0x3  }
0x97: {  	_ =	strace s4  }
0x98: {  	_ =	strace $0x8FFFFFFF  }
0x99: {  	s19 =	sld [smem:$0x3FDB];
	_ =	sdelay $0x1  }
0x9a: {  	s5 =	simm.s32 $_scs_section_size  }
0x9b: {  	s6 =	simm.s32 $_size__tile_overlayer_lowered;
	s7 =	simm.s32 $_tile_overlayer_lowered  }
0x9c: {  	s22 =	simm.s32 $0x1BFF;
	s21 =	sshll.u32 s7, $0x1;
	s4 =	sadd.s32 s5, s19  }
0x9d: {  	s8 =	simm.s32 $0x0;
	s20 =	sshll.u32 s6, $0x1;
	s6 =	sadd.s32 s21, s4  }
0x9e: {  	[timem:s8], [sflag:s22] =	dma.local [hbm:s6], s20  }
0x9f: {  	_ =	swait.ge [sflag:s22], s20  }
0xa0: {  	s5 =	ssub.s32 $0x0, s20;
	[sflag:s22] =	ssyncset.done $0x0  }
0xa1: {  	[sflag:s22] =	ssyncadd.s32 s5;
	_ =	sdelay $0x1  }
0xa2: {  	s23 =	simm.s32 $0x1B8B  }
0xa3: {  	_ =	swait.ge [sflag:s23], $0x1  }
0xa4: {  	[sflag:s23] =	ssyncset.done $0x0  }
0xa5: {  	s25 =	simm.s32 $0x1B8E;
	s24 =	sld [smem:$0x3FFE];
	[sflag:s23] =	ssyncadd.s32 $0xFFFFFFFF  }
0xa6: {  	s26 =	simm.s32 $execute0_lowered;
	[smem:$0x3FD2] =	sst s25  }
0xa7: {  	s6 =	sshll.u32 s26, $0x1;
	_ =	strace $0x80000046;
	[dreg:$0x1] =	wrdreg $0xFFFFFFFF  }
0xa8: {  	s28 =	simm.s32 $_size_execute0_lowered;
	s4 =	sadd.s32 s4, s6;
	[dreg:$0x0] =	wrdreg $0x0  }
0xa9: {  	s6 =	sshll.u32 s28, $0x1;
	[dreg:$0x2] =	wrdreg s4  }
0xaa: {  	[dreg:$0x3] =	wrdreg s6  }
0xab: {  	[dreg:$0x4] =	wrdreg $0xC0  }
0xac: {  	_ =	task [dreg:s8], $0x5FFFF  }
0xad: {  	[dreg:$0x1] =	wrdreg $0xFFFFFFFF  }
0xae: {  	[dreg:$0x0] =	wrdreg $0x60  }
0xaf: {  	[dreg:$0x2] =	wrdreg s2  }
0xb0: {  	[dreg:$0x3] =	wrdreg s24  }
0xb1: {  	[dreg:$0x4] =	wrdreg s18  }
0xb2: {  	[dreg:$0x5] =	wrdreg $0x9  }
0xb3: {  	_ =	task.clear_ibuf [dreg:s8], $0x6FFFF;
	_ =	strace $0x90000046  }
0xb4: {  	s29 =	simm.s32 $0x9;
	_ =	strace $0x80000048  }
0xb5: {  	_ =	swait.ge [sflag:s29], $0x1  }
0xb6: {  	[sflag:s29] =	ssyncadd.s32 $0xFFFFFFFF  }
0xb7: {  	_ =	strace $0x90000048  }
0xb8: {  	_ =	sfence  }
0xb9: {  	s30 =	sld [smem:$0x0];
	_ =	sdelay $0x2  }
0xba: {  	s31 =	sshll.u32 s1, $0xD;
	s1 =	sshrl.u32 s1, $0x2  }
0xbb: {  	s3 =	sand.u32 $0x4000, s31;
	s1 =	sadd.s32 s1, s30  }
0xbc: {  	s0 =	sor.u32 s3, s0;
	s1 =	sshll.u32 s1, $0x11  }
0xbd: {  	s0 =	sor.u32 s1, s0  }
0xbe: {  	s0 =	sadd.s32 $0x8F2B, s0  }
0xbf: {  	[sflag:s0] =	ssyncadd.remote.s32 $0x1  }
0xc0: {  	_ =	sfence.sel $0xFFFF  }
0xc1: {  	[dreg:$0x0] =	wrdreg $0xFFFFFFFF;
	(pc) =	sbr.abs _section_cstart, $3  }
0xc2: {  	[dreg:$0x1] =	wrdreg $0xFFFFFFFF  }
0xc3: {  	_ =	task.clear_ibuf [dreg:s8], $0x2FFFF;
	_ =	strace $0x9FFFFFFF  }
0xc4: {  	(tm) =	ssettm $0x7FFFFFFF  }
0xc5: {  	_ =	shalt  }
tec
execute0_lowered:
.L_overlay_start_1:
0x0: {  	(tag) =	ssettag $0x1  }
0x1: {  	s1 =	rddreg [dreg:$0x0]  }
0x2: {  	s0 =	rddreg [dreg:$0x1]  }
0x3: {  	s2 =	srdreg.scid;
	s4 =	stileid.u32  }
0x4: {  	s3 =	rddreg [dreg:$0x2];
	s15 =	simm.s32 $0x6400;
	s16 =	simm.s32 $0xA400  }
0x5: {  	s18 =	simm.s32 $0xE400;
	s19 =	simm.s32 $0x80;
	s20 =	simm.s32 $0x12400  }
0x6: {  	s21 =	simm.s32 $0x1;
	s28 =	simm.s32 $0x6;
	s29 =	simm.s32 $0x7  }
0x7: {  	s30 =	simm.s32 $0x8;
	s2 =	sand.u32 $0x1, s2;
	s5 =	sshll.u32 s4, $0x1  }
0x8: {  	s31 =	simm.s32 $0x9;
	s4 =	simm.s32 $0x0;
	s5 =	sor.u32 s2, s5  }
0x9: {  	[smem:$0x7FF] =	sst s4;
	s2 =	ssub.s32 $0x2, s2;
	s6 =	smul.u32 $0xC80, s5  }
0xa: {  	_ =	strace $0x80000047;
	s7 =	smul.u32 $0x320000, s5;
	s22 =	sshrl.u32 s2, $0x1  }
0xb: {  	s5 =	smul.u32 $0x6400, s5;
	s2 =	ssub.s32 s2, s22;
	s0 =	sadd.s32 s6, s0  }
0xc: {  	s22 =	simm.s32 $0x16400;
	s23 =	sshrl.u32 s7, $0x3;
	s0 =	sadd.s32 $0x400, s0  }
0xd: {  	s26 =	smax.u32 s2, $0x1;
	[dreg:$0x4] =	wrdreg s0;
	s0 =	sadd.s32 s3, s23  }
0xe: {  	s7 =	sadd.s32 $0xFFFFFE80, s5;
	[dreg:$0x8] =	wrdreg s26;
	s24 =	sadd.s32 $0x62800, s0  }
0xf: {  	s8 =	sadd.s32 $0xFFFFFF00, s5;
	s25 =	sadd.s32 $0x63000, s0;
	[dreg:$0x5] =	wrdreg s24  }
0x10: {  	s9 =	sadd.s32 $0xFFFFFF80, s5;
	s0 =	sadd.s32 $0x63800, s0;
	[dreg:$0x6] =	wrdreg s25  }
0x11: {  	s26 =	simm.s32 $0x5;
	s23 =	simm.s32 $0x2;
	[dreg:$0x7] =	wrdreg s0  }
0x12: {  	s24 =	simm.s32 $0x3;
	s25 =	simm.s32 $0x4;
	s0 =	simm.s32 $0x0  }
.LBB2_1:
0x13: {  	s2 =	rddreg [dreg:$0x4];
	s17 =	simm.s32 $0xB  }
0x14: {  	[tilespmem:s4], [sflag:$0xB] =	stream.linear.gather [hbm4b:s2+s4], $0x6400, $0x38;
	[tilespmem:$0x1A400] =	vst v63  }
0x15: {  	_ =	swait.ge [sflag:s17], $0x6400  }
0x16: {  	[sflag:s17] =	ssyncset.done $0x0  }
0x17: {  	s6 =	simm.s32 $0x0;
	[sflag:s17] =	ssyncadd.s32 $0xFFFF9C00  }
.LBB2_2:
0x18: {  	p0 =	seq.s32 s6, $0x0  }
.Ltmp0:
0x19: {  	_ = 	snop;
	(pc) =	sbr.rel @p0 .LBB2_23-.Ltmp0, $1  }
0x1a: {  	_ =	sdelay $0x3  }
0x1b: {  	_ =	swait.ge [sflag:s28], $0x4000;
	s11 =	smul.u32 $0xA00, s6  }
0x1c: {  	[sflag:s28] =	ssyncset.done $0x0  }
0x1d: {  	[sflag:s28] =	ssyncadd.s32 $0xFFFFC000;
	s13 =	sshra.s32 s11, $0x2  }
0x1e: {  	[tilespmem:s15], [sflag:$0x1] =	stream.indirect.gather [hbm4b:s1+s19], $0x80, s13, s19, $0xb8;
	[tilespmem:$0x1A400] =	vst v63  }
0x1f: {  	_ =	swait.ge [sflag:s24], $0x4000  }
0x20: {  	[sflag:s24] =	ssyncset.done $0x0  }
0x21: {  	s10 =	simm.s32 $0xE400;
	[sflag:s24] =	ssyncadd.s32 $0xFFFFC000  }
0x22: {  	v0 =	vld [tilespmem:s10+$0x3F0]  }
0x23: {  	v1 =	vld [tilespmem:s10+$0x10]  }
0x24: {  	v2 =	vld [tilespmem:s10+$0x20]  }
0x25: {  	v11 =	vld [tilespmem:s10+$0xB0]  }
0x26: {  	v8 =	vld [tilespmem:s10+$0x80]  }
0x27: {  	v4 =	vld [tilespmem:s10+$0x40];
	v0 =	vmul.f32 $1.131370830e+01, v0  }
0x28: {  	v3 =	vld [tilespmem:s10+$0x30];
	v1 =	vmul.f32 $1.131370830e+01, v1  }
0x29: {  	v6 =	vld [tilespmem:s10+$0x60];
	v2 =	vmul.f32 $1.131370830e+01, v2;
	[tilespmem:s10+$0x3F0] =	vst v0  }
0x2a: {  	v5 =	vld [tilespmem:s10+$0x50];
	v60 =	vmul.f32 $1.131370830e+01, v11;
	[tilespmem:s10+$0x10] =	vst v1  }
0x2b: {  	v9 =	vld [tilespmem:s10+$0x90];
	v0 =	vmul.f32 $1.131370830e+01, v8;
	[tilespmem:s10+$0x20] =	vst v2  }
0x2c: {  	v1 =	vld [tilespmem:s10+$0xE0];
	v2 =	vmul.f32 $1.131370830e+01, v4;
	[tilespmem:s10+$0xB0] =	vst v60  }
0x2d: {  	v7 =	vld [tilespmem:s10+$0x70];
	[tilespmem:s10+$0x80] =	vst v0;
	v0 =	vmul.f32 $1.131370830e+01, v3  }
0x2e: {  	v4 =	vld [tilespmem:s10+$0x100];
	[tilespmem:s10+$0x40] =	vst v2;
	v2 =	vmul.f32 $1.131370830e+01, v6  }
0x2f: {  	v3 =	vld [tilespmem:s10+$0xF0];
	[tilespmem:s10+$0x30] =	vst v0;
	v0 =	vmul.f32 $1.131370830e+01, v5  }
0x30: {  	v12 =	vld [tilespmem:s10+$0xC0];
	[tilespmem:s10+$0x60] =	vst v2;
	v2 =	vmul.f32 $1.131370830e+01, v9  }
0x31: {  	v10 =	vld [tilespmem:s10+$0xA0];
	v1 =	vmul.f32 $1.131370830e+01, v1;
	[tilespmem:s10+$0x50] =	vst v0  }
0x32: {  	v6 =	vld [tilespmem:s10+$0x120];
	v0 =	vmul.f32 $1.131370830e+01, v7;
	[tilespmem:s10+$0x90] =	vst v2  }
0x33: {  	v8 =	vld [tilespmem:s10+$0xD0];
	v2 =	vmul.f32 $1.131370830e+01, v4;
	[tilespmem:s10+$0xE0] =	vst v1  }
0x34: {  	v5 =	vld [tilespmem:s10+$0x110];
	v3 =	vmul.f32 $1.131370830e+01, v3;
	[tilespmem:s10+$0x70] =	vst v0  }
0x35: {  	v59 =	vld [tilespmem:s10+$0x140];
	[tilespmem:s10+$0x100] =	vst v2;
	v2 =	vmul.f32 $1.131370830e+01, v12  }
0x36: {  	v7 =	vld [tilespmem:s10+$0x130];
	v0 =	vmul.f32 $1.131370830e+01, v10;
	[tilespmem:s10+$0xF0] =	vst v3  }
0x37: {  	v3 =	vmul.f32 $1.131370830e+01, v6;
	[tilespmem:s10+$0xC0] =	vst v2;
	v2 =	vld [tilespmem:s10+$0x180]  }
0x38: {  	v8 =	vmul.f32 $1.131370830e+01, v8;
	[tilespmem:s10+$0xA0] =	vst v0;
	v0 =	vld [tilespmem:s10+$0x160]  }
0x39: {  	v1 =	vmul.f32 $1.131370830e+01, v5;
	[tilespmem:s10+$0x120] =	vst v3;
	v3 =	vld [tilespmem:s10+$0x1D0]  }
0x3a: {  	v9 =	vmul.f32 $1.131370830e+01, v59;
	v4 =	vld [tilespmem:s10+$0x150];
	[tilespmem:s10+$0xD0] =	vst v8  }
0x3b: {  	v8 =	vld [tilespmem:s10+$0x190];
	[tilespmem:s10+$0x110] =	vst v1;
	v1 =	vmul.f32 $1.131370830e+01, v7  }
0x3c: {  	v61 =	vld [tilespmem:s10+$0x170];
	[tilespmem:s10+$0x140] =	vst v9;
	v2 =	vmul.f32 $1.131370830e+01, v2  }
0x3d: {  	v6 =	vld [tilespmem:s10+$0x1B0];
	[tilespmem:s10+$0x130] =	vst v1;
	v0 =	vmul.f32 $1.131370830e+01, v0  }
0x3e: {  	v5 =	vld [tilespmem:s10+$0x1A0];
	v3 =	vmul.f32 $1.131370830e+01, v3;
	[tilespmem:s10+$0x180] =	vst v2  }
0x3f: {  	v62 =	vld [tilespmem:s10+$0x200];
	v2 =	vmul.f32 $1.131370830e+01, v4;
	[tilespmem:s10+$0x160] =	vst v0  }
0x40: {  	v7 =	vld [tilespmem:s10+$0x1C0];
	v0 =	vmul.f32 $1.131370830e+01, v8;
	[tilespmem:s10+$0x1D0] =	vst v3  }
0x41: {  	v1 =	vld [tilespmem:s10+$0x1E0];
	[tilespmem:s10+$0x150] =	vst v2;
	v2 =	vmul.f32 $1.131370830e+01, v61  }
0x42: {  	v4 =	vld [tilespmem:s10+$0x1F0];
	[tilespmem:s10+$0x190] =	vst v0;
	v0 =	vmul.f32 $1.131370830e+01, v6  }
0x43: {  	v8 =	vld [tilespmem:s10+$0x210];
	[tilespmem:s10+$0x170] =	vst v2;
	v2 =	vmul.f32 $1.131370830e+01, v5  }
0x44: {  	v5 =	vld [tilespmem:s10+$0x220];
	[tilespmem:s10+$0x1B0] =	vst v0;
	v0 =	vmul.f32 $1.131370830e+01, v62  }
0x45: {  	v6 =	vld [tilespmem:s10+$0x230];
	[tilespmem:s10+$0x1A0] =	vst v2;
	v2 =	vmul.f32 $1.131370830e+01, v7  }
0x46: {  	v7 =	vld [tilespmem:s10+$0x240];
	[tilespmem:s10+$0x200] =	vst v0;
	v0 =	vmul.f32 $1.131370830e+01, v1  }
0x47: {  	v63 =	vld [tilespmem:s10+$0x250];
	v1 =	vmul.f32 $1.131370830e+01, v4;
	[tilespmem:s10+$0x1C0] =	vst v2  }
0x48: {  	v4 =	vld [tilespmem:s10+$0x280];
	[tilespmem:s10+$0x1E0] =	vst v0;
	v0 =	vmul.f32 $1.131370830e+01, v8  }
0x49: {  	v2 =	vld [tilespmem:s10+$0x260];
	[tilespmem:s10+$0x1F0] =	vst v1;
	v1 =	vmul.f32 $1.131370830e+01, v5  }
0x4a: {  	v3 =	vld [tilespmem:s10+$0x270];
	[tilespmem:s10+$0x210] =	vst v0;
	v0 =	vmul.f32 $1.131370830e+01, v6  }
0x4b: {  	v5 =	vld [tilespmem:s10+$0x290];
	[tilespmem:s10+$0x220] =	vst v1;
	v1 =	vmul.f32 $1.131370830e+01, v7  }
0x4c: {  	v6 =	vld [tilespmem:s10+$0x2A0];
	[tilespmem:s10+$0x230] =	vst v0;
	v0 =	vmul.f32 $1.131370830e+01, v63  }
0x4d: {  	v7 =	vld [tilespmem:s10+$0x2B0];
	[tilespmem:s10+$0x240] =	vst v1;
	v1 =	vmul.f32 $1.131370830e+01, v4  }
0x4e: {  	v8 =	vld [tilespmem:s10+$0x2C0];
	v2 =	vmul.f32 $1.131370830e+01, v2;
	[tilespmem:s10+$0x250] =	vst v0  }
0x4f: {  	v4 =	vld [tilespmem:s10+$0x2D0];
	[tilespmem:s10+$0x280] =	vst v1;
	v1 =	vmul.f32 $1.131370830e+01, v3  }
0x50: {  	v0 =	vld [tilespmem:s10+$0x2E0];
	[tilespmem:s10+$0x260] =	vst v2;
	v2 =	vmul.f32 $1.131370830e+01, v5  }
0x51: {  	v3 =	vld [tilespmem:s10+$0x2F0];
	[tilespmem:s10+$0x270] =	vst v1;
	v1 =	vmul.f32 $1.131370830e+01, v6  }
0x52: {  	v5 =	vld [tilespmem:s10+$0x300];
	[tilespmem:s10+$0x290] =	vst v2;
	v2 =	vmul.f32 $1.131370830e+01, v7  }
0x53: {  	v6 =	vld [tilespmem:s10+$0x310];
	[tilespmem:s10+$0x2A0] =	vst v1;
	v1 =	vmul.f32 $1.131370830e+01, v8  }
0x54: {  	v7 =	vld [tilespmem:s10+$0x320];
	[tilespmem:s10+$0x2B0] =	vst v2;
	v2 =	vmul.f32 $1.131370830e+01, v4  }
0x55: {  	v4 =	vld [tilespmem:s10+$0x330];
	v0 =	vmul.f32 $1.131370830e+01, v0;
	[tilespmem:s10+$0x2C0] =	vst v1  }
0x56: {  	v3 =	vmul.f32 $1.131370830e+01, v3;
	v1 =	vld [tilespmem:s10+$0x340];
	[tilespmem:s10+$0x2D0] =	vst v2  }
0x57: {  	v2 =	vmul.f32 $1.131370830e+01, v5;
	v5 =	vld [tilespmem:s10+$0x350];
	[tilespmem:s10+$0x2E0] =	vst v0  }
0x58: {  	v0 =	vld [tilespmem:s10+$0x360];
	v6 =	vmul.f32 $1.131370830e+01, v6;
	[tilespmem:s10+$0x2F0] =	vst v3  }
0x59: {  	v3 =	vld [tilespmem:s10+$0x370];
	[tilespmem:s10+$0x300] =	vst v2;
	v2 =	vmul.f32 $1.131370830e+01, v7  }
0x5a: {  	[tilespmem:s10+$0x310] =	vst v6;
	v4 =	vmul.f32 $1.131370830e+01, v4;
	v6 =	vld [tilespmem:s10+$0x380]  }
0x5b: {  	v7 =	vld [tilespmem:s10+$0x390];
	[tilespmem:s10+$0x320] =	vst v2;
	v1 =	vmul.f32 $1.131370830e+01, v1  }
0x5c: {  	v8 =	vld [tilespmem:s10+$0x3A0];
	[tilespmem:s10+$0x330] =	vst v4;
	v2 =	vmul.f32 $1.131370830e+01, v5  }
0x5d: {  	v4 =	vmul.f32 $1.131370830e+01, v0;
	v0 =	vld [tilespmem:s10+$0x3B0];
	[tilespmem:s10+$0x340] =	vst v1  }
0x5e: {  	v3 =	vmul.f32 $1.131370830e+01, v3;
	[tilespmem:s10+$0x350] =	vst v2;
	v1 =	vld [tilespmem:s10+$0x3C0]  }
0x5f: {  	[tilespmem:s10+$0x360] =	vst v4;
	v2 =	vld [tilespmem:s10+$0x3D0];
	v6 =	vmul.f32 $1.131370830e+01, v6  }
0x60: {  	v5 =	vmul.f32 $1.131370830e+01, v7;
	[tilespmem:s10+$0x370] =	vst v3;
	v3 =	vld [tilespmem:s10+$0x3E0]  }
0x61: {  	s12 =	simm.s32 $0x0;
	s2 =	simm.s32 $0xE800;
	v4 =	vld [tilespmem:s10+$0x0];
	[tilespmem:s10+$0x380] =	vst v6;
	v6 =	vmul.f32 $1.131370830e+01, v8  }
.LBB2_4:
0x62: {  	v7 =	vld [tilespmem:s2+$0x3F0];
	s12 =	sadd.s32 $0x8, s12;
	[tilespmem:s10+$0x390] =	vst v5;
	v0 =	vmul.f32 $1.131370830e+01, v0  }
0x63: {  	v5 =	vld [tilespmem:s2+$0x10];
	p1 =	slt.u32 s12, $0x78;
	[tilespmem:s10+$0x3A0] =	vst v6;
	v1 =	vmul.f32 $1.131370830e+01, v1  }
0x64: {  	v6 =	vld [tilespmem:s2+$0x20];
	[tilespmem:s10+$0x3B0] =	vst v0;
	v0 =	vmul.f32 $1.131370830e+01, v2  }
0x65: {  	v2 =	vld [tilespmem:s2+$0x30];
	[tilespmem:s10+$0x3C0] =	vst v1;
	v1 =	vmul.f32 $1.131370830e+01, v3  }
0x66: {  	v3 =	vld [tilespmem:s2+$0x40];
	v4 =	vmul.f32 $1.131370830e+01, v4;
	[tilespmem:s10+$0x3D0] =	vst v0  }
0x67: {  	v0 =	vld [tilespmem:s2+$0x50];
	v7 =	vmul.f32 $1.131370830e+01, v7;
	[tilespmem:s10+$0x3E0] =	vst v1  }
0x68: {  	v1 =	vmul.f32 $1.131370830e+01, v5;
	v5 =	vld [tilespmem:s2+$0x60];
	[tilespmem:s10+$0x0] =	vst v4;
	s10 =	smov.u32 s2  }
0x69: {  	v4 =	vmul.f32 $1.131370830e+01, v6;
	v6 =	vld [tilespmem:s2+$0x70];
	[tilespmem:s2+$0x3F0] =	vst v7  }
0x6a: {  	[tilespmem:s2+$0x10] =	vst v1;
	v1 =	vmul.f32 $1.131370830e+01, v2;
	v2 =	vld [tilespmem:s2+$0x80]  }
0x6b: {  	[tilespmem:s2+$0x20] =	vst v4;
	v3 =	vmul.f32 $1.131370830e+01, v3;
	v4 =	vld [tilespmem:s2+$0x90]  }
0x6c: {  	[tilespmem:s2+$0x30] =	vst v1;
	v0 =	vmul.f32 $1.131370830e+01, v0;
	v1 =	vld [tilespmem:s2+$0xA0]  }
0x6d: {  	[tilespmem:s2+$0x40] =	vst v3;
	v3 =	vmul.f32 $1.131370830e+01, v5;
	v5 =	vld [tilespmem:s2+$0xB0]  }
0x6e: {  	[tilespmem:s2+$0x50] =	vst v0;
	v0 =	vmul.f32 $1.131370830e+01, v6;
	v6 =	vld [tilespmem:s2+$0xC0]  }
0x6f: {  	[tilespmem:s2+$0x60] =	vst v3;
	v2 =	vmul.f32 $1.131370830e+01, v2;
	v3 =	vld [tilespmem:s2+$0xD0]  }
0x70: {  	[tilespmem:s2+$0x70] =	vst v0;
	v0 =	vmul.f32 $1.131370830e+01, v4;
	v4 =	vld [tilespmem:s2+$0xE0]  }
0x71: {  	[tilespmem:s2+$0x80] =	vst v2;
	v1 =	vmul.f32 $1.131370830e+01, v1;
	v2 =	vld [tilespmem:s2+$0xF0]  }
0x72: {  	[tilespmem:s2+$0x90] =	vst v0;
	v0 =	vmul.f32 $1.131370830e+01, v5;
	v5 =	vld [tilespmem:s2+$0x100]  }
0x73: {  	[tilespmem:s2+$0xA0] =	vst v1;
	v1 =	vmul.f32 $1.131370830e+01, v6;
	v6 =	vld [tilespmem:s2+$0x110]  }
0x74: {  	[tilespmem:s2+$0xB0] =	vst v0;
	v0 =	vmul.f32 $1.131370830e+01, v3;
	v3 =	vld [tilespmem:s2+$0x120]  }
0x75: {  	[tilespmem:s2+$0xC0] =	vst v1;
	v1 =	vmul.f32 $1.131370830e+01, v4;
	v4 =	vld [tilespmem:s2+$0x130]  }
0x76: {  	[tilespmem:s2+$0xD0] =	vst v0;
	v0 =	vmul.f32 $1.131370830e+01, v2;
	v2 =	vld [tilespmem:s2+$0x140]  }
0x77: {  	[tilespmem:s2+$0xE0] =	vst v1;
	v1 =	vmul.f32 $1.131370830e+01, v5;
	v5 =	vld [tilespmem:s2+$0x150]  }
0x78: {  	[tilespmem:s2+$0xF0] =	vst v0;
	v0 =	vmul.f32 $1.131370830e+01, v6;
	v6 =	vld [tilespmem:s2+$0x160]  }
0x79: {  	[tilespmem:s2+$0x100] =	vst v1;
	v1 =	vmul.f32 $1.131370830e+01, v3;
	v3 =	vld [tilespmem:s2+$0x170]  }
0x7a: {  	[tilespmem:s2+$0x110] =	vst v0;
	v0 =	vmul.f32 $1.131370830e+01, v4;
	v4 =	vld [tilespmem:s2+$0x180]  }
0x7b: {  	[tilespmem:s2+$0x120] =	vst v1;
	v1 =	vmul.f32 $1.131370830e+01, v2;
	v2 =	vld [tilespmem:s2+$0x190]  }
0x7c: {  	[tilespmem:s2+$0x130] =	vst v0;
	v0 =	vmul.f32 $1.131370830e+01, v5;
	v5 =	vld [tilespmem:s2+$0x1A0]  }
0x7d: {  	[tilespmem:s2+$0x140] =	vst v1;
	v1 =	vmul.f32 $1.131370830e+01, v6;
	v6 =	vld [tilespmem:s2+$0x1B0]  }
0x7e: {  	[tilespmem:s2+$0x150] =	vst v0;
	v0 =	vmul.f32 $1.131370830e+01, v3;
	v3 =	vld [tilespmem:s2+$0x1C0]  }
0x7f: {  	[tilespmem:s2+$0x160] =	vst v1;
	v1 =	vmul.f32 $1.131370830e+01, v4;
	v4 =	vld [tilespmem:s2+$0x1D0]  }
0x80: {  	[tilespmem:s2+$0x170] =	vst v0;
	v0 =	vmul.f32 $1.131370830e+01, v2;
	v2 =	vld [tilespmem:s2+$0x1E0]  }
0x81: {  	[tilespmem:s2+$0x180] =	vst v1;
	v1 =	vmul.f32 $1.131370830e+01, v5;
	v5 =	vld [tilespmem:s2+$0x1F0]  }
0x82: {  	[tilespmem:s2+$0x190] =	vst v0;
	v0 =	vmul.f32 $1.131370830e+01, v6;
	v6 =	vld [tilespmem:s2+$0x200]  }
0x83: {  	[tilespmem:s2+$0x1A0] =	vst v1;
	v1 =	vmul.f32 $1.131370830e+01, v3;
	v3 =	vld [tilespmem:s2+$0x210]  }
0x84: {  	[tilespmem:s2+$0x1B0] =	vst v0;
	v0 =	vmul.f32 $1.131370830e+01, v4;
	v4 =	vld [tilespmem:s2+$0x220]  }
0x85: {  	[tilespmem:s2+$0x1C0] =	vst v1;
	v1 =	vmul.f32 $1.131370830e+01, v2;
	v2 =	vld [tilespmem:s2+$0x230]  }
0x86: {  	[tilespmem:s2+$0x1D0] =	vst v0;
	v0 =	vmul.f32 $1.131370830e+01, v5;
	v5 =	vld [tilespmem:s2+$0x240]  }
0x87: {  	[tilespmem:s2+$0x1E0] =	vst v1;
	v1 =	vmul.f32 $1.131370830e+01, v6;
	v6 =	vld [tilespmem:s2+$0x250]  }
0x88: {  	[tilespmem:s2+$0x1F0] =	vst v0;
	v0 =	vmul.f32 $1.131370830e+01, v3;
	v3 =	vld [tilespmem:s2+$0x260]  }
0x89: {  	[tilespmem:s2+$0x200] =	vst v1;
	v1 =	vmul.f32 $1.131370830e+01, v4;
	v4 =	vld [tilespmem:s2+$0x270]  }
0x8a: {  	[tilespmem:s2+$0x210] =	vst v0;
	v0 =	vmul.f32 $1.131370830e+01, v2;
	v2 =	vld [tilespmem:s2+$0x280]  }
0x8b: {  	[tilespmem:s2+$0x220] =	vst v1;
	v1 =	vmul.f32 $1.131370830e+01, v5;
	v5 =	vld [tilespmem:s2+$0x290]  }
0x8c: {  	[tilespmem:s2+$0x230] =	vst v0;
	v0 =	vmul.f32 $1.131370830e+01, v6;
	v6 =	vld [tilespmem:s2+$0x2A0]  }
0x8d: {  	[tilespmem:s2+$0x240] =	vst v1;
	v1 =	vmul.f32 $1.131370830e+01, v3;
	v3 =	vld [tilespmem:s2+$0x2B0]  }
0x8e: {  	[tilespmem:s2+$0x250] =	vst v0;
	v0 =	vmul.f32 $1.131370830e+01, v4;
	v4 =	vld [tilespmem:s2+$0x2C0]  }
0x8f: {  	[tilespmem:s2+$0x260] =	vst v1;
	v1 =	vmul.f32 $1.131370830e+01, v2;
	v2 =	vld [tilespmem:s2+$0x2D0]  }
0x90: {  	[tilespmem:s2+$0x270] =	vst v0;
	v0 =	vmul.f32 $1.131370830e+01, v5;
	v5 =	vld [tilespmem:s2+$0x2E0]  }
0x91: {  	[tilespmem:s2+$0x280] =	vst v1;
	v1 =	vmul.f32 $1.131370830e+01, v6;
	v6 =	vld [tilespmem:s2+$0x2F0]  }
0x92: {  	[tilespmem:s2+$0x290] =	vst v0;
	v0 =	vmul.f32 $1.131370830e+01, v3;
	v3 =	vld [tilespmem:s2+$0x300]  }
0x93: {  	[tilespmem:s2+$0x2A0] =	vst v1;
	v1 =	vmul.f32 $1.131370830e+01, v4;
	v4 =	vld [tilespmem:s2+$0x310]  }
0x94: {  	[tilespmem:s2+$0x2B0] =	vst v0;
	v0 =	vmul.f32 $1.131370830e+01, v2;
	v2 =	vld [tilespmem:s2+$0x320]  }
0x95: {  	[tilespmem:s2+$0x2C0] =	vst v1;
	v1 =	vmul.f32 $1.131370830e+01, v5;
	v5 =	vld [tilespmem:s2+$0x330]  }
0x96: {  	[tilespmem:s2+$0x2D0] =	vst v0;
	v0 =	vmul.f32 $1.131370830e+01, v6;
	v6 =	vld [tilespmem:s2+$0x340]  }
0x97: {  	[tilespmem:s2+$0x2E0] =	vst v1;
	v1 =	vmul.f32 $1.131370830e+01, v3;
	v3 =	vld [tilespmem:s2+$0x350]  }
0x98: {  	[tilespmem:s2+$0x2F0] =	vst v0;
	v0 =	vmul.f32 $1.131370830e+01, v4;
	v4 =	vld [tilespmem:s2+$0x360]  }
0x99: {  	[tilespmem:s2+$0x300] =	vst v1;
	v1 =	vmul.f32 $1.131370830e+01, v2;
	v2 =	vld [tilespmem:s2+$0x370]  }
0x9a: {  	[tilespmem:s2+$0x310] =	vst v0;
	v0 =	vmul.f32 $1.131370830e+01, v5;
	v5 =	vld [tilespmem:s2+$0x380]  }
0x9b: {  	[tilespmem:s2+$0x320] =	vst v1;
	v1 =	vmul.f32 $1.131370830e+01, v6;
	v6 =	vld [tilespmem:s2+$0x390]  }
0x9c: {  	[tilespmem:s2+$0x330] =	vst v0;
	v3 =	vmul.f32 $1.131370830e+01, v3;
	v7 =	vld [tilespmem:s2+$0x3A0]  }
.Ltmp1:
0x9d: {  	[tilespmem:s2+$0x340] =	vst v1;
	v4 =	vmul.f32 $1.131370830e+01, v4;
	v0 =	vld [tilespmem:s2+$0x3B0];
	(pc) =	sbr.rel @p1 .LBB2_4-.Ltmp1, $4  }
0x9e: {  	[tilespmem:s2+$0x350] =	vst v3;
	v3 =	vmul.f32 $1.131370830e+01, v2;
	v1 =	vld [tilespmem:s2+$0x3C0]  }
0x9f: {  	[tilespmem:s2+$0x360] =	vst v4;
	v8 =	vmul.f32 $1.131370830e+01, v5;
	v2 =	vld [tilespmem:s2+$0x3D0]  }
0xa0: {  	[tilespmem:s2+$0x370] =	vst v3;
	v5 =	vmul.f32 $1.131370830e+01, v6;
	v3 =	vld [tilespmem:s2+$0x3E0]  }
0xa1: {  	s2 =	sadd.s32 $0x400, s2;
	v4 =	vld [tilespmem:s10+$0x0];
	[tilespmem:s10+$0x380] =	vst v8;
	v6 =	vmul.f32 $1.131370830e+01, v7  }
0xa2: {  	[tilespmem:s10+$0x390] =	vst v5;
	v0 =	vmul.f32 $1.131370830e+01, v0  }
0xa3: {  	[tilespmem:s10+$0x3A0] =	vst v6;
	v1 =	vmul.f32 $1.131370830e+01, v1  }
0xa4: {  	s12 =	smul.u32 $0x280, s6;
	[tilespmem:s10+$0x3B0] =	vst v0;
	v0 =	vmul.f32 $1.131370830e+01, v2  }
0xa5: {  	[tilespmem:s10+$0x3C0] =	vst v1;
	v1 =	vmul.f32 $1.131370830e+01, v3  }
0xa6: {  	s2 =	sadd.s32 s12, s7;
	v2 =	vmul.f32 $1.131370830e+01, v4;
	[tilespmem:s10+$0x3D0] =	vst v0  }
0xa7: {  	s2 =	sshll.u32 s2, $0x4;
	[tilespmem:s10+$0x3E0] =	vst v1  }
0xa8: {  	s2 =	sadd.s32 s3, s2;
	[tilespmem:s10+$0x0] =	vst v2  }
0xa9: {  	[hbm4b:s2+s4] =	stream.linear.scatter [tilespmem:s18], [sflag:$0x8], $0x4000, $0x38;
	[tilespmem:$0x1A400] =	vst v63  }
0xaa: {  	_ =	swait.ge [sflag:s29], $0x4000  }
0xab: {  	[sflag:s29] =	ssyncset.done $0x0  }
0xac: {  	s10 =	sadd.s32 $0x80, s12;
	[sflag:s29] =	ssyncadd.s32 $0xFFFFC000  }
0xad: {  	[tilespmem:s16], [sflag:$0x2] =	stream.indirect.gather [hbm4b:s1+s19], $0x80, s10, s19, $0xb8;
	[tilespmem:$0x1A400] =	vst v63  }
0xae: {  	_ =	swait.ge [sflag:s25], $0x4000  }
0xaf: {  	[sflag:s25] =	ssyncset.done $0x0  }
0xb0: {  	s14 =	simm.s32 $0x12400;
	[sflag:s25] =	ssyncadd.s32 $0xFFFFC000  }
0xb1: {  	v0 =	vld [tilespmem:s14+$0x3F0]  }
0xb2: {  	v1 =	vld [tilespmem:s14+$0x10]  }
0xb3: {  	v2 =	vld [tilespmem:s14+$0x20]  }
0xb4: {  	v11 =	vld [tilespmem:s14+$0xB0]  }
0xb5: {  	v8 =	vld [tilespmem:s14+$0x80]  }
0xb6: {  	v4 =	vld [tilespmem:s14+$0x40];
	v0 =	vmul.f32 $1.131370830e+01, v0  }
0xb7: {  	v3 =	vld [tilespmem:s14+$0x30];
	v1 =	vmul.f32 $1.131370830e+01, v1  }
0xb8: {  	v6 =	vld [tilespmem:s14+$0x60];
	v2 =	vmul.f32 $1.131370830e+01, v2;
	[tilespmem:s14+$0x3F0] =	vst v0  }
0xb9: {  	v5 =	vld [tilespmem:s14+$0x50];
	v60 =	vmul.f32 $1.131370830e+01, v11;
	[tilespmem:s14+$0x10] =	vst v1  }
0xba: {  	v9 =	vld [tilespmem:s14+$0x90];
	v0 =	vmul.f32 $1.131370830e+01, v8;
	[tilespmem:s14+$0x20] =	vst v2  }
0xbb: {  	v1 =	vld [tilespmem:s14+$0xE0];
	v2 =	vmul.f32 $1.131370830e+01, v4;
	[tilespmem:s14+$0xB0] =	vst v60  }
0xbc: {  	v7 =	vld [tilespmem:s14+$0x70];
	[tilespmem:s14+$0x80] =	vst v0;
	v0 =	vmul.f32 $1.131370830e+01, v3  }
0xbd: {  	v4 =	vld [tilespmem:s14+$0x100];
	[tilespmem:s14+$0x40] =	vst v2;
	v2 =	vmul.f32 $1.131370830e+01, v6  }
0xbe: {  	v3 =	vld [tilespmem:s14+$0xF0];
	[tilespmem:s14+$0x30] =	vst v0;
	v0 =	vmul.f32 $1.131370830e+01, v5  }
0xbf: {  	v12 =	vld [tilespmem:s14+$0xC0];
	[tilespmem:s14+$0x60] =	vst v2;
	v2 =	vmul.f32 $1.131370830e+01, v9  }
0xc0: {  	v10 =	vld [tilespmem:s14+$0xA0];
	v1 =	vmul.f32 $1.131370830e+01, v1;
	[tilespmem:s14+$0x50] =	vst v0  }
0xc1: {  	v6 =	vld [tilespmem:s14+$0x120];
	v0 =	vmul.f32 $1.131370830e+01, v7;
	[tilespmem:s14+$0x90] =	vst v2  }
0xc2: {  	v8 =	vld [tilespmem:s14+$0xD0];
	v2 =	vmul.f32 $1.131370830e+01, v4;
	[tilespmem:s14+$0xE0] =	vst v1  }
0xc3: {  	v5 =	vld [tilespmem:s14+$0x110];
	v3 =	vmul.f32 $1.131370830e+01, v3;
	[tilespmem:s14+$0x70] =	vst v0  }
0xc4: {  	v59 =	vld [tilespmem:s14+$0x140];
	[tilespmem:s14+$0x100] =	vst v2;
	v2 =	vmul.f32 $1.131370830e+01, v12  }
0xc5: {  	v7 =	vld [tilespmem:s14+$0x130];
	v0 =	vmul.f32 $1.131370830e+01, v10;
	[tilespmem:s14+$0xF0] =	vst v3  }
0xc6: {  	v3 =	vmul.f32 $1.131370830e+01, v6;
	[tilespmem:s14+$0xC0] =	vst v2;
	v2 =	vld [tilespmem:s14+$0x180]  }
0xc7: {  	v8 =	vmul.f32 $1.131370830e+01, v8;
	[tilespmem:s14+$0xA0] =	vst v0;
	v0 =	vld [tilespmem:s14+$0x160]  }
0xc8: {  	v1 =	vmul.f32 $1.131370830e+01, v5;
	[tilespmem:s14+$0x120] =	vst v3;
	v3 =	vld [tilespmem:s14+$0x1D0]  }
0xc9: {  	v9 =	vmul.f32 $1.131370830e+01, v59;
	v4 =	vld [tilespmem:s14+$0x150];
	[tilespmem:s14+$0xD0] =	vst v8  }
0xca: {  	v8 =	vld [tilespmem:s14+$0x190];
	[tilespmem:s14+$0x110] =	vst v1;
	v1 =	vmul.f32 $1.131370830e+01, v7  }
0xcb: {  	v61 =	vld [tilespmem:s14+$0x170];
	[tilespmem:s14+$0x140] =	vst v9;
	v2 =	vmul.f32 $1.131370830e+01, v2  }
0xcc: {  	v6 =	vld [tilespmem:s14+$0x1B0];
	[tilespmem:s14+$0x130] =	vst v1;
	v0 =	vmul.f32 $1.131370830e+01, v0  }
0xcd: {  	v5 =	vld [tilespmem:s14+$0x1A0];
	v3 =	vmul.f32 $1.131370830e+01, v3;
	[tilespmem:s14+$0x180] =	vst v2  }
0xce: {  	v62 =	vld [tilespmem:s14+$0x200];
	v2 =	vmul.f32 $1.131370830e+01, v4;
	[tilespmem:s14+$0x160] =	vst v0  }
0xcf: {  	v7 =	vld [tilespmem:s14+$0x1C0];
	v0 =	vmul.f32 $1.131370830e+01, v8;
	[tilespmem:s14+$0x1D0] =	vst v3  }
0xd0: {  	v1 =	vld [tilespmem:s14+$0x1E0];
	[tilespmem:s14+$0x150] =	vst v2;
	v2 =	vmul.f32 $1.131370830e+01, v61  }
0xd1: {  	v4 =	vld [tilespmem:s14+$0x1F0];
	[tilespmem:s14+$0x190] =	vst v0;
	v0 =	vmul.f32 $1.131370830e+01, v6  }
0xd2: {  	v8 =	vld [tilespmem:s14+$0x210];
	[tilespmem:s14+$0x170] =	vst v2;
	v2 =	vmul.f32 $1.131370830e+01, v5  }
0xd3: {  	v5 =	vld [tilespmem:s14+$0x220];
	[tilespmem:s14+$0x1B0] =	vst v0;
	v0 =	vmul.f32 $1.131370830e+01, v62  }
0xd4: {  	v6 =	vld [tilespmem:s14+$0x230];
	[tilespmem:s14+$0x1A0] =	vst v2;
	v2 =	vmul.f32 $1.131370830e+01, v7  }
0xd5: {  	v7 =	vld [tilespmem:s14+$0x240];
	[tilespmem:s14+$0x200] =	vst v0;
	v0 =	vmul.f32 $1.131370830e+01, v1  }
0xd6: {  	v63 =	vld [tilespmem:s14+$0x250];
	v1 =	vmul.f32 $1.131370830e+01, v4;
	[tilespmem:s14+$0x1C0] =	vst v2  }
0xd7: {  	v4 =	vld [tilespmem:s14+$0x280];
	[tilespmem:s14+$0x1E0] =	vst v0;
	v0 =	vmul.f32 $1.131370830e+01, v8  }
0xd8: {  	v2 =	vld [tilespmem:s14+$0x260];
	[tilespmem:s14+$0x1F0] =	vst v1;
	v1 =	vmul.f32 $1.131370830e+01, v5  }
0xd9: {  	v3 =	vld [tilespmem:s14+$0x270];
	[tilespmem:s14+$0x210] =	vst v0;
	v0 =	vmul.f32 $1.131370830e+01, v6  }
0xda: {  	v5 =	vld [tilespmem:s14+$0x290];
	[tilespmem:s14+$0x220] =	vst v1;
	v1 =	vmul.f32 $1.131370830e+01, v7  }
0xdb: {  	v6 =	vld [tilespmem:s14+$0x2A0];
	[tilespmem:s14+$0x230] =	vst v0;
	v0 =	vmul.f32 $1.131370830e+01, v63  }
0xdc: {  	v7 =	vld [tilespmem:s14+$0x2B0];
	[tilespmem:s14+$0x240] =	vst v1;
	v1 =	vmul.f32 $1.131370830e+01, v4  }
0xdd: {  	v8 =	vld [tilespmem:s14+$0x2C0];
	v2 =	vmul.f32 $1.131370830e+01, v2;
	[tilespmem:s14+$0x250] =	vst v0  }
0xde: {  	v4 =	vld [tilespmem:s14+$0x2D0];
	[tilespmem:s14+$0x280] =	vst v1;
	v1 =	vmul.f32 $1.131370830e+01, v3  }
0xdf: {  	v0 =	vld [tilespmem:s14+$0x2E0];
	[tilespmem:s14+$0x260] =	vst v2;
	v2 =	vmul.f32 $1.131370830e+01, v5  }
0xe0: {  	v3 =	vld [tilespmem:s14+$0x2F0];
	[tilespmem:s14+$0x270] =	vst v1;
	v1 =	vmul.f32 $1.131370830e+01, v6  }
0xe1: {  	v5 =	vld [tilespmem:s14+$0x300];
	[tilespmem:s14+$0x290] =	vst v2;
	v2 =	vmul.f32 $1.131370830e+01, v7  }
0xe2: {  	v6 =	vld [tilespmem:s14+$0x310];
	[tilespmem:s14+$0x2A0] =	vst v1;
	v1 =	vmul.f32 $1.131370830e+01, v8  }
0xe3: {  	v7 =	vld [tilespmem:s14+$0x320];
	[tilespmem:s14+$0x2B0] =	vst v2;
	v2 =	vmul.f32 $1.131370830e+01, v4  }
0xe4: {  	v4 =	vld [tilespmem:s14+$0x330];
	v0 =	vmul.f32 $1.131370830e+01, v0;
	[tilespmem:s14+$0x2C0] =	vst v1  }
0xe5: {  	v3 =	vmul.f32 $1.131370830e+01, v3;
	v1 =	vld [tilespmem:s14+$0x340];
	[tilespmem:s14+$0x2D0] =	vst v2  }
0xe6: {  	v2 =	vmul.f32 $1.131370830e+01, v5;
	v5 =	vld [tilespmem:s14+$0x350];
	[tilespmem:s14+$0x2E0] =	vst v0  }
0xe7: {  	v0 =	vld [tilespmem:s14+$0x360];
	v6 =	vmul.f32 $1.131370830e+01, v6;
	[tilespmem:s14+$0x2F0] =	vst v3  }
0xe8: {  	v3 =	vld [tilespmem:s14+$0x370];
	[tilespmem:s14+$0x300] =	vst v2;
	v2 =	vmul.f32 $1.131370830e+01, v7  }
0xe9: {  	[tilespmem:s14+$0x310] =	vst v6;
	v4 =	vmul.f32 $1.131370830e+01, v4;
	v6 =	vld [tilespmem:s14+$0x380]  }
0xea: {  	v7 =	vld [tilespmem:s14+$0x390];
	[tilespmem:s14+$0x320] =	vst v2;
	v1 =	vmul.f32 $1.131370830e+01, v1  }
0xeb: {  	v8 =	vld [tilespmem:s14+$0x3A0];
	[tilespmem:s14+$0x330] =	vst v4;
	v2 =	vmul.f32 $1.131370830e+01, v5  }
0xec: {  	v4 =	vmul.f32 $1.131370830e+01, v0;
	v0 =	vld [tilespmem:s14+$0x3B0];
	[tilespmem:s14+$0x340] =	vst v1  }
0xed: {  	v3 =	vmul.f32 $1.131370830e+01, v3;
	[tilespmem:s14+$0x350] =	vst v2;
	v1 =	vld [tilespmem:s14+$0x3C0]  }
0xee: {  	[tilespmem:s14+$0x360] =	vst v4;
	v2 =	vld [tilespmem:s14+$0x3D0];
	v6 =	vmul.f32 $1.131370830e+01, v6  }
0xef: {  	v5 =	vmul.f32 $1.131370830e+01, v7;
	[tilespmem:s14+$0x370] =	vst v3;
	v3 =	vld [tilespmem:s14+$0x3E0]  }
0xf0: {  	s17 =	simm.s32 $0x12800;
	s2 =	simm.s32 $0x0;
	v4 =	vld [tilespmem:s14+$0x0];
	[tilespmem:s14+$0x380] =	vst v6;
	v6 =	vmul.f32 $1.131370830e+01, v8  }
.LBB2_6:
0xf1: {  	v7 =	vld [tilespmem:s17+$0x3F0];
	s2 =	sadd.s32 $0x8, s2;
	[tilespmem:s14+$0x390] =	vst v5;
	v0 =	vmul.f32 $1.131370830e+01, v0  }
0xf2: {  	v5 =	vld [tilespmem:s17+$0x10];
	p1 =	slt.u32 s2, $0x78;
	[tilespmem:s14+$0x3A0] =	vst v6;
	v1 =	vmul.f32 $1.131370830e+01, v1  }
0xf3: {  	v6 =	vld [tilespmem:s17+$0x20];
	[tilespmem:s14+$0x3B0] =	vst v0;
	v0 =	vmul.f32 $1.131370830e+01, v2  }
0xf4: {  	v2 =	vld [tilespmem:s17+$0x30];
	[tilespmem:s14+$0x3C0] =	vst v1;
	v1 =	vmul.f32 $1.131370830e+01, v3  }
0xf5: {  	v3 =	vld [tilespmem:s17+$0x40];
	v4 =	vmul.f32 $1.131370830e+01, v4;
	[tilespmem:s14+$0x3D0] =	vst v0  }
0xf6: {  	v0 =	vld [tilespmem:s17+$0x50];
	v7 =	vmul.f32 $1.131370830e+01, v7;
	[tilespmem:s14+$0x3E0] =	vst v1  }
0xf7: {  	v1 =	vmul.f32 $1.131370830e+01, v5;
	v5 =	vld [tilespmem:s17+$0x60];
	[tilespmem:s14+$0x0] =	vst v4;
	s14 =	smov.u32 s17  }
0xf8: {  	v4 =	vmul.f32 $1.131370830e+01, v6;
	v6 =	vld [tilespmem:s17+$0x70];
	[tilespmem:s17+$0x3F0] =	vst v7  }
0xf9: {  	[tilespmem:s17+$0x10] =	vst v1;
	v1 =	vmul.f32 $1.131370830e+01, v2;
	v2 =	vld [tilespmem:s17+$0x80]  }
0xfa: {  	[tilespmem:s17+$0x20] =	vst v4;
	v3 =	vmul.f32 $1.131370830e+01, v3;
	v4 =	vld [tilespmem:s17+$0x90]  }
0xfb: {  	[tilespmem:s17+$0x30] =	vst v1;
	v0 =	vmul.f32 $1.131370830e+01, v0;
	v1 =	vld [tilespmem:s17+$0xA0]  }
0xfc: {  	[tilespmem:s17+$0x40] =	vst v3;
	v3 =	vmul.f32 $1.131370830e+01, v5;
	v5 =	vld [tilespmem:s17+$0xB0]  }
0xfd: {  	[tilespmem:s17+$0x50] =	vst v0;
	v0 =	vmul.f32 $1.131370830e+01, v6;
	v6 =	vld [tilespmem:s17+$0xC0]  }
0xfe: {  	[tilespmem:s17+$0x60] =	vst v3;
	v2 =	vmul.f32 $1.131370830e+01, v2;
	v3 =	vld [tilespmem:s17+$0xD0]  }
0xff: {  	[tilespmem:s17+$0x70] =	vst v0;
	v0 =	vmul.f32 $1.131370830e+01, v4;
	v4 =	vld [tilespmem:s17+$0xE0]  }
0x100: {  	[tilespmem:s17+$0x80] =	vst v2;
	v1 =	vmul.f32 $1.131370830e+01, v1;
	v2 =	vld [tilespmem:s17+$0xF0]  }
0x101: {  	[tilespmem:s17+$0x90] =	vst v0;
	v0 =	vmul.f32 $1.131370830e+01, v5;
	v5 =	vld [tilespmem:s17+$0x100]  }
0x102: {  	[tilespmem:s17+$0xA0] =	vst v1;
	v1 =	vmul.f32 $1.131370830e+01, v6;
	v6 =	vld [tilespmem:s17+$0x110]  }
0x103: {  	[tilespmem:s17+$0xB0] =	vst v0;
	v0 =	vmul.f32 $1.131370830e+01, v3;
	v3 =	vld [tilespmem:s17+$0x120]  }
0x104: {  	[tilespmem:s17+$0xC0] =	vst v1;
	v1 =	vmul.f32 $1.131370830e+01, v4;
	v4 =	vld [tilespmem:s17+$0x130]  }
0x105: {  	[tilespmem:s17+$0xD0] =	vst v0;
	v0 =	vmul.f32 $1.131370830e+01, v2;
	v2 =	vld [tilespmem:s17+$0x140]  }
0x106: {  	[tilespmem:s17+$0xE0] =	vst v1;
	v1 =	vmul.f32 $1.131370830e+01, v5;
	v5 =	vld [tilespmem:s17+$0x150]  }
0x107: {  	[tilespmem:s17+$0xF0] =	vst v0;
	v0 =	vmul.f32 $1.131370830e+01, v6;
	v6 =	vld [tilespmem:s17+$0x160]  }
0x108: {  	[tilespmem:s17+$0x100] =	vst v1;
	v1 =	vmul.f32 $1.131370830e+01, v3;
	v3 =	vld [tilespmem:s17+$0x170]  }
0x109: {  	[tilespmem:s17+$0x110] =	vst v0;
	v0 =	vmul.f32 $1.131370830e+01, v4;
	v4 =	vld [tilespmem:s17+$0x180]  }
0x10a: {  	[tilespmem:s17+$0x120] =	vst v1;
	v1 =	vmul.f32 $1.131370830e+01, v2;
	v2 =	vld [tilespmem:s17+$0x190]  }
0x10b: {  	[tilespmem:s17+$0x130] =	vst v0;
	v0 =	vmul.f32 $1.131370830e+01, v5;
	v5 =	vld [tilespmem:s17+$0x1A0]  }
0x10c: {  	[tilespmem:s17+$0x140] =	vst v1;
	v1 =	vmul.f32 $1.131370830e+01, v6;
	v6 =	vld [tilespmem:s17+$0x1B0]  }
0x10d: {  	[tilespmem:s17+$0x150] =	vst v0;
	v0 =	vmul.f32 $1.131370830e+01, v3;
	v3 =	vld [tilespmem:s17+$0x1C0]  }
0x10e: {  	[tilespmem:s17+$0x160] =	vst v1;
	v1 =	vmul.f32 $1.131370830e+01, v4;
	v4 =	vld [tilespmem:s17+$0x1D0]  }
0x10f: {  	[tilespmem:s17+$0x170] =	vst v0;
	v0 =	vmul.f32 $1.131370830e+01, v2;
	v2 =	vld [tilespmem:s17+$0x1E0]  }
0x110: {  	[tilespmem:s17+$0x180] =	vst v1;
	v1 =	vmul.f32 $1.131370830e+01, v5;
	v5 =	vld [tilespmem:s17+$0x1F0]  }
0x111: {  	[tilespmem:s17+$0x190] =	vst v0;
	v0 =	vmul.f32 $1.131370830e+01, v6;
	v6 =	vld [tilespmem:s17+$0x200]  }
0x112: {  	[tilespmem:s17+$0x1A0] =	vst v1;
	v1 =	vmul.f32 $1.131370830e+01, v3;
	v3 =	vld [tilespmem:s17+$0x210]  }
0x113: {  	[tilespmem:s17+$0x1B0] =	vst v0;
	v0 =	vmul.f32 $1.131370830e+01, v4;
	v4 =	vld [tilespmem:s17+$0x220]  }
0x114: {  	[tilespmem:s17+$0x1C0] =	vst v1;
	v1 =	vmul.f32 $1.131370830e+01, v2;
	v2 =	vld [tilespmem:s17+$0x230]  }
0x115: {  	[tilespmem:s17+$0x1D0] =	vst v0;
	v0 =	vmul.f32 $1.131370830e+01, v5;
	v5 =	vld [tilespmem:s17+$0x240]  }
0x116: {  	[tilespmem:s17+$0x1E0] =	vst v1;
	v1 =	vmul.f32 $1.131370830e+01, v6;
	v6 =	vld [tilespmem:s17+$0x250]  }
0x117: {  	[tilespmem:s17+$0x1F0] =	vst v0;
	v0 =	vmul.f32 $1.131370830e+01, v3;
	v3 =	vld [tilespmem:s17+$0x260]  }
0x118: {  	[tilespmem:s17+$0x200] =	vst v1;
	v1 =	vmul.f32 $1.131370830e+01, v4;
	v4 =	vld [tilespmem:s17+$0x270]  }
0x119: {  	[tilespmem:s17+$0x210] =	vst v0;
	v0 =	vmul.f32 $1.131370830e+01, v2;
	v2 =	vld [tilespmem:s17+$0x280]  }
0x11a: {  	[tilespmem:s17+$0x220] =	vst v1;
	v1 =	vmul.f32 $1.131370830e+01, v5;
	v5 =	vld [tilespmem:s17+$0x290]  }
0x11b: {  	[tilespmem:s17+$0x230] =	vst v0;
	v0 =	vmul.f32 $1.131370830e+01, v6;
	v6 =	vld [tilespmem:s17+$0x2A0]  }
0x11c: {  	[tilespmem:s17+$0x240] =	vst v1;
	v1 =	vmul.f32 $1.131370830e+01, v3;
	v3 =	vld [tilespmem:s17+$0x2B0]  }
0x11d: {  	[tilespmem:s17+$0x250] =	vst v0;
	v0 =	vmul.f32 $1.131370830e+01, v4;
	v4 =	vld [tilespmem:s17+$0x2C0]  }
0x11e: {  	[tilespmem:s17+$0x260] =	vst v1;
	v1 =	vmul.f32 $1.131370830e+01, v2;
	v2 =	vld [tilespmem:s17+$0x2D0]  }
0x11f: {  	[tilespmem:s17+$0x270] =	vst v0;
	v0 =	vmul.f32 $1.131370830e+01, v5;
	v5 =	vld [tilespmem:s17+$0x2E0]  }
0x120: {  	[tilespmem:s17+$0x280] =	vst v1;
	v1 =	vmul.f32 $1.131370830e+01, v6;
	v6 =	vld [tilespmem:s17+$0x2F0]  }
0x121: {  	[tilespmem:s17+$0x290] =	vst v0;
	v0 =	vmul.f32 $1.131370830e+01, v3;
	v3 =	vld [tilespmem:s17+$0x300]  }
0x122: {  	[tilespmem:s17+$0x2A0] =	vst v1;
	v1 =	vmul.f32 $1.131370830e+01, v4;
	v4 =	vld [tilespmem:s17+$0x310]  }
0x123: {  	[tilespmem:s17+$0x2B0] =	vst v0;
	v0 =	vmul.f32 $1.131370830e+01, v2;
	v2 =	vld [tilespmem:s17+$0x320]  }
0x124: {  	[tilespmem:s17+$0x2C0] =	vst v1;
	v1 =	vmul.f32 $1.131370830e+01, v5;
	v5 =	vld [tilespmem:s17+$0x330]  }
0x125: {  	[tilespmem:s17+$0x2D0] =	vst v0;
	v0 =	vmul.f32 $1.131370830e+01, v6;
	v6 =	vld [tilespmem:s17+$0x340]  }
0x126: {  	[tilespmem:s17+$0x2E0] =	vst v1;
	v1 =	vmul.f32 $1.131370830e+01, v3;
	v3 =	vld [tilespmem:s17+$0x350]  }
0x127: {  	[tilespmem:s17+$0x2F0] =	vst v0;
	v0 =	vmul.f32 $1.131370830e+01, v4;
	v4 =	vld [tilespmem:s17+$0x360]  }
0x128: {  	[tilespmem:s17+$0x300] =	vst v1;
	v1 =	vmul.f32 $1.131370830e+01, v2;
	v2 =	vld [tilespmem:s17+$0x370]  }
0x129: {  	[tilespmem:s17+$0x310] =	vst v0;
	v0 =	vmul.f32 $1.131370830e+01, v5;
	v5 =	vld [tilespmem:s17+$0x380]  }
0x12a: {  	[tilespmem:s17+$0x320] =	vst v1;
	v1 =	vmul.f32 $1.131370830e+01, v6;
	v6 =	vld [tilespmem:s17+$0x390]  }
0x12b: {  	[tilespmem:s17+$0x330] =	vst v0;
	v3 =	vmul.f32 $1.131370830e+01, v3;
	v7 =	vld [tilespmem:s17+$0x3A0]  }
.Ltmp2:
0x12c: {  	[tilespmem:s17+$0x340] =	vst v1;
	v4 =	vmul.f32 $1.131370830e+01, v4;
	v0 =	vld [tilespmem:s17+$0x3B0];
	(pc) =	sbr.rel @p1 .LBB2_6-.Ltmp2, $4  }
0x12d: {  	[tilespmem:s17+$0x350] =	vst v3;
	v3 =	vmul.f32 $1.131370830e+01, v2;
	v1 =	vld [tilespmem:s17+$0x3C0]  }
0x12e: {  	[tilespmem:s17+$0x360] =	vst v4;
	v8 =	vmul.f32 $1.131370830e+01, v5;
	v2 =	vld [tilespmem:s17+$0x3D0]  }
0x12f: {  	[tilespmem:s17+$0x370] =	vst v3;
	v5 =	vmul.f32 $1.131370830e+01, v6;
	v3 =	vld [tilespmem:s17+$0x3E0]  }
0x130: {  	s17 =	sadd.s32 $0x400, s17;
	v4 =	vld [tilespmem:s14+$0x0];
	[tilespmem:s14+$0x380] =	vst v8;
	v6 =	vmul.f32 $1.131370830e+01, v7  }
0x131: {  	[tilespmem:s14+$0x390] =	vst v5;
	v0 =	vmul.f32 $1.131370830e+01, v0  }
0x132: {  	[tilespmem:s14+$0x3A0] =	vst v6;
	v1 =	vmul.f32 $1.131370830e+01, v1  }
0x133: {  	[tilespmem:s14+$0x3B0] =	vst v0;
	v0 =	vmul.f32 $1.131370830e+01, v2  }
0x134: {  	[tilespmem:s14+$0x3C0] =	vst v1;
	v1 =	vmul.f32 $1.131370830e+01, v3  }
0x135: {  	s2 =	sadd.s32 s12, s8;
	v2 =	vmul.f32 $1.131370830e+01, v4;
	[tilespmem:s14+$0x3D0] =	vst v0  }
0x136: {  	s2 =	sshll.u32 s2, $0x4;
	[tilespmem:s14+$0x3E0] =	vst v1  }
0x137: {  	s2 =	sadd.s32 s3, s2;
	[tilespmem:s14+$0x0] =	vst v2  }
0x138: {  	[hbm4b:s2+s4] =	stream.linear.scatter [tilespmem:s20], [sflag:$0x9], $0x4000, $0x38;
	[tilespmem:$0x1A400] =	vst v63  }
0x139: {  	_ =	swait.ge [sflag:s30], $0x4000  }
0x13a: {  	[sflag:s30] =	ssyncset.done $0x0  }
0x13b: {  	s17 =	sadd.s32 $0x100, s13;
	[sflag:s30] =	ssyncadd.s32 $0xFFFFC000  }
0x13c: {  	[tilespmem:s18], [sflag:$0x3] =	stream.indirect.gather [hbm4b:s1+s19], $0x80, s17, s19, $0xb8;
	[tilespmem:$0x1A400] =	vst v63  }
0x13d: {  	_ =	swait.ge [sflag:s26], $0x4000  }
0x13e: {  	[sflag:s26] =	ssyncset.done $0x0  }
0x13f: {  	s13 =	simm.s32 $0x16400;
	[sflag:s26] =	ssyncadd.s32 $0xFFFFC000  }
0x140: {  	v0 =	vld [tilespmem:s13+$0x3F0]  }
0x141: {  	v1 =	vld [tilespmem:s13+$0x10]  }
0x142: {  	v2 =	vld [tilespmem:s13+$0x20]  }
0x143: {  	v11 =	vld [tilespmem:s13+$0xB0]  }
0x144: {  	v8 =	vld [tilespmem:s13+$0x80]  }
0x145: {  	v4 =	vld [tilespmem:s13+$0x40];
	v0 =	vmul.f32 $1.131370830e+01, v0  }
0x146: {  	v3 =	vld [tilespmem:s13+$0x30];
	v1 =	vmul.f32 $1.131370830e+01, v1  }
0x147: {  	v6 =	vld [tilespmem:s13+$0x60];
	v2 =	vmul.f32 $1.131370830e+01, v2;
	[tilespmem:s13+$0x3F0] =	vst v0  }
0x148: {  	v5 =	vld [tilespmem:s13+$0x50];
	v60 =	vmul.f32 $1.131370830e+01, v11;
	[tilespmem:s13+$0x10] =	vst v1  }
0x149: {  	v9 =	vld [tilespmem:s13+$0x90];
	v0 =	vmul.f32 $1.131370830e+01, v8;
	[tilespmem:s13+$0x20] =	vst v2  }
0x14a: {  	v1 =	vld [tilespmem:s13+$0xE0];
	v2 =	vmul.f32 $1.131370830e+01, v4;
	[tilespmem:s13+$0xB0] =	vst v60  }
0x14b: {  	v7 =	vld [tilespmem:s13+$0x70];
	[tilespmem:s13+$0x80] =	vst v0;
	v0 =	vmul.f32 $1.131370830e+01, v3  }
0x14c: {  	v4 =	vld [tilespmem:s13+$0x100];
	[tilespmem:s13+$0x40] =	vst v2;
	v2 =	vmul.f32 $1.131370830e+01, v6  }
0x14d: {  	v3 =	vld [tilespmem:s13+$0xF0];
	[tilespmem:s13+$0x30] =	vst v0;
	v0 =	vmul.f32 $1.131370830e+01, v5  }
0x14e: {  	v12 =	vld [tilespmem:s13+$0xC0];
	[tilespmem:s13+$0x60] =	vst v2;
	v2 =	vmul.f32 $1.131370830e+01, v9  }
0x14f: {  	v10 =	vld [tilespmem:s13+$0xA0];
	v1 =	vmul.f32 $1.131370830e+01, v1;
	[tilespmem:s13+$0x50] =	vst v0  }
0x150: {  	v6 =	vld [tilespmem:s13+$0x120];
	v0 =	vmul.f32 $1.131370830e+01, v7;
	[tilespmem:s13+$0x90] =	vst v2  }
0x151: {  	v8 =	vld [tilespmem:s13+$0xD0];
	v2 =	vmul.f32 $1.131370830e+01, v4;
	[tilespmem:s13+$0xE0] =	vst v1  }
0x152: {  	v5 =	vld [tilespmem:s13+$0x110];
	v3 =	vmul.f32 $1.131370830e+01, v3;
	[tilespmem:s13+$0x70] =	vst v0  }
0x153: {  	v59 =	vld [tilespmem:s13+$0x140];
	[tilespmem:s13+$0x100] =	vst v2;
	v2 =	vmul.f32 $1.131370830e+01, v12  }
0x154: {  	v7 =	vld [tilespmem:s13+$0x130];
	v0 =	vmul.f32 $1.131370830e+01, v10;
	[tilespmem:s13+$0xF0] =	vst v3  }
0x155: {  	v3 =	vmul.f32 $1.131370830e+01, v6;
	[tilespmem:s13+$0xC0] =	vst v2;
	v2 =	vld [tilespmem:s13+$0x180]  }
0x156: {  	v8 =	vmul.f32 $1.131370830e+01, v8;
	[tilespmem:s13+$0xA0] =	vst v0;
	v0 =	vld [tilespmem:s13+$0x160]  }
0x157: {  	v1 =	vmul.f32 $1.131370830e+01, v5;
	[tilespmem:s13+$0x120] =	vst v3;
	v3 =	vld [tilespmem:s13+$0x1D0]  }
0x158: {  	v9 =	vmul.f32 $1.131370830e+01, v59;
	v4 =	vld [tilespmem:s13+$0x150];
	[tilespmem:s13+$0xD0] =	vst v8  }
0x159: {  	v8 =	vld [tilespmem:s13+$0x190];
	[tilespmem:s13+$0x110] =	vst v1;
	v1 =	vmul.f32 $1.131370830e+01, v7  }
0x15a: {  	v61 =	vld [tilespmem:s13+$0x170];
	[tilespmem:s13+$0x140] =	vst v9;
	v2 =	vmul.f32 $1.131370830e+01, v2  }
0x15b: {  	v6 =	vld [tilespmem:s13+$0x1B0];
	[tilespmem:s13+$0x130] =	vst v1;
	v0 =	vmul.f32 $1.131370830e+01, v0  }
0x15c: {  	v5 =	vld [tilespmem:s13+$0x1A0];
	v3 =	vmul.f32 $1.131370830e+01, v3;
	[tilespmem:s13+$0x180] =	vst v2  }
0x15d: {  	v62 =	vld [tilespmem:s13+$0x200];
	v2 =	vmul.f32 $1.131370830e+01, v4;
	[tilespmem:s13+$0x160] =	vst v0  }
0x15e: {  	v7 =	vld [tilespmem:s13+$0x1C0];
	v0 =	vmul.f32 $1.131370830e+01, v8;
	[tilespmem:s13+$0x1D0] =	vst v3  }
0x15f: {  	v1 =	vld [tilespmem:s13+$0x1E0];
	[tilespmem:s13+$0x150] =	vst v2;
	v2 =	vmul.f32 $1.131370830e+01, v61  }
0x160: {  	v4 =	vld [tilespmem:s13+$0x1F0];
	[tilespmem:s13+$0x190] =	vst v0;
	v0 =	vmul.f32 $1.131370830e+01, v6  }
0x161: {  	v8 =	vld [tilespmem:s13+$0x210];
	[tilespmem:s13+$0x170] =	vst v2;
	v2 =	vmul.f32 $1.131370830e+01, v5  }
0x162: {  	v5 =	vld [tilespmem:s13+$0x220];
	[tilespmem:s13+$0x1B0] =	vst v0;
	v0 =	vmul.f32 $1.131370830e+01, v62  }
0x163: {  	v6 =	vld [tilespmem:s13+$0x230];
	[tilespmem:s13+$0x1A0] =	vst v2;
	v2 =	vmul.f32 $1.131370830e+01, v7  }
0x164: {  	v7 =	vld [tilespmem:s13+$0x240];
	[tilespmem:s13+$0x200] =	vst v0;
	v0 =	vmul.f32 $1.131370830e+01, v1  }
0x165: {  	v63 =	vld [tilespmem:s13+$0x250];
	v1 =	vmul.f32 $1.131370830e+01, v4;
	[tilespmem:s13+$0x1C0] =	vst v2  }
0x166: {  	v4 =	vld [tilespmem:s13+$0x280];
	[tilespmem:s13+$0x1E0] =	vst v0;
	v0 =	vmul.f32 $1.131370830e+01, v8  }
0x167: {  	v2 =	vld [tilespmem:s13+$0x260];
	[tilespmem:s13+$0x1F0] =	vst v1;
	v1 =	vmul.f32 $1.131370830e+01, v5  }
0x168: {  	v3 =	vld [tilespmem:s13+$0x270];
	[tilespmem:s13+$0x210] =	vst v0;
	v0 =	vmul.f32 $1.131370830e+01, v6  }
0x169: {  	v5 =	vld [tilespmem:s13+$0x290];
	[tilespmem:s13+$0x220] =	vst v1;
	v1 =	vmul.f32 $1.131370830e+01, v7  }
0x16a: {  	v6 =	vld [tilespmem:s13+$0x2A0];
	[tilespmem:s13+$0x230] =	vst v0;
	v0 =	vmul.f32 $1.131370830e+01, v63  }
0x16b: {  	v7 =	vld [tilespmem:s13+$0x2B0];
	[tilespmem:s13+$0x240] =	vst v1;
	v1 =	vmul.f32 $1.131370830e+01, v4  }
0x16c: {  	v8 =	vld [tilespmem:s13+$0x2C0];
	v2 =	vmul.f32 $1.131370830e+01, v2;
	[tilespmem:s13+$0x250] =	vst v0  }
0x16d: {  	v4 =	vld [tilespmem:s13+$0x2D0];
	[tilespmem:s13+$0x280] =	vst v1;
	v1 =	vmul.f32 $1.131370830e+01, v3  }
0x16e: {  	v0 =	vld [tilespmem:s13+$0x2E0];
	[tilespmem:s13+$0x260] =	vst v2;
	v2 =	vmul.f32 $1.131370830e+01, v5  }
0x16f: {  	v3 =	vld [tilespmem:s13+$0x2F0];
	[tilespmem:s13+$0x270] =	vst v1;
	v1 =	vmul.f32 $1.131370830e+01, v6  }
0x170: {  	v5 =	vld [tilespmem:s13+$0x300];
	[tilespmem:s13+$0x290] =	vst v2;
	v2 =	vmul.f32 $1.131370830e+01, v7  }
0x171: {  	v6 =	vld [tilespmem:s13+$0x310];
	[tilespmem:s13+$0x2A0] =	vst v1;
	v1 =	vmul.f32 $1.131370830e+01, v8  }
0x172: {  	v7 =	vld [tilespmem:s13+$0x320];
	[tilespmem:s13+$0x2B0] =	vst v2;
	v2 =	vmul.f32 $1.131370830e+01, v4  }
0x173: {  	v4 =	vld [tilespmem:s13+$0x330];
	v0 =	vmul.f32 $1.131370830e+01, v0;
	[tilespmem:s13+$0x2C0] =	vst v1  }
0x174: {  	v3 =	vmul.f32 $1.131370830e+01, v3;
	v1 =	vld [tilespmem:s13+$0x340];
	[tilespmem:s13+$0x2D0] =	vst v2  }
0x175: {  	v2 =	vmul.f32 $1.131370830e+01, v5;
	v5 =	vld [tilespmem:s13+$0x350];
	[tilespmem:s13+$0x2E0] =	vst v0  }
0x176: {  	v0 =	vld [tilespmem:s13+$0x360];
	v6 =	vmul.f32 $1.131370830e+01, v6;
	[tilespmem:s13+$0x2F0] =	vst v3  }
0x177: {  	v3 =	vld [tilespmem:s13+$0x370];
	[tilespmem:s13+$0x300] =	vst v2;
	v2 =	vmul.f32 $1.131370830e+01, v7  }
0x178: {  	[tilespmem:s13+$0x310] =	vst v6;
	v4 =	vmul.f32 $1.131370830e+01, v4;
	v6 =	vld [tilespmem:s13+$0x380]  }
0x179: {  	v7 =	vld [tilespmem:s13+$0x390];
	[tilespmem:s13+$0x320] =	vst v2;
	v1 =	vmul.f32 $1.131370830e+01, v1  }
0x17a: {  	v8 =	vld [tilespmem:s13+$0x3A0];
	[tilespmem:s13+$0x330] =	vst v4;
	v2 =	vmul.f32 $1.131370830e+01, v5  }
0x17b: {  	v4 =	vmul.f32 $1.131370830e+01, v0;
	v0 =	vld [tilespmem:s13+$0x3B0];
	[tilespmem:s13+$0x340] =	vst v1  }
0x17c: {  	v3 =	vmul.f32 $1.131370830e+01, v3;
	[tilespmem:s13+$0x350] =	vst v2;
	v1 =	vld [tilespmem:s13+$0x3C0]  }
0x17d: {  	[tilespmem:s13+$0x360] =	vst v4;
	v2 =	vld [tilespmem:s13+$0x3D0];
	v6 =	vmul.f32 $1.131370830e+01, v6  }
0x17e: {  	v5 =	vmul.f32 $1.131370830e+01, v7;
	[tilespmem:s13+$0x370] =	vst v3;
	v3 =	vld [tilespmem:s13+$0x3E0]  }
0x17f: {  	s14 =	simm.s32 $0x16800;
	s2 =	simm.s32 $0x0;
	v4 =	vld [tilespmem:s13+$0x0];
	[tilespmem:s13+$0x380] =	vst v6;
	v6 =	vmul.f32 $1.131370830e+01, v8  }
.LBB2_8:
0x180: {  	v7 =	vld [tilespmem:s14+$0x3F0];
	s2 =	sadd.s32 $0x8, s2;
	[tilespmem:s13+$0x390] =	vst v5;
	v0 =	vmul.f32 $1.131370830e+01, v0  }
0x181: {  	v5 =	vld [tilespmem:s14+$0x10];
	p1 =	slt.u32 s2, $0x78;
	[tilespmem:s13+$0x3A0] =	vst v6;
	v1 =	vmul.f32 $1.131370830e+01, v1  }
0x182: {  	v6 =	vld [tilespmem:s14+$0x20];
	[tilespmem:s13+$0x3B0] =	vst v0;
	v0 =	vmul.f32 $1.131370830e+01, v2  }
0x183: {  	v2 =	vld [tilespmem:s14+$0x30];
	[tilespmem:s13+$0x3C0] =	vst v1;
	v1 =	vmul.f32 $1.131370830e+01, v3  }
0x184: {  	v3 =	vld [tilespmem:s14+$0x40];
	v4 =	vmul.f32 $1.131370830e+01, v4;
	[tilespmem:s13+$0x3D0] =	vst v0  }
0x185: {  	v0 =	vld [tilespmem:s14+$0x50];
	v7 =	vmul.f32 $1.131370830e+01, v7;
	[tilespmem:s13+$0x3E0] =	vst v1  }
0x186: {  	v1 =	vmul.f32 $1.131370830e+01, v5;
	v5 =	vld [tilespmem:s14+$0x60];
	[tilespmem:s13+$0x0] =	vst v4;
	s13 =	smov.u32 s14  }
0x187: {  	v4 =	vmul.f32 $1.131370830e+01, v6;
	v6 =	vld [tilespmem:s14+$0x70];
	[tilespmem:s14+$0x3F0] =	vst v7  }
0x188: {  	[tilespmem:s14+$0x10] =	vst v1;
	v1 =	vmul.f32 $1.131370830e+01, v2;
	v2 =	vld [tilespmem:s14+$0x80]  }
0x189: {  	[tilespmem:s14+$0x20] =	vst v4;
	v3 =	vmul.f32 $1.131370830e+01, v3;
	v4 =	vld [tilespmem:s14+$0x90]  }
0x18a: {  	[tilespmem:s14+$0x30] =	vst v1;
	v0 =	vmul.f32 $1.131370830e+01, v0;
	v1 =	vld [tilespmem:s14+$0xA0]  }
0x18b: {  	[tilespmem:s14+$0x40] =	vst v3;
	v3 =	vmul.f32 $1.131370830e+01, v5;
	v5 =	vld [tilespmem:s14+$0xB0]  }
0x18c: {  	[tilespmem:s14+$0x50] =	vst v0;
	v0 =	vmul.f32 $1.131370830e+01, v6;
	v6 =	vld [tilespmem:s14+$0xC0]  }
0x18d: {  	[tilespmem:s14+$0x60] =	vst v3;
	v2 =	vmul.f32 $1.131370830e+01, v2;
	v3 =	vld [tilespmem:s14+$0xD0]  }
0x18e: {  	[tilespmem:s14+$0x70] =	vst v0;
	v0 =	vmul.f32 $1.131370830e+01, v4;
	v4 =	vld [tilespmem:s14+$0xE0]  }
0x18f: {  	[tilespmem:s14+$0x80] =	vst v2;
	v1 =	vmul.f32 $1.131370830e+01, v1;
	v2 =	vld [tilespmem:s14+$0xF0]  }
0x190: {  	[tilespmem:s14+$0x90] =	vst v0;
	v0 =	vmul.f32 $1.131370830e+01, v5;
	v5 =	vld [tilespmem:s14+$0x100]  }
0x191: {  	[tilespmem:s14+$0xA0] =	vst v1;
	v1 =	vmul.f32 $1.131370830e+01, v6;
	v6 =	vld [tilespmem:s14+$0x110]  }
0x192: {  	[tilespmem:s14+$0xB0] =	vst v0;
	v0 =	vmul.f32 $1.131370830e+01, v3;
	v3 =	vld [tilespmem:s14+$0x120]  }
0x193: {  	[tilespmem:s14+$0xC0] =	vst v1;
	v1 =	vmul.f32 $1.131370830e+01, v4;
	v4 =	vld [tilespmem:s14+$0x130]  }
0x194: {  	[tilespmem:s14+$0xD0] =	vst v0;
	v0 =	vmul.f32 $1.131370830e+01, v2;
	v2 =	vld [tilespmem:s14+$0x140]  }
0x195: {  	[tilespmem:s14+$0xE0] =	vst v1;
	v1 =	vmul.f32 $1.131370830e+01, v5;
	v5 =	vld [tilespmem:s14+$0x150]  }
0x196: {  	[tilespmem:s14+$0xF0] =	vst v0;
	v0 =	vmul.f32 $1.131370830e+01, v6;
	v6 =	vld [tilespmem:s14+$0x160]  }
0x197: {  	[tilespmem:s14+$0x100] =	vst v1;
	v1 =	vmul.f32 $1.131370830e+01, v3;
	v3 =	vld [tilespmem:s14+$0x170]  }
0x198: {  	[tilespmem:s14+$0x110] =	vst v0;
	v0 =	vmul.f32 $1.131370830e+01, v4;
	v4 =	vld [tilespmem:s14+$0x180]  }
0x199: {  	[tilespmem:s14+$0x120] =	vst v1;
	v1 =	vmul.f32 $1.131370830e+01, v2;
	v2 =	vld [tilespmem:s14+$0x190]  }
0x19a: {  	[tilespmem:s14+$0x130] =	vst v0;
	v0 =	vmul.f32 $1.131370830e+01, v5;
	v5 =	vld [tilespmem:s14+$0x1A0]  }
0x19b: {  	[tilespmem:s14+$0x140] =	vst v1;
	v1 =	vmul.f32 $1.131370830e+01, v6;
	v6 =	vld [tilespmem:s14+$0x1B0]  }
0x19c: {  	[tilespmem:s14+$0x150] =	vst v0;
	v0 =	vmul.f32 $1.131370830e+01, v3;
	v3 =	vld [tilespmem:s14+$0x1C0]  }
0x19d: {  	[tilespmem:s14+$0x160] =	vst v1;
	v1 =	vmul.f32 $1.131370830e+01, v4;
	v4 =	vld [tilespmem:s14+$0x1D0]  }
0x19e: {  	[tilespmem:s14+$0x170] =	vst v0;
	v0 =	vmul.f32 $1.131370830e+01, v2;
	v2 =	vld [tilespmem:s14+$0x1E0]  }
0x19f: {  	[tilespmem:s14+$0x180] =	vst v1;
	v1 =	vmul.f32 $1.131370830e+01, v5;
	v5 =	vld [tilespmem:s14+$0x1F0]  }
0x1a0: {  	[tilespmem:s14+$0x190] =	vst v0;
	v0 =	vmul.f32 $1.131370830e+01, v6;
	v6 =	vld [tilespmem:s14+$0x200]  }
0x1a1: {  	[tilespmem:s14+$0x1A0] =	vst v1;
	v1 =	vmul.f32 $1.131370830e+01, v3;
	v3 =	vld [tilespmem:s14+$0x210]  }
0x1a2: {  	[tilespmem:s14+$0x1B0] =	vst v0;
	v0 =	vmul.f32 $1.131370830e+01, v4;
	v4 =	vld [tilespmem:s14+$0x220]  }
0x1a3: {  	[tilespmem:s14+$0x1C0] =	vst v1;
	v1 =	vmul.f32 $1.131370830e+01, v2;
	v2 =	vld [tilespmem:s14+$0x230]  }
0x1a4: {  	[tilespmem:s14+$0x1D0] =	vst v0;
	v0 =	vmul.f32 $1.131370830e+01, v5;
	v5 =	vld [tilespmem:s14+$0x240]  }
0x1a5: {  	[tilespmem:s14+$0x1E0] =	vst v1;
	v1 =	vmul.f32 $1.131370830e+01, v6;
	v6 =	vld [tilespmem:s14+$0x250]  }
0x1a6: {  	[tilespmem:s14+$0x1F0] =	vst v0;
	v0 =	vmul.f32 $1.131370830e+01, v3;
	v3 =	vld [tilespmem:s14+$0x260]  }
0x1a7: {  	[tilespmem:s14+$0x200] =	vst v1;
	v1 =	vmul.f32 $1.131370830e+01, v4;
	v4 =	vld [tilespmem:s14+$0x270]  }
0x1a8: {  	[tilespmem:s14+$0x210] =	vst v0;
	v0 =	vmul.f32 $1.131370830e+01, v2;
	v2 =	vld [tilespmem:s14+$0x280]  }
0x1a9: {  	[tilespmem:s14+$0x220] =	vst v1;
	v1 =	vmul.f32 $1.131370830e+01, v5;
	v5 =	vld [tilespmem:s14+$0x290]  }
0x1aa: {  	[tilespmem:s14+$0x230] =	vst v0;
	v0 =	vmul.f32 $1.131370830e+01, v6;
	v6 =	vld [tilespmem:s14+$0x2A0]  }
0x1ab: {  	[tilespmem:s14+$0x240] =	vst v1;
	v1 =	vmul.f32 $1.131370830e+01, v3;
	v3 =	vld [tilespmem:s14+$0x2B0]  }
0x1ac: {  	[tilespmem:s14+$0x250] =	vst v0;
	v0 =	vmul.f32 $1.131370830e+01, v4;
	v4 =	vld [tilespmem:s14+$0x2C0]  }
0x1ad: {  	[tilespmem:s14+$0x260] =	vst v1;
	v1 =	vmul.f32 $1.131370830e+01, v2;
	v2 =	vld [tilespmem:s14+$0x2D0]  }
0x1ae: {  	[tilespmem:s14+$0x270] =	vst v0;
	v0 =	vmul.f32 $1.131370830e+01, v5;
	v5 =	vld [tilespmem:s14+$0x2E0]  }
0x1af: {  	[tilespmem:s14+$0x280] =	vst v1;
	v1 =	vmul.f32 $1.131370830e+01, v6;
	v6 =	vld [tilespmem:s14+$0x2F0]  }
0x1b0: {  	[tilespmem:s14+$0x290] =	vst v0;
	v0 =	vmul.f32 $1.131370830e+01, v3;
	v3 =	vld [tilespmem:s14+$0x300]  }
0x1b1: {  	[tilespmem:s14+$0x2A0] =	vst v1;
	v1 =	vmul.f32 $1.131370830e+01, v4;
	v4 =	vld [tilespmem:s14+$0x310]  }
0x1b2: {  	[tilespmem:s14+$0x2B0] =	vst v0;
	v0 =	vmul.f32 $1.131370830e+01, v2;
	v2 =	vld [tilespmem:s14+$0x320]  }
0x1b3: {  	[tilespmem:s14+$0x2C0] =	vst v1;
	v1 =	vmul.f32 $1.131370830e+01, v5;
	v5 =	vld [tilespmem:s14+$0x330]  }
0x1b4: {  	[tilespmem:s14+$0x2D0] =	vst v0;
	v0 =	vmul.f32 $1.131370830e+01, v6;
	v6 =	vld [tilespmem:s14+$0x340]  }
0x1b5: {  	[tilespmem:s14+$0x2E0] =	vst v1;
	v1 =	vmul.f32 $1.131370830e+01, v3;
	v3 =	vld [tilespmem:s14+$0x350]  }
0x1b6: {  	[tilespmem:s14+$0x2F0] =	vst v0;
	v0 =	vmul.f32 $1.131370830e+01, v4;
	v4 =	vld [tilespmem:s14+$0x360]  }
0x1b7: {  	[tilespmem:s14+$0x300] =	vst v1;
	v1 =	vmul.f32 $1.131370830e+01, v2;
	v2 =	vld [tilespmem:s14+$0x370]  }
0x1b8: {  	[tilespmem:s14+$0x310] =	vst v0;
	v0 =	vmul.f32 $1.131370830e+01, v5;
	v5 =	vld [tilespmem:s14+$0x380]  }
0x1b9: {  	[tilespmem:s14+$0x320] =	vst v1;
	v1 =	vmul.f32 $1.131370830e+01, v6;
	v6 =	vld [tilespmem:s14+$0x390]  }
0x1ba: {  	[tilespmem:s14+$0x330] =	vst v0;
	v3 =	vmul.f32 $1.131370830e+01, v3;
	v7 =	vld [tilespmem:s14+$0x3A0]  }
.Ltmp3:
0x1bb: {  	[tilespmem:s14+$0x340] =	vst v1;
	v4 =	vmul.f32 $1.131370830e+01, v4;
	v0 =	vld [tilespmem:s14+$0x3B0];
	(pc) =	sbr.rel @p1 .LBB2_8-.Ltmp3, $4  }
0x1bc: {  	[tilespmem:s14+$0x350] =	vst v3;
	v3 =	vmul.f32 $1.131370830e+01, v2;
	v1 =	vld [tilespmem:s14+$0x3C0]  }
0x1bd: {  	[tilespmem:s14+$0x360] =	vst v4;
	v8 =	vmul.f32 $1.131370830e+01, v5;
	v2 =	vld [tilespmem:s14+$0x3D0]  }
0x1be: {  	[tilespmem:s14+$0x370] =	vst v3;
	v5 =	vmul.f32 $1.131370830e+01, v6;
	v3 =	vld [tilespmem:s14+$0x3E0]  }
0x1bf: {  	s14 =	sadd.s32 $0x400, s14;
	v4 =	vld [tilespmem:s13+$0x0];
	[tilespmem:s13+$0x380] =	vst v8;
	v6 =	vmul.f32 $1.131370830e+01, v7  }
0x1c0: {  	[tilespmem:s13+$0x390] =	vst v5;
	v0 =	vmul.f32 $1.131370830e+01, v0  }
0x1c1: {  	[tilespmem:s13+$0x3A0] =	vst v6;
	v1 =	vmul.f32 $1.131370830e+01, v1  }
0x1c2: {  	[tilespmem:s13+$0x3B0] =	vst v0;
	v61 =	vmul.f32 $1.131370830e+01, v2  }
0x1c3: {  	[tilespmem:s13+$0x3C0] =	vst v1;
	v62 =	vmul.f32 $1.131370830e+01, v3  }
0x1c4: {  	s2 =	sadd.s32 s12, s9;
	v63 =	vmul.f32 $1.131370830e+01, v4;
	[tilespmem:s13+$0x3D0] =	vst v61  }
0x1c5: {  	s2 =	sshll.u32 s2, $0x4;
	[tilespmem:s13+$0x3E0] =	vst v62  }
.Ltmp4:
0x1c6: {  	s2 =	sadd.s32 s3, s2;
	[tilespmem:s13+$0x0] =	vst v63;
	(pc) =	sbr.rel .LBB2_10-.Ltmp4, $4  }
0x1c7: {  	[hbm4b:s2+s4] =	stream.linear.scatter [tilespmem:s22], [sflag:$0xA], $0x4000, $0x38;
	[tilespmem:$0x1A400] =	vst v63  }
0x1c8: {  	_ =	swait.ge [sflag:s31], $0x4000  }
0x1c9: {  	[sflag:s31] =	ssyncset.done $0x0  }
0x1ca: {  	[sflag:s31] =	ssyncadd.s32 $0xFFFFC000  }
.LBB2_23:
0x1cb: {  	s10 =	simm.s32 $0x80;
	s11 =	simm.s32 $0x0  }
0x1cc: {  	[tilespmem:s15], [sflag:$0x1] =	stream.indirect.gather [hbm4b:s1+s10], $0x80, s11, s10, $0xb8;
	[tilespmem:$0x1A400] =	vst v63  }
0x1cd: {  	_ = 	snop  }
0x1ce: {  	[tilespmem:s16], [sflag:$0x2] =	stream.indirect.gather [hbm4b:s1+s10], $0x80, s10, s10, $0xb8;
	[tilespmem:$0x1A400] =	vst v63  }
0x1cf: {  	s2 =	simm.s32 $0x100;
	s12 =	simm.s32 $0x0  }
0x1d0: {  	[tilespmem:s18], [sflag:$0x3] =	stream.indirect.gather [hbm4b:s1+s10], $0x80, s2, s10, $0xb8;
	[tilespmem:$0x1A400] =	vst v63  }
.LBB2_10:
0x1d1: {  	s11 =	sshra.s32 s11, $0x2  }
0x1d2: {  	s2 =	sadd.s32 $0x180, s11  }
0x1d3: {  	[tilespmem:s20], [sflag:$0x4] =	stream.indirect.gather [hbm4b:s1+s19], $0x80, s2, s19, $0xb8;
	[tilespmem:$0x1A400] =	vst v63  }
0x1d4: {  	_ =	swait.ge [sflag:s21], $0x4000  }
0x1d5: {  	[sflag:s21] =	ssyncset.done $0x0  }
0x1d6: {  	s13 =	simm.s32 $0x6600;
	[sflag:s21] =	ssyncadd.s32 $0xFFFFC000  }
0x1d7: {  	v0 =	vld [tilespmem:s13+$0x1F0]  }
0x1d8: {  	v1 =	vld [tilespmem:s13+$0xFFFFFE10]  }
0x1d9: {  	v2 =	vld [tilespmem:s13+$0xFFFFFE20]  }
0x1da: {  	v11 =	vld [tilespmem:s13+$0xFFFFFEB0]  }
0x1db: {  	v8 =	vld [tilespmem:s13+$0xFFFFFE80]  }
0x1dc: {  	v4 =	vld [tilespmem:s13+$0xFFFFFE40];
	v0 =	vmul.f32 $1.131370830e+01, v0  }
0x1dd: {  	v3 =	vld [tilespmem:s13+$0xFFFFFE30];
	v1 =	vmul.f32 $1.131370830e+01, v1  }
0x1de: {  	v6 =	vld [tilespmem:s13+$0xFFFFFE60];
	v2 =	vmul.f32 $1.131370830e+01, v2;
	[tilespmem:s13+$0x1F0] =	vst v0  }
0x1df: {  	v5 =	vld [tilespmem:s13+$0xFFFFFE50];
	v60 =	vmul.f32 $1.131370830e+01, v11;
	[tilespmem:s13+$0xFFFFFE10] =	vst v1  }
0x1e0: {  	v9 =	vld [tilespmem:s13+$0xFFFFFE90];
	v0 =	vmul.f32 $1.131370830e+01, v8;
	[tilespmem:s13+$0xFFFFFE20] =	vst v2  }
0x1e1: {  	v1 =	vld [tilespmem:s13+$0xFFFFFEE0];
	v2 =	vmul.f32 $1.131370830e+01, v4;
	[tilespmem:s13+$0xFFFFFEB0] =	vst v60  }
0x1e2: {  	v7 =	vld [tilespmem:s13+$0xFFFFFE70];
	[tilespmem:s13+$0xFFFFFE80] =	vst v0;
	v0 =	vmul.f32 $1.131370830e+01, v3  }
0x1e3: {  	v4 =	vld [tilespmem:s13+$0xFFFFFF00];
	[tilespmem:s13+$0xFFFFFE40] =	vst v2;
	v2 =	vmul.f32 $1.131370830e+01, v6  }
0x1e4: {  	v3 =	vld [tilespmem:s13+$0xFFFFFEF0];
	[tilespmem:s13+$0xFFFFFE30] =	vst v0;
	v0 =	vmul.f32 $1.131370830e+01, v5  }
0x1e5: {  	v12 =	vld [tilespmem:s13+$0xFFFFFEC0];
	[tilespmem:s13+$0xFFFFFE60] =	vst v2;
	v2 =	vmul.f32 $1.131370830e+01, v9  }
0x1e6: {  	v10 =	vld [tilespmem:s13+$0xFFFFFEA0];
	v1 =	vmul.f32 $1.131370830e+01, v1;
	[tilespmem:s13+$0xFFFFFE50] =	vst v0  }
0x1e7: {  	v6 =	vld [tilespmem:s13+$0xFFFFFF20];
	v0 =	vmul.f32 $1.131370830e+01, v7;
	[tilespmem:s13+$0xFFFFFE90] =	vst v2  }
0x1e8: {  	v8 =	vld [tilespmem:s13+$0xFFFFFED0];
	v2 =	vmul.f32 $1.131370830e+01, v4;
	[tilespmem:s13+$0xFFFFFEE0] =	vst v1  }
0x1e9: {  	v5 =	vld [tilespmem:s13+$0xFFFFFF10];
	v3 =	vmul.f32 $1.131370830e+01, v3;
	[tilespmem:s13+$0xFFFFFE70] =	vst v0  }
0x1ea: {  	v59 =	vld [tilespmem:s13+$0xFFFFFF40];
	[tilespmem:s13+$0xFFFFFF00] =	vst v2;
	v2 =	vmul.f32 $1.131370830e+01, v12  }
0x1eb: {  	v7 =	vld [tilespmem:s13+$0xFFFFFF30];
	v0 =	vmul.f32 $1.131370830e+01, v10;
	[tilespmem:s13+$0xFFFFFEF0] =	vst v3  }
0x1ec: {  	v3 =	vmul.f32 $1.131370830e+01, v6;
	[tilespmem:s13+$0xFFFFFEC0] =	vst v2;
	v2 =	vld [tilespmem:s13+$0xFFFFFF80]  }
0x1ed: {  	v8 =	vmul.f32 $1.131370830e+01, v8;
	[tilespmem:s13+$0xFFFFFEA0] =	vst v0;
	v0 =	vld [tilespmem:s13+$0xFFFFFF60]  }
0x1ee: {  	v1 =	vmul.f32 $1.131370830e+01, v5;
	[tilespmem:s13+$0xFFFFFF20] =	vst v3;
	v3 =	vld [tilespmem:s13+$0xFFFFFFD0]  }
0x1ef: {  	v9 =	vmul.f32 $1.131370830e+01, v59;
	v4 =	vld [tilespmem:s13+$0xFFFFFF50];
	[tilespmem:s13+$0xFFFFFED0] =	vst v8  }
0x1f0: {  	v8 =	vld [tilespmem:s13+$0xFFFFFF90];
	[tilespmem:s13+$0xFFFFFF10] =	vst v1;
	v1 =	vmul.f32 $1.131370830e+01, v7  }
0x1f1: {  	v61 =	vld [tilespmem:s13+$0xFFFFFF70];
	[tilespmem:s13+$0xFFFFFF40] =	vst v9;
	v2 =	vmul.f32 $1.131370830e+01, v2  }
0x1f2: {  	v6 =	vld [tilespmem:s13+$0xFFFFFFB0];
	[tilespmem:s13+$0xFFFFFF30] =	vst v1;
	v0 =	vmul.f32 $1.131370830e+01, v0  }
0x1f3: {  	v5 =	vld [tilespmem:s13+$0xFFFFFFA0];
	v3 =	vmul.f32 $1.131370830e+01, v3;
	[tilespmem:s13+$0xFFFFFF80] =	vst v2  }
0x1f4: {  	v62 =	vld [tilespmem:s13+$0x0];
	v2 =	vmul.f32 $1.131370830e+01, v4;
	[tilespmem:s13+$0xFFFFFF60] =	vst v0  }
0x1f5: {  	v7 =	vld [tilespmem:s13+$0xFFFFFFC0];
	v0 =	vmul.f32 $1.131370830e+01, v8;
	[tilespmem:s13+$0xFFFFFFD0] =	vst v3  }
0x1f6: {  	v1 =	vld [tilespmem:s13+$0xFFFFFFE0];
	[tilespmem:s13+$0xFFFFFF50] =	vst v2;
	v2 =	vmul.f32 $1.131370830e+01, v61  }
0x1f7: {  	v4 =	vld [tilespmem:s13+$0xFFFFFFF0];
	[tilespmem:s13+$0xFFFFFF90] =	vst v0;
	v0 =	vmul.f32 $1.131370830e+01, v6  }
0x1f8: {  	v8 =	vld [tilespmem:s13+$0x10];
	[tilespmem:s13+$0xFFFFFF70] =	vst v2;
	v2 =	vmul.f32 $1.131370830e+01, v5  }
0x1f9: {  	v5 =	vld [tilespmem:s13+$0x20];
	[tilespmem:s13+$0xFFFFFFB0] =	vst v0;
	v0 =	vmul.f32 $1.131370830e+01, v62  }
0x1fa: {  	v6 =	vld [tilespmem:s13+$0x30];
	[tilespmem:s13+$0xFFFFFFA0] =	vst v2;
	v2 =	vmul.f32 $1.131370830e+01, v7  }
0x1fb: {  	v7 =	vld [tilespmem:s13+$0x40];
	[tilespmem:s13+$0x0] =	vst v0;
	v0 =	vmul.f32 $1.131370830e+01, v1  }
0x1fc: {  	v63 =	vld [tilespmem:s13+$0x50];
	v1 =	vmul.f32 $1.131370830e+01, v4;
	[tilespmem:s13+$0xFFFFFFC0] =	vst v2  }
0x1fd: {  	v4 =	vld [tilespmem:s13+$0x80];
	[tilespmem:s13+$0xFFFFFFE0] =	vst v0;
	v0 =	vmul.f32 $1.131370830e+01, v8  }
0x1fe: {  	v2 =	vld [tilespmem:s13+$0x60];
	[tilespmem:s13+$0xFFFFFFF0] =	vst v1;
	v1 =	vmul.f32 $1.131370830e+01, v5  }
0x1ff: {  	v3 =	vld [tilespmem:s13+$0x70];
	[tilespmem:s13+$0x10] =	vst v0;
	v0 =	vmul.f32 $1.131370830e+01, v6  }
0x200: {  	v5 =	vld [tilespmem:s13+$0x90];
	[tilespmem:s13+$0x20] =	vst v1;
	v1 =	vmul.f32 $1.131370830e+01, v7  }
0x201: {  	v6 =	vld [tilespmem:s13+$0xA0];
	[tilespmem:s13+$0x30] =	vst v0;
	v0 =	vmul.f32 $1.131370830e+01, v63  }
0x202: {  	v7 =	vld [tilespmem:s13+$0xB0];
	[tilespmem:s13+$0x40] =	vst v1;
	v1 =	vmul.f32 $1.131370830e+01, v4  }
0x203: {  	v8 =	vld [tilespmem:s13+$0xC0];
	v2 =	vmul.f32 $1.131370830e+01, v2;
	[tilespmem:s13+$0x50] =	vst v0  }
0x204: {  	v4 =	vld [tilespmem:s13+$0xD0];
	[tilespmem:s13+$0x80] =	vst v1;
	v1 =	vmul.f32 $1.131370830e+01, v3  }
0x205: {  	v0 =	vld [tilespmem:s13+$0xE0];
	[tilespmem:s13+$0x60] =	vst v2;
	v2 =	vmul.f32 $1.131370830e+01, v5  }
0x206: {  	v3 =	vld [tilespmem:s13+$0xF0];
	[tilespmem:s13+$0x70] =	vst v1;
	v1 =	vmul.f32 $1.131370830e+01, v6  }
0x207: {  	v5 =	vld [tilespmem:s13+$0x100];
	[tilespmem:s13+$0x90] =	vst v2;
	v2 =	vmul.f32 $1.131370830e+01, v7  }
0x208: {  	v6 =	vld [tilespmem:s13+$0x110];
	[tilespmem:s13+$0xA0] =	vst v1;
	v1 =	vmul.f32 $1.131370830e+01, v8  }
0x209: {  	v7 =	vld [tilespmem:s13+$0x120];
	[tilespmem:s13+$0xB0] =	vst v2;
	v2 =	vmul.f32 $1.131370830e+01, v4  }
0x20a: {  	v4 =	vld [tilespmem:s13+$0x130];
	v0 =	vmul.f32 $1.131370830e+01, v0;
	[tilespmem:s13+$0xC0] =	vst v1  }
0x20b: {  	v3 =	vmul.f32 $1.131370830e+01, v3;
	v1 =	vld [tilespmem:s13+$0x140];
	[tilespmem:s13+$0xD0] =	vst v2  }
0x20c: {  	v2 =	vmul.f32 $1.131370830e+01, v5;
	v5 =	vld [tilespmem:s13+$0x150];
	[tilespmem:s13+$0xE0] =	vst v0  }
0x20d: {  	v0 =	vld [tilespmem:s13+$0x160];
	v6 =	vmul.f32 $1.131370830e+01, v6;
	[tilespmem:s13+$0xF0] =	vst v3  }
0x20e: {  	v3 =	vld [tilespmem:s13+$0x170];
	[tilespmem:s13+$0x100] =	vst v2;
	v2 =	vmul.f32 $1.131370830e+01, v7  }
0x20f: {  	[tilespmem:s13+$0x110] =	vst v6;
	v4 =	vmul.f32 $1.131370830e+01, v4;
	v6 =	vld [tilespmem:s13+$0x180]  }
0x210: {  	v7 =	vld [tilespmem:s13+$0x190];
	[tilespmem:s13+$0x120] =	vst v2;
	v1 =	vmul.f32 $1.131370830e+01, v1  }
0x211: {  	v8 =	vld [tilespmem:s13+$0x1A0];
	[tilespmem:s13+$0x130] =	vst v4;
	v2 =	vmul.f32 $1.131370830e+01, v5  }
0x212: {  	v4 =	vmul.f32 $1.131370830e+01, v0;
	v0 =	vld [tilespmem:s13+$0x1B0];
	[tilespmem:s13+$0x140] =	vst v1  }
0x213: {  	v3 =	vmul.f32 $1.131370830e+01, v3;
	[tilespmem:s13+$0x150] =	vst v2;
	v1 =	vld [tilespmem:s13+$0x1C0]  }
0x214: {  	[tilespmem:s13+$0x160] =	vst v4;
	v2 =	vld [tilespmem:s13+$0x1D0];
	v6 =	vmul.f32 $1.131370830e+01, v6  }
0x215: {  	v5 =	vmul.f32 $1.131370830e+01, v7;
	[tilespmem:s13+$0x170] =	vst v3;
	v3 =	vld [tilespmem:s13+$0x1E0]  }
0x216: {  	s14 =	simm.s32 $0x6A00;
	s2 =	simm.s32 $0x0;
	v4 =	vld [tilespmem:s13+$0xFFFFFE00];
	[tilespmem:s13+$0x180] =	vst v6;
	v6 =	vmul.f32 $1.131370830e+01, v8  }
.LBB2_11:
0x217: {  	v7 =	vld [tilespmem:s14+$0x1F0];
	s2 =	sadd.s32 $0x8, s2;
	[tilespmem:s13+$0x190] =	vst v5;
	v0 =	vmul.f32 $1.131370830e+01, v0  }
0x218: {  	v5 =	vld [tilespmem:s14+$0xFFFFFE10];
	p1 =	slt.u32 s2, $0x78;
	[tilespmem:s13+$0x1A0] =	vst v6;
	v1 =	vmul.f32 $1.131370830e+01, v1  }
0x219: {  	v6 =	vld [tilespmem:s14+$0xFFFFFE20];
	[tilespmem:s13+$0x1B0] =	vst v0;
	v0 =	vmul.f32 $1.131370830e+01, v2  }
0x21a: {  	v2 =	vld [tilespmem:s14+$0xFFFFFE30];
	[tilespmem:s13+$0x1C0] =	vst v1;
	v1 =	vmul.f32 $1.131370830e+01, v3  }
0x21b: {  	v3 =	vld [tilespmem:s14+$0xFFFFFE40];
	v4 =	vmul.f32 $1.131370830e+01, v4;
	[tilespmem:s13+$0x1D0] =	vst v0  }
0x21c: {  	v0 =	vld [tilespmem:s14+$0xFFFFFE50];
	v7 =	vmul.f32 $1.131370830e+01, v7;
	[tilespmem:s13+$0x1E0] =	vst v1  }
0x21d: {  	v1 =	vmul.f32 $1.131370830e+01, v5;
	v5 =	vld [tilespmem:s14+$0xFFFFFE60];
	[tilespmem:s13+$0xFFFFFE00] =	vst v4;
	s13 =	smov.u32 s14  }
0x21e: {  	v4 =	vmul.f32 $1.131370830e+01, v6;
	v6 =	vld [tilespmem:s14+$0xFFFFFE70];
	[tilespmem:s14+$0x1F0] =	vst v7  }
0x21f: {  	[tilespmem:s14+$0xFFFFFE10] =	vst v1;
	v1 =	vmul.f32 $1.131370830e+01, v2;
	v2 =	vld [tilespmem:s14+$0xFFFFFE80]  }
0x220: {  	[tilespmem:s14+$0xFFFFFE20] =	vst v4;
	v3 =	vmul.f32 $1.131370830e+01, v3;
	v4 =	vld [tilespmem:s14+$0xFFFFFE90]  }
0x221: {  	[tilespmem:s14+$0xFFFFFE30] =	vst v1;
	v0 =	vmul.f32 $1.131370830e+01, v0;
	v1 =	vld [tilespmem:s14+$0xFFFFFEA0]  }
0x222: {  	[tilespmem:s14+$0xFFFFFE40] =	vst v3;
	v3 =	vmul.f32 $1.131370830e+01, v5;
	v5 =	vld [tilespmem:s14+$0xFFFFFEB0]  }
0x223: {  	[tilespmem:s14+$0xFFFFFE50] =	vst v0;
	v0 =	vmul.f32 $1.131370830e+01, v6;
	v6 =	vld [tilespmem:s14+$0xFFFFFEC0]  }
0x224: {  	[tilespmem:s14+$0xFFFFFE60] =	vst v3;
	v2 =	vmul.f32 $1.131370830e+01, v2;
	v3 =	vld [tilespmem:s14+$0xFFFFFED0]  }
0x225: {  	[tilespmem:s14+$0xFFFFFE70] =	vst v0;
	v0 =	vmul.f32 $1.131370830e+01, v4;
	v4 =	vld [tilespmem:s14+$0xFFFFFEE0]  }
0x226: {  	[tilespmem:s14+$0xFFFFFE80] =	vst v2;
	v1 =	vmul.f32 $1.131370830e+01, v1;
	v2 =	vld [tilespmem:s14+$0xFFFFFEF0]  }
0x227: {  	[tilespmem:s14+$0xFFFFFE90] =	vst v0;
	v0 =	vmul.f32 $1.131370830e+01, v5;
	v5 =	vld [tilespmem:s14+$0xFFFFFF00]  }
0x228: {  	[tilespmem:s14+$0xFFFFFEA0] =	vst v1;
	v1 =	vmul.f32 $1.131370830e+01, v6;
	v6 =	vld [tilespmem:s14+$0xFFFFFF10]  }
0x229: {  	[tilespmem:s14+$0xFFFFFEB0] =	vst v0;
	v0 =	vmul.f32 $1.131370830e+01, v3;
	v3 =	vld [tilespmem:s14+$0xFFFFFF20]  }
0x22a: {  	[tilespmem:s14+$0xFFFFFEC0] =	vst v1;
	v1 =	vmul.f32 $1.131370830e+01, v4;
	v4 =	vld [tilespmem:s14+$0xFFFFFF30]  }
0x22b: {  	[tilespmem:s14+$0xFFFFFED0] =	vst v0;
	v0 =	vmul.f32 $1.131370830e+01, v2;
	v2 =	vld [tilespmem:s14+$0xFFFFFF40]  }
0x22c: {  	[tilespmem:s14+$0xFFFFFEE0] =	vst v1;
	v1 =	vmul.f32 $1.131370830e+01, v5;
	v5 =	vld [tilespmem:s14+$0xFFFFFF50]  }
0x22d: {  	[tilespmem:s14+$0xFFFFFEF0] =	vst v0;
	v0 =	vmul.f32 $1.131370830e+01, v6;
	v6 =	vld [tilespmem:s14+$0xFFFFFF60]  }
0x22e: {  	[tilespmem:s14+$0xFFFFFF00] =	vst v1;
	v1 =	vmul.f32 $1.131370830e+01, v3;
	v3 =	vld [tilespmem:s14+$0xFFFFFF70]  }
0x22f: {  	[tilespmem:s14+$0xFFFFFF10] =	vst v0;
	v0 =	vmul.f32 $1.131370830e+01, v4;
	v4 =	vld [tilespmem:s14+$0xFFFFFF80]  }
0x230: {  	[tilespmem:s14+$0xFFFFFF20] =	vst v1;
	v1 =	vmul.f32 $1.131370830e+01, v2;
	v2 =	vld [tilespmem:s14+$0xFFFFFF90]  }
0x231: {  	[tilespmem:s14+$0xFFFFFF30] =	vst v0;
	v0 =	vmul.f32 $1.131370830e+01, v5;
	v5 =	vld [tilespmem:s14+$0xFFFFFFA0]  }
0x232: {  	[tilespmem:s14+$0xFFFFFF40] =	vst v1;
	v1 =	vmul.f32 $1.131370830e+01, v6;
	v6 =	vld [tilespmem:s14+$0xFFFFFFB0]  }
0x233: {  	[tilespmem:s14+$0xFFFFFF50] =	vst v0;
	v0 =	vmul.f32 $1.131370830e+01, v3;
	v3 =	vld [tilespmem:s14+$0xFFFFFFC0]  }
0x234: {  	[tilespmem:s14+$0xFFFFFF60] =	vst v1;
	v1 =	vmul.f32 $1.131370830e+01, v4;
	v4 =	vld [tilespmem:s14+$0xFFFFFFD0]  }
0x235: {  	[tilespmem:s14+$0xFFFFFF70] =	vst v0;
	v0 =	vmul.f32 $1.131370830e+01, v2;
	v2 =	vld [tilespmem:s14+$0xFFFFFFE0]  }
0x236: {  	[tilespmem:s14+$0xFFFFFF80] =	vst v1;
	v1 =	vmul.f32 $1.131370830e+01, v5;
	v5 =	vld [tilespmem:s14+$0xFFFFFFF0]  }
0x237: {  	[tilespmem:s14+$0xFFFFFF90] =	vst v0;
	v0 =	vmul.f32 $1.131370830e+01, v6;
	v6 =	vld [tilespmem:s14+$0x0]  }
0x238: {  	[tilespmem:s14+$0xFFFFFFA0] =	vst v1;
	v1 =	vmul.f32 $1.131370830e+01, v3;
	v3 =	vld [tilespmem:s14+$0x10]  }
0x239: {  	[tilespmem:s14+$0xFFFFFFB0] =	vst v0;
	v0 =	vmul.f32 $1.131370830e+01, v4;
	v4 =	vld [tilespmem:s14+$0x20]  }
0x23a: {  	[tilespmem:s14+$0xFFFFFFC0] =	vst v1;
	v1 =	vmul.f32 $1.131370830e+01, v2;
	v2 =	vld [tilespmem:s14+$0x30]  }
0x23b: {  	[tilespmem:s14+$0xFFFFFFD0] =	vst v0;
	v0 =	vmul.f32 $1.131370830e+01, v5;
	v5 =	vld [tilespmem:s14+$0x40]  }
0x23c: {  	[tilespmem:s14+$0xFFFFFFE0] =	vst v1;
	v1 =	vmul.f32 $1.131370830e+01, v6;
	v6 =	vld [tilespmem:s14+$0x50]  }
0x23d: {  	[tilespmem:s14+$0xFFFFFFF0] =	vst v0;
	v0 =	vmul.f32 $1.131370830e+01, v3;
	v3 =	vld [tilespmem:s14+$0x60]  }
0x23e: {  	[tilespmem:s14+$0x0] =	vst v1;
	v1 =	vmul.f32 $1.131370830e+01, v4;
	v4 =	vld [tilespmem:s14+$0x70]  }
0x23f: {  	[tilespmem:s14+$0x10] =	vst v0;
	v0 =	vmul.f32 $1.131370830e+01, v2;
	v2 =	vld [tilespmem:s14+$0x80]  }
0x240: {  	[tilespmem:s14+$0x20] =	vst v1;
	v1 =	vmul.f32 $1.131370830e+01, v5;
	v5 =	vld [tilespmem:s14+$0x90]  }
0x241: {  	[tilespmem:s14+$0x30] =	vst v0;
	v0 =	vmul.f32 $1.131370830e+01, v6;
	v6 =	vld [tilespmem:s14+$0xA0]  }
0x242: {  	[tilespmem:s14+$0x40] =	vst v1;
	v1 =	vmul.f32 $1.131370830e+01, v3;
	v3 =	vld [tilespmem:s14+$0xB0]  }
0x243: {  	[tilespmem:s14+$0x50] =	vst v0;
	v0 =	vmul.f32 $1.131370830e+01, v4;
	v4 =	vld [tilespmem:s14+$0xC0]  }
0x244: {  	[tilespmem:s14+$0x60] =	vst v1;
	v1 =	vmul.f32 $1.131370830e+01, v2;
	v2 =	vld [tilespmem:s14+$0xD0]  }
0x245: {  	[tilespmem:s14+$0x70] =	vst v0;
	v0 =	vmul.f32 $1.131370830e+01, v5;
	v5 =	vld [tilespmem:s14+$0xE0]  }
0x246: {  	[tilespmem:s14+$0x80] =	vst v1;
	v1 =	vmul.f32 $1.131370830e+01, v6;
	v6 =	vld [tilespmem:s14+$0xF0]  }
0x247: {  	[tilespmem:s14+$0x90] =	vst v0;
	v0 =	vmul.f32 $1.131370830e+01, v3;
	v3 =	vld [tilespmem:s14+$0x100]  }
0x248: {  	[tilespmem:s14+$0xA0] =	vst v1;
	v1 =	vmul.f32 $1.131370830e+01, v4;
	v4 =	vld [tilespmem:s14+$0x110]  }
0x249: {  	[tilespmem:s14+$0xB0] =	vst v0;
	v0 =	vmul.f32 $1.131370830e+01, v2;
	v2 =	vld [tilespmem:s14+$0x120]  }
0x24a: {  	[tilespmem:s14+$0xC0] =	vst v1;
	v1 =	vmul.f32 $1.131370830e+01, v5;
	v5 =	vld [tilespmem:s14+$0x130]  }
0x24b: {  	[tilespmem:s14+$0xD0] =	vst v0;
	v0 =	vmul.f32 $1.131370830e+01, v6;
	v6 =	vld [tilespmem:s14+$0x140]  }
0x24c: {  	[tilespmem:s14+$0xE0] =	vst v1;
	v1 =	vmul.f32 $1.131370830e+01, v3;
	v3 =	vld [tilespmem:s14+$0x150]  }
0x24d: {  	[tilespmem:s14+$0xF0] =	vst v0;
	v0 =	vmul.f32 $1.131370830e+01, v4;
	v4 =	vld [tilespmem:s14+$0x160]  }
0x24e: {  	[tilespmem:s14+$0x100] =	vst v1;
	v1 =	vmul.f32 $1.131370830e+01, v2;
	v2 =	vld [tilespmem:s14+$0x170]  }
0x24f: {  	[tilespmem:s14+$0x110] =	vst v0;
	v0 =	vmul.f32 $1.131370830e+01, v5;
	v5 =	vld [tilespmem:s14+$0x180]  }
0x250: {  	[tilespmem:s14+$0x120] =	vst v1;
	v1 =	vmul.f32 $1.131370830e+01, v6;
	v6 =	vld [tilespmem:s14+$0x190]  }
0x251: {  	[tilespmem:s14+$0x130] =	vst v0;
	v3 =	vmul.f32 $1.131370830e+01, v3;
	v7 =	vld [tilespmem:s14+$0x1A0]  }
.Ltmp5:
0x252: {  	[tilespmem:s14+$0x140] =	vst v1;
	v4 =	vmul.f32 $1.131370830e+01, v4;
	v0 =	vld [tilespmem:s14+$0x1B0];
	(pc) =	sbr.rel @p1 .LBB2_11-.Ltmp5, $4  }
0x253: {  	[tilespmem:s14+$0x150] =	vst v3;
	v3 =	vmul.f32 $1.131370830e+01, v2;
	v1 =	vld [tilespmem:s14+$0x1C0]  }
0x254: {  	[tilespmem:s14+$0x160] =	vst v4;
	v8 =	vmul.f32 $1.131370830e+01, v5;
	v2 =	vld [tilespmem:s14+$0x1D0]  }
0x255: {  	[tilespmem:s14+$0x170] =	vst v3;
	v5 =	vmul.f32 $1.131370830e+01, v6;
	v3 =	vld [tilespmem:s14+$0x1E0]  }
0x256: {  	s14 =	sadd.s32 $0x400, s14;
	v4 =	vld [tilespmem:s13+$0xFFFFFE00];
	[tilespmem:s13+$0x180] =	vst v8;
	v6 =	vmul.f32 $1.131370830e+01, v7  }
0x257: {  	[tilespmem:s13+$0x190] =	vst v5;
	v0 =	vmul.f32 $1.131370830e+01, v0  }
0x258: {  	[tilespmem:s13+$0x1A0] =	vst v6;
	v1 =	vmul.f32 $1.131370830e+01, v1  }
0x259: {  	[tilespmem:s13+$0x1B0] =	vst v0;
	v0 =	vmul.f32 $1.131370830e+01, v2  }
0x25a: {  	[tilespmem:s13+$0x1C0] =	vst v1;
	v1 =	vmul.f32 $1.131370830e+01, v3  }
0x25b: {  	s2 =	sadd.s32 s5, s12;
	v2 =	vmul.f32 $1.131370830e+01, v4;
	[tilespmem:s13+$0x1D0] =	vst v0  }
0x25c: {  	s2 =	sshll.u32 s2, $0x4;
	[tilespmem:s13+$0x1E0] =	vst v1  }
0x25d: {  	s2 =	sadd.s32 s3, s2;
	[tilespmem:s13+$0xFFFFFE00] =	vst v2  }
0x25e: {  	[hbm4b:s2+s4] =	stream.linear.scatter [tilespmem:s15], [sflag:$0x6], $0x4000, $0x38;
	[tilespmem:$0x1A400] =	vst v63  }
0x25f: {  	s2 =	simm.s32 @!p0 $0xA  }
0x260: {  	_ =	swait.ge @!p0 [sflag:s2], $0x4000  }
0x261: {  	[sflag:s2] =	ssyncset.done @!p0 $0x0  }
0x262: {  	s17 =	sadd.s32 $0x200, s11;
	[sflag:s2] =	ssyncadd.s32 @!p0 $0xFFFFC000  }
0x263: {  	[tilespmem:s22], [sflag:$0x5] =	stream.indirect.gather [hbm4b:s1+s19], $0x80, s17, s19, $0xb8;
	[tilespmem:$0x1A400] =	vst v63  }
0x264: {  	_ =	swait.ge [sflag:s23], $0x4000  }
0x265: {  	[sflag:s23] =	ssyncset.done $0x0  }
0x266: {  	s11 =	simm.s32 $0xA400;
	[sflag:s23] =	ssyncadd.s32 $0xFFFFC000  }
0x267: {  	v0 =	vld [tilespmem:s11+$0x3F0]  }
0x268: {  	v1 =	vld [tilespmem:s11+$0x10]  }
0x269: {  	v2 =	vld [tilespmem:s11+$0x20]  }
0x26a: {  	v11 =	vld [tilespmem:s11+$0xB0]  }
0x26b: {  	v8 =	vld [tilespmem:s11+$0x80]  }
0x26c: {  	v4 =	vld [tilespmem:s11+$0x40];
	v0 =	vmul.f32 $1.131370830e+01, v0  }
0x26d: {  	v3 =	vld [tilespmem:s11+$0x30];
	v1 =	vmul.f32 $1.131370830e+01, v1  }
0x26e: {  	v6 =	vld [tilespmem:s11+$0x60];
	v2 =	vmul.f32 $1.131370830e+01, v2;
	[tilespmem:s11+$0x3F0] =	vst v0  }
0x26f: {  	v5 =	vld [tilespmem:s11+$0x50];
	v60 =	vmul.f32 $1.131370830e+01, v11;
	[tilespmem:s11+$0x10] =	vst v1  }
0x270: {  	v9 =	vld [tilespmem:s11+$0x90];
	v0 =	vmul.f32 $1.131370830e+01, v8;
	[tilespmem:s11+$0x20] =	vst v2  }
0x271: {  	v1 =	vld [tilespmem:s11+$0xE0];
	v2 =	vmul.f32 $1.131370830e+01, v4;
	[tilespmem:s11+$0xB0] =	vst v60  }
0x272: {  	v7 =	vld [tilespmem:s11+$0x70];
	[tilespmem:s11+$0x80] =	vst v0;
	v0 =	vmul.f32 $1.131370830e+01, v3  }
0x273: {  	v4 =	vld [tilespmem:s11+$0x100];
	[tilespmem:s11+$0x40] =	vst v2;
	v2 =	vmul.f32 $1.131370830e+01, v6  }
0x274: {  	v3 =	vld [tilespmem:s11+$0xF0];
	[tilespmem:s11+$0x30] =	vst v0;
	v0 =	vmul.f32 $1.131370830e+01, v5  }
0x275: {  	v12 =	vld [tilespmem:s11+$0xC0];
	[tilespmem:s11+$0x60] =	vst v2;
	v2 =	vmul.f32 $1.131370830e+01, v9  }
0x276: {  	v10 =	vld [tilespmem:s11+$0xA0];
	v1 =	vmul.f32 $1.131370830e+01, v1;
	[tilespmem:s11+$0x50] =	vst v0  }
0x277: {  	v6 =	vld [tilespmem:s11+$0x120];
	v0 =	vmul.f32 $1.131370830e+01, v7;
	[tilespmem:s11+$0x90] =	vst v2  }
0x278: {  	v8 =	vld [tilespmem:s11+$0xD0];
	v2 =	vmul.f32 $1.131370830e+01, v4;
	[tilespmem:s11+$0xE0] =	vst v1  }
0x279: {  	v5 =	vld [tilespmem:s11+$0x110];
	v3 =	vmul.f32 $1.131370830e+01, v3;
	[tilespmem:s11+$0x70] =	vst v0  }
0x27a: {  	v59 =	vld [tilespmem:s11+$0x140];
	[tilespmem:s11+$0x100] =	vst v2;
	v2 =	vmul.f32 $1.131370830e+01, v12  }
0x27b: {  	v7 =	vld [tilespmem:s11+$0x130];
	v0 =	vmul.f32 $1.131370830e+01, v10;
	[tilespmem:s11+$0xF0] =	vst v3  }
0x27c: {  	v3 =	vmul.f32 $1.131370830e+01, v6;
	[tilespmem:s11+$0xC0] =	vst v2;
	v2 =	vld [tilespmem:s11+$0x180]  }
0x27d: {  	v8 =	vmul.f32 $1.131370830e+01, v8;
	[tilespmem:s11+$0xA0] =	vst v0;
	v0 =	vld [tilespmem:s11+$0x160]  }
0x27e: {  	v1 =	vmul.f32 $1.131370830e+01, v5;
	[tilespmem:s11+$0x120] =	vst v3;
	v3 =	vld [tilespmem:s11+$0x1D0]  }
0x27f: {  	v9 =	vmul.f32 $1.131370830e+01, v59;
	v4 =	vld [tilespmem:s11+$0x150];
	[tilespmem:s11+$0xD0] =	vst v8  }
0x280: {  	v8 =	vld [tilespmem:s11+$0x190];
	[tilespmem:s11+$0x110] =	vst v1;
	v1 =	vmul.f32 $1.131370830e+01, v7  }
0x281: {  	v61 =	vld [tilespmem:s11+$0x170];
	[tilespmem:s11+$0x140] =	vst v9;
	v2 =	vmul.f32 $1.131370830e+01, v2  }
0x282: {  	v6 =	vld [tilespmem:s11+$0x1B0];
	[tilespmem:s11+$0x130] =	vst v1;
	v0 =	vmul.f32 $1.131370830e+01, v0  }
0x283: {  	v5 =	vld [tilespmem:s11+$0x1A0];
	v3 =	vmul.f32 $1.131370830e+01, v3;
	[tilespmem:s11+$0x180] =	vst v2  }
0x284: {  	v62 =	vld [tilespmem:s11+$0x200];
	v2 =	vmul.f32 $1.131370830e+01, v4;
	[tilespmem:s11+$0x160] =	vst v0  }
0x285: {  	v7 =	vld [tilespmem:s11+$0x1C0];
	v0 =	vmul.f32 $1.131370830e+01, v8;
	[tilespmem:s11+$0x1D0] =	vst v3  }
0x286: {  	v1 =	vld [tilespmem:s11+$0x1E0];
	[tilespmem:s11+$0x150] =	vst v2;
	v2 =	vmul.f32 $1.131370830e+01, v61  }
0x287: {  	v4 =	vld [tilespmem:s11+$0x1F0];
	[tilespmem:s11+$0x190] =	vst v0;
	v0 =	vmul.f32 $1.131370830e+01, v6  }
0x288: {  	v8 =	vld [tilespmem:s11+$0x210];
	[tilespmem:s11+$0x170] =	vst v2;
	v2 =	vmul.f32 $1.131370830e+01, v5  }
0x289: {  	v5 =	vld [tilespmem:s11+$0x220];
	[tilespmem:s11+$0x1B0] =	vst v0;
	v0 =	vmul.f32 $1.131370830e+01, v62  }
0x28a: {  	v6 =	vld [tilespmem:s11+$0x230];
	[tilespmem:s11+$0x1A0] =	vst v2;
	v2 =	vmul.f32 $1.131370830e+01, v7  }
0x28b: {  	v7 =	vld [tilespmem:s11+$0x240];
	[tilespmem:s11+$0x200] =	vst v0;
	v0 =	vmul.f32 $1.131370830e+01, v1  }
0x28c: {  	v63 =	vld [tilespmem:s11+$0x250];
	v1 =	vmul.f32 $1.131370830e+01, v4;
	[tilespmem:s11+$0x1C0] =	vst v2  }
0x28d: {  	v4 =	vld [tilespmem:s11+$0x280];
	[tilespmem:s11+$0x1E0] =	vst v0;
	v0 =	vmul.f32 $1.131370830e+01, v8  }
0x28e: {  	v2 =	vld [tilespmem:s11+$0x260];
	[tilespmem:s11+$0x1F0] =	vst v1;
	v1 =	vmul.f32 $1.131370830e+01, v5  }
0x28f: {  	v3 =	vld [tilespmem:s11+$0x270];
	[tilespmem:s11+$0x210] =	vst v0;
	v0 =	vmul.f32 $1.131370830e+01, v6  }
0x290: {  	v5 =	vld [tilespmem:s11+$0x290];
	[tilespmem:s11+$0x220] =	vst v1;
	v1 =	vmul.f32 $1.131370830e+01, v7  }
0x291: {  	v6 =	vld [tilespmem:s11+$0x2A0];
	[tilespmem:s11+$0x230] =	vst v0;
	v0 =	vmul.f32 $1.131370830e+01, v63  }
0x292: {  	v7 =	vld [tilespmem:s11+$0x2B0];
	[tilespmem:s11+$0x240] =	vst v1;
	v1 =	vmul.f32 $1.131370830e+01, v4  }
0x293: {  	v8 =	vld [tilespmem:s11+$0x2C0];
	v2 =	vmul.f32 $1.131370830e+01, v2;
	[tilespmem:s11+$0x250] =	vst v0  }
0x294: {  	v4 =	vld [tilespmem:s11+$0x2D0];
	[tilespmem:s11+$0x280] =	vst v1;
	v1 =	vmul.f32 $1.131370830e+01, v3  }
0x295: {  	v0 =	vld [tilespmem:s11+$0x2E0];
	[tilespmem:s11+$0x260] =	vst v2;
	v2 =	vmul.f32 $1.131370830e+01, v5  }
0x296: {  	v3 =	vld [tilespmem:s11+$0x2F0];
	[tilespmem:s11+$0x270] =	vst v1;
	v1 =	vmul.f32 $1.131370830e+01, v6  }
0x297: {  	v5 =	vld [tilespmem:s11+$0x300];
	[tilespmem:s11+$0x290] =	vst v2;
	v2 =	vmul.f32 $1.131370830e+01, v7  }
0x298: {  	v6 =	vld [tilespmem:s11+$0x310];
	[tilespmem:s11+$0x2A0] =	vst v1;
	v1 =	vmul.f32 $1.131370830e+01, v8  }
0x299: {  	v7 =	vld [tilespmem:s11+$0x320];
	[tilespmem:s11+$0x2B0] =	vst v2;
	v2 =	vmul.f32 $1.131370830e+01, v4  }
0x29a: {  	v4 =	vld [tilespmem:s11+$0x330];
	v0 =	vmul.f32 $1.131370830e+01, v0;
	[tilespmem:s11+$0x2C0] =	vst v1  }
0x29b: {  	v3 =	vmul.f32 $1.131370830e+01, v3;
	v1 =	vld [tilespmem:s11+$0x340];
	[tilespmem:s11+$0x2D0] =	vst v2  }
0x29c: {  	v2 =	vmul.f32 $1.131370830e+01, v5;
	v5 =	vld [tilespmem:s11+$0x350];
	[tilespmem:s11+$0x2E0] =	vst v0  }
0x29d: {  	v0 =	vld [tilespmem:s11+$0x360];
	v6 =	vmul.f32 $1.131370830e+01, v6;
	[tilespmem:s11+$0x2F0] =	vst v3  }
0x29e: {  	v3 =	vld [tilespmem:s11+$0x370];
	[tilespmem:s11+$0x300] =	vst v2;
	v2 =	vmul.f32 $1.131370830e+01, v7  }
0x29f: {  	[tilespmem:s11+$0x310] =	vst v6;
	v4 =	vmul.f32 $1.131370830e+01, v4;
	v6 =	vld [tilespmem:s11+$0x380]  }
0x2a0: {  	v7 =	vld [tilespmem:s11+$0x390];
	[tilespmem:s11+$0x320] =	vst v2;
	v1 =	vmul.f32 $1.131370830e+01, v1  }
0x2a1: {  	v8 =	vld [tilespmem:s11+$0x3A0];
	[tilespmem:s11+$0x330] =	vst v4;
	v2 =	vmul.f32 $1.131370830e+01, v5  }
0x2a2: {  	v4 =	vmul.f32 $1.131370830e+01, v0;
	v0 =	vld [tilespmem:s11+$0x3B0];
	[tilespmem:s11+$0x340] =	vst v1  }
0x2a3: {  	v3 =	vmul.f32 $1.131370830e+01, v3;
	[tilespmem:s11+$0x350] =	vst v2;
	v1 =	vld [tilespmem:s11+$0x3C0]  }
0x2a4: {  	[tilespmem:s11+$0x360] =	vst v4;
	v2 =	vld [tilespmem:s11+$0x3D0];
	v6 =	vmul.f32 $1.131370830e+01, v6  }
0x2a5: {  	v5 =	vmul.f32 $1.131370830e+01, v7;
	[tilespmem:s11+$0x370] =	vst v3;
	v3 =	vld [tilespmem:s11+$0x3E0]  }
0x2a6: {  	s12 =	simm.s32 $0xA800;
	s2 =	simm.s32 $0x0;
	v4 =	vld [tilespmem:s11+$0x0];
	[tilespmem:s11+$0x380] =	vst v6;
	v6 =	vmul.f32 $1.131370830e+01, v8  }
.LBB2_13:
0x2a7: {  	v7 =	vld [tilespmem:s12+$0x3F0];
	s2 =	sadd.s32 $0x8, s2;
	[tilespmem:s11+$0x390] =	vst v5;
	v0 =	vmul.f32 $1.131370830e+01, v0  }
0x2a8: {  	v5 =	vld [tilespmem:s12+$0x10];
	p0 =	slt.u32 s2, $0x78;
	[tilespmem:s11+$0x3A0] =	vst v6;
	v1 =	vmul.f32 $1.131370830e+01, v1  }
0x2a9: {  	v6 =	vld [tilespmem:s12+$0x20];
	[tilespmem:s11+$0x3B0] =	vst v0;
	v0 =	vmul.f32 $1.131370830e+01, v2  }
0x2aa: {  	v2 =	vld [tilespmem:s12+$0x30];
	[tilespmem:s11+$0x3C0] =	vst v1;
	v1 =	vmul.f32 $1.131370830e+01, v3  }
0x2ab: {  	v3 =	vld [tilespmem:s12+$0x40];
	v4 =	vmul.f32 $1.131370830e+01, v4;
	[tilespmem:s11+$0x3D0] =	vst v0  }
0x2ac: {  	v0 =	vld [tilespmem:s12+$0x50];
	v7 =	vmul.f32 $1.131370830e+01, v7;
	[tilespmem:s11+$0x3E0] =	vst v1  }
0x2ad: {  	v1 =	vmul.f32 $1.131370830e+01, v5;
	v5 =	vld [tilespmem:s12+$0x60];
	[tilespmem:s11+$0x0] =	vst v4;
	s11 =	smov.u32 s12  }
0x2ae: {  	v4 =	vmul.f32 $1.131370830e+01, v6;
	v6 =	vld [tilespmem:s12+$0x70];
	[tilespmem:s12+$0x3F0] =	vst v7  }
0x2af: {  	[tilespmem:s12+$0x10] =	vst v1;
	v1 =	vmul.f32 $1.131370830e+01, v2;
	v2 =	vld [tilespmem:s12+$0x80]  }
0x2b0: {  	[tilespmem:s12+$0x20] =	vst v4;
	v3 =	vmul.f32 $1.131370830e+01, v3;
	v4 =	vld [tilespmem:s12+$0x90]  }
0x2b1: {  	[tilespmem:s12+$0x30] =	vst v1;
	v0 =	vmul.f32 $1.131370830e+01, v0;
	v1 =	vld [tilespmem:s12+$0xA0]  }
0x2b2: {  	[tilespmem:s12+$0x40] =	vst v3;
	v3 =	vmul.f32 $1.131370830e+01, v5;
	v5 =	vld [tilespmem:s12+$0xB0]  }
0x2b3: {  	[tilespmem:s12+$0x50] =	vst v0;
	v0 =	vmul.f32 $1.131370830e+01, v6;
	v6 =	vld [tilespmem:s12+$0xC0]  }
0x2b4: {  	[tilespmem:s12+$0x60] =	vst v3;
	v2 =	vmul.f32 $1.131370830e+01, v2;
	v3 =	vld [tilespmem:s12+$0xD0]  }
0x2b5: {  	[tilespmem:s12+$0x70] =	vst v0;
	v0 =	vmul.f32 $1.131370830e+01, v4;
	v4 =	vld [tilespmem:s12+$0xE0]  }
0x2b6: {  	[tilespmem:s12+$0x80] =	vst v2;
	v1 =	vmul.f32 $1.131370830e+01, v1;
	v2 =	vld [tilespmem:s12+$0xF0]  }
0x2b7: {  	[tilespmem:s12+$0x90] =	vst v0;
	v0 =	vmul.f32 $1.131370830e+01, v5;
	v5 =	vld [tilespmem:s12+$0x100]  }
0x2b8: {  	[tilespmem:s12+$0xA0] =	vst v1;
	v1 =	vmul.f32 $1.131370830e+01, v6;
	v6 =	vld [tilespmem:s12+$0x110]  }
0x2b9: {  	[tilespmem:s12+$0xB0] =	vst v0;
	v0 =	vmul.f32 $1.131370830e+01, v3;
	v3 =	vld [tilespmem:s12+$0x120]  }
0x2ba: {  	[tilespmem:s12+$0xC0] =	vst v1;
	v1 =	vmul.f32 $1.131370830e+01, v4;
	v4 =	vld [tilespmem:s12+$0x130]  }
0x2bb: {  	[tilespmem:s12+$0xD0] =	vst v0;
	v0 =	vmul.f32 $1.131370830e+01, v2;
	v2 =	vld [tilespmem:s12+$0x140]  }
0x2bc: {  	[tilespmem:s12+$0xE0] =	vst v1;
	v1 =	vmul.f32 $1.131370830e+01, v5;
	v5 =	vld [tilespmem:s12+$0x150]  }
0x2bd: {  	[tilespmem:s12+$0xF0] =	vst v0;
	v0 =	vmul.f32 $1.131370830e+01, v6;
	v6 =	vld [tilespmem:s12+$0x160]  }
0x2be: {  	[tilespmem:s12+$0x100] =	vst v1;
	v1 =	vmul.f32 $1.131370830e+01, v3;
	v3 =	vld [tilespmem:s12+$0x170]  }
0x2bf: {  	[tilespmem:s12+$0x110] =	vst v0;
	v0 =	vmul.f32 $1.131370830e+01, v4;
	v4 =	vld [tilespmem:s12+$0x180]  }
0x2c0: {  	[tilespmem:s12+$0x120] =	vst v1;
	v1 =	vmul.f32 $1.131370830e+01, v2;
	v2 =	vld [tilespmem:s12+$0x190]  }
0x2c1: {  	[tilespmem:s12+$0x130] =	vst v0;
	v0 =	vmul.f32 $1.131370830e+01, v5;
	v5 =	vld [tilespmem:s12+$0x1A0]  }
0x2c2: {  	[tilespmem:s12+$0x140] =	vst v1;
	v1 =	vmul.f32 $1.131370830e+01, v6;
	v6 =	vld [tilespmem:s12+$0x1B0]  }
0x2c3: {  	[tilespmem:s12+$0x150] =	vst v0;
	v0 =	vmul.f32 $1.131370830e+01, v3;
	v3 =	vld [tilespmem:s12+$0x1C0]  }
0x2c4: {  	[tilespmem:s12+$0x160] =	vst v1;
	v1 =	vmul.f32 $1.131370830e+01, v4;
	v4 =	vld [tilespmem:s12+$0x1D0]  }
0x2c5: {  	[tilespmem:s12+$0x170] =	vst v0;
	v0 =	vmul.f32 $1.131370830e+01, v2;
	v2 =	vld [tilespmem:s12+$0x1E0]  }
0x2c6: {  	[tilespmem:s12+$0x180] =	vst v1;
	v1 =	vmul.f32 $1.131370830e+01, v5;
	v5 =	vld [tilespmem:s12+$0x1F0]  }
0x2c7: {  	[tilespmem:s12+$0x190] =	vst v0;
	v0 =	vmul.f32 $1.131370830e+01, v6;
	v6 =	vld [tilespmem:s12+$0x200]  }
0x2c8: {  	[tilespmem:s12+$0x1A0] =	vst v1;
	v1 =	vmul.f32 $1.131370830e+01, v3;
	v3 =	vld [tilespmem:s12+$0x210]  }
0x2c9: {  	[tilespmem:s12+$0x1B0] =	vst v0;
	v0 =	vmul.f32 $1.131370830e+01, v4;
	v4 =	vld [tilespmem:s12+$0x220]  }
0x2ca: {  	[tilespmem:s12+$0x1C0] =	vst v1;
	v1 =	vmul.f32 $1.131370830e+01, v2;
	v2 =	vld [tilespmem:s12+$0x230]  }
0x2cb: {  	[tilespmem:s12+$0x1D0] =	vst v0;
	v0 =	vmul.f32 $1.131370830e+01, v5;
	v5 =	vld [tilespmem:s12+$0x240]  }
0x2cc: {  	[tilespmem:s12+$0x1E0] =	vst v1;
	v1 =	vmul.f32 $1.131370830e+01, v6;
	v6 =	vld [tilespmem:s12+$0x250]  }
0x2cd: {  	[tilespmem:s12+$0x1F0] =	vst v0;
	v0 =	vmul.f32 $1.131370830e+01, v3;
	v3 =	vld [tilespmem:s12+$0x260]  }
0x2ce: {  	[tilespmem:s12+$0x200] =	vst v1;
	v1 =	vmul.f32 $1.131370830e+01, v4;
	v4 =	vld [tilespmem:s12+$0x270]  }
0x2cf: {  	[tilespmem:s12+$0x210] =	vst v0;
	v0 =	vmul.f32 $1.131370830e+01, v2;
	v2 =	vld [tilespmem:s12+$0x280]  }
0x2d0: {  	[tilespmem:s12+$0x220] =	vst v1;
	v1 =	vmul.f32 $1.131370830e+01, v5;
	v5 =	vld [tilespmem:s12+$0x290]  }
0x2d1: {  	[tilespmem:s12+$0x230] =	vst v0;
	v0 =	vmul.f32 $1.131370830e+01, v6;
	v6 =	vld [tilespmem:s12+$0x2A0]  }
0x2d2: {  	[tilespmem:s12+$0x240] =	vst v1;
	v1 =	vmul.f32 $1.131370830e+01, v3;
	v3 =	vld [tilespmem:s12+$0x2B0]  }
0x2d3: {  	[tilespmem:s12+$0x250] =	vst v0;
	v0 =	vmul.f32 $1.131370830e+01, v4;
	v4 =	vld [tilespmem:s12+$0x2C0]  }
0x2d4: {  	[tilespmem:s12+$0x260] =	vst v1;
	v1 =	vmul.f32 $1.131370830e+01, v2;
	v2 =	vld [tilespmem:s12+$0x2D0]  }
0x2d5: {  	[tilespmem:s12+$0x270] =	vst v0;
	v0 =	vmul.f32 $1.131370830e+01, v5;
	v5 =	vld [tilespmem:s12+$0x2E0]  }
0x2d6: {  	[tilespmem:s12+$0x280] =	vst v1;
	v1 =	vmul.f32 $1.131370830e+01, v6;
	v6 =	vld [tilespmem:s12+$0x2F0]  }
0x2d7: {  	[tilespmem:s12+$0x290] =	vst v0;
	v0 =	vmul.f32 $1.131370830e+01, v3;
	v3 =	vld [tilespmem:s12+$0x300]  }
0x2d8: {  	[tilespmem:s12+$0x2A0] =	vst v1;
	v1 =	vmul.f32 $1.131370830e+01, v4;
	v4 =	vld [tilespmem:s12+$0x310]  }
0x2d9: {  	[tilespmem:s12+$0x2B0] =	vst v0;
	v0 =	vmul.f32 $1.131370830e+01, v2;
	v2 =	vld [tilespmem:s12+$0x320]  }
0x2da: {  	[tilespmem:s12+$0x2C0] =	vst v1;
	v1 =	vmul.f32 $1.131370830e+01, v5;
	v5 =	vld [tilespmem:s12+$0x330]  }
0x2db: {  	[tilespmem:s12+$0x2D0] =	vst v0;
	v0 =	vmul.f32 $1.131370830e+01, v6;
	v6 =	vld [tilespmem:s12+$0x340]  }
0x2dc: {  	[tilespmem:s12+$0x2E0] =	vst v1;
	v1 =	vmul.f32 $1.131370830e+01, v3;
	v3 =	vld [tilespmem:s12+$0x350]  }
0x2dd: {  	[tilespmem:s12+$0x2F0] =	vst v0;
	v0 =	vmul.f32 $1.131370830e+01, v4;
	v4 =	vld [tilespmem:s12+$0x360]  }
0x2de: {  	[tilespmem:s12+$0x300] =	vst v1;
	v1 =	vmul.f32 $1.131370830e+01, v2;
	v2 =	vld [tilespmem:s12+$0x370]  }
0x2df: {  	[tilespmem:s12+$0x310] =	vst v0;
	v0 =	vmul.f32 $1.131370830e+01, v5;
	v5 =	vld [tilespmem:s12+$0x380]  }
0x2e0: {  	[tilespmem:s12+$0x320] =	vst v1;
	v1 =	vmul.f32 $1.131370830e+01, v6;
	v6 =	vld [tilespmem:s12+$0x390]  }
0x2e1: {  	[tilespmem:s12+$0x330] =	vst v0;
	v3 =	vmul.f32 $1.131370830e+01, v3;
	v7 =	vld [tilespmem:s12+$0x3A0]  }
.Ltmp6:
0x2e2: {  	[tilespmem:s12+$0x340] =	vst v1;
	v4 =	vmul.f32 $1.131370830e+01, v4;
	v0 =	vld [tilespmem:s12+$0x3B0];
	(pc) =	sbr.rel @p0 .LBB2_13-.Ltmp6, $4  }
0x2e3: {  	[tilespmem:s12+$0x350] =	vst v3;
	v3 =	vmul.f32 $1.131370830e+01, v2;
	v1 =	vld [tilespmem:s12+$0x3C0]  }
0x2e4: {  	[tilespmem:s12+$0x360] =	vst v4;
	v8 =	vmul.f32 $1.131370830e+01, v5;
	v2 =	vld [tilespmem:s12+$0x3D0]  }
0x2e5: {  	[tilespmem:s12+$0x370] =	vst v3;
	v5 =	vmul.f32 $1.131370830e+01, v6;
	v3 =	vld [tilespmem:s12+$0x3E0]  }
0x2e6: {  	s12 =	sadd.s32 $0x400, s12;
	v4 =	vld [tilespmem:s11+$0x0];
	[tilespmem:s11+$0x380] =	vst v8;
	v6 =	vmul.f32 $1.131370830e+01, v7  }
0x2e7: {  	[tilespmem:s11+$0x390] =	vst v5;
	v0 =	vmul.f32 $1.131370830e+01, v0  }
0x2e8: {  	s6 =	sadd.s32 $0x1, s6;
	[tilespmem:s11+$0x3A0] =	vst v6;
	v1 =	vmul.f32 $1.131370830e+01, v1  }
0x2e9: {  	p0 =	sne.s32 s6, $0x28;
	[tilespmem:s11+$0x3B0] =	vst v0;
	v61 =	vmul.f32 $1.131370830e+01, v2  }
.Ltmp7:
0x2ea: {  	[tilespmem:s11+$0x3C0] =	vst v1;
	v62 =	vmul.f32 $1.131370830e+01, v3;
	(pc) =	sbr.rel @p0 .LBB2_2-.Ltmp7, $4  }
0x2eb: {  	s2 =	sadd.s32 s5, s10;
	v63 =	vmul.f32 $1.131370830e+01, v4;
	[tilespmem:s11+$0x3D0] =	vst v61  }
0x2ec: {  	s2 =	sshll.u32 s2, $0x4;
	[tilespmem:s11+$0x3E0] =	vst v62  }
0x2ed: {  	s2 =	sadd.s32 s3, s2;
	[tilespmem:s11+$0x0] =	vst v63  }
0x2ee: {  	[hbm4b:s2+s4] =	stream.linear.scatter [tilespmem:s16], [sflag:$0x7], $0x4000, $0x38;
	[tilespmem:$0x1A400] =	vst v63  }
0x2ef: {  	_ =	swait.ge [sflag:s24], $0x4000  }
0x2f0: {  	[sflag:s24] =	ssyncset.done $0x0  }
0x2f1: {  	s6 =	simm.s32 $0xE400;
	[sflag:s24] =	ssyncadd.s32 $0xFFFFC000  }
0x2f2: {  	v0 =	vld [tilespmem:s6+$0x3F0]  }
0x2f3: {  	v1 =	vld [tilespmem:s6+$0x10]  }
0x2f4: {  	v2 =	vld [tilespmem:s6+$0x20]  }
0x2f5: {  	v11 =	vld [tilespmem:s6+$0xB0]  }
0x2f6: {  	v8 =	vld [tilespmem:s6+$0x80]  }
0x2f7: {  	v4 =	vld [tilespmem:s6+$0x40];
	v0 =	vmul.f32 $1.131370830e+01, v0  }
0x2f8: {  	v3 =	vld [tilespmem:s6+$0x30];
	v1 =	vmul.f32 $1.131370830e+01, v1  }
0x2f9: {  	v6 =	vld [tilespmem:s6+$0x60];
	v2 =	vmul.f32 $1.131370830e+01, v2;
	[tilespmem:s6+$0x3F0] =	vst v0  }
0x2fa: {  	v5 =	vld [tilespmem:s6+$0x50];
	v60 =	vmul.f32 $1.131370830e+01, v11;
	[tilespmem:s6+$0x10] =	vst v1  }
0x2fb: {  	v9 =	vld [tilespmem:s6+$0x90];
	v0 =	vmul.f32 $1.131370830e+01, v8;
	[tilespmem:s6+$0x20] =	vst v2  }
0x2fc: {  	v1 =	vld [tilespmem:s6+$0xE0];
	v2 =	vmul.f32 $1.131370830e+01, v4;
	[tilespmem:s6+$0xB0] =	vst v60  }
0x2fd: {  	v7 =	vld [tilespmem:s6+$0x70];
	[tilespmem:s6+$0x80] =	vst v0;
	v0 =	vmul.f32 $1.131370830e+01, v3  }
0x2fe: {  	v4 =	vld [tilespmem:s6+$0x100];
	[tilespmem:s6+$0x40] =	vst v2;
	v2 =	vmul.f32 $1.131370830e+01, v6  }
0x2ff: {  	v3 =	vld [tilespmem:s6+$0xF0];
	[tilespmem:s6+$0x30] =	vst v0;
	v0 =	vmul.f32 $1.131370830e+01, v5  }
0x300: {  	v12 =	vld [tilespmem:s6+$0xC0];
	[tilespmem:s6+$0x60] =	vst v2;
	v2 =	vmul.f32 $1.131370830e+01, v9  }
0x301: {  	v10 =	vld [tilespmem:s6+$0xA0];
	v1 =	vmul.f32 $1.131370830e+01, v1;
	[tilespmem:s6+$0x50] =	vst v0  }
0x302: {  	v6 =	vld [tilespmem:s6+$0x120];
	v0 =	vmul.f32 $1.131370830e+01, v7;
	[tilespmem:s6+$0x90] =	vst v2  }
0x303: {  	v8 =	vld [tilespmem:s6+$0xD0];
	v2 =	vmul.f32 $1.131370830e+01, v4;
	[tilespmem:s6+$0xE0] =	vst v1  }
0x304: {  	v5 =	vld [tilespmem:s6+$0x110];
	v3 =	vmul.f32 $1.131370830e+01, v3;
	[tilespmem:s6+$0x70] =	vst v0  }
0x305: {  	v59 =	vld [tilespmem:s6+$0x140];
	[tilespmem:s6+$0x100] =	vst v2;
	v2 =	vmul.f32 $1.131370830e+01, v12  }
0x306: {  	v7 =	vld [tilespmem:s6+$0x130];
	v0 =	vmul.f32 $1.131370830e+01, v10;
	[tilespmem:s6+$0xF0] =	vst v3  }
0x307: {  	v3 =	vmul.f32 $1.131370830e+01, v6;
	[tilespmem:s6+$0xC0] =	vst v2;
	v2 =	vld [tilespmem:s6+$0x180]  }
0x308: {  	v8 =	vmul.f32 $1.131370830e+01, v8;
	[tilespmem:s6+$0xA0] =	vst v0;
	v0 =	vld [tilespmem:s6+$0x160]  }
0x309: {  	v1 =	vmul.f32 $1.131370830e+01, v5;
	[tilespmem:s6+$0x120] =	vst v3;
	v3 =	vld [tilespmem:s6+$0x1D0]  }
0x30a: {  	v9 =	vmul.f32 $1.131370830e+01, v59;
	v4 =	vld [tilespmem:s6+$0x150];
	[tilespmem:s6+$0xD0] =	vst v8  }
0x30b: {  	v8 =	vld [tilespmem:s6+$0x190];
	[tilespmem:s6+$0x110] =	vst v1;
	v1 =	vmul.f32 $1.131370830e+01, v7  }
0x30c: {  	v61 =	vld [tilespmem:s6+$0x170];
	[tilespmem:s6+$0x140] =	vst v9;
	v2 =	vmul.f32 $1.131370830e+01, v2  }
0x30d: {  	v6 =	vld [tilespmem:s6+$0x1B0];
	[tilespmem:s6+$0x130] =	vst v1;
	v0 =	vmul.f32 $1.131370830e+01, v0  }
0x30e: {  	v5 =	vld [tilespmem:s6+$0x1A0];
	v3 =	vmul.f32 $1.131370830e+01, v3;
	[tilespmem:s6+$0x180] =	vst v2  }
0x30f: {  	v62 =	vld [tilespmem:s6+$0x200];
	v2 =	vmul.f32 $1.131370830e+01, v4;
	[tilespmem:s6+$0x160] =	vst v0  }
0x310: {  	v7 =	vld [tilespmem:s6+$0x1C0];
	v0 =	vmul.f32 $1.131370830e+01, v8;
	[tilespmem:s6+$0x1D0] =	vst v3  }
0x311: {  	v1 =	vld [tilespmem:s6+$0x1E0];
	[tilespmem:s6+$0x150] =	vst v2;
	v2 =	vmul.f32 $1.131370830e+01, v61  }
0x312: {  	v4 =	vld [tilespmem:s6+$0x1F0];
	[tilespmem:s6+$0x190] =	vst v0;
	v0 =	vmul.f32 $1.131370830e+01, v6  }
0x313: {  	v8 =	vld [tilespmem:s6+$0x210];
	[tilespmem:s6+$0x170] =	vst v2;
	v2 =	vmul.f32 $1.131370830e+01, v5  }
0x314: {  	v5 =	vld [tilespmem:s6+$0x220];
	[tilespmem:s6+$0x1B0] =	vst v0;
	v0 =	vmul.f32 $1.131370830e+01, v62  }
0x315: {  	v6 =	vld [tilespmem:s6+$0x230];
	[tilespmem:s6+$0x1A0] =	vst v2;
	v2 =	vmul.f32 $1.131370830e+01, v7  }
0x316: {  	v7 =	vld [tilespmem:s6+$0x240];
	[tilespmem:s6+$0x200] =	vst v0;
	v0 =	vmul.f32 $1.131370830e+01, v1  }
0x317: {  	v63 =	vld [tilespmem:s6+$0x250];
	v1 =	vmul.f32 $1.131370830e+01, v4;
	[tilespmem:s6+$0x1C0] =	vst v2  }
0x318: {  	v4 =	vld [tilespmem:s6+$0x280];
	[tilespmem:s6+$0x1E0] =	vst v0;
	v0 =	vmul.f32 $1.131370830e+01, v8  }
0x319: {  	v2 =	vld [tilespmem:s6+$0x260];
	[tilespmem:s6+$0x1F0] =	vst v1;
	v1 =	vmul.f32 $1.131370830e+01, v5  }
0x31a: {  	v3 =	vld [tilespmem:s6+$0x270];
	[tilespmem:s6+$0x210] =	vst v0;
	v0 =	vmul.f32 $1.131370830e+01, v6  }
0x31b: {  	v5 =	vld [tilespmem:s6+$0x290];
	[tilespmem:s6+$0x220] =	vst v1;
	v1 =	vmul.f32 $1.131370830e+01, v7  }
0x31c: {  	v6 =	vld [tilespmem:s6+$0x2A0];
	[tilespmem:s6+$0x230] =	vst v0;
	v0 =	vmul.f32 $1.131370830e+01, v63  }
0x31d: {  	v7 =	vld [tilespmem:s6+$0x2B0];
	[tilespmem:s6+$0x240] =	vst v1;
	v1 =	vmul.f32 $1.131370830e+01, v4  }
0x31e: {  	v8 =	vld [tilespmem:s6+$0x2C0];
	v2 =	vmul.f32 $1.131370830e+01, v2;
	[tilespmem:s6+$0x250] =	vst v0  }
0x31f: {  	v4 =	vld [tilespmem:s6+$0x2D0];
	[tilespmem:s6+$0x280] =	vst v1;
	v1 =	vmul.f32 $1.131370830e+01, v3  }
0x320: {  	v0 =	vld [tilespmem:s6+$0x2E0];
	[tilespmem:s6+$0x260] =	vst v2;
	v2 =	vmul.f32 $1.131370830e+01, v5  }
0x321: {  	v3 =	vld [tilespmem:s6+$0x2F0];
	[tilespmem:s6+$0x270] =	vst v1;
	v1 =	vmul.f32 $1.131370830e+01, v6  }
0x322: {  	v5 =	vld [tilespmem:s6+$0x300];
	[tilespmem:s6+$0x290] =	vst v2;
	v2 =	vmul.f32 $1.131370830e+01, v7  }
0x323: {  	v6 =	vld [tilespmem:s6+$0x310];
	[tilespmem:s6+$0x2A0] =	vst v1;
	v1 =	vmul.f32 $1.131370830e+01, v8  }
0x324: {  	v7 =	vld [tilespmem:s6+$0x320];
	[tilespmem:s6+$0x2B0] =	vst v2;
	v2 =	vmul.f32 $1.131370830e+01, v4  }
0x325: {  	v4 =	vld [tilespmem:s6+$0x330];
	v0 =	vmul.f32 $1.131370830e+01, v0;
	[tilespmem:s6+$0x2C0] =	vst v1  }
0x326: {  	v3 =	vmul.f32 $1.131370830e+01, v3;
	v1 =	vld [tilespmem:s6+$0x340];
	[tilespmem:s6+$0x2D0] =	vst v2  }
0x327: {  	v2 =	vmul.f32 $1.131370830e+01, v5;
	v5 =	vld [tilespmem:s6+$0x350];
	[tilespmem:s6+$0x2E0] =	vst v0  }
0x328: {  	v0 =	vld [tilespmem:s6+$0x360];
	v6 =	vmul.f32 $1.131370830e+01, v6;
	[tilespmem:s6+$0x2F0] =	vst v3  }
0x329: {  	v3 =	vld [tilespmem:s6+$0x370];
	[tilespmem:s6+$0x300] =	vst v2;
	v2 =	vmul.f32 $1.131370830e+01, v7  }
0x32a: {  	[tilespmem:s6+$0x310] =	vst v6;
	v4 =	vmul.f32 $1.131370830e+01, v4;
	v6 =	vld [tilespmem:s6+$0x380]  }
0x32b: {  	v7 =	vld [tilespmem:s6+$0x390];
	[tilespmem:s6+$0x320] =	vst v2;
	v1 =	vmul.f32 $1.131370830e+01, v1  }
0x32c: {  	v8 =	vld [tilespmem:s6+$0x3A0];
	[tilespmem:s6+$0x330] =	vst v4;
	v2 =	vmul.f32 $1.131370830e+01, v5  }
0x32d: {  	v4 =	vmul.f32 $1.131370830e+01, v0;
	v0 =	vld [tilespmem:s6+$0x3B0];
	[tilespmem:s6+$0x340] =	vst v1  }
0x32e: {  	v3 =	vmul.f32 $1.131370830e+01, v3;
	[tilespmem:s6+$0x350] =	vst v2;
	v1 =	vld [tilespmem:s6+$0x3C0]  }
0x32f: {  	[tilespmem:s6+$0x360] =	vst v4;
	v2 =	vld [tilespmem:s6+$0x3D0];
	v6 =	vmul.f32 $1.131370830e+01, v6  }
0x330: {  	v5 =	vmul.f32 $1.131370830e+01, v7;
	[tilespmem:s6+$0x370] =	vst v3;
	v3 =	vld [tilespmem:s6+$0x3E0]  }
0x331: {  	s2 =	simm.s32 $0x0;
	s10 =	simm.s32 $0xE800;
	v4 =	vld [tilespmem:s6+$0x0];
	[tilespmem:s6+$0x380] =	vst v6;
	v6 =	vmul.f32 $1.131370830e+01, v8  }
.LBB2_16:
0x332: {  	v7 =	vld [tilespmem:s10+$0x3F0];
	s2 =	sadd.s32 $0x8, s2;
	[tilespmem:s6+$0x390] =	vst v5;
	v0 =	vmul.f32 $1.131370830e+01, v0  }
0x333: {  	v5 =	vld [tilespmem:s10+$0x10];
	p0 =	slt.u32 s2, $0x78;
	[tilespmem:s6+$0x3A0] =	vst v6;
	v1 =	vmul.f32 $1.131370830e+01, v1  }
0x334: {  	v6 =	vld [tilespmem:s10+$0x20];
	[tilespmem:s6+$0x3B0] =	vst v0;
	v0 =	vmul.f32 $1.131370830e+01, v2  }
0x335: {  	v2 =	vld [tilespmem:s10+$0x30];
	[tilespmem:s6+$0x3C0] =	vst v1;
	v1 =	vmul.f32 $1.131370830e+01, v3  }
0x336: {  	v3 =	vld [tilespmem:s10+$0x40];
	v4 =	vmul.f32 $1.131370830e+01, v4;
	[tilespmem:s6+$0x3D0] =	vst v0  }
0x337: {  	v0 =	vld [tilespmem:s10+$0x50];
	v7 =	vmul.f32 $1.131370830e+01, v7;
	[tilespmem:s6+$0x3E0] =	vst v1  }
0x338: {  	v1 =	vmul.f32 $1.131370830e+01, v5;
	v5 =	vld [tilespmem:s10+$0x60];
	[tilespmem:s6+$0x0] =	vst v4;
	s6 =	smov.u32 s10  }
0x339: {  	v4 =	vmul.f32 $1.131370830e+01, v6;
	v6 =	vld [tilespmem:s10+$0x70];
	[tilespmem:s10+$0x3F0] =	vst v7  }
0x33a: {  	[tilespmem:s10+$0x10] =	vst v1;
	v1 =	vmul.f32 $1.131370830e+01, v2;
	v2 =	vld [tilespmem:s10+$0x80]  }
0x33b: {  	[tilespmem:s10+$0x20] =	vst v4;
	v3 =	vmul.f32 $1.131370830e+01, v3;
	v4 =	vld [tilespmem:s10+$0x90]  }
0x33c: {  	[tilespmem:s10+$0x30] =	vst v1;
	v0 =	vmul.f32 $1.131370830e+01, v0;
	v1 =	vld [tilespmem:s10+$0xA0]  }
0x33d: {  	[tilespmem:s10+$0x40] =	vst v3;
	v3 =	vmul.f32 $1.131370830e+01, v5;
	v5 =	vld [tilespmem:s10+$0xB0]  }
0x33e: {  	[tilespmem:s10+$0x50] =	vst v0;
	v0 =	vmul.f32 $1.131370830e+01, v6;
	v6 =	vld [tilespmem:s10+$0xC0]  }
0x33f: {  	[tilespmem:s10+$0x60] =	vst v3;
	v2 =	vmul.f32 $1.131370830e+01, v2;
	v3 =	vld [tilespmem:s10+$0xD0]  }
0x340: {  	[tilespmem:s10+$0x70] =	vst v0;
	v0 =	vmul.f32 $1.131370830e+01, v4;
	v4 =	vld [tilespmem:s10+$0xE0]  }
0x341: {  	[tilespmem:s10+$0x80] =	vst v2;
	v1 =	vmul.f32 $1.131370830e+01, v1;
	v2 =	vld [tilespmem:s10+$0xF0]  }
0x342: {  	[tilespmem:s10+$0x90] =	vst v0;
	v0 =	vmul.f32 $1.131370830e+01, v5;
	v5 =	vld [tilespmem:s10+$0x100]  }
0x343: {  	[tilespmem:s10+$0xA0] =	vst v1;
	v1 =	vmul.f32 $1.131370830e+01, v6;
	v6 =	vld [tilespmem:s10+$0x110]  }
0x344: {  	[tilespmem:s10+$0xB0] =	vst v0;
	v0 =	vmul.f32 $1.131370830e+01, v3;
	v3 =	vld [tilespmem:s10+$0x120]  }
0x345: {  	[tilespmem:s10+$0xC0] =	vst v1;
	v1 =	vmul.f32 $1.131370830e+01, v4;
	v4 =	vld [tilespmem:s10+$0x130]  }
0x346: {  	[tilespmem:s10+$0xD0] =	vst v0;
	v0 =	vmul.f32 $1.131370830e+01, v2;
	v2 =	vld [tilespmem:s10+$0x140]  }
0x347: {  	[tilespmem:s10+$0xE0] =	vst v1;
	v1 =	vmul.f32 $1.131370830e+01, v5;
	v5 =	vld [tilespmem:s10+$0x150]  }
0x348: {  	[tilespmem:s10+$0xF0] =	vst v0;
	v0 =	vmul.f32 $1.131370830e+01, v6;
	v6 =	vld [tilespmem:s10+$0x160]  }
0x349: {  	[tilespmem:s10+$0x100] =	vst v1;
	v1 =	vmul.f32 $1.131370830e+01, v3;
	v3 =	vld [tilespmem:s10+$0x170]  }
0x34a: {  	[tilespmem:s10+$0x110] =	vst v0;
	v0 =	vmul.f32 $1.131370830e+01, v4;
	v4 =	vld [tilespmem:s10+$0x180]  }
0x34b: {  	[tilespmem:s10+$0x120] =	vst v1;
	v1 =	vmul.f32 $1.131370830e+01, v2;
	v2 =	vld [tilespmem:s10+$0x190]  }
0x34c: {  	[tilespmem:s10+$0x130] =	vst v0;
	v0 =	vmul.f32 $1.131370830e+01, v5;
	v5 =	vld [tilespmem:s10+$0x1A0]  }
0x34d: {  	[tilespmem:s10+$0x140] =	vst v1;
	v1 =	vmul.f32 $1.131370830e+01, v6;
	v6 =	vld [tilespmem:s10+$0x1B0]  }
0x34e: {  	[tilespmem:s10+$0x150] =	vst v0;
	v0 =	vmul.f32 $1.131370830e+01, v3;
	v3 =	vld [tilespmem:s10+$0x1C0]  }
0x34f: {  	[tilespmem:s10+$0x160] =	vst v1;
	v1 =	vmul.f32 $1.131370830e+01, v4;
	v4 =	vld [tilespmem:s10+$0x1D0]  }
0x350: {  	[tilespmem:s10+$0x170] =	vst v0;
	v0 =	vmul.f32 $1.131370830e+01, v2;
	v2 =	vld [tilespmem:s10+$0x1E0]  }
0x351: {  	[tilespmem:s10+$0x180] =	vst v1;
	v1 =	vmul.f32 $1.131370830e+01, v5;
	v5 =	vld [tilespmem:s10+$0x1F0]  }
0x352: {  	[tilespmem:s10+$0x190] =	vst v0;
	v0 =	vmul.f32 $1.131370830e+01, v6;
	v6 =	vld [tilespmem:s10+$0x200]  }
0x353: {  	[tilespmem:s10+$0x1A0] =	vst v1;
	v1 =	vmul.f32 $1.131370830e+01, v3;
	v3 =	vld [tilespmem:s10+$0x210]  }
0x354: {  	[tilespmem:s10+$0x1B0] =	vst v0;
	v0 =	vmul.f32 $1.131370830e+01, v4;
	v4 =	vld [tilespmem:s10+$0x220]  }
0x355: {  	[tilespmem:s10+$0x1C0] =	vst v1;
	v1 =	vmul.f32 $1.131370830e+01, v2;
	v2 =	vld [tilespmem:s10+$0x230]  }
0x356: {  	[tilespmem:s10+$0x1D0] =	vst v0;
	v0 =	vmul.f32 $1.131370830e+01, v5;
	v5 =	vld [tilespmem:s10+$0x240]  }
0x357: {  	[tilespmem:s10+$0x1E0] =	vst v1;
	v1 =	vmul.f32 $1.131370830e+01, v6;
	v6 =	vld [tilespmem:s10+$0x250]  }
0x358: {  	[tilespmem:s10+$0x1F0] =	vst v0;
	v0 =	vmul.f32 $1.131370830e+01, v3;
	v3 =	vld [tilespmem:s10+$0x260]  }
0x359: {  	[tilespmem:s10+$0x200] =	vst v1;
	v1 =	vmul.f32 $1.131370830e+01, v4;
	v4 =	vld [tilespmem:s10+$0x270]  }
0x35a: {  	[tilespmem:s10+$0x210] =	vst v0;
	v0 =	vmul.f32 $1.131370830e+01, v2;
	v2 =	vld [tilespmem:s10+$0x280]  }
0x35b: {  	[tilespmem:s10+$0x220] =	vst v1;
	v1 =	vmul.f32 $1.131370830e+01, v5;
	v5 =	vld [tilespmem:s10+$0x290]  }
0x35c: {  	[tilespmem:s10+$0x230] =	vst v0;
	v0 =	vmul.f32 $1.131370830e+01, v6;
	v6 =	vld [tilespmem:s10+$0x2A0]  }
0x35d: {  	[tilespmem:s10+$0x240] =	vst v1;
	v1 =	vmul.f32 $1.131370830e+01, v3;
	v3 =	vld [tilespmem:s10+$0x2B0]  }
0x35e: {  	[tilespmem:s10+$0x250] =	vst v0;
	v0 =	vmul.f32 $1.131370830e+01, v4;
	v4 =	vld [tilespmem:s10+$0x2C0]  }
0x35f: {  	[tilespmem:s10+$0x260] =	vst v1;
	v1 =	vmul.f32 $1.131370830e+01, v2;
	v2 =	vld [tilespmem:s10+$0x2D0]  }
0x360: {  	[tilespmem:s10+$0x270] =	vst v0;
	v0 =	vmul.f32 $1.131370830e+01, v5;
	v5 =	vld [tilespmem:s10+$0x2E0]  }
0x361: {  	[tilespmem:s10+$0x280] =	vst v1;
	v1 =	vmul.f32 $1.131370830e+01, v6;
	v6 =	vld [tilespmem:s10+$0x2F0]  }
0x362: {  	[tilespmem:s10+$0x290] =	vst v0;
	v0 =	vmul.f32 $1.131370830e+01, v3;
	v3 =	vld [tilespmem:s10+$0x300]  }
0x363: {  	[tilespmem:s10+$0x2A0] =	vst v1;
	v1 =	vmul.f32 $1.131370830e+01, v4;
	v4 =	vld [tilespmem:s10+$0x310]  }
0x364: {  	[tilespmem:s10+$0x2B0] =	vst v0;
	v0 =	vmul.f32 $1.131370830e+01, v2;
	v2 =	vld [tilespmem:s10+$0x320]  }
0x365: {  	[tilespmem:s10+$0x2C0] =	vst v1;
	v1 =	vmul.f32 $1.131370830e+01, v5;
	v5 =	vld [tilespmem:s10+$0x330]  }
0x366: {  	[tilespmem:s10+$0x2D0] =	vst v0;
	v0 =	vmul.f32 $1.131370830e+01, v6;
	v6 =	vld [tilespmem:s10+$0x340]  }
0x367: {  	[tilespmem:s10+$0x2E0] =	vst v1;
	v1 =	vmul.f32 $1.131370830e+01, v3;
	v3 =	vld [tilespmem:s10+$0x350]  }
0x368: {  	[tilespmem:s10+$0x2F0] =	vst v0;
	v0 =	vmul.f32 $1.131370830e+01, v4;
	v4 =	vld [tilespmem:s10+$0x360]  }
0x369: {  	[tilespmem:s10+$0x300] =	vst v1;
	v1 =	vmul.f32 $1.131370830e+01, v2;
	v2 =	vld [tilespmem:s10+$0x370]  }
0x36a: {  	[tilespmem:s10+$0x310] =	vst v0;
	v0 =	vmul.f32 $1.131370830e+01, v5;
	v5 =	vld [tilespmem:s10+$0x380]  }
0x36b: {  	[tilespmem:s10+$0x320] =	vst v1;
	v1 =	vmul.f32 $1.131370830e+01, v6;
	v6 =	vld [tilespmem:s10+$0x390]  }
0x36c: {  	[tilespmem:s10+$0x330] =	vst v0;
	v3 =	vmul.f32 $1.131370830e+01, v3;
	v7 =	vld [tilespmem:s10+$0x3A0]  }
.Ltmp8:
0x36d: {  	[tilespmem:s10+$0x340] =	vst v1;
	v4 =	vmul.f32 $1.131370830e+01, v4;
	v0 =	vld [tilespmem:s10+$0x3B0];
	(pc) =	sbr.rel @p0 .LBB2_16-.Ltmp8, $4  }
0x36e: {  	[tilespmem:s10+$0x350] =	vst v3;
	v3 =	vmul.f32 $1.131370830e+01, v2;
	v1 =	vld [tilespmem:s10+$0x3C0]  }
0x36f: {  	[tilespmem:s10+$0x360] =	vst v4;
	v8 =	vmul.f32 $1.131370830e+01, v5;
	v2 =	vld [tilespmem:s10+$0x3D0]  }
0x370: {  	[tilespmem:s10+$0x370] =	vst v3;
	v5 =	vmul.f32 $1.131370830e+01, v6;
	v3 =	vld [tilespmem:s10+$0x3E0]  }
0x371: {  	s10 =	sadd.s32 $0x400, s10;
	v4 =	vld [tilespmem:s6+$0x0];
	[tilespmem:s6+$0x380] =	vst v8;
	v6 =	vmul.f32 $1.131370830e+01, v7  }
0x372: {  	[tilespmem:s6+$0x390] =	vst v5;
	v0 =	vmul.f32 $1.131370830e+01, v0  }
0x373: {  	[tilespmem:s6+$0x3A0] =	vst v6;
	v1 =	vmul.f32 $1.131370830e+01, v1  }
0x374: {  	[tilespmem:s6+$0x3B0] =	vst v0;
	v0 =	vmul.f32 $1.131370830e+01, v2  }
0x375: {  	[tilespmem:s6+$0x3C0] =	vst v1;
	v1 =	vmul.f32 $1.131370830e+01, v3  }
0x376: {  	v2 =	vmul.f32 $1.131370830e+01, v4;
	[tilespmem:s6+$0x3D0] =	vst v0  }
0x377: {  	[tilespmem:s6+$0x3E0] =	vst v1  }
0x378: {  	[tilespmem:s6+$0x0] =	vst v2  }
0x379: {  	s2 =	rddreg [dreg:$0x5]  }
0x37a: {  	[hbm4b:s2+s4] =	stream.linear.scatter [tilespmem:s18], [sflag:$0x8], $0x4000, $0x38;
	[tilespmem:$0x1A400] =	vst v63  }
0x37b: {  	_ =	swait.ge [sflag:s25], $0x4000  }
0x37c: {  	[sflag:s25] =	ssyncset.done $0x0  }
0x37d: {  	s6 =	simm.s32 $0x12400;
	[sflag:s25] =	ssyncadd.s32 $0xFFFFC000  }
0x37e: {  	v0 =	vld [tilespmem:s6+$0x3F0]  }
0x37f: {  	v1 =	vld [tilespmem:s6+$0x10]  }
0x380: {  	v2 =	vld [tilespmem:s6+$0x20]  }
0x381: {  	v11 =	vld [tilespmem:s6+$0xB0]  }
0x382: {  	v8 =	vld [tilespmem:s6+$0x80]  }
0x383: {  	v4 =	vld [tilespmem:s6+$0x40];
	v0 =	vmul.f32 $1.131370830e+01, v0  }
0x384: {  	v3 =	vld [tilespmem:s6+$0x30];
	v1 =	vmul.f32 $1.131370830e+01, v1  }
0x385: {  	v6 =	vld [tilespmem:s6+$0x60];
	v2 =	vmul.f32 $1.131370830e+01, v2;
	[tilespmem:s6+$0x3F0] =	vst v0  }
0x386: {  	v5 =	vld [tilespmem:s6+$0x50];
	v60 =	vmul.f32 $1.131370830e+01, v11;
	[tilespmem:s6+$0x10] =	vst v1  }
0x387: {  	v9 =	vld [tilespmem:s6+$0x90];
	v0 =	vmul.f32 $1.131370830e+01, v8;
	[tilespmem:s6+$0x20] =	vst v2  }
0x388: {  	v1 =	vld [tilespmem:s6+$0xE0];
	v2 =	vmul.f32 $1.131370830e+01, v4;
	[tilespmem:s6+$0xB0] =	vst v60  }
0x389: {  	v7 =	vld [tilespmem:s6+$0x70];
	[tilespmem:s6+$0x80] =	vst v0;
	v0 =	vmul.f32 $1.131370830e+01, v3  }
0x38a: {  	v4 =	vld [tilespmem:s6+$0x100];
	[tilespmem:s6+$0x40] =	vst v2;
	v2 =	vmul.f32 $1.131370830e+01, v6  }
0x38b: {  	v3 =	vld [tilespmem:s6+$0xF0];
	[tilespmem:s6+$0x30] =	vst v0;
	v0 =	vmul.f32 $1.131370830e+01, v5  }
0x38c: {  	v12 =	vld [tilespmem:s6+$0xC0];
	[tilespmem:s6+$0x60] =	vst v2;
	v2 =	vmul.f32 $1.131370830e+01, v9  }
0x38d: {  	v10 =	vld [tilespmem:s6+$0xA0];
	v1 =	vmul.f32 $1.131370830e+01, v1;
	[tilespmem:s6+$0x50] =	vst v0  }
0x38e: {  	v6 =	vld [tilespmem:s6+$0x120];
	v0 =	vmul.f32 $1.131370830e+01, v7;
	[tilespmem:s6+$0x90] =	vst v2  }
0x38f: {  	v8 =	vld [tilespmem:s6+$0xD0];
	v2 =	vmul.f32 $1.131370830e+01, v4;
	[tilespmem:s6+$0xE0] =	vst v1  }
0x390: {  	v5 =	vld [tilespmem:s6+$0x110];
	v3 =	vmul.f32 $1.131370830e+01, v3;
	[tilespmem:s6+$0x70] =	vst v0  }
0x391: {  	v59 =	vld [tilespmem:s6+$0x140];
	[tilespmem:s6+$0x100] =	vst v2;
	v2 =	vmul.f32 $1.131370830e+01, v12  }
0x392: {  	v7 =	vld [tilespmem:s6+$0x130];
	v0 =	vmul.f32 $1.131370830e+01, v10;
	[tilespmem:s6+$0xF0] =	vst v3  }
0x393: {  	v3 =	vmul.f32 $1.131370830e+01, v6;
	[tilespmem:s6+$0xC0] =	vst v2;
	v2 =	vld [tilespmem:s6+$0x180]  }
0x394: {  	v8 =	vmul.f32 $1.131370830e+01, v8;
	[tilespmem:s6+$0xA0] =	vst v0;
	v0 =	vld [tilespmem:s6+$0x160]  }
0x395: {  	v1 =	vmul.f32 $1.131370830e+01, v5;
	[tilespmem:s6+$0x120] =	vst v3;
	v3 =	vld [tilespmem:s6+$0x1D0]  }
0x396: {  	v9 =	vmul.f32 $1.131370830e+01, v59;
	v4 =	vld [tilespmem:s6+$0x150];
	[tilespmem:s6+$0xD0] =	vst v8  }
0x397: {  	v8 =	vld [tilespmem:s6+$0x190];
	[tilespmem:s6+$0x110] =	vst v1;
	v1 =	vmul.f32 $1.131370830e+01, v7  }
0x398: {  	v61 =	vld [tilespmem:s6+$0x170];
	[tilespmem:s6+$0x140] =	vst v9;
	v2 =	vmul.f32 $1.131370830e+01, v2  }
0x399: {  	v6 =	vld [tilespmem:s6+$0x1B0];
	[tilespmem:s6+$0x130] =	vst v1;
	v0 =	vmul.f32 $1.131370830e+01, v0  }
0x39a: {  	v5 =	vld [tilespmem:s6+$0x1A0];
	v3 =	vmul.f32 $1.131370830e+01, v3;
	[tilespmem:s6+$0x180] =	vst v2  }
0x39b: {  	v62 =	vld [tilespmem:s6+$0x200];
	v2 =	vmul.f32 $1.131370830e+01, v4;
	[tilespmem:s6+$0x160] =	vst v0  }
0x39c: {  	v7 =	vld [tilespmem:s6+$0x1C0];
	v0 =	vmul.f32 $1.131370830e+01, v8;
	[tilespmem:s6+$0x1D0] =	vst v3  }
0x39d: {  	v1 =	vld [tilespmem:s6+$0x1E0];
	[tilespmem:s6+$0x150] =	vst v2;
	v2 =	vmul.f32 $1.131370830e+01, v61  }
0x39e: {  	v4 =	vld [tilespmem:s6+$0x1F0];
	[tilespmem:s6+$0x190] =	vst v0;
	v0 =	vmul.f32 $1.131370830e+01, v6  }
0x39f: {  	v8 =	vld [tilespmem:s6+$0x210];
	[tilespmem:s6+$0x170] =	vst v2;
	v2 =	vmul.f32 $1.131370830e+01, v5  }
0x3a0: {  	v5 =	vld [tilespmem:s6+$0x220];
	[tilespmem:s6+$0x1B0] =	vst v0;
	v0 =	vmul.f32 $1.131370830e+01, v62  }
0x3a1: {  	v6 =	vld [tilespmem:s6+$0x230];
	[tilespmem:s6+$0x1A0] =	vst v2;
	v2 =	vmul.f32 $1.131370830e+01, v7  }
0x3a2: {  	v7 =	vld [tilespmem:s6+$0x240];
	[tilespmem:s6+$0x200] =	vst v0;
	v0 =	vmul.f32 $1.131370830e+01, v1  }
0x3a3: {  	v63 =	vld [tilespmem:s6+$0x250];
	v1 =	vmul.f32 $1.131370830e+01, v4;
	[tilespmem:s6+$0x1C0] =	vst v2  }
0x3a4: {  	v4 =	vld [tilespmem:s6+$0x280];
	[tilespmem:s6+$0x1E0] =	vst v0;
	v0 =	vmul.f32 $1.131370830e+01, v8  }
0x3a5: {  	v2 =	vld [tilespmem:s6+$0x260];
	[tilespmem:s6+$0x1F0] =	vst v1;
	v1 =	vmul.f32 $1.131370830e+01, v5  }
0x3a6: {  	v3 =	vld [tilespmem:s6+$0x270];
	[tilespmem:s6+$0x210] =	vst v0;
	v0 =	vmul.f32 $1.131370830e+01, v6  }
0x3a7: {  	v5 =	vld [tilespmem:s6+$0x290];
	[tilespmem:s6+$0x220] =	vst v1;
	v1 =	vmul.f32 $1.131370830e+01, v7  }
0x3a8: {  	v6 =	vld [tilespmem:s6+$0x2A0];
	[tilespmem:s6+$0x230] =	vst v0;
	v0 =	vmul.f32 $1.131370830e+01, v63  }
0x3a9: {  	v7 =	vld [tilespmem:s6+$0x2B0];
	[tilespmem:s6+$0x240] =	vst v1;
	v1 =	vmul.f32 $1.131370830e+01, v4  }
0x3aa: {  	v8 =	vld [tilespmem:s6+$0x2C0];
	v2 =	vmul.f32 $1.131370830e+01, v2;
	[tilespmem:s6+$0x250] =	vst v0  }
0x3ab: {  	v4 =	vld [tilespmem:s6+$0x2D0];
	[tilespmem:s6+$0x280] =	vst v1;
	v1 =	vmul.f32 $1.131370830e+01, v3  }
0x3ac: {  	v0 =	vld [tilespmem:s6+$0x2E0];
	[tilespmem:s6+$0x260] =	vst v2;
	v2 =	vmul.f32 $1.131370830e+01, v5  }
0x3ad: {  	v3 =	vld [tilespmem:s6+$0x2F0];
	[tilespmem:s6+$0x270] =	vst v1;
	v1 =	vmul.f32 $1.131370830e+01, v6  }
0x3ae: {  	v5 =	vld [tilespmem:s6+$0x300];
	[tilespmem:s6+$0x290] =	vst v2;
	v2 =	vmul.f32 $1.131370830e+01, v7  }
0x3af: {  	v6 =	vld [tilespmem:s6+$0x310];
	[tilespmem:s6+$0x2A0] =	vst v1;
	v1 =	vmul.f32 $1.131370830e+01, v8  }
0x3b0: {  	v7 =	vld [tilespmem:s6+$0x320];
	[tilespmem:s6+$0x2B0] =	vst v2;
	v2 =	vmul.f32 $1.131370830e+01, v4  }
0x3b1: {  	v4 =	vld [tilespmem:s6+$0x330];
	v0 =	vmul.f32 $1.131370830e+01, v0;
	[tilespmem:s6+$0x2C0] =	vst v1  }
0x3b2: {  	v3 =	vmul.f32 $1.131370830e+01, v3;
	v1 =	vld [tilespmem:s6+$0x340];
	[tilespmem:s6+$0x2D0] =	vst v2  }
0x3b3: {  	v2 =	vmul.f32 $1.131370830e+01, v5;
	v5 =	vld [tilespmem:s6+$0x350];
	[tilespmem:s6+$0x2E0] =	vst v0  }
0x3b4: {  	v0 =	vld [tilespmem:s6+$0x360];
	v6 =	vmul.f32 $1.131370830e+01, v6;
	[tilespmem:s6+$0x2F0] =	vst v3  }
0x3b5: {  	v3 =	vld [tilespmem:s6+$0x370];
	[tilespmem:s6+$0x300] =	vst v2;
	v2 =	vmul.f32 $1.131370830e+01, v7  }
0x3b6: {  	[tilespmem:s6+$0x310] =	vst v6;
	v4 =	vmul.f32 $1.131370830e+01, v4;
	v6 =	vld [tilespmem:s6+$0x380]  }
0x3b7: {  	v7 =	vld [tilespmem:s6+$0x390];
	[tilespmem:s6+$0x320] =	vst v2;
	v1 =	vmul.f32 $1.131370830e+01, v1  }
0x3b8: {  	v8 =	vld [tilespmem:s6+$0x3A0];
	[tilespmem:s6+$0x330] =	vst v4;
	v2 =	vmul.f32 $1.131370830e+01, v5  }
0x3b9: {  	v4 =	vmul.f32 $1.131370830e+01, v0;
	v0 =	vld [tilespmem:s6+$0x3B0];
	[tilespmem:s6+$0x340] =	vst v1  }
0x3ba: {  	v3 =	vmul.f32 $1.131370830e+01, v3;
	[tilespmem:s6+$0x350] =	vst v2;
	v1 =	vld [tilespmem:s6+$0x3C0]  }
0x3bb: {  	[tilespmem:s6+$0x360] =	vst v4;
	v2 =	vld [tilespmem:s6+$0x3D0];
	v6 =	vmul.f32 $1.131370830e+01, v6  }
0x3bc: {  	v5 =	vmul.f32 $1.131370830e+01, v7;
	[tilespmem:s6+$0x370] =	vst v3;
	v3 =	vld [tilespmem:s6+$0x3E0]  }
0x3bd: {  	s10 =	simm.s32 $0x12800;
	s2 =	simm.s32 $0x0;
	v4 =	vld [tilespmem:s6+$0x0];
	[tilespmem:s6+$0x380] =	vst v6;
	v6 =	vmul.f32 $1.131370830e+01, v8  }
.LBB2_18:
0x3be: {  	v7 =	vld [tilespmem:s10+$0x3F0];
	s2 =	sadd.s32 $0x8, s2;
	[tilespmem:s6+$0x390] =	vst v5;
	v0 =	vmul.f32 $1.131370830e+01, v0  }
0x3bf: {  	v5 =	vld [tilespmem:s10+$0x10];
	p0 =	slt.u32 s2, $0x78;
	[tilespmem:s6+$0x3A0] =	vst v6;
	v1 =	vmul.f32 $1.131370830e+01, v1  }
0x3c0: {  	v6 =	vld [tilespmem:s10+$0x20];
	[tilespmem:s6+$0x3B0] =	vst v0;
	v0 =	vmul.f32 $1.131370830e+01, v2  }
0x3c1: {  	v2 =	vld [tilespmem:s10+$0x30];
	[tilespmem:s6+$0x3C0] =	vst v1;
	v1 =	vmul.f32 $1.131370830e+01, v3  }
0x3c2: {  	v3 =	vld [tilespmem:s10+$0x40];
	v4 =	vmul.f32 $1.131370830e+01, v4;
	[tilespmem:s6+$0x3D0] =	vst v0  }
0x3c3: {  	v0 =	vld [tilespmem:s10+$0x50];
	v7 =	vmul.f32 $1.131370830e+01, v7;
	[tilespmem:s6+$0x3E0] =	vst v1  }
0x3c4: {  	v1 =	vmul.f32 $1.131370830e+01, v5;
	v5 =	vld [tilespmem:s10+$0x60];
	[tilespmem:s6+$0x0] =	vst v4;
	s6 =	smov.u32 s10  }
0x3c5: {  	v4 =	vmul.f32 $1.131370830e+01, v6;
	v6 =	vld [tilespmem:s10+$0x70];
	[tilespmem:s10+$0x3F0] =	vst v7  }
0x3c6: {  	[tilespmem:s10+$0x10] =	vst v1;
	v1 =	vmul.f32 $1.131370830e+01, v2;
	v2 =	vld [tilespmem:s10+$0x80]  }
0x3c7: {  	[tilespmem:s10+$0x20] =	vst v4;
	v3 =	vmul.f32 $1.131370830e+01, v3;
	v4 =	vld [tilespmem:s10+$0x90]  }
0x3c8: {  	[tilespmem:s10+$0x30] =	vst v1;
	v0 =	vmul.f32 $1.131370830e+01, v0;
	v1 =	vld [tilespmem:s10+$0xA0]  }
0x3c9: {  	[tilespmem:s10+$0x40] =	vst v3;
	v3 =	vmul.f32 $1.131370830e+01, v5;
	v5 =	vld [tilespmem:s10+$0xB0]  }
0x3ca: {  	[tilespmem:s10+$0x50] =	vst v0;
	v0 =	vmul.f32 $1.131370830e+01, v6;
	v6 =	vld [tilespmem:s10+$0xC0]  }
0x3cb: {  	[tilespmem:s10+$0x60] =	vst v3;
	v2 =	vmul.f32 $1.131370830e+01, v2;
	v3 =	vld [tilespmem:s10+$0xD0]  }
0x3cc: {  	[tilespmem:s10+$0x70] =	vst v0;
	v0 =	vmul.f32 $1.131370830e+01, v4;
	v4 =	vld [tilespmem:s10+$0xE0]  }
0x3cd: {  	[tilespmem:s10+$0x80] =	vst v2;
	v1 =	vmul.f32 $1.131370830e+01, v1;
	v2 =	vld [tilespmem:s10+$0xF0]  }
0x3ce: {  	[tilespmem:s10+$0x90] =	vst v0;
	v0 =	vmul.f32 $1.131370830e+01, v5;
	v5 =	vld [tilespmem:s10+$0x100]  }
0x3cf: {  	[tilespmem:s10+$0xA0] =	vst v1;
	v1 =	vmul.f32 $1.131370830e+01, v6;
	v6 =	vld [tilespmem:s10+$0x110]  }
0x3d0: {  	[tilespmem:s10+$0xB0] =	vst v0;
	v0 =	vmul.f32 $1.131370830e+01, v3;
	v3 =	vld [tilespmem:s10+$0x120]  }
0x3d1: {  	[tilespmem:s10+$0xC0] =	vst v1;
	v1 =	vmul.f32 $1.131370830e+01, v4;
	v4 =	vld [tilespmem:s10+$0x130]  }
0x3d2: {  	[tilespmem:s10+$0xD0] =	vst v0;
	v0 =	vmul.f32 $1.131370830e+01, v2;
	v2 =	vld [tilespmem:s10+$0x140]  }
0x3d3: {  	[tilespmem:s10+$0xE0] =	vst v1;
	v1 =	vmul.f32 $1.131370830e+01, v5;
	v5 =	vld [tilespmem:s10+$0x150]  }
0x3d4: {  	[tilespmem:s10+$0xF0] =	vst v0;
	v0 =	vmul.f32 $1.131370830e+01, v6;
	v6 =	vld [tilespmem:s10+$0x160]  }
0x3d5: {  	[tilespmem:s10+$0x100] =	vst v1;
	v1 =	vmul.f32 $1.131370830e+01, v3;
	v3 =	vld [tilespmem:s10+$0x170]  }
0x3d6: {  	[tilespmem:s10+$0x110] =	vst v0;
	v0 =	vmul.f32 $1.131370830e+01, v4;
	v4 =	vld [tilespmem:s10+$0x180]  }
0x3d7: {  	[tilespmem:s10+$0x120] =	vst v1;
	v1 =	vmul.f32 $1.131370830e+01, v2;
	v2 =	vld [tilespmem:s10+$0x190]  }
0x3d8: {  	[tilespmem:s10+$0x130] =	vst v0;
	v0 =	vmul.f32 $1.131370830e+01, v5;
	v5 =	vld [tilespmem:s10+$0x1A0]  }
0x3d9: {  	[tilespmem:s10+$0x140] =	vst v1;
	v1 =	vmul.f32 $1.131370830e+01, v6;
	v6 =	vld [tilespmem:s10+$0x1B0]  }
0x3da: {  	[tilespmem:s10+$0x150] =	vst v0;
	v0 =	vmul.f32 $1.131370830e+01, v3;
	v3 =	vld [tilespmem:s10+$0x1C0]  }
0x3db: {  	[tilespmem:s10+$0x160] =	vst v1;
	v1 =	vmul.f32 $1.131370830e+01, v4;
	v4 =	vld [tilespmem:s10+$0x1D0]  }
0x3dc: {  	[tilespmem:s10+$0x170] =	vst v0;
	v0 =	vmul.f32 $1.131370830e+01, v2;
	v2 =	vld [tilespmem:s10+$0x1E0]  }
0x3dd: {  	[tilespmem:s10+$0x180] =	vst v1;
	v1 =	vmul.f32 $1.131370830e+01, v5;
	v5 =	vld [tilespmem:s10+$0x1F0]  }
0x3de: {  	[tilespmem:s10+$0x190] =	vst v0;
	v0 =	vmul.f32 $1.131370830e+01, v6;
	v6 =	vld [tilespmem:s10+$0x200]  }
0x3df: {  	[tilespmem:s10+$0x1A0] =	vst v1;
	v1 =	vmul.f32 $1.131370830e+01, v3;
	v3 =	vld [tilespmem:s10+$0x210]  }
0x3e0: {  	[tilespmem:s10+$0x1B0] =	vst v0;
	v0 =	vmul.f32 $1.131370830e+01, v4;
	v4 =	vld [tilespmem:s10+$0x220]  }
0x3e1: {  	[tilespmem:s10+$0x1C0] =	vst v1;
	v1 =	vmul.f32 $1.131370830e+01, v2;
	v2 =	vld [tilespmem:s10+$0x230]  }
0x3e2: {  	[tilespmem:s10+$0x1D0] =	vst v0;
	v0 =	vmul.f32 $1.131370830e+01, v5;
	v5 =	vld [tilespmem:s10+$0x240]  }
0x3e3: {  	[tilespmem:s10+$0x1E0] =	vst v1;
	v1 =	vmul.f32 $1.131370830e+01, v6;
	v6 =	vld [tilespmem:s10+$0x250]  }
0x3e4: {  	[tilespmem:s10+$0x1F0] =	vst v0;
	v0 =	vmul.f32 $1.131370830e+01, v3;
	v3 =	vld [tilespmem:s10+$0x260]  }
0x3e5: {  	[tilespmem:s10+$0x200] =	vst v1;
	v1 =	vmul.f32 $1.131370830e+01, v4;
	v4 =	vld [tilespmem:s10+$0x270]  }
0x3e6: {  	[tilespmem:s10+$0x210] =	vst v0;
	v0 =	vmul.f32 $1.131370830e+01, v2;
	v2 =	vld [tilespmem:s10+$0x280]  }
0x3e7: {  	[tilespmem:s10+$0x220] =	vst v1;
	v1 =	vmul.f32 $1.131370830e+01, v5;
	v5 =	vld [tilespmem:s10+$0x290]  }
0x3e8: {  	[tilespmem:s10+$0x230] =	vst v0;
	v0 =	vmul.f32 $1.131370830e+01, v6;
	v6 =	vld [tilespmem:s10+$0x2A0]  }
0x3e9: {  	[tilespmem:s10+$0x240] =	vst v1;
	v1 =	vmul.f32 $1.131370830e+01, v3;
	v3 =	vld [tilespmem:s10+$0x2B0]  }
0x3ea: {  	[tilespmem:s10+$0x250] =	vst v0;
	v0 =	vmul.f32 $1.131370830e+01, v4;
	v4 =	vld [tilespmem:s10+$0x2C0]  }
0x3eb: {  	[tilespmem:s10+$0x260] =	vst v1;
	v1 =	vmul.f32 $1.131370830e+01, v2;
	v2 =	vld [tilespmem:s10+$0x2D0]  }
0x3ec: {  	[tilespmem:s10+$0x270] =	vst v0;
	v0 =	vmul.f32 $1.131370830e+01, v5;
	v5 =	vld [tilespmem:s10+$0x2E0]  }
0x3ed: {  	[tilespmem:s10+$0x280] =	vst v1;
	v1 =	vmul.f32 $1.131370830e+01, v6;
	v6 =	vld [tilespmem:s10+$0x2F0]  }
0x3ee: {  	[tilespmem:s10+$0x290] =	vst v0;
	v0 =	vmul.f32 $1.131370830e+01, v3;
	v3 =	vld [tilespmem:s10+$0x300]  }
0x3ef: {  	[tilespmem:s10+$0x2A0] =	vst v1;
	v1 =	vmul.f32 $1.131370830e+01, v4;
	v4 =	vld [tilespmem:s10+$0x310]  }
0x3f0: {  	[tilespmem:s10+$0x2B0] =	vst v0;
	v0 =	vmul.f32 $1.131370830e+01, v2;
	v2 =	vld [tilespmem:s10+$0x320]  }
0x3f1: {  	[tilespmem:s10+$0x2C0] =	vst v1;
	v1 =	vmul.f32 $1.131370830e+01, v5;
	v5 =	vld [tilespmem:s10+$0x330]  }
0x3f2: {  	[tilespmem:s10+$0x2D0] =	vst v0;
	v0 =	vmul.f32 $1.131370830e+01, v6;
	v6 =	vld [tilespmem:s10+$0x340]  }
0x3f3: {  	[tilespmem:s10+$0x2E0] =	vst v1;
	v1 =	vmul.f32 $1.131370830e+01, v3;
	v3 =	vld [tilespmem:s10+$0x350]  }
0x3f4: {  	[tilespmem:s10+$0x2F0] =	vst v0;
	v0 =	vmul.f32 $1.131370830e+01, v4;
	v4 =	vld [tilespmem:s10+$0x360]  }
0x3f5: {  	[tilespmem:s10+$0x300] =	vst v1;
	v1 =	vmul.f32 $1.131370830e+01, v2;
	v2 =	vld [tilespmem:s10+$0x370]  }
0x3f6: {  	[tilespmem:s10+$0x310] =	vst v0;
	v0 =	vmul.f32 $1.131370830e+01, v5;
	v5 =	vld [tilespmem:s10+$0x380]  }
0x3f7: {  	[tilespmem:s10+$0x320] =	vst v1;
	v1 =	vmul.f32 $1.131370830e+01, v6;
	v6 =	vld [tilespmem:s10+$0x390]  }
0x3f8: {  	[tilespmem:s10+$0x330] =	vst v0;
	v3 =	vmul.f32 $1.131370830e+01, v3;
	v7 =	vld [tilespmem:s10+$0x3A0]  }
.Ltmp9:
0x3f9: {  	[tilespmem:s10+$0x340] =	vst v1;
	v4 =	vmul.f32 $1.131370830e+01, v4;
	v0 =	vld [tilespmem:s10+$0x3B0];
	(pc) =	sbr.rel @p0 .LBB2_18-.Ltmp9, $4  }
0x3fa: {  	[tilespmem:s10+$0x350] =	vst v3;
	v3 =	vmul.f32 $1.131370830e+01, v2;
	v1 =	vld [tilespmem:s10+$0x3C0]  }
0x3fb: {  	[tilespmem:s10+$0x360] =	vst v4;
	v8 =	vmul.f32 $1.131370830e+01, v5;
	v2 =	vld [tilespmem:s10+$0x3D0]  }
0x3fc: {  	[tilespmem:s10+$0x370] =	vst v3;
	v5 =	vmul.f32 $1.131370830e+01, v6;
	v3 =	vld [tilespmem:s10+$0x3E0]  }
0x3fd: {  	s10 =	sadd.s32 $0x400, s10;
	v4 =	vld [tilespmem:s6+$0x0];
	[tilespmem:s6+$0x380] =	vst v8;
	v6 =	vmul.f32 $1.131370830e+01, v7  }
0x3fe: {  	[tilespmem:s6+$0x390] =	vst v5;
	v0 =	vmul.f32 $1.131370830e+01, v0  }
0x3ff: {  	[tilespmem:s6+$0x3A0] =	vst v6;
	v1 =	vmul.f32 $1.131370830e+01, v1  }
0x400: {  	[tilespmem:s6+$0x3B0] =	vst v0;
	v0 =	vmul.f32 $1.131370830e+01, v2  }
0x401: {  	[tilespmem:s6+$0x3C0] =	vst v1;
	v1 =	vmul.f32 $1.131370830e+01, v3  }
0x402: {  	v2 =	vmul.f32 $1.131370830e+01, v4;
	[tilespmem:s6+$0x3D0] =	vst v0  }
0x403: {  	[tilespmem:s6+$0x3E0] =	vst v1  }
0x404: {  	[tilespmem:s6+$0x0] =	vst v2  }
0x405: {  	s2 =	rddreg [dreg:$0x6]  }
0x406: {  	[hbm4b:s2+s4] =	stream.linear.scatter [tilespmem:s20], [sflag:$0x9], $0x4000, $0x38;
	[tilespmem:$0x1A400] =	vst v63  }
0x407: {  	_ =	swait.ge [sflag:s26], $0x4000  }
0x408: {  	[sflag:s26] =	ssyncset.done $0x0  }
0x409: {  	s6 =	simm.s32 $0x16400;
	[sflag:s26] =	ssyncadd.s32 $0xFFFFC000  }
0x40a: {  	v0 =	vld [tilespmem:s6+$0x3F0]  }
0x40b: {  	v1 =	vld [tilespmem:s6+$0x10]  }
0x40c: {  	v2 =	vld [tilespmem:s6+$0x20]  }
0x40d: {  	v11 =	vld [tilespmem:s6+$0xB0]  }
0x40e: {  	v8 =	vld [tilespmem:s6+$0x80]  }
0x40f: {  	v4 =	vld [tilespmem:s6+$0x40];
	v0 =	vmul.f32 $1.131370830e+01, v0  }
0x410: {  	v3 =	vld [tilespmem:s6+$0x30];
	v1 =	vmul.f32 $1.131370830e+01, v1  }
0x411: {  	v6 =	vld [tilespmem:s6+$0x60];
	v2 =	vmul.f32 $1.131370830e+01, v2;
	[tilespmem:s6+$0x3F0] =	vst v0  }
0x412: {  	v5 =	vld [tilespmem:s6+$0x50];
	v60 =	vmul.f32 $1.131370830e+01, v11;
	[tilespmem:s6+$0x10] =	vst v1  }
0x413: {  	v9 =	vld [tilespmem:s6+$0x90];
	v0 =	vmul.f32 $1.131370830e+01, v8;
	[tilespmem:s6+$0x20] =	vst v2  }
0x414: {  	v1 =	vld [tilespmem:s6+$0xE0];
	v2 =	vmul.f32 $1.131370830e+01, v4;
	[tilespmem:s6+$0xB0] =	vst v60  }
0x415: {  	v7 =	vld [tilespmem:s6+$0x70];
	[tilespmem:s6+$0x80] =	vst v0;
	v0 =	vmul.f32 $1.131370830e+01, v3  }
0x416: {  	v4 =	vld [tilespmem:s6+$0x100];
	[tilespmem:s6+$0x40] =	vst v2;
	v2 =	vmul.f32 $1.131370830e+01, v6  }
0x417: {  	v3 =	vld [tilespmem:s6+$0xF0];
	[tilespmem:s6+$0x30] =	vst v0;
	v0 =	vmul.f32 $1.131370830e+01, v5  }
0x418: {  	v12 =	vld [tilespmem:s6+$0xC0];
	[tilespmem:s6+$0x60] =	vst v2;
	v2 =	vmul.f32 $1.131370830e+01, v9  }
0x419: {  	v10 =	vld [tilespmem:s6+$0xA0];
	v1 =	vmul.f32 $1.131370830e+01, v1;
	[tilespmem:s6+$0x50] =	vst v0  }
0x41a: {  	v6 =	vld [tilespmem:s6+$0x120];
	v0 =	vmul.f32 $1.131370830e+01, v7;
	[tilespmem:s6+$0x90] =	vst v2  }
0x41b: {  	v8 =	vld [tilespmem:s6+$0xD0];
	v2 =	vmul.f32 $1.131370830e+01, v4;
	[tilespmem:s6+$0xE0] =	vst v1  }
0x41c: {  	v5 =	vld [tilespmem:s6+$0x110];
	v3 =	vmul.f32 $1.131370830e+01, v3;
	[tilespmem:s6+$0x70] =	vst v0  }
0x41d: {  	v59 =	vld [tilespmem:s6+$0x140];
	[tilespmem:s6+$0x100] =	vst v2;
	v2 =	vmul.f32 $1.131370830e+01, v12  }
0x41e: {  	v7 =	vld [tilespmem:s6+$0x130];
	v0 =	vmul.f32 $1.131370830e+01, v10;
	[tilespmem:s6+$0xF0] =	vst v3  }
0x41f: {  	v3 =	vmul.f32 $1.131370830e+01, v6;
	[tilespmem:s6+$0xC0] =	vst v2;
	v2 =	vld [tilespmem:s6+$0x180]  }
0x420: {  	v8 =	vmul.f32 $1.131370830e+01, v8;
	[tilespmem:s6+$0xA0] =	vst v0;
	v0 =	vld [tilespmem:s6+$0x160]  }
0x421: {  	v1 =	vmul.f32 $1.131370830e+01, v5;
	[tilespmem:s6+$0x120] =	vst v3;
	v3 =	vld [tilespmem:s6+$0x1D0]  }
0x422: {  	v9 =	vmul.f32 $1.131370830e+01, v59;
	v4 =	vld [tilespmem:s6+$0x150];
	[tilespmem:s6+$0xD0] =	vst v8  }
0x423: {  	v8 =	vld [tilespmem:s6+$0x190];
	[tilespmem:s6+$0x110] =	vst v1;
	v1 =	vmul.f32 $1.131370830e+01, v7  }
0x424: {  	v61 =	vld [tilespmem:s6+$0x170];
	[tilespmem:s6+$0x140] =	vst v9;
	v2 =	vmul.f32 $1.131370830e+01, v2  }
0x425: {  	v6 =	vld [tilespmem:s6+$0x1B0];
	[tilespmem:s6+$0x130] =	vst v1;
	v0 =	vmul.f32 $1.131370830e+01, v0  }
0x426: {  	v5 =	vld [tilespmem:s6+$0x1A0];
	v3 =	vmul.f32 $1.131370830e+01, v3;
	[tilespmem:s6+$0x180] =	vst v2  }
0x427: {  	v62 =	vld [tilespmem:s6+$0x200];
	v2 =	vmul.f32 $1.131370830e+01, v4;
	[tilespmem:s6+$0x160] =	vst v0  }
0x428: {  	v7 =	vld [tilespmem:s6+$0x1C0];
	v0 =	vmul.f32 $1.131370830e+01, v8;
	[tilespmem:s6+$0x1D0] =	vst v3  }
0x429: {  	v1 =	vld [tilespmem:s6+$0x1E0];
	[tilespmem:s6+$0x150] =	vst v2;
	v2 =	vmul.f32 $1.131370830e+01, v61  }
0x42a: {  	v4 =	vld [tilespmem:s6+$0x1F0];
	[tilespmem:s6+$0x190] =	vst v0;
	v0 =	vmul.f32 $1.131370830e+01, v6  }
0x42b: {  	v8 =	vld [tilespmem:s6+$0x210];
	[tilespmem:s6+$0x170] =	vst v2;
	v2 =	vmul.f32 $1.131370830e+01, v5  }
0x42c: {  	v5 =	vld [tilespmem:s6+$0x220];
	[tilespmem:s6+$0x1B0] =	vst v0;
	v0 =	vmul.f32 $1.131370830e+01, v62  }
0x42d: {  	v6 =	vld [tilespmem:s6+$0x230];
	[tilespmem:s6+$0x1A0] =	vst v2;
	v2 =	vmul.f32 $1.131370830e+01, v7  }
0x42e: {  	v7 =	vld [tilespmem:s6+$0x240];
	[tilespmem:s6+$0x200] =	vst v0;
	v0 =	vmul.f32 $1.131370830e+01, v1  }
0x42f: {  	v63 =	vld [tilespmem:s6+$0x250];
	v1 =	vmul.f32 $1.131370830e+01, v4;
	[tilespmem:s6+$0x1C0] =	vst v2  }
0x430: {  	v4 =	vld [tilespmem:s6+$0x280];
	[tilespmem:s6+$0x1E0] =	vst v0;
	v0 =	vmul.f32 $1.131370830e+01, v8  }
0x431: {  	v2 =	vld [tilespmem:s6+$0x260];
	[tilespmem:s6+$0x1F0] =	vst v1;
	v1 =	vmul.f32 $1.131370830e+01, v5  }
0x432: {  	v3 =	vld [tilespmem:s6+$0x270];
	[tilespmem:s6+$0x210] =	vst v0;
	v0 =	vmul.f32 $1.131370830e+01, v6  }
0x433: {  	v5 =	vld [tilespmem:s6+$0x290];
	[tilespmem:s6+$0x220] =	vst v1;
	v1 =	vmul.f32 $1.131370830e+01, v7  }
0x434: {  	v6 =	vld [tilespmem:s6+$0x2A0];
	[tilespmem:s6+$0x230] =	vst v0;
	v0 =	vmul.f32 $1.131370830e+01, v63  }
0x435: {  	v7 =	vld [tilespmem:s6+$0x2B0];
	[tilespmem:s6+$0x240] =	vst v1;
	v1 =	vmul.f32 $1.131370830e+01, v4  }
0x436: {  	v8 =	vld [tilespmem:s6+$0x2C0];
	v2 =	vmul.f32 $1.131370830e+01, v2;
	[tilespmem:s6+$0x250] =	vst v0  }
0x437: {  	v4 =	vld [tilespmem:s6+$0x2D0];
	[tilespmem:s6+$0x280] =	vst v1;
	v1 =	vmul.f32 $1.131370830e+01, v3  }
0x438: {  	v0 =	vld [tilespmem:s6+$0x2E0];
	[tilespmem:s6+$0x260] =	vst v2;
	v2 =	vmul.f32 $1.131370830e+01, v5  }
0x439: {  	v3 =	vld [tilespmem:s6+$0x2F0];
	[tilespmem:s6+$0x270] =	vst v1;
	v1 =	vmul.f32 $1.131370830e+01, v6  }
0x43a: {  	v5 =	vld [tilespmem:s6+$0x300];
	[tilespmem:s6+$0x290] =	vst v2;
	v2 =	vmul.f32 $1.131370830e+01, v7  }
0x43b: {  	v6 =	vld [tilespmem:s6+$0x310];
	[tilespmem:s6+$0x2A0] =	vst v1;
	v1 =	vmul.f32 $1.131370830e+01, v8  }
0x43c: {  	v7 =	vld [tilespmem:s6+$0x320];
	[tilespmem:s6+$0x2B0] =	vst v2;
	v2 =	vmul.f32 $1.131370830e+01, v4  }
0x43d: {  	v4 =	vld [tilespmem:s6+$0x330];
	v0 =	vmul.f32 $1.131370830e+01, v0;
	[tilespmem:s6+$0x2C0] =	vst v1  }
0x43e: {  	v3 =	vmul.f32 $1.131370830e+01, v3;
	v1 =	vld [tilespmem:s6+$0x340];
	[tilespmem:s6+$0x2D0] =	vst v2  }
0x43f: {  	v2 =	vmul.f32 $1.131370830e+01, v5;
	v5 =	vld [tilespmem:s6+$0x350];
	[tilespmem:s6+$0x2E0] =	vst v0  }
0x440: {  	v0 =	vld [tilespmem:s6+$0x360];
	v6 =	vmul.f32 $1.131370830e+01, v6;
	[tilespmem:s6+$0x2F0] =	vst v3  }
0x441: {  	v3 =	vld [tilespmem:s6+$0x370];
	[tilespmem:s6+$0x300] =	vst v2;
	v2 =	vmul.f32 $1.131370830e+01, v7  }
0x442: {  	[tilespmem:s6+$0x310] =	vst v6;
	v4 =	vmul.f32 $1.131370830e+01, v4;
	v6 =	vld [tilespmem:s6+$0x380]  }
0x443: {  	v7 =	vld [tilespmem:s6+$0x390];
	[tilespmem:s6+$0x320] =	vst v2;
	v1 =	vmul.f32 $1.131370830e+01, v1  }
0x444: {  	v8 =	vld [tilespmem:s6+$0x3A0];
	[tilespmem:s6+$0x330] =	vst v4;
	v2 =	vmul.f32 $1.131370830e+01, v5  }
0x445: {  	v4 =	vmul.f32 $1.131370830e+01, v0;
	v0 =	vld [tilespmem:s6+$0x3B0];
	[tilespmem:s6+$0x340] =	vst v1  }
0x446: {  	v3 =	vmul.f32 $1.131370830e+01, v3;
	[tilespmem:s6+$0x350] =	vst v2;
	v1 =	vld [tilespmem:s6+$0x3C0]  }
0x447: {  	[tilespmem:s6+$0x360] =	vst v4;
	v2 =	vld [tilespmem:s6+$0x3D0];
	v6 =	vmul.f32 $1.131370830e+01, v6  }
0x448: {  	v5 =	vmul.f32 $1.131370830e+01, v7;
	[tilespmem:s6+$0x370] =	vst v3;
	v3 =	vld [tilespmem:s6+$0x3E0]  }
0x449: {  	s10 =	simm.s32 $0x16800;
	s2 =	simm.s32 $0x0;
	v4 =	vld [tilespmem:s6+$0x0];
	[tilespmem:s6+$0x380] =	vst v6;
	v6 =	vmul.f32 $1.131370830e+01, v8  }
.LBB2_20:
0x44a: {  	v7 =	vld [tilespmem:s10+$0x3F0];
	s2 =	sadd.s32 $0x8, s2;
	[tilespmem:s6+$0x390] =	vst v5;
	v0 =	vmul.f32 $1.131370830e+01, v0  }
0x44b: {  	v5 =	vld [tilespmem:s10+$0x10];
	p0 =	slt.u32 s2, $0x78;
	[tilespmem:s6+$0x3A0] =	vst v6;
	v1 =	vmul.f32 $1.131370830e+01, v1  }
0x44c: {  	v6 =	vld [tilespmem:s10+$0x20];
	[tilespmem:s6+$0x3B0] =	vst v0;
	v0 =	vmul.f32 $1.131370830e+01, v2  }
0x44d: {  	v2 =	vld [tilespmem:s10+$0x30];
	[tilespmem:s6+$0x3C0] =	vst v1;
	v1 =	vmul.f32 $1.131370830e+01, v3  }
0x44e: {  	v3 =	vld [tilespmem:s10+$0x40];
	v4 =	vmul.f32 $1.131370830e+01, v4;
	[tilespmem:s6+$0x3D0] =	vst v0  }
0x44f: {  	v0 =	vld [tilespmem:s10+$0x50];
	v7 =	vmul.f32 $1.131370830e+01, v7;
	[tilespmem:s6+$0x3E0] =	vst v1  }
0x450: {  	v1 =	vmul.f32 $1.131370830e+01, v5;
	v5 =	vld [tilespmem:s10+$0x60];
	[tilespmem:s6+$0x0] =	vst v4;
	s6 =	smov.u32 s10  }
0x451: {  	v4 =	vmul.f32 $1.131370830e+01, v6;
	v6 =	vld [tilespmem:s10+$0x70];
	[tilespmem:s10+$0x3F0] =	vst v7  }
0x452: {  	[tilespmem:s10+$0x10] =	vst v1;
	v1 =	vmul.f32 $1.131370830e+01, v2;
	v2 =	vld [tilespmem:s10+$0x80]  }
0x453: {  	[tilespmem:s10+$0x20] =	vst v4;
	v3 =	vmul.f32 $1.131370830e+01, v3;
	v4 =	vld [tilespmem:s10+$0x90]  }
0x454: {  	[tilespmem:s10+$0x30] =	vst v1;
	v0 =	vmul.f32 $1.131370830e+01, v0;
	v1 =	vld [tilespmem:s10+$0xA0]  }
0x455: {  	[tilespmem:s10+$0x40] =	vst v3;
	v3 =	vmul.f32 $1.131370830e+01, v5;
	v5 =	vld [tilespmem:s10+$0xB0]  }
0x456: {  	[tilespmem:s10+$0x50] =	vst v0;
	v0 =	vmul.f32 $1.131370830e+01, v6;
	v6 =	vld [tilespmem:s10+$0xC0]  }
0x457: {  	[tilespmem:s10+$0x60] =	vst v3;
	v2 =	vmul.f32 $1.131370830e+01, v2;
	v3 =	vld [tilespmem:s10+$0xD0]  }
0x458: {  	[tilespmem:s10+$0x70] =	vst v0;
	v0 =	vmul.f32 $1.131370830e+01, v4;
	v4 =	vld [tilespmem:s10+$0xE0]  }
0x459: {  	[tilespmem:s10+$0x80] =	vst v2;
	v1 =	vmul.f32 $1.131370830e+01, v1;
	v2 =	vld [tilespmem:s10+$0xF0]  }
0x45a: {  	[tilespmem:s10+$0x90] =	vst v0;
	v0 =	vmul.f32 $1.131370830e+01, v5;
	v5 =	vld [tilespmem:s10+$0x100]  }
0x45b: {  	[tilespmem:s10+$0xA0] =	vst v1;
	v1 =	vmul.f32 $1.131370830e+01, v6;
	v6 =	vld [tilespmem:s10+$0x110]  }
0x45c: {  	[tilespmem:s10+$0xB0] =	vst v0;
	v0 =	vmul.f32 $1.131370830e+01, v3;
	v3 =	vld [tilespmem:s10+$0x120]  }
0x45d: {  	[tilespmem:s10+$0xC0] =	vst v1;
	v1 =	vmul.f32 $1.131370830e+01, v4;
	v4 =	vld [tilespmem:s10+$0x130]  }
0x45e: {  	[tilespmem:s10+$0xD0] =	vst v0;
	v0 =	vmul.f32 $1.131370830e+01, v2;
	v2 =	vld [tilespmem:s10+$0x140]  }
0x45f: {  	[tilespmem:s10+$0xE0] =	vst v1;
	v1 =	vmul.f32 $1.131370830e+01, v5;
	v5 =	vld [tilespmem:s10+$0x150]  }
0x460: {  	[tilespmem:s10+$0xF0] =	vst v0;
	v0 =	vmul.f32 $1.131370830e+01, v6;
	v6 =	vld [tilespmem:s10+$0x160]  }
0x461: {  	[tilespmem:s10+$0x100] =	vst v1;
	v1 =	vmul.f32 $1.131370830e+01, v3;
	v3 =	vld [tilespmem:s10+$0x170]  }
0x462: {  	[tilespmem:s10+$0x110] =	vst v0;
	v0 =	vmul.f32 $1.131370830e+01, v4;
	v4 =	vld [tilespmem:s10+$0x180]  }
0x463: {  	[tilespmem:s10+$0x120] =	vst v1;
	v1 =	vmul.f32 $1.131370830e+01, v2;
	v2 =	vld [tilespmem:s10+$0x190]  }
0x464: {  	[tilespmem:s10+$0x130] =	vst v0;
	v0 =	vmul.f32 $1.131370830e+01, v5;
	v5 =	vld [tilespmem:s10+$0x1A0]  }
0x465: {  	[tilespmem:s10+$0x140] =	vst v1;
	v1 =	vmul.f32 $1.131370830e+01, v6;
	v6 =	vld [tilespmem:s10+$0x1B0]  }
0x466: {  	[tilespmem:s10+$0x150] =	vst v0;
	v0 =	vmul.f32 $1.131370830e+01, v3;
	v3 =	vld [tilespmem:s10+$0x1C0]  }
0x467: {  	[tilespmem:s10+$0x160] =	vst v1;
	v1 =	vmul.f32 $1.131370830e+01, v4;
	v4 =	vld [tilespmem:s10+$0x1D0]  }
0x468: {  	[tilespmem:s10+$0x170] =	vst v0;
	v0 =	vmul.f32 $1.131370830e+01, v2;
	v2 =	vld [tilespmem:s10+$0x1E0]  }
0x469: {  	[tilespmem:s10+$0x180] =	vst v1;
	v1 =	vmul.f32 $1.131370830e+01, v5;
	v5 =	vld [tilespmem:s10+$0x1F0]  }
0x46a: {  	[tilespmem:s10+$0x190] =	vst v0;
	v0 =	vmul.f32 $1.131370830e+01, v6;
	v6 =	vld [tilespmem:s10+$0x200]  }
0x46b: {  	[tilespmem:s10+$0x1A0] =	vst v1;
	v1 =	vmul.f32 $1.131370830e+01, v3;
	v3 =	vld [tilespmem:s10+$0x210]  }
0x46c: {  	[tilespmem:s10+$0x1B0] =	vst v0;
	v0 =	vmul.f32 $1.131370830e+01, v4;
	v4 =	vld [tilespmem:s10+$0x220]  }
0x46d: {  	[tilespmem:s10+$0x1C0] =	vst v1;
	v1 =	vmul.f32 $1.131370830e+01, v2;
	v2 =	vld [tilespmem:s10+$0x230]  }
0x46e: {  	[tilespmem:s10+$0x1D0] =	vst v0;
	v0 =	vmul.f32 $1.131370830e+01, v5;
	v5 =	vld [tilespmem:s10+$0x240]  }
0x46f: {  	[tilespmem:s10+$0x1E0] =	vst v1;
	v1 =	vmul.f32 $1.131370830e+01, v6;
	v6 =	vld [tilespmem:s10+$0x250]  }
0x470: {  	[tilespmem:s10+$0x1F0] =	vst v0;
	v0 =	vmul.f32 $1.131370830e+01, v3;
	v3 =	vld [tilespmem:s10+$0x260]  }
0x471: {  	[tilespmem:s10+$0x200] =	vst v1;
	v1 =	vmul.f32 $1.131370830e+01, v4;
	v4 =	vld [tilespmem:s10+$0x270]  }
0x472: {  	[tilespmem:s10+$0x210] =	vst v0;
	v0 =	vmul.f32 $1.131370830e+01, v2;
	v2 =	vld [tilespmem:s10+$0x280]  }
0x473: {  	[tilespmem:s10+$0x220] =	vst v1;
	v1 =	vmul.f32 $1.131370830e+01, v5;
	v5 =	vld [tilespmem:s10+$0x290]  }
0x474: {  	[tilespmem:s10+$0x230] =	vst v0;
	v0 =	vmul.f32 $1.131370830e+01, v6;
	v6 =	vld [tilespmem:s10+$0x2A0]  }
0x475: {  	[tilespmem:s10+$0x240] =	vst v1;
	v1 =	vmul.f32 $1.131370830e+01, v3;
	v3 =	vld [tilespmem:s10+$0x2B0]  }
0x476: {  	[tilespmem:s10+$0x250] =	vst v0;
	v0 =	vmul.f32 $1.131370830e+01, v4;
	v4 =	vld [tilespmem:s10+$0x2C0]  }
0x477: {  	[tilespmem:s10+$0x260] =	vst v1;
	v1 =	vmul.f32 $1.131370830e+01, v2;
	v2 =	vld [tilespmem:s10+$0x2D0]  }
0x478: {  	[tilespmem:s10+$0x270] =	vst v0;
	v0 =	vmul.f32 $1.131370830e+01, v5;
	v5 =	vld [tilespmem:s10+$0x2E0]  }
0x479: {  	[tilespmem:s10+$0x280] =	vst v1;
	v1 =	vmul.f32 $1.131370830e+01, v6;
	v6 =	vld [tilespmem:s10+$0x2F0]  }
0x47a: {  	[tilespmem:s10+$0x290] =	vst v0;
	v0 =	vmul.f32 $1.131370830e+01, v3;
	v3 =	vld [tilespmem:s10+$0x300]  }
0x47b: {  	[tilespmem:s10+$0x2A0] =	vst v1;
	v1 =	vmul.f32 $1.131370830e+01, v4;
	v4 =	vld [tilespmem:s10+$0x310]  }
0x47c: {  	[tilespmem:s10+$0x2B0] =	vst v0;
	v0 =	vmul.f32 $1.131370830e+01, v2;
	v2 =	vld [tilespmem:s10+$0x320]  }
0x47d: {  	[tilespmem:s10+$0x2C0] =	vst v1;
	v1 =	vmul.f32 $1.131370830e+01, v5;
	v5 =	vld [tilespmem:s10+$0x330]  }
0x47e: {  	[tilespmem:s10+$0x2D0] =	vst v0;
	v0 =	vmul.f32 $1.131370830e+01, v6;
	v6 =	vld [tilespmem:s10+$0x340]  }
0x47f: {  	[tilespmem:s10+$0x2E0] =	vst v1;
	v1 =	vmul.f32 $1.131370830e+01, v3;
	v3 =	vld [tilespmem:s10+$0x350]  }
0x480: {  	[tilespmem:s10+$0x2F0] =	vst v0;
	v0 =	vmul.f32 $1.131370830e+01, v4;
	v4 =	vld [tilespmem:s10+$0x360]  }
0x481: {  	[tilespmem:s10+$0x300] =	vst v1;
	v1 =	vmul.f32 $1.131370830e+01, v2;
	v2 =	vld [tilespmem:s10+$0x370]  }
0x482: {  	[tilespmem:s10+$0x310] =	vst v0;
	v0 =	vmul.f32 $1.131370830e+01, v5;
	v5 =	vld [tilespmem:s10+$0x380]  }
0x483: {  	[tilespmem:s10+$0x320] =	vst v1;
	v1 =	vmul.f32 $1.131370830e+01, v6;
	v6 =	vld [tilespmem:s10+$0x390]  }
0x484: {  	[tilespmem:s10+$0x330] =	vst v0;
	v3 =	vmul.f32 $1.131370830e+01, v3;
	v7 =	vld [tilespmem:s10+$0x3A0]  }
.Ltmp10:
0x485: {  	[tilespmem:s10+$0x340] =	vst v1;
	v4 =	vmul.f32 $1.131370830e+01, v4;
	v0 =	vld [tilespmem:s10+$0x3B0];
	(pc) =	sbr.rel @p0 .LBB2_20-.Ltmp10, $4  }
0x486: {  	[tilespmem:s10+$0x350] =	vst v3;
	v3 =	vmul.f32 $1.131370830e+01, v2;
	v1 =	vld [tilespmem:s10+$0x3C0]  }
0x487: {  	[tilespmem:s10+$0x360] =	vst v4;
	v8 =	vmul.f32 $1.131370830e+01, v5;
	v2 =	vld [tilespmem:s10+$0x3D0]  }
0x488: {  	[tilespmem:s10+$0x370] =	vst v3;
	v5 =	vmul.f32 $1.131370830e+01, v6;
	v3 =	vld [tilespmem:s10+$0x3E0]  }
0x489: {  	s10 =	sadd.s32 $0x400, s10;
	v4 =	vld [tilespmem:s6+$0x0];
	[tilespmem:s6+$0x380] =	vst v8;
	v6 =	vmul.f32 $1.131370830e+01, v7  }
0x48a: {  	[tilespmem:s6+$0x390] =	vst v5;
	v0 =	vmul.f32 $1.131370830e+01, v0  }
0x48b: {  	[tilespmem:s6+$0x3A0] =	vst v6;
	v1 =	vmul.f32 $1.131370830e+01, v1  }
0x48c: {  	[tilespmem:s6+$0x3B0] =	vst v0;
	v61 =	vmul.f32 $1.131370830e+01, v2  }
0x48d: {  	[tilespmem:s6+$0x3C0] =	vst v1;
	v62 =	vmul.f32 $1.131370830e+01, v3  }
0x48e: {  	v63 =	vmul.f32 $1.131370830e+01, v4;
	[tilespmem:s6+$0x3D0] =	vst v61  }
0x48f: {  	[tilespmem:s6+$0x3E0] =	vst v62  }
0x490: {  	[tilespmem:s6+$0x0] =	vst v63  }
0x491: {  	s2 =	rddreg [dreg:$0x7]  }
0x492: {  	[hbm4b:s2+s4] =	stream.linear.scatter [tilespmem:s22], [sflag:$0xA], $0x4000, $0x38;
	[tilespmem:$0x1A400] =	vst v63  }
0x493: {  	_ =	swait.ge [sflag:s28], $0x4000  }
0x494: {  	[sflag:s28] =	ssyncset.done $0x0  }
0x495: {  	[sflag:s28] =	ssyncadd.s32 $0xFFFFC000  }
0x496: {  	_ =	swait.ge [sflag:s29], $0x4000  }
0x497: {  	[sflag:s29] =	ssyncset.done $0x0  }
0x498: {  	[sflag:s29] =	ssyncadd.s32 $0xFFFFC000  }
0x499: {  	_ =	swait.ge [sflag:s30], $0x4000  }
0x49a: {  	[sflag:s30] =	ssyncset.done $0x0  }
0x49b: {  	[sflag:s30] =	ssyncadd.s32 $0xFFFFC000  }
0x49c: {  	_ =	swait.ge [sflag:s31], $0x4000  }
0x49d: {  	[sflag:s31] =	ssyncset.done $0x0  }
0x49e: {  	s14 =	simm.s32 $0xA;
	[sflag:s31] =	ssyncadd.s32 $0xFFFFC000  }
0x49f: {  	_ =	swait.ge [sflag:s14], $0x4000  }
0x4a0: {  	s0 =	sadd.s32 $0x1, s0;
	s17 =	rddreg [dreg:$0x8]  }
0x4a1: {  	p0 =	sne.s32 s0, s17  }
.Ltmp11:
0x4a2: {  	_ = 	snop;
	(pc) =	sbr.rel @p0 .LBB2_1-.Ltmp11, $3  }
0x4a3: {  	_ =	sdelay $0x1  }
0x4a4: {  	[sflag:s14] =	ssyncset.done $0x0  }
0x4a5: {  	[sflag:s14] =	ssyncadd.s32 $0xFFFFC000  }
0x4a6: {  	_ =	sfence.sel $0x180000  }
0x4a7: {  	[bflag:$0x0] =	sbarrier.arrive $0xFFFF  }
0x4a8: {  	_ =	strace $0x90000047  }
0x4a9: {  	s0 =	stileid.u32;
	[bflag:$0x2] =	sbarrier.arrive $0xFFFF  }
0x4aa: {  	p0 =	sne.s32 s0, $0x0;
	s0 =	rddreg [dreg:$0x3]  }
0x4ab: {  	s0 =	sadd.s32 @!p0 $0x100000, s0  }
0x4ac: {  	[sflag:s0] =	ssyncadd.tile.s32 @!p0 $0x1;
	_ =	shalt  }
.Lfunc_end2:
_tile_overlayer_lowered:
.L_overlay_start_2:
0x4ad: {  	(tag) =	ssettag $0x2  }
0x4ae: {  	s0 =	rddreg [dreg:$0x0];
	s2 =	stileid.u32  }
0x4af: {  	s1 =	rddreg [dreg:$0x1];
	p0 =	sne.s32 s2, $0x0  }
0x4b0: {  	s3 =	rddreg [dreg:$0x2];
	[bflag:$0x3] =	sbarrier.arrive $0xFFFF;
	s2 =	simm.s32 @!p0 $0x1C0B  }
0x4b1: {  	[timem:s3], [sflag:s2] =	dma.local @!p0 [hbm:s0], s1  }
0x4b2: {  	s0 =	simm.s32 @!p0 $0xB  }
0x4b3: {  	_ =	swait.ge @!p0 [sflag:s0], s1  }
0x4b4: {  	s1 =	ssub.s32 @!p0 $0x0, s1;
	[sflag:s0] =	ssyncset.done @!p0 $0x0  }
0x4b5: {  	[sflag:s0] =	ssyncadd.s32 @!p0 s1  }
0x4b6: {  	[bflag:$0x3] =	sbarrier.arrive $0xFFFF  }
0x4b7: {  	_ =	shalt  }

</sc_bundles>
